<compile_context>
chip_gen: v7x
topology: tpu7x:2x2x1
jax: 0.10.2.dev20260603
libtpu: 0.0.44.dev20260713+nightly
codegen_flags: <defaults>
</compile_context>

<pallas_src>
import functools

import jax
import jax.numpy as jnp
from jax import lax
from jax.experimental import pallas as pl
from jax.experimental.pallas import tpu as pltpu
from jax.experimental.pallas import tpu_sc as plsc

N = 10000
E = 320000
D = 128
DE = 16

L = 16
NC = 2
NS = 16
HALF = N // NC
NR = HALF + 8
CH = 64
GR = 2 * CH
DW = D + L
NCHUNKS = E // CH
ZFULL = NR // CH
ZTAIL = NR - ZFULL * CH
WFULL = HALF // CH
WTAIL = HALF - WFULL * CH


_RN = 400
_RE = 4000


def _node_prep_body(nf_ref, ws_ref, wr_ref, be1_ref, t_ref):
    nf = nf_ref[...]
    t_ref[0] = jnp.dot(nf, ws_ref[...], preferred_element_type=jnp.float32)
    t_ref[1] = (jnp.dot(nf, wr_ref[...], preferred_element_type=jnp.float32)
                + be1_ref[...])


def _edge_prep_body(ef_ref, we_ref, o_ref):
    o_ref[...] = jnp.dot(ef_ref[...], we_ref[...],
                         preferred_element_type=jnp.float32)


def _node_prep(nf, ws, wr, be1r):
    return pl.pallas_call(
        _node_prep_body,
        grid=(N // _RN,),
        in_specs=[
            pl.BlockSpec((_RN, D), lambda i: (i, 0)),
            pl.BlockSpec((D, D), lambda i: (0, 0)),
            pl.BlockSpec((D, D), lambda i: (0, 0)),
            pl.BlockSpec((1, D), lambda i: (0, 0)),
        ],
        out_specs=pl.BlockSpec((2, _RN, D), lambda i: (0, i, 0)),
        out_shape=jax.ShapeDtypeStruct((2, N, D), jnp.float32),
    )(nf, ws, wr, be1r)


def _edge_prep(ef, we):
    return pl.pallas_call(
        _edge_prep_body,
        grid=(E // _RE,),
        in_specs=[
            pl.BlockSpec((_RE, DE), lambda i: (i, 0)),
            pl.BlockSpec((DE, D), lambda i: (0, 0)),
        ],
        out_specs=pl.BlockSpec((_RE, D), lambda i: (i, 0)),
        out_shape=jax.ShapeDtypeStruct((E, D), jnp.float32),
    )(ef, we)



_sc_mesh = plsc.VectorSubcoreMesh(core_axis_name="c", subcore_axis_name="s")


@functools.partial(
    pl.kernel,
    out_type=jax.ShapeDtypeStruct((N, D), jnp.float32),
    mesh=_sc_mesh,
    scratch_types=[
        pltpu.VMEM((2 * GR,), jnp.int32),
        pltpu.VMEM((2, CH), jnp.int32),
        pltpu.VMEM((2 * GR, D), jnp.float32),
        pltpu.VMEM((CH, D), jnp.float32),
        pltpu.VMEM((2 * CH, D), jnp.float32),
        pltpu.VMEM((D,), jnp.float32),
        pltpu.VMEM_SHARED((NR, D), jnp.float32),
        pltpu.SemaphoreType.DMA,
        pltpu.SemaphoreType.DMA,
        pltpu.SemaphoreType.DMA,
        pltpu.SemaphoreType.DMA,
        pltpu.SemaphoreType.DMA,
    ],
)
def _sc_edge_kernel(t_hbm, e1_hbm, s_hbm, r_hbm, nb_hbm,
                    acc_out,
                    cidx, lidx, grows, hrows, erows, nbv,
                    sh_acc, semg0, semg1, seme0, seme1, semsc):
    cid = lax.axis_index("c")
    sid = lax.axis_index("s")
    lo = cid * HALF

    pltpu.sync_copy(nb_hbm, nbv)
    nb = [nbv[pl.ds(j * L, L)] for j in range(D // L)]

    zero = jnp.zeros((L,), jnp.float32)

    def fill(i, _):
        for j in range(D // L):
            hrows[i, pl.ds(j * L, L)] = zero
        return 0

    lax.fori_loop(0, CH, fill, 0)

    n_zblk = (ZFULL - 1 - sid) // NS + 1

    def zero_blk(k, _):
        b = (sid + k * NS) * CH
        pltpu.sync_copy(hrows, sh_acc.at[pl.ds(b, CH)])
        return 0

    lax.fori_loop(0, n_zblk, zero_blk, 0)

    @pl.when(sid == 0)
    def _zero_tail():
        pltpu.sync_copy(hrows.at[pl.ds(0, ZTAIL)],
                        sh_acc.at[pl.ds(ZFULL * CH, ZTAIL)])

    plsc.subcore_barrier()

    n_my = (NCHUNKS - 1 - sid) // NS + 1
    hi = lo + HALF

    def prefetch(kv, slot, semg, seme):
        kc = jnp.minimum(kv, n_my - 1)
        base = (sid + kc * NS) * CH
        off = slot * GR
        pltpu.sync_copy(r_hbm.at[pl.ds(base, CH)], cidx.at[pl.ds(off + CH, CH)])
        r_first = cidx[pl.ds(off + CH, L)][0]
        r_last = cidx[pl.ds(off + GR - L, L)][L - 1]
        do = (kv < n_my) & (r_last >= lo) & (r_first < hi)

        @pl.when(do)
        def _():
            pltpu.sync_copy(s_hbm.at[pl.ds(base, CH)], cidx.at[pl.ds(off, CH)])
            for j in range(CH // L):
                sl = pl.ds(off + CH + j * L, L)
                rv = cidx[sl]
                loc = rv - lo
                bad = (loc < 0) | (loc >= HALF)
                lidx[slot, pl.ds(j * L, L)] = jnp.where(bad, HALF, loc)
                cidx[sl] = rv + N
            pltpu.async_copy(t_hbm.at[cidx.at[pl.ds(off, CH)]],
                             grows.at[pl.ds(off, CH)], semg)
            pltpu.async_copy(t_hbm.at[cidx.at[pl.ds(off + CH, CH)]],
                             grows.at[pl.ds(off + CH, CH)], semg)
            pltpu.async_copy(e1_hbm.at[pl.ds(base, CH)],
                             erows.at[pl.ds(slot * CH, CH)], seme)

        return do

    def compute(slot, semg, seme, do_c, sc_pend):
        @pl.when(do_c)
        def _():
            @pl.when(sc_pend)
            def _drain():
                pltpu.make_async_copy(
                    hrows, sh_acc.at[lidx.at[1 - slot]], semsc).wait()

            off = slot * GR
            pltpu.make_async_copy(t_hbm.at[cidx.at[pl.ds(off, CH)]],
                                  grows.at[pl.ds(off, CH)], semg).wait()
            pltpu.make_async_copy(t_hbm.at[cidx.at[pl.ds(off + CH, CH)]],
                                  grows.at[pl.ds(off + CH, CH)], semg).wait()
            pltpu.make_async_copy(e1_hbm.at[pl.ds(0, CH)],
                                  erows.at[pl.ds(slot * CH, CH)], seme).wait()

            eoff = slot * CH

            def row(i, _):
                for j in range(D // L):
                    sl = pl.ds(j * L, L)
                    x = (grows[off + i, sl] + grows[off + CH + i, sl]
                         + erows[eoff + i, sl])
                    hrows[i, sl] = x / (1.0 + jnp.exp(x * nb[j]))
                return 0

            lax.fori_loop(0, CH, row, 0)
            pltpu.async_copy(hrows, sh_acc.at[lidx.at[slot]], semsc, add=True)

    def pair(m, carry):
        do_prev, sc_pend = carry
        do_a = prefetch(2 * m, 0, semg0, seme0)
        compute(1, semg1, seme1, do_prev, sc_pend)
        sc1 = do_prev | sc_pend
        do_b = prefetch(2 * m + 1, 1, semg1, seme1)
        compute(0, semg0, seme0, do_a, sc1)
        return do_b, do_a | sc1

    n_pairs = n_my // 2 + 1
    do_last, sc_last = lax.fori_loop(
        0, n_pairs, pair, (jnp.bool_(False), jnp.bool_(False)))
    compute(1, semg1, seme1, do_last, sc_last)

    @pl.when(do_last | sc_last)
    def _final_drain():
        pltpu.make_async_copy(hrows, sh_acc.at[lidx.at[0]], semsc).wait()

    plsc.subcore_barrier()

    n_wblk = (WFULL - 1 - sid) // NS + 1

    def write_blk(k, _):
        b = (sid + k * NS) * CH
        pltpu.sync_copy(sh_acc.at[pl.ds(b, CH)], hrows)
        pltpu.sync_copy(hrows, acc_out.at[pl.ds(lo + b, CH)])
        return 0

    lax.fori_loop(0, n_wblk, write_blk, 0)

    @pl.when(sid == 0)
    def _write_tail():
        pltpu.sync_copy(sh_acc.at[pl.ds(WFULL * CH, WTAIL)],
                        hrows.at[pl.ds(0, WTAIL)])
        pltpu.sync_copy(hrows.at[pl.ds(0, WTAIL)],
                        acc_out.at[pl.ds(lo + WFULL * CH, WTAIL)])



CHC = 128
NCHC = E // CHC
ZFC = NR // CHC
ZTC = NR - ZFC * CHC
WFC = HALF // CHC
WTC = HALF - WFC * CHC


@functools.partial(
    pl.kernel,
    out_type=jax.ShapeDtypeStruct((N, D), jnp.float32),
    mesh=_sc_mesh,
    scratch_types=[
        pltpu.VMEM((CHC,), jnp.int32),
        pltpu.VMEM((CHC,), jnp.int32),
        pltpu.VMEM((CHC, D), jnp.float32),
        pltpu.VMEM((CHC, D), jnp.float32),
        pltpu.VMEM_SHARED((NR, D), jnp.float32),
    ],
)
def _sc_count_kernel(r_hbm, cnts_out, ridx, lidx, ones_v, zc, sh_cnts):
    cid = lax.axis_index("c")
    sid = lax.axis_index("s")
    lo = cid * HALF

    zero = jnp.zeros((L,), jnp.float32)
    one = jnp.full((L,), 1.0, jnp.float32)

    def fill(i, _):
        for j in range(D // L):
            ones_v[i, pl.ds(j * L, L)] = one
            zc[i, pl.ds(j * L, L)] = zero
        return 0

    lax.fori_loop(0, CHC, fill, 0)

    n_zblk = (ZFC - 1 - sid) // NS + 1

    def zero_blk(k, _):
        b = (sid + k * NS) * CHC
        pltpu.sync_copy(zc, sh_cnts.at[pl.ds(b, CHC)])
        return 0

    lax.fori_loop(0, n_zblk, zero_blk, 0)

    @pl.when(sid == 0)
    def _zero_tail():
        pltpu.sync_copy(zc.at[pl.ds(0, ZTC)],
                        sh_cnts.at[pl.ds(ZFC * CHC, ZTC)])

    plsc.subcore_barrier()

    n_my = (NCHC - 1 - sid) // NS + 1

    def chunk_body(k, _):
        base = (sid + k * NS) * CHC
        pltpu.sync_copy(r_hbm.at[pl.ds(base, CHC)], ridx)
        r_first = ridx[pl.ds(0, L)][0]
        r_last = ridx[pl.ds(CHC - L, L)][L - 1]

        @pl.when((r_last >= lo) & (r_first < lo + HALF))
        def _process():
            for j in range(CHC // L):
                sl = pl.ds(j * L, L)
                rv = ridx[sl]
                loc = rv - lo
                bad = (loc < 0) | (loc >= HALF)
                lidx[sl] = jnp.where(bad, HALF, loc)
            pltpu.sync_copy(ones_v, sh_cnts.at[lidx], add=True)

        return 0

    lax.fori_loop(0, n_my, chunk_body, 0)
    plsc.subcore_barrier()

    n_wblk = (WFC - 1 - sid) // NS + 1

    def write_blk(k, _):
        b = (sid + k * NS) * CHC
        pltpu.sync_copy(sh_cnts.at[pl.ds(b, CHC)], zc)
        pltpu.sync_copy(zc, cnts_out.at[pl.ds(lo + b, CHC)])
        return 0

    lax.fori_loop(0, n_wblk, write_blk, 0)

    @pl.when(sid == 0)
    def _write_tail():
        pltpu.sync_copy(sh_cnts.at[pl.ds(WFC * CHC, WTC)],
                        zc.at[pl.ds(0, WTC)])
        pltpu.sync_copy(zc.at[pl.ds(0, WTC)],
                        cnts_out.at[pl.ds(lo + WFC * CHC, WTC)])



_NBLK = N // _RN


def _finish_body(s_ref, c_ref, nf_ref, g_ref,
                 we2_ref, be2_ref,
                 wn1a_ref, wn1b_ref, bn1_ref, nbn_ref, wn2_ref, bn2_ref,
                 wg1g_ref, wg1n_ref, wg1m_ref, bg1_ref, nbg_ref,
                 wg2_ref, bg2_ref,
                 out_ref, gout_ref, acc_no_ref, acc_h_ref):
    i = pl.program_id(0)

    s = s_ref[...]
    cnt = c_ref[...][:, :1]
    mean_h = s / jnp.maximum(cnt, 1.0)
    ind = (cnt > 0.0).astype(jnp.float32)
    agg = (jnp.dot(mean_h, we2_ref[...], preferred_element_type=jnp.float32)
           + ind * be2_ref[...])

    nf = nf_ref[...]
    z = (jnp.dot(nf, wn1a_ref[...], preferred_element_type=jnp.float32)
         + jnp.dot(agg, wn1b_ref[...], preferred_element_type=jnp.float32)
         + bn1_ref[...])
    hid = z / (1.0 + jnp.exp(z * nbn_ref[...]))
    no = nf + jnp.dot(hid, wn2_ref[...],
                      preferred_element_type=jnp.float32) + bn2_ref[...]
    out_ref[...] = no

    @pl.when(i == 0)
    def _init():
        acc_no_ref[0:1, :] = jnp.zeros((1, D), jnp.float32)
        acc_h_ref[0:1, :] = jnp.zeros((1, D), jnp.float32)

    acc_no_ref[0:1, :] += jnp.sum(no, axis=0, keepdims=True)
    acc_h_ref[0:1, :] += jnp.sum(s, axis=0, keepdims=True)

    @pl.when(i == _NBLK - 1)
    def _globals():
        mean_no = acc_no_ref[0:1, :] * (1.0 / N)
        mean_em = (jnp.dot(acc_h_ref[0:1, :] * (1.0 / E), we2_ref[...],
                           preferred_element_type=jnp.float32) + be2_ref[...])
        g = g_ref[...]
        zg = (jnp.dot(g, wg1g_ref[...], preferred_element_type=jnp.float32)
              + jnp.dot(mean_no, wg1n_ref[...], preferred_element_type=jnp.float32)
              + jnp.dot(mean_em, wg1m_ref[...], preferred_element_type=jnp.float32)
              + bg1_ref[...])
        gh = zg / (1.0 + jnp.exp(zg * nbg_ref[...]))
        gout_ref[...] = g + jnp.dot(gh, wg2_ref[...],
                                    preferred_element_type=jnp.float32) + bg2_ref[...]


def _finish(sums, cnts, nf, g, we2, be2, wn1a, wn1b, bn1, nbn, wn2, bn2,
            wg1g, wg1n, wg1m, bg1, nbg, wg2, bg2):
    full = lambda shape: pl.BlockSpec(shape, lambda i: tuple(0 for _ in shape))
    row = lambda shape: pl.BlockSpec(shape, lambda i: (i, 0))
    return pl.pallas_call(
        _finish_body,
        grid=(_NBLK,),
        in_specs=[
            row((_RN, D)),
            row((_RN, D)),
            row((_RN, D)),
            full((1, D)),
            full((D, D)), full((1, D)),
            full((D, D)), full((D, D)), full((1, D)), full((1, D)),
            full((D, D)), full((1, D)),
            full((D, D)), full((D, D)), full((D, D)), full((1, D)), full((1, D)),
            full((D, D)), full((1, D)),
        ],
        out_specs=[row((_RN, D)), full((1, D))],
        out_shape=[jax.ShapeDtypeStruct((N, D), jnp.float32),
                   jax.ShapeDtypeStruct((1, D), jnp.float32)],
        scratch_shapes=[pltpu.VMEM((8, D), jnp.float32),
                        pltpu.VMEM((8, D), jnp.float32)],
    )(sums, cnts, nf, g, we2, be2, wn1a, wn1b, bn1, nbn, wn2, bn2,
      wg1g, wg1n, wg1m, bg1, nbg, wg2, bg2)



def kernel(node_features, edge_features, senders, receivers, globals_,
           We1, be1, betae, We2, be2,
           Wn1, bn1, betan, Wn2, bn2,
           Wg1, bg1, betag, Wg2, bg2):
    tabs = _node_prep(node_features, We1[DE:DE + D], We1[DE + D:],
                      be1[None, :])
    table = tabs.reshape(2 * N, D)
    ef1 = _edge_prep(edge_features, We1[:DE])

    r32 = receivers.astype(jnp.int32)
    sums = _sc_edge_kernel(
        table, ef1, senders.astype(jnp.int32), r32, -betae)
    cnts = _sc_count_kernel(r32)

    node_out, globals_out = _finish(
        sums, cnts,
        node_features, globals_,
        We2, be2[None, :],
        Wn1[:D], Wn1[D:], bn1[None, :], -betan[None, :], Wn2, bn2[None, :],
        Wg1[:D], Wg1[D:2 * D], Wg1[2 * D:], bg1[None, :], -betag[None, :],
        Wg2, bg2[None, :])

    return (node_out, edge_features, globals_out)

# --- scband reference (transcript-rebuilt; emitter-appended) ---
"""Pipeline reference for scband-crystal-convolution-28192165331130 (READ-ONLY COPY).

The authoritative reference and input builder live on the scoring server;
editing this copy changes nothing except your own understanding.
"""

import jax, jax.numpy as jnp
import numpy as np

N = 10000
E = 320000
D = 128
DE = 16


def _w(key, fan_in, fan_out):
    return jax.random.normal(key, (fan_in, fan_out), dtype=jnp.float32) / np.sqrt(fan_in)


def setup_inputs(seed: int = 0) -> dict:
    key = jax.random.key(seed)
    ks = jax.random.split(key, 16)
    node_features = jax.random.normal(ks[0], (N, D), dtype=jnp.float32)
    edge_features = jax.random.normal(ks[1], (E, DE), dtype=jnp.float32)
    senders = jax.random.randint(ks[2], (E,), 0, N)
    receivers = jnp.sort(jax.random.randint(ks[3], (E,), 0, N))
    globals_ = jax.random.normal(ks[4], (1, D), dtype=jnp.float32)
    # edge_transform: Dense(D) -> BetaSwish -> Dense(D), input dim = DE + 2*D = 272
    We1 = _w(ks[5], DE + 2 * D, D); be1 = jnp.zeros((D,), jnp.float32); betae = jnp.ones((D,), jnp.float32)
    We2 = _w(ks[6], D, D); be2 = jnp.zeros((D,), jnp.float32)
    # node_transform: input dim = 2*D = 256
    Wn1 = _w(ks[7], 2 * D, D); bn1 = jnp.zeros((D,), jnp.float32); betan = jnp.ones((D,), jnp.float32)
    Wn2 = _w(ks[8], D, D); bn2 = jnp.zeros((D,), jnp.float32)
    # global_transform: input dim = 3*D = 384
    Wg1 = _w(ks[9], 3 * D, D); bg1 = jnp.zeros((D,), jnp.float32); betag = jnp.ones((D,), jnp.float32)
    Wg2 = _w(ks[10], D, D); bg2 = jnp.zeros((D,), jnp.float32)
    return {
        'node_features': node_features, 'edge_features': edge_features,
        'senders': senders, 'receivers': receivers, 'globals_': globals_,
        'We1': We1, 'be1': be1, 'betae': betae, 'We2': We2, 'be2': be2,
        'Wn1': Wn1, 'bn1': bn1, 'betan': betan, 'Wn2': Wn2, 'bn2': bn2,
        'Wg1': Wg1, 'bg1': bg1, 'betag': betag, 'Wg2': Wg2, 'bg2': bg2,
    }


def _beta_swish(x, beta):
    return x * jax.nn.sigmoid(beta * x)


def reference(node_features, edge_features, senders, receivers, globals_,
              We1, be1, betae, We2, be2,
              Wn1, bn1, betan, Wn2, bn2,
              Wg1, bg1, betag, Wg2, bg2):
    # edge messages: gather sender/receiver node features, concat with edge features
    em_in = jnp.concatenate([edge_features,
                             jnp.take(node_features, senders, axis=0),
                             jnp.take(node_features, receivers, axis=0)], axis=-1)
    edge_messages = _beta_swish(em_in @ We1 + be1, betae) @ We2 + be2
    # segment_mean aggregation over receivers
    sums = jax.ops.segment_sum(edge_messages, receivers, num_segments=N)
    counts = jax.ops.segment_sum(jnp.ones((E, 1), jnp.float32), receivers, num_segments=N)
    aggregated = sums / jnp.maximum(counts, 1.0)
    # node update with residual
    nh_in = jnp.concatenate([node_features, aggregated], axis=-1)
    node_hidden = _beta_swish(nh_in @ Wn1 + bn1, betan) @ Wn2 + bn2
    node_out = node_features + node_hidden
    # global update with residual
    g_in = jnp.concatenate([globals_,
                            jnp.mean(node_out, axis=0, keepdims=True),
                            jnp.mean(edge_messages, axis=0, keepdims=True)], axis=-1)
    global_hidden = _beta_swish(g_in @ Wg1 + bg1, betag) @ Wg2 + bg2
    globals_out = globals_ + global_hidden
    return (node_out, edge_features, globals_out)

if __name__ == "__main__":
    import jax
    _d = setup_inputs()
    print(jax.jit(kernel)(*tuple(_d.values())))

</pallas_src>

<mosaic_0001>
#map = affine_map<(d0, d1) -> (0)>
#map1 = affine_map<(d0, d1) -> (0, 0)>
module attributes {stable_mosaic.version = 14 : i64} {
  func.func @_sc_count_kernel(%arg0: i32, %arg1: i32, %arg2: memref<320000xi32, #tpu.memory_space<hbm>>, %arg3: memref<10000x128xf32, #tpu.memory_space<hbm>>, %arg4: memref<128xi32, #tpu.memory_space<vmem>>, %arg5: memref<128xi32, #tpu.memory_space<vmem>>, %arg6: memref<128x128xf32, #tpu.memory_space<vmem>>, %arg7: memref<128x128xf32, #tpu.memory_space<vmem>>, %arg8: memref<5008x128xf32, #tpu.memory_space<vmem_shared>>) attributes {dimension_semantics = [#tpu.dimension_semantics<core_parallel>, #tpu.dimension_semantics<subcore_parallel>], iteration_bounds = array<i64: 2, 16>, scalar_prefetch = 0 : i64, scratch_operands = 5 : i64, tpu.core_type = #tpu.core_type<sc_vector_subcore>, window_params = [{transform_indices = #map}, {transform_indices = #map1}]} {
    %mul3A = arith.constant 5000 : i32
    %mul3A_0 = arith.muli %arg0, %mul3A : i32
    %broadcast_in_dim3A = arith.constant 0.000000e+00 : f32
    %broadcast_in_dim3A_1 = vector.broadcast %broadcast_in_dim3A : f32 to vector<16xf32>
    %broadcast_in_dim3A_2 = arith.constant 1.000000e+00 : f32
    %broadcast_in_dim3A_3 = vector.broadcast %broadcast_in_dim3A_2 : f32 to vector<16xf32>
    %scan3A = arith.constant 0 : i32
    %scan3A_4 = arith.constant 0 : i32
    %scan3A_5 = arith.constant 128 : i32
    %scan3A_6 = arith.addi %scan3A_4, %scan3A_5 : i32
    %scan3A_7 = arith.constant 1 : i32
    %scan3A_8 = scf.for %scan3A_128 = %scan3A_4 to %scan3A_6 step %scan3A_7 iter_args(%scan3A_129 = %scan3A) -> (i32)  : i32 {
      %swap3A = arith.index_cast %scan3A_128 : i32 to index
      %swap3A_130 = arith.constant 0 : index
      %swap3A_131 = tpu.vector_load %arg6[%swap3A, %swap3A_130] {strides = array<i32>} : memref<128x128xf32, #tpu.memory_space<vmem>>, vector<1x16xf32>,
      %swap3A_132 = vector.shape_cast %swap3A_131 : vector<1x16xf32> to vector<16xf32>
      %swap3A_133 = vector.shape_cast %broadcast_in_dim3A_3 : vector<16xf32> to vector<1x16xf32>
      tpu.vector_store %arg6[%swap3A, %swap3A_130], %swap3A_133 {strides = array<i32>} : memref<128x128xf32, #tpu.memory_space<vmem>>, vector<1x16xf32>,
      %swap3A_134 = arith.index_cast %scan3A_128 : i32 to index
      %swap3A_135 = arith.constant 0 : index
      %swap3A_136 = tpu.vector_load %arg7[%swap3A_134, %swap3A_135] {strides = array<i32>} : memref<128x128xf32, #tpu.memory_space<vmem>>, vector<1x16xf32>,
      %swap3A_137 = vector.shape_cast %swap3A_136 : vector<1x16xf32> to vector<16xf32>
      %swap3A_138 = vector.shape_cast %broadcast_in_dim3A_1 : vector<16xf32> to vector<1x16xf32>
      tpu.vector_store %arg7[%swap3A_134, %swap3A_135], %swap3A_138 {strides = array<i32>} : memref<128x128xf32, #tpu.memory_space<vmem>>, vector<1x16xf32>,
      %swap3A_139 = arith.index_cast %scan3A_128 : i32 to index
      %swap3A_140 = arith.constant 16 : index
      %swap3A_141 = tpu.vector_load %arg6[%swap3A_139, %swap3A_140] {strides = array<i32>} : memref<128x128xf32, #tpu.memory_space<vmem>>, vector<1x16xf32>,
      %swap3A_142 = vector.shape_cast %swap3A_141 : vector<1x16xf32> to vector<16xf32>
      %swap3A_143 = vector.shape_cast %broadcast_in_dim3A_3 : vector<16xf32> to vector<1x16xf32>
      tpu.vector_store %arg6[%swap3A_139, %swap3A_140], %swap3A_143 {strides = array<i32>} : memref<128x128xf32, #tpu.memory_space<vmem>>, vector<1x16xf32>,
      %swap3A_144 = arith.index_cast %scan3A_128 : i32 to index
      %swap3A_145 = arith.constant 16 : index
      %swap3A_146 = tpu.vector_load %arg7[%swap3A_144, %swap3A_145] {strides = array<i32>} : memref<128x128xf32, #tpu.memory_space<vmem>>, vector<1x16xf32>,
      %swap3A_147 = vector.shape_cast %swap3A_146 : vector<1x16xf32> to vector<16xf32>
      %swap3A_148 = vector.shape_cast %broadcast_in_dim3A_1 : vector<16xf32> to vector<1x16xf32>
      tpu.vector_store %arg7[%swap3A_144, %swap3A_145], %swap3A_148 {strides = array<i32>} : memref<128x128xf32, #tpu.memory_space<vmem>>, vector<1x16xf32>,
      %swap3A_149 = arith.index_cast %scan3A_128 : i32 to index
      %swap3A_150 = arith.constant 32 : index
      %swap3A_151 = tpu.vector_load %arg6[%swap3A_149, %swap3A_150] {strides = array<i32>} : memref<128x128xf32, #tpu.memory_space<vmem>>, vector<1x16xf32>,
      %swap3A_152 = vector.shape_cast %swap3A_151 : vector<1x16xf32> to vector<16xf32>
      %swap3A_153 = vector.shape_cast %broadcast_in_dim3A_3 : vector<16xf32> to vector<1x16xf32>
      tpu.vector_store %arg6[%swap3A_149, %swap3A_150], %swap3A_153 {strides = array<i32>} : memref<128x128xf32, #tpu.memory_space<vmem>>, vector<1x16xf32>,
      %swap3A_154 = arith.index_cast %scan3A_128 : i32 to index
      %swap3A_155 = arith.constant 32 : index
      %swap3A_156 = tpu.vector_load %arg7[%swap3A_154, %swap3A_155] {strides = array<i32>} : memref<128x128xf32, #tpu.memory_space<vmem>>, vector<1x16xf32>,
      %swap3A_157 = vector.shape_cast %swap3A_156 : vector<1x16xf32> to vector<16xf32>
      %swap3A_158 = vector.shape_cast %broadcast_in_dim3A_1 : vector<16xf32> to vector<1x16xf32>
      tpu.vector_store %arg7[%swap3A_154, %swap3A_155], %swap3A_158 {strides = array<i32>} : memref<128x128xf32, #tpu.memory_space<vmem>>, vector<1x16xf32>,
      %swap3A_159 = arith.index_cast %scan3A_128 : i32 to index
      %swap3A_160 = arith.constant 48 : index
      %swap3A_161 = tpu.vector_load %arg6[%swap3A_159, %swap3A_160] {strides = array<i32>} : memref<128x128xf32, #tpu.memory_space<vmem>>, vector<1x16xf32>,
      %swap3A_162 = vector.shape_cast %swap3A_161 : vector<1x16xf32> to vector<16xf32>
      %swap3A_163 = vector.shape_cast %broadcast_in_dim3A_3 : vector<16xf32> to vector<1x16xf32>
      tpu.vector_store %arg6[%swap3A_159, %swap3A_160], %swap3A_163 {strides = array<i32>} : memref<128x128xf32, #tpu.memory_space<vmem>>, vector<1x16xf32>,
      %swap3A_164 = arith.index_cast %scan3A_128 : i32 to index
      %swap3A_165 = arith.constant 48 : index
      %swap3A_166 = tpu.vector_load %arg7[%swap3A_164, %swap3A_165] {strides = array<i32>} : memref<128x128xf32, #tpu.memory_space<vmem>>, vector<1x16xf32>,
      %swap3A_167 = vector.shape_cast %swap3A_166 : vector<1x16xf32> to vector<16xf32>
      %swap3A_168 = vector.shape_cast %broadcast_in_dim3A_1 : vector<16xf32> to vector<1x16xf32>
      tpu.vector_store %arg7[%swap3A_164, %swap3A_165], %swap3A_168 {strides = array<i32>} : memref<128x128xf32, #tpu.memory_space<vmem>>, vector<1x16xf32>,
      %swap3A_169 = arith.index_cast %scan3A_128 : i32 to index
      %swap3A_170 = arith.constant 64 : index
      %swap3A_171 = tpu.vector_load %arg6[%swap3A_169, %swap3A_170] {strides = array<i32>} : memref<128x128xf32, #tpu.memory_space<vmem>>, vector<1x16xf32>,
      %swap3A_172 = vector.shape_cast %swap3A_171 : vector<1x16xf32> to vector<16xf32>
      %swap3A_173 = vector.shape_cast %broadcast_in_dim3A_3 : vector<16xf32> to vector<1x16xf32>
      tpu.vector_store %arg6[%swap3A_169, %swap3A_170], %swap3A_173 {strides = array<i32>} : memref<128x128xf32, #tpu.memory_space<vmem>>, vector<1x16xf32>,
      %swap3A_174 = arith.index_cast %scan3A_128 : i32 to index
      %swap3A_175 = arith.constant 64 : index
      %swap3A_176 = tpu.vector_load %arg7[%swap3A_174, %swap3A_175] {strides = array<i32>} : memref<128x128xf32, #tpu.memory_space<vmem>>, vector<1x16xf32>,
      %swap3A_177 = vector.shape_cast %swap3A_176 : vector<1x16xf32> to vector<16xf32>
      %swap3A_178 = vector.shape_cast %broadcast_in_dim3A_1 : vector<16xf32> to vector<1x16xf32>
      tpu.vector_store %arg7[%swap3A_174, %swap3A_175], %swap3A_178 {strides = array<i32>} : memref<128x128xf32, #tpu.memory_space<vmem>>, vector<1x16xf32>,
      %swap3A_179 = arith.index_cast %scan3A_128 : i32 to index
      %swap3A_180 = arith.constant 80 : index
      %swap3A_181 = tpu.vector_load %arg6[%swap3A_179, %swap3A_180] {strides = array<i32>} : memref<128x128xf32, #tpu.memory_space<vmem>>, vector<1x16xf32>,
      %swap3A_182 = vector.shape_cast %swap3A_181 : vector<1x16xf32> to vector<16xf32>
      %swap3A_183 = vector.shape_cast %broadcast_in_dim3A_3 : vector<16xf32> to vector<1x16xf32>
      tpu.vector_store %arg6[%swap3A_179, %swap3A_180], %swap3A_183 {strides = array<i32>} : memref<128x128xf32, #tpu.memory_space<vmem>>, vector<1x16xf32>,
      %swap3A_184 = arith.index_cast %scan3A_128 : i32 to index
      %swap3A_185 = arith.constant 80 : index
      %swap3A_186 = tpu.vector_load %arg7[%swap3A_184, %swap3A_185] {strides = array<i32>} : memref<128x128xf32, #tpu.memory_space<vmem>>, vector<1x16xf32>,
      %swap3A_187 = vector.shape_cast %swap3A_186 : vector<1x16xf32> to vector<16xf32>
      %swap3A_188 = vector.shape_cast %broadcast_in_dim3A_1 : vector<16xf32> to vector<1x16xf32>
      tpu.vector_store %arg7[%swap3A_184, %swap3A_185], %swap3A_188 {strides = array<i32>} : memref<128x128xf32, #tpu.memory_space<vmem>>, vector<1x16xf32>,
      %swap3A_189 = arith.index_cast %scan3A_128 : i32 to index
      %swap3A_190 = arith.constant 96 : index
      %swap3A_191 = tpu.vector_load %arg6[%swap3A_189, %swap3A_190] {strides = array<i32>} : memref<128x128xf32, #tpu.memory_space<vmem>>, vector<1x16xf32>,
      %swap3A_192 = vector.shape_cast %swap3A_191 : vector<1x16xf32> to vector<16xf32>
      %swap3A_193 = vector.shape_cast %broadcast_in_dim3A_3 : vector<16xf32> to vector<1x16xf32>
      tpu.vector_store %arg6[%swap3A_189, %swap3A_190], %swap3A_193 {strides = array<i32>} : memref<128x128xf32, #tpu.memory_space<vmem>>, vector<1x16xf32>,
      %swap3A_194 = arith.index_cast %scan3A_128 : i32 to index
      %swap3A_195 = arith.constant 96 : index
      %swap3A_196 = tpu.vector_load %arg7[%swap3A_194, %swap3A_195] {strides = array<i32>} : memref<128x128xf32, #tpu.memory_space<vmem>>, vector<1x16xf32>,
      %swap3A_197 = vector.shape_cast %swap3A_196 : vector<1x16xf32> to vector<16xf32>
      %swap3A_198 = vector.shape_cast %broadcast_in_dim3A_1 : vector<16xf32> to vector<1x16xf32>
      tpu.vector_store %arg7[%swap3A_194, %swap3A_195], %swap3A_198 {strides = array<i32>} : memref<128x128xf32, #tpu.memory_space<vmem>>, vector<1x16xf32>,
      %swap3A_199 = arith.index_cast %scan3A_128 : i32 to index
      %swap3A_200 = arith.constant 112 : index
      %swap3A_201 = tpu.vector_load %arg6[%swap3A_199, %swap3A_200] {strides = array<i32>} : memref<128x128xf32, #tpu.memory_space<vmem>>, vector<1x16xf32>,
      %swap3A_202 = vector.shape_cast %swap3A_201 : vector<1x16xf32> to vector<16xf32>
      %swap3A_203 = vector.shape_cast %broadcast_in_dim3A_3 : vector<16xf32> to vector<1x16xf32>
      tpu.vector_store %arg6[%swap3A_199, %swap3A_200], %swap3A_203 {strides = array<i32>} : memref<128x128xf32, #tpu.memory_space<vmem>>, vector<1x16xf32>,
      %swap3A_204 = arith.index_cast %scan3A_128 : i32 to index
      %swap3A_205 = arith.constant 112 : index
      %swap3A_206 = tpu.vector_load %arg7[%swap3A_204, %swap3A_205] {strides = array<i32>} : memref<128x128xf32, #tpu.memory_space<vmem>>, vector<1x16xf32>,
      %swap3A_207 = vector.shape_cast %swap3A_206 : vector<1x16xf32> to vector<16xf32>
      %swap3A_208 = vector.shape_cast %broadcast_in_dim3A_1 : vector<16xf32> to vector<1x16xf32>
      tpu.vector_store %arg7[%swap3A_204, %swap3A_205], %swap3A_208 {strides = array<i32>} : memref<128x128xf32, #tpu.memory_space<vmem>>, vector<1x16xf32>,
      %scan3A_209 = arith.constant 0 : i32
      scf.yield %scan3A_209 : i32
    }
    %scan3A_9 = arith.constant 128 : i32
    %sub3A = arith.constant 38 : i32
    %sub3A_10 = arith.subi %sub3A, %arg1 : i32
    %jit3A = arith.constant 16 : i32
    %div3A = arith.divsi %sub3A_10, %jit3A : i32
    %sign3A = arith.constant 0 : i32
    %sign3A_11 = arith.cmpi sgt, %sub3A_10, %sign3A : i32
    %sign3A_12 = arith.extui %sign3A_11 : i1 to i32
    %sign3A_13 = arith.constant 0 : i32
    %sign3A_14 = arith.cmpi slt, %sub3A_10, %sign3A_13 : i32
    %sign3A_15 = arith.extui %sign3A_14 : i1 to i32
    %sign3A_16 = arith.subi %sign3A_12, %sign3A_15 : i32
    %sign3A_17 = arith.constant 0 : i32
    %sign3A_18 = arith.cmpi sgt, %jit3A, %sign3A_17 : i32
    %sign3A_19 = arith.extui %sign3A_18 : i1 to i32
    %sign3A_20 = arith.constant 0 : i32
    %sign3A_21 = arith.cmpi slt, %jit3A, %sign3A_20 : i32
    %sign3A_22 = arith.extui %sign3A_21 : i1 to i32
    %sign3A_23 = arith.subi %sign3A_19, %sign3A_22 : i32
    %ne3A = arith.cmpi ne, %sign3A_16, %sign3A_23 : i32
    %rem3A = arith.remsi %sub3A_10, %jit3A : i32
    %ne3A_24 = arith.constant 0 : i32
    %ne3A_25 = arith.cmpi ne, %rem3A, %ne3A_24 : i32
    %and3A = arith.andi %ne3A, %ne3A_25 : i1
    %sub3A_26 = arith.constant 1 : i32
    %sub3A_27 = arith.subi %div3A, %sub3A_26 : i32
    %select_n3A = arith.select %and3A, %sub3A_27, %div3A : i32
    %add3A = arith.constant 1 : i32
    %add3A_28 = arith.addi %select_n3A, %add3A : i32
    %while3A = arith.constant 0 : i32
    %while3A_29 = arith.constant 0 : i32
    %while3A_30 = arith.subi %add3A_28, %while3A : i32
    %while3A_31 = arith.addi %while3A, %while3A_30 : i32
    %while3A_32 = arith.constant 1 : i32
    %while3A_33 = arith.divsi %while3A_30, %while3A_32 : i32
    %while3A_34 = arith.muli %while3A_33, %while3A_32 : i32
    %while3A_35 = arith.addi %while3A, %while3A_34 : i32
    %while3A_36 = arith.constant 1 : i32
    %while3A_37 = scf.for %while3A_128 = %while3A to %while3A_35 step %while3A_36 iter_args(%while3A_129 = %while3A_29) -> (i32)  : i32 {
      %mul3A_130 = arith.constant 16 : i32
      %mul3A_131 = arith.muli %while3A_128, %mul3A_130 : i32
      %add3A_132 = arith.addi %arg1, %mul3A_131 : i32
      %mul3A_133 = arith.constant 128 : i32
      %mul3A_134 = arith.muli %add3A_132, %mul3A_133 : i32
      "tpu.region"() ({
        %run_scoped3A = tpu.sem_alloc : memref<!tpu.dma_semaphore, #tpu.memory_space<semaphore_mem>>
        %dma_start3A = arith.constant 0 : i32
        %dma_start3A_136 = tpu.memref_slice %arg8[%mul3A_134, %dma_start3A] : memref<5008x128xf32, #tpu.memory_space<vmem_shared>> -> memref<128x128xf32, #tpu.memory_space<vmem_shared>>
        %dma_start3A_137 = arith.constant 0 : i32
        %dma_start3A_138 = tpu.memref_slice %arg8[%mul3A_134, %dma_start3A_137] : memref<5008x128xf32, #tpu.memory_space<vmem_shared>> -> memref<128x128xf32, #tpu.memory_space<vmem_shared>>
        tpu.enqueue_dma source(%arg7 : memref<128x128xf32, #tpu.memory_space<vmem>>) target(%dma_start3A_138 : memref<128x128xf32, #tpu.memory_space<vmem_shared>>) target_semaphore(%run_scoped3A : memref<!tpu.dma_semaphore, #tpu.memory_space<semaphore_mem>>)
        %dma_wait3A = arith.constant 0 : i32
        %dma_wait3A_139 = tpu.memref_slice %arg8[%mul3A_134, %dma_wait3A] : memref<5008x128xf32, #tpu.memory_space<vmem_shared>> -> memref<128x128xf32, #tpu.memory_space<vmem_shared>>
        %dma_wait3A_140 = arith.constant 0 : i32
        %dma_wait3A_141 = tpu.memref_slice %arg8[%mul3A_134, %dma_wait3A_140] : memref<5008x128xf32, #tpu.memory_space<vmem_shared>> -> memref<128x128xf32, #tpu.memory_space<vmem_shared>>
        tpu.wait_dma2 semaphore(%run_scoped3A : memref<!tpu.dma_semaphore, #tpu.memory_space<semaphore_mem>>) src(%arg7 : memref<128x128xf32, #tpu.memory_space<vmem>>) dst(%dma_wait3A_141 : memref<128x128xf32, #tpu.memory_space<vmem_shared>>)
        tpu.yield
      }) : () -> ()
      %while3A_135 = arith.constant 0 : i32
      scf.yield %while3A_135 : i32
    }
    %while3A_38 = arith.constant 1 : i32
    %while3A_39 = scf.for %while3A_128 = %while3A_35 to %while3A_31 step %while3A_38 iter_args(%while3A_129 = %while3A_37) -> (i32)  : i32 {
      %mul3A_130 = arith.constant 16 : i32
      %mul3A_131 = arith.muli %while3A_128, %mul3A_130 : i32
      %add3A_132 = arith.addi %arg1, %mul3A_131 : i32
      %mul3A_133 = arith.constant 128 : i32
      %mul3A_134 = arith.muli %add3A_132, %mul3A_133 : i32
      "tpu.region"() ({
        %run_scoped3A = tpu.sem_alloc : memref<!tpu.dma_semaphore, #tpu.memory_space<semaphore_mem>>
        %dma_start3A = arith.constant 0 : i32
        %dma_start3A_136 = tpu.memref_slice %arg8[%mul3A_134, %dma_start3A] : memref<5008x128xf32, #tpu.memory_space<vmem_shared>> -> memref<128x128xf32, #tpu.memory_space<vmem_shared>>
        %dma_start3A_137 = arith.constant 0 : i32
        %dma_start3A_138 = tpu.memref_slice %arg8[%mul3A_134, %dma_start3A_137] : memref<5008x128xf32, #tpu.memory_space<vmem_shared>> -> memref<128x128xf32, #tpu.memory_space<vmem_shared>>
        tpu.enqueue_dma source(%arg7 : memref<128x128xf32, #tpu.memory_space<vmem>>) target(%dma_start3A_138 : memref<128x128xf32, #tpu.memory_space<vmem_shared>>) target_semaphore(%run_scoped3A : memref<!tpu.dma_semaphore, #tpu.memory_space<semaphore_mem>>)
        %dma_wait3A = arith.constant 0 : i32
        %dma_wait3A_139 = tpu.memref_slice %arg8[%mul3A_134, %dma_wait3A] : memref<5008x128xf32, #tpu.memory_space<vmem_shared>> -> memref<128x128xf32, #tpu.memory_space<vmem_shared>>
        %dma_wait3A_140 = arith.constant 0 : i32
        %dma_wait3A_141 = tpu.memref_slice %arg8[%mul3A_134, %dma_wait3A_140] : memref<5008x128xf32, #tpu.memory_space<vmem_shared>> -> memref<128x128xf32, #tpu.memory_space<vmem_shared>>
        tpu.wait_dma2 semaphore(%run_scoped3A : memref<!tpu.dma_semaphore, #tpu.memory_space<semaphore_mem>>) src(%arg7 : memref<128x128xf32, #tpu.memory_space<vmem>>) dst(%dma_wait3A_141 : memref<128x128xf32, #tpu.memory_space<vmem_shared>>)
        tpu.yield
      }) : () -> ()
      %while3A_135 = arith.constant 0 : i32
      scf.yield %while3A_135 : i32
    }
    %eq3A = arith.constant 0 : i32
    %eq3A_40 = arith.cmpi eq, %arg1, %eq3A : i32
    %convert_element_type3A = arith.extui %eq3A_40 : i1 to i32
    %cond3A = arith.constant 0 : i32
    %cond3A_41 = arith.cmpi ne, %convert_element_type3A, %cond3A : i32
    scf.if %cond3A_41 {
      "tpu.region"() ({
        %run_scoped3A = tpu.sem_alloc : memref<!tpu.dma_semaphore, #tpu.memory_space<semaphore_mem>>
        %dma_start3A = arith.constant 0 : i32
        %dma_start3A_128 = arith.constant 0 : i32
        %dma_start3A_129 = tpu.memref_slice %arg7[%dma_start3A, %dma_start3A_128] : memref<128x128xf32, #tpu.memory_space<vmem>> -> memref<16x128xf32, #tpu.memory_space<vmem>>
        %dma_start3A_130 = arith.constant 4992 : i32
        %dma_start3A_131 = arith.constant 0 : i32
        %dma_start3A_132 = tpu.memref_slice %arg8[%dma_start3A_130, %dma_start3A_131] : memref<5008x128xf32, #tpu.memory_space<vmem_shared>> -> memref<16x128xf32, #tpu.memory_space<vmem_shared>>
        %dma_start3A_133 = arith.constant 4992 : i32
        %dma_start3A_134 = arith.constant 0 : i32
        %dma_start3A_135 = tpu.memref_slice %arg8[%dma_start3A_133, %dma_start3A_134] : memref<5008x128xf32, #tpu.memory_space<vmem_shared>> -> memref<16x128xf32, #tpu.memory_space<vmem_shared>>
        %dma_start3A_136 = arith.constant 0 : i32
        %dma_start3A_137 = arith.constant 0 : i32
        %dma_start3A_138 = tpu.memref_slice %arg7[%dma_start3A_136, %dma_start3A_137] : memref<128x128xf32, #tpu.memory_space<vmem>> -> memref<16x128xf32, #tpu.memory_space<vmem>>
        tpu.enqueue_dma source(%dma_start3A_138 : memref<16x128xf32, #tpu.memory_space<vmem>>) target(%dma_start3A_135 : memref<16x128xf32, #tpu.memory_space<vmem_shared>>) target_semaphore(%run_scoped3A : memref<!tpu.dma_semaphore, #tpu.memory_space<semaphore_mem>>)
        %dma_wait3A = arith.constant 0 : i32
        %dma_wait3A_139 = arith.constant 0 : i32
        %dma_wait3A_140 = tpu.memref_slice %arg7[%dma_wait3A, %dma_wait3A_139] : memref<128x128xf32, #tpu.memory_space<vmem>> -> memref<16x128xf32, #tpu.memory_space<vmem>>
        %dma_wait3A_141 = arith.constant 4992 : i32
        %dma_wait3A_142 = arith.constant 0 : i32
        %dma_wait3A_143 = tpu.memref_slice %arg8[%dma_wait3A_141, %dma_wait3A_142] : memref<5008x128xf32, #tpu.memory_space<vmem_shared>> -> memref<16x128xf32, #tpu.memory_space<vmem_shared>>
        %dma_wait3A_144 = arith.constant 4992 : i32
        %dma_wait3A_145 = arith.constant 0 : i32
        %dma_wait3A_146 = tpu.memref_slice %arg8[%dma_wait3A_144, %dma_wait3A_145] : memref<5008x128xf32, #tpu.memory_space<vmem_shared>> -> memref<16x128xf32, #tpu.memory_space<vmem_shared>>
        %dma_wait3A_147 = arith.constant 0 : i32
        %dma_wait3A_148 = arith.constant 0 : i32
        %dma_wait3A_149 = tpu.memref_slice %arg7[%dma_wait3A_147, %dma_wait3A_148] : memref<128x128xf32, #tpu.memory_space<vmem>> -> memref<16x128xf32, #tpu.memory_space<vmem>>
        tpu.wait_dma2 semaphore(%run_scoped3A : memref<!tpu.dma_semaphore, #tpu.memory_space<semaphore_mem>>) src(%dma_wait3A_149 : memref<16x128xf32, #tpu.memory_space<vmem>>) dst(%dma_wait3A_146 : memref<16x128xf32, #tpu.memory_space<vmem_shared>>)
        tpu.yield
      }) : () -> ()
    } else {
    }
    %barrier3A = arith.constant 0 : index
    tpu.barrier barrier_id(%barrier3A)
    %sub3A_42 = arith.constant 2499 : i32
    %sub3A_43 = arith.subi %sub3A_42, %arg1 : i32
    %jit3A_44 = arith.constant 16 : i32
    %div3A_45 = arith.divsi %sub3A_43, %jit3A_44 : i32
    %sign3A_46 = arith.constant 0 : i32
    %sign3A_47 = arith.cmpi sgt, %sub3A_43, %sign3A_46 : i32
    %sign3A_48 = arith.extui %sign3A_47 : i1 to i32
    %sign3A_49 = arith.constant 0 : i32
    %sign3A_50 = arith.cmpi slt, %sub3A_43, %sign3A_49 : i32
    %sign3A_51 = arith.extui %sign3A_50 : i1 to i32
    %sign3A_52 = arith.subi %sign3A_48, %sign3A_51 : i32
    %sign3A_53 = arith.constant 0 : i32
    %sign3A_54 = arith.cmpi sgt, %jit3A_44, %sign3A_53 : i32
    %sign3A_55 = arith.extui %sign3A_54 : i1 to i32
    %sign3A_56 = arith.constant 0 : i32
    %sign3A_57 = arith.cmpi slt, %jit3A_44, %sign3A_56 : i32
    %sign3A_58 = arith.extui %sign3A_57 : i1 to i32
    %sign3A_59 = arith.subi %sign3A_55, %sign3A_58 : i32
    %ne3A_60 = arith.cmpi ne, %sign3A_52, %sign3A_59 : i32
    %rem3A_61 = arith.remsi %sub3A_43, %jit3A_44 : i32
    %ne3A_62 = arith.constant 0 : i32
    %ne3A_63 = arith.cmpi ne, %rem3A_61, %ne3A_62 : i32
    %and3A_64 = arith.andi %ne3A_60, %ne3A_63 : i1
    %sub3A_65 = arith.constant 1 : i32
    %sub3A_66 = arith.subi %div3A_45, %sub3A_65 : i32
    %select_n3A_67 = arith.select %and3A_64, %sub3A_66, %div3A_45 : i32
    %add3A_68 = arith.constant 1 : i32
    %add3A_69 = arith.addi %select_n3A_67, %add3A_68 : i32
    %while3A_70 = arith.constant 0 : i32
    %while3A_71 = arith.constant 0 : i32
    %while3A_72 = arith.subi %add3A_69, %while3A_70 : i32
    %while3A_73 = arith.addi %while3A_70, %while3A_72 : i32
    %while3A_74 = arith.constant 1 : i32
    %while3A_75 = arith.divsi %while3A_72, %while3A_74 : i32
    %while3A_76 = arith.muli %while3A_75, %while3A_74 : i32
    %while3A_77 = arith.addi %while3A_70, %while3A_76 : i32
    %while3A_78 = arith.constant 1 : i32
    %while3A_79 = scf.for %while3A_128 = %while3A_70 to %while3A_77 step %while3A_78 iter_args(%while3A_129 = %while3A_71) -> (i32)  : i32 {
      %mul3A_130 = arith.constant 16 : i32
      %mul3A_131 = arith.muli %while3A_128, %mul3A_130 : i32
      %add3A_132 = arith.addi %arg1, %mul3A_131 : i32
      %mul3A_133 = arith.constant 128 : i32
      %mul3A_134 = arith.muli %add3A_132, %mul3A_133 : i32
      "tpu.region"() ({
        %run_scoped3A = tpu.sem_alloc : memref<!tpu.dma_semaphore, #tpu.memory_space<semaphore_mem>>
        %dma_start3A = tpu.memref_slice %arg2[%mul3A_134] : memref<320000xi32, #tpu.memory_space<hbm>> -> memref<128xi32, #tpu.memory_space<hbm>>
        %dma_start3A_149 = tpu.memref_slice %arg2[%mul3A_134] : memref<320000xi32, #tpu.memory_space<hbm>> -> memref<128xi32, #tpu.memory_space<hbm>>
        tpu.enqueue_dma source(%dma_start3A_149 : memref<128xi32, #tpu.memory_space<hbm>>) target(%arg4 : memref<128xi32, #tpu.memory_space<vmem>>) target_semaphore(%run_scoped3A : memref<!tpu.dma_semaphore, #tpu.memory_space<semaphore_mem>>)
        %dma_wait3A = tpu.memref_slice %arg2[%mul3A_134] : memref<320000xi32, #tpu.memory_space<hbm>> -> memref<128xi32, #tpu.memory_space<hbm>>
        %dma_wait3A_150 = tpu.memref_slice %arg2[%mul3A_134] : memref<320000xi32, #tpu.memory_space<hbm>> -> memref<128xi32, #tpu.memory_space<hbm>>
        tpu.wait_dma2 semaphore(%run_scoped3A : memref<!tpu.dma_semaphore, #tpu.memory_space<semaphore_mem>>) src(%dma_wait3A_150 : memref<128xi32, #tpu.memory_space<hbm>>) dst(%arg4 : memref<128xi32, #tpu.memory_space<vmem>>)
        tpu.yield
      }) : () -> ()
      %get3A = arith.constant 0 : index
      %get3A_135 = tpu.vector_load %arg4[%get3A] {strides = array<i32>} : memref<128xi32, #tpu.memory_space<vmem>>, vector<16xi32>,
      %get3A_136 = vector.shape_cast %get3A_135 : vector<16xi32> to vector<16xi32>
      %slice3A = vector.extract_strided_slice %get3A_136 {offsets = [0], sizes = [1], strides = [1]} : vector<16xi32> to vector<1xi32>
      %squeeze3A = vector.extract %slice3A[0] : i32 from vector<1xi32>
      %get3A_137 = arith.constant 112 : index
      %get3A_138 = tpu.vector_load %arg4[%get3A_137] {strides = array<i32>} : memref<128xi32, #tpu.memory_space<vmem>>, vector<16xi32>,
      %get3A_139 = vector.shape_cast %get3A_138 : vector<16xi32> to vector<16xi32>
      %slice3A_140 = vector.extract_strided_slice %get3A_139 {offsets = [15], sizes = [1], strides = [1]} : vector<16xi32> to vector<1xi32>
      %squeeze3A_141 = vector.extract %slice3A_140[0] : i32 from vector<1xi32>
      %ge3A = arith.cmpi sge, %squeeze3A_141, %mul3A_0 : i32
      %add3A_142 = arith.constant 5000 : i32
      %add3A_143 = arith.addi %mul3A_0, %add3A_142 : i32
      %lt3A = arith.cmpi slt, %squeeze3A, %add3A_143 : i32
      %and3A_144 = arith.andi %ge3A, %lt3A : i1
      %convert_element_type3A_145 = arith.extui %and3A_144 : i1 to i32
      %cond3A_146 = arith.constant 0 : i32
      %cond3A_147 = arith.cmpi ne, %convert_element_type3A_145, %cond3A_146 : i32
      scf.if %cond3A_147 {
        %get3A_149 = arith.constant 0 : index
        %get3A_150 = tpu.vector_load %arg4[%get3A_149] {strides = array<i32>} : memref<128xi32, #tpu.memory_space<vmem>>, vector<16xi32>,
        %get3A_151 = vector.shape_cast %get3A_150 : vector<16xi32> to vector<16xi32>
        %sub3A_152 = vector.broadcast %mul3A_0 : i32 to vector<16xi32>
        %sub3A_153 = arith.subi %get3A_151, %sub3A_152 : vector<16xi32>
        %lt3A_154 = arith.constant 0 : i32
        %lt3A_155 = vector.broadcast %lt3A_154 : i32 to vector<16xi32>
        %lt3A_156 = arith.cmpi slt, %sub3A_153, %lt3A_155 : vector<16xi32>
        %ge3A_157 = arith.constant 5000 : i32
        %ge3A_158 = vector.broadcast %ge3A_157 : i32 to vector<16xi32>
        %ge3A_159 = arith.cmpi sge, %sub3A_153, %ge3A_158 : vector<16xi32>
        %or3A = arith.ori %lt3A_156, %ge3A_159 : vector<16xi1>
        %jit3A_160 = arith.constant 5000 : i32
        %broadcast_in_dim3A_161 = vector.broadcast %jit3A_160 : i32 to vector<16xi32>
        %select_n3A_162 = arith.select %or3A, %broadcast_in_dim3A_161, %sub3A_153 : vector<16xi1>, vector<16xi32>
        %swap3A = arith.constant 0 : index
        %swap3A_163 = tpu.vector_load %arg5[%swap3A] {strides = array<i32>} : memref<128xi32, #tpu.memory_space<vmem>>, vector<16xi32>,
        %swap3A_164 = vector.shape_cast %swap3A_163 : vector<16xi32> to vector<16xi32>
        %swap3A_165 = vector.shape_cast %select_n3A_162 : vector<16xi32> to vector<16xi32>
        tpu.vector_store %arg5[%swap3A], %swap3A_165 {strides = array<i32>} : memref<128xi32, #tpu.memory_space<vmem>>, vector<16xi32>,
        %get3A_166 = arith.constant 16 : index
        %get3A_167 = tpu.vector_load %arg4[%get3A_166] {strides = array<i32>} : memref<128xi32, #tpu.memory_space<vmem>>, vector<16xi32>,
        %get3A_168 = vector.shape_cast %get3A_167 : vector<16xi32> to vector<16xi32>
        %sub3A_169 = vector.broadcast %mul3A_0 : i32 to vector<16xi32>
        %sub3A_170 = arith.subi %get3A_168, %sub3A_169 : vector<16xi32>
        %lt3A_171 = arith.constant 0 : i32
        %lt3A_172 = vector.broadcast %lt3A_171 : i32 to vector<16xi32>
        %lt3A_173 = arith.cmpi slt, %sub3A_170, %lt3A_172 : vector<16xi32>
        %ge3A_174 = arith.constant 5000 : i32
        %ge3A_175 = vector.broadcast %ge3A_174 : i32 to vector<16xi32>
        %ge3A_176 = arith.cmpi sge, %sub3A_170, %ge3A_175 : vector<16xi32>
        %or3A_177 = arith.ori %lt3A_173, %ge3A_176 : vector<16xi1>
        %jit3A_178 = arith.constant 5000 : i32
        %broadcast_in_dim3A_179 = vector.broadcast %jit3A_178 : i32 to vector<16xi32>
        %select_n3A_180 = arith.select %or3A_177, %broadcast_in_dim3A_179, %sub3A_170 : vector<16xi1>, vector<16xi32>
        %swap3A_181 = arith.constant 16 : index
        %swap3A_182 = tpu.vector_load %arg5[%swap3A_181] {strides = array<i32>} : memref<128xi32, #tpu.memory_space<vmem>>, vector<16xi32>,
        %swap3A_183 = vector.shape_cast %swap3A_182 : vector<16xi32> to vector<16xi32>
        %swap3A_184 = vector.shape_cast %select_n3A_180 : vector<16xi32> to vector<16xi32>
        tpu.vector_store %arg5[%swap3A_181], %swap3A_184 {strides = array<i32>} : memref<128xi32, #tpu.memory_space<vmem>>, vector<16xi32>,
        %get3A_185 = arith.constant 32 : index
        %get3A_186 = tpu.vector_load %arg4[%get3A_185] {strides = array<i32>} : memref<128xi32, #tpu.memory_space<vmem>>, vector<16xi32>,
        %get3A_187 = vector.shape_cast %get3A_186 : vector<16xi32> to vector<16xi32>
        %sub3A_188 = vector.broadcast %mul3A_0 : i32 to vector<16xi32>
        %sub3A_189 = arith.subi %get3A_187, %sub3A_188 : vector<16xi32>
        %lt3A_190 = arith.constant 0 : i32
        %lt3A_191 = vector.broadcast %lt3A_190 : i32 to vector<16xi32>
        %lt3A_192 = arith.cmpi slt, %sub3A_189, %lt3A_191 : vector<16xi32>
        %ge3A_193 = arith.constant 5000 : i32
        %ge3A_194 = vector.broadcast %ge3A_193 : i32 to vector<16xi32>
        %ge3A_195 = arith.cmpi sge, %sub3A_189, %ge3A_194 : vector<16xi32>
        %or3A_196 = arith.ori %lt3A_192, %ge3A_195 : vector<16xi1>
        %jit3A_197 = arith.constant 5000 : i32
        %broadcast_in_dim3A_198 = vector.broadcast %jit3A_197 : i32 to vector<16xi32>
        %select_n3A_199 = arith.select %or3A_196, %broadcast_in_dim3A_198, %sub3A_189 : vector<16xi1>, vector<16xi32>
        %swap3A_200 = arith.constant 32 : index
        %swap3A_201 = tpu.vector_load %arg5[%swap3A_200] {strides = array<i32>} : memref<128xi32, #tpu.memory_space<vmem>>, vector<16xi32>,
        %swap3A_202 = vector.shape_cast %swap3A_201 : vector<16xi32> to vector<16xi32>
        %swap3A_203 = vector.shape_cast %select_n3A_199 : vector<16xi32> to vector<16xi32>
        tpu.vector_store %arg5[%swap3A_200], %swap3A_203 {strides = array<i32>} : memref<128xi32, #tpu.memory_space<vmem>>, vector<16xi32>,
        %get3A_204 = arith.constant 48 : index
        %get3A_205 = tpu.vector_load %arg4[%get3A_204] {strides = array<i32>} : memref<128xi32, #tpu.memory_space<vmem>>, vector<16xi32>,
        %get3A_206 = vector.shape_cast %get3A_205 : vector<16xi32> to vector<16xi32>
        %sub3A_207 = vector.broadcast %mul3A_0 : i32 to vector<16xi32>
        %sub3A_208 = arith.subi %get3A_206, %sub3A_207 : vector<16xi32>
        %lt3A_209 = arith.constant 0 : i32
        %lt3A_210 = vector.broadcast %lt3A_209 : i32 to vector<16xi32>
        %lt3A_211 = arith.cmpi slt, %sub3A_208, %lt3A_210 : vector<16xi32>
        %ge3A_212 = arith.constant 5000 : i32
        %ge3A_213 = vector.broadcast %ge3A_212 : i32 to vector<16xi32>
        %ge3A_214 = arith.cmpi sge, %sub3A_208, %ge3A_213 : vector<16xi32>
        %or3A_215 = arith.ori %lt3A_211, %ge3A_214 : vector<16xi1>
        %jit3A_216 = arith.constant 5000 : i32
        %broadcast_in_dim3A_217 = vector.broadcast %jit3A_216 : i32 to vector<16xi32>
        %select_n3A_218 = arith.select %or3A_215, %broadcast_in_dim3A_217, %sub3A_208 : vector<16xi1>, vector<16xi32>
        %swap3A_219 = arith.constant 48 : index
        %swap3A_220 = tpu.vector_load %arg5[%swap3A_219] {strides = array<i32>} : memref<128xi32, #tpu.memory_space<vmem>>, vector<16xi32>,
        %swap3A_221 = vector.shape_cast %swap3A_220 : vector<16xi32> to vector<16xi32>
        %swap3A_222 = vector.shape_cast %select_n3A_218 : vector<16xi32> to vector<16xi32>
        tpu.vector_store %arg5[%swap3A_219], %swap3A_222 {strides = array<i32>} : memref<128xi32, #tpu.memory_space<vmem>>, vector<16xi32>,
        %get3A_223 = arith.constant 64 : index
        %get3A_224 = tpu.vector_load %arg4[%get3A_223] {strides = array<i32>} : memref<128xi32, #tpu.memory_space<vmem>>, vector<16xi32>,
        %get3A_225 = vector.shape_cast %get3A_224 : vector<16xi32> to vector<16xi32>
        %sub3A_226 = vector.broadcast %mul3A_0 : i32 to vector<16xi32>
        %sub3A_227 = arith.subi %get3A_225, %sub3A_226 : vector<16xi32>
        %lt3A_228 = arith.constant 0 : i32
        %lt3A_229 = vector.broadcast %lt3A_228 : i32 to vector<16xi32>
        %lt3A_230 = arith.cmpi slt, %sub3A_227, %lt3A_229 : vector<16xi32>
        %ge3A_231 = arith.constant 5000 : i32
        %ge3A_232 = vector.broadcast %ge3A_231 : i32 to vector<16xi32>
        %ge3A_233 = arith.cmpi sge, %sub3A_227, %ge3A_232 : vector<16xi32>
        %or3A_234 = arith.ori %lt3A_230, %ge3A_233 : vector<16xi1>
        %jit3A_235 = arith.constant 5000 : i32
        %broadcast_in_dim3A_236 = vector.broadcast %jit3A_235 : i32 to vector<16xi32>
        %select_n3A_237 = arith.select %or3A_234, %broadcast_in_dim3A_236, %sub3A_227 : vector<16xi1>, vector<16xi32>
        %swap3A_238 = arith.constant 64 : index
        %swap3A_239 = tpu.vector_load %arg5[%swap3A_238] {strides = array<i32>} : memref<128xi32, #tpu.memory_space<vmem>>, vector<16xi32>,
        %swap3A_240 = vector.shape_cast %swap3A_239 : vector<16xi32> to vector<16xi32>
        %swap3A_241 = vector.shape_cast %select_n3A_237 : vector<16xi32> to vector<16xi32>
        tpu.vector_store %arg5[%swap3A_238], %swap3A_241 {strides = array<i32>} : memref<128xi32, #tpu.memory_space<vmem>>, vector<16xi32>,
        %get3A_242 = arith.constant 80 : index
        %get3A_243 = tpu.vector_load %arg4[%get3A_242] {strides = array<i32>} : memref<128xi32, #tpu.memory_space<vmem>>, vector<16xi32>,
        %get3A_244 = vector.shape_cast %get3A_243 : vector<16xi32> to vector<16xi32>
        %sub3A_245 = vector.broadcast %mul3A_0 : i32 to vector<16xi32>
        %sub3A_246 = arith.subi %get3A_244, %sub3A_245 : vector<16xi32>
        %lt3A_247 = arith.constant 0 : i32
        %lt3A_248 = vector.broadcast %lt3A_247 : i32 to vector<16xi32>
        %lt3A_249 = arith.cmpi slt, %sub3A_246, %lt3A_248 : vector<16xi32>
        %ge3A_250 = arith.constant 5000 : i32
        %ge3A_251 = vector.broadcast %ge3A_250 : i32 to vector<16xi32>
        %ge3A_252 = arith.cmpi sge, %sub3A_246, %ge3A_251 : vector<16xi32>
        %or3A_253 = arith.ori %lt3A_249, %ge3A_252 : vector<16xi1>
        %jit3A_254 = arith.constant 5000 : i32
        %broadcast_in_dim3A_255 = vector.broadcast %jit3A_254 : i32 to vector<16xi32>
        %select_n3A_256 = arith.select %or3A_253, %broadcast_in_dim3A_255, %sub3A_246 : vector<16xi1>, vector<16xi32>
        %swap3A_257 = arith.constant 80 : index
        %swap3A_258 = tpu.vector_load %arg5[%swap3A_257] {strides = array<i32>} : memref<128xi32, #tpu.memory_space<vmem>>, vector<16xi32>,
        %swap3A_259 = vector.shape_cast %swap3A_258 : vector<16xi32> to vector<16xi32>
        %swap3A_260 = vector.shape_cast %select_n3A_256 : vector<16xi32> to vector<16xi32>
        tpu.vector_store %arg5[%swap3A_257], %swap3A_260 {strides = array<i32>} : memref<128xi32, #tpu.memory_space<vmem>>, vector<16xi32>,
        %get3A_261 = arith.constant 96 : index
        %get3A_262 = tpu.vector_load %arg4[%get3A_261] {strides = array<i32>} : memref<128xi32, #tpu.memory_space<vmem>>, vector<16xi32>,
        %get3A_263 = vector.shape_cast %get3A_262 : vector<16xi32> to vector<16xi32>
        %sub3A_264 = vector.broadcast %mul3A_0 : i32 to vector<16xi32>
        %sub3A_265 = arith.subi %get3A_263, %sub3A_264 : vector<16xi32>
        %lt3A_266 = arith.constant 0 : i32
        %lt3A_267 = vector.broadcast %lt3A_266 : i32 to vector<16xi32>
        %lt3A_268 = arith.cmpi slt, %sub3A_265, %lt3A_267 : vector<16xi32>
        %ge3A_269 = arith.constant 5000 : i32
        %ge3A_270 = vector.broadcast %ge3A_269 : i32 to vector<16xi32>
        %ge3A_271 = arith.cmpi sge, %sub3A_265, %ge3A_270 : vector<16xi32>
        %or3A_272 = arith.ori %lt3A_268, %ge3A_271 : vector<16xi1>
        %jit3A_273 = arith.constant 5000 : i32
        %broadcast_in_dim3A_274 = vector.broadcast %jit3A_273 : i32 to vector<16xi32>
        %select_n3A_275 = arith.select %or3A_272, %broadcast_in_dim3A_274, %sub3A_265 : vector<16xi1>, vector<16xi32>
        %swap3A_276 = arith.constant 96 : index
        %swap3A_277 = tpu.vector_load %arg5[%swap3A_276] {strides = array<i32>} : memref<128xi32, #tpu.memory_space<vmem>>, vector<16xi32>,
        %swap3A_278 = vector.shape_cast %swap3A_277 : vector<16xi32> to vector<16xi32>
        %swap3A_279 = vector.shape_cast %select_n3A_275 : vector<16xi32> to vector<16xi32>
        tpu.vector_store %arg5[%swap3A_276], %swap3A_279 {strides = array<i32>} : memref<128xi32, #tpu.memory_space<vmem>>, vector<16xi32>,
        %get3A_280 = arith.constant 112 : index
        %get3A_281 = tpu.vector_load %arg4[%get3A_280] {strides = array<i32>} : memref<128xi32, #tpu.memory_space<vmem>>, vector<16xi32>,
        %get3A_282 = vector.shape_cast %get3A_281 : vector<16xi32> to vector<16xi32>
        %sub3A_283 = vector.broadcast %mul3A_0 : i32 to vector<16xi32>
        %sub3A_284 = arith.subi %get3A_282, %sub3A_283 : vector<16xi32>
        %lt3A_285 = arith.constant 0 : i32
        %lt3A_286 = vector.broadcast %lt3A_285 : i32 to vector<16xi32>
        %lt3A_287 = arith.cmpi slt, %sub3A_284, %lt3A_286 : vector<16xi32>
        %ge3A_288 = arith.constant 5000 : i32
        %ge3A_289 = vector.broadcast %ge3A_288 : i32 to vector<16xi32>
        %ge3A_290 = arith.cmpi sge, %sub3A_284, %ge3A_289 : vector<16xi32>
        %or3A_291 = arith.ori %lt3A_287, %ge3A_290 : vector<16xi1>
        %jit3A_292 = arith.constant 5000 : i32
        %broadcast_in_dim3A_293 = vector.broadcast %jit3A_292 : i32 to vector<16xi32>
        %select_n3A_294 = arith.select %or3A_291, %broadcast_in_dim3A_293, %sub3A_284 : vector<16xi1>, vector<16xi32>
        %swap3A_295 = arith.constant 112 : index
        %swap3A_296 = tpu.vector_load %arg5[%swap3A_295] {strides = array<i32>} : memref<128xi32, #tpu.memory_space<vmem>>, vector<16xi32>,
        %swap3A_297 = vector.shape_cast %swap3A_296 : vector<16xi32> to vector<16xi32>
        %swap3A_298 = vector.shape_cast %select_n3A_294 : vector<16xi32> to vector<16xi32>
        tpu.vector_store %arg5[%swap3A_295], %swap3A_298 {strides = array<i32>} : memref<128xi32, #tpu.memory_space<vmem>>, vector<16xi32>,
        "tpu.region"() ({
          %run_scoped3A = tpu.sem_alloc : memref<!tpu.dma_semaphore, #tpu.memory_space<semaphore_mem>>
          %dma_start3A = arith.constant 0 : i32
          %dma_start3A_299 = arith.constant 0 : i32
          %dma_start3A_300 = tpu.memref_slice %arg8[%dma_start3A, %dma_start3A_299] : memref<5008x128xf32, #tpu.memory_space<vmem_shared>> -> memref<5008x128xf32, #tpu.memory_space<vmem_shared>>
          tpu.enqueue_indirect_dma source(%arg6 : memref<128x128xf32, #tpu.memory_space<vmem>>) target(%dma_start3A_300 : memref<5008x128xf32, #tpu.memory_space<vmem_shared>>) offsets(%arg5 : memref<128xi32, #tpu.memory_space<vmem>>) semaphore(%run_scoped3A : memref<!tpu.dma_semaphore, #tpu.memory_space<semaphore_mem>>) {add = true}
          %dma_wait3A = arith.constant 0 : i32
          %dma_wait3A_301 = arith.constant 0 : i32
          %dma_wait3A_302 = tpu.memref_slice %arg8[%dma_wait3A, %dma_wait3A_301] : memref<5008x128xf32, #tpu.memory_space<vmem_shared>> -> memref<5008x128xf32, #tpu.memory_space<vmem_shared>>
          tpu.wait_indirect_dma semaphore(%run_scoped3A : memref<!tpu.dma_semaphore, #tpu.memory_space<semaphore_mem>>) src(%arg6 : memref<128x128xf32, #tpu.memory_space<vmem>>) dst(%dma_wait3A_302 : memref<5008x128xf32, #tpu.memory_space<vmem_shared>>)
          tpu.yield
        }) : () -> ()
      } else {
      }
      %while3A_148 = arith.constant 0 : i32
      scf.yield %while3A_148 : i32
    }
    %while3A_80 = arith.constant 1 : i32
    %while3A_81 = scf.for %while3A_128 = %while3A_77 to %while3A_73 step %while3A_80 iter_args(%while3A_129 = %while3A_79) -> (i32)  : i32 {
      %mul3A_130 = arith.constant 16 : i32
      %mul3A_131 = arith.muli %while3A_128, %mul3A_130 : i32
      %add3A_132 = arith.addi %arg1, %mul3A_131 : i32
      %mul3A_133 = arith.constant 128 : i32
      %mul3A_134 = arith.muli %add3A_132, %mul3A_133 : i32
      "tpu.region"() ({
        %run_scoped3A = tpu.sem_alloc : memref<!tpu.dma_semaphore, #tpu.memory_space<semaphore_mem>>
        %dma_start3A = tpu.memref_slice %arg2[%mul3A_134] : memref<320000xi32, #tpu.memory_space<hbm>> -> memref<128xi32, #tpu.memory_space<hbm>>
        %dma_start3A_149 = tpu.memref_slice %arg2[%mul3A_134] : memref<320000xi32, #tpu.memory_space<hbm>> -> memref<128xi32, #tpu.memory_space<hbm>>
        tpu.enqueue_dma source(%dma_start3A_149 : memref<128xi32, #tpu.memory_space<hbm>>) target(%arg4 : memref<128xi32, #tpu.memory_space<vmem>>) target_semaphore(%run_scoped3A : memref<!tpu.dma_semaphore, #tpu.memory_space<semaphore_mem>>)
        %dma_wait3A = tpu.memref_slice %arg2[%mul3A_134] : memref<320000xi32, #tpu.memory_space<hbm>> -> memref<128xi32, #tpu.memory_space<hbm>>
        %dma_wait3A_150 = tpu.memref_slice %arg2[%mul3A_134] : memref<320000xi32, #tpu.memory_space<hbm>> -> memref<128xi32, #tpu.memory_space<hbm>>
        tpu.wait_dma2 semaphore(%run_scoped3A : memref<!tpu.dma_semaphore, #tpu.memory_space<semaphore_mem>>) src(%dma_wait3A_150 : memref<128xi32, #tpu.memory_space<hbm>>) dst(%arg4 : memref<128xi32, #tpu.memory_space<vmem>>)
        tpu.yield
      }) : () -> ()
      %get3A = arith.constant 0 : index
      %get3A_135 = tpu.vector_load %arg4[%get3A] {strides = array<i32>} : memref<128xi32, #tpu.memory_space<vmem>>, vector<16xi32>,
      %get3A_136 = vector.shape_cast %get3A_135 : vector<16xi32> to vector<16xi32>
      %slice3A = vector.extract_strided_slice %get3A_136 {offsets = [0], sizes = [1], strides = [1]} : vector<16xi32> to vector<1xi32>
      %squeeze3A = vector.extract %slice3A[0] : i32 from vector<1xi32>
      %get3A_137 = arith.constant 112 : index
      %get3A_138 = tpu.vector_load %arg4[%get3A_137] {strides = array<i32>} : memref<128xi32, #tpu.memory_space<vmem>>, vector<16xi32>,
      %get3A_139 = vector.shape_cast %get3A_138 : vector<16xi32> to vector<16xi32>
      %slice3A_140 = vector.extract_strided_slice %get3A_139 {offsets = [15], sizes = [1], strides = [1]} : vector<16xi32> to vector<1xi32>
      %squeeze3A_141 = vector.extract %slice3A_140[0] : i32 from vector<1xi32>
      %ge3A = arith.cmpi sge, %squeeze3A_141, %mul3A_0 : i32
      %add3A_142 = arith.constant 5000 : i32
      %add3A_143 = arith.addi %mul3A_0, %add3A_142 : i32
      %lt3A = arith.cmpi slt, %squeeze3A, %add3A_143 : i32
      %and3A_144 = arith.andi %ge3A, %lt3A : i1
      %convert_element_type3A_145 = arith.extui %and3A_144 : i1 to i32
      %cond3A_146 = arith.constant 0 : i32
      %cond3A_147 = arith.cmpi ne, %convert_element_type3A_145, %cond3A_146 : i32
      scf.if %cond3A_147 {
        %get3A_149 = arith.constant 0 : index
        %get3A_150 = tpu.vector_load %arg4[%get3A_149] {strides = array<i32>} : memref<128xi32, #tpu.memory_space<vmem>>, vector<16xi32>,
        %get3A_151 = vector.shape_cast %get3A_150 : vector<16xi32> to vector<16xi32>
        %sub3A_152 = vector.broadcast %mul3A_0 : i32 to vector<16xi32>
        %sub3A_153 = arith.subi %get3A_151, %sub3A_152 : vector<16xi32>
        %lt3A_154 = arith.constant 0 : i32
        %lt3A_155 = vector.broadcast %lt3A_154 : i32 to vector<16xi32>
        %lt3A_156 = arith.cmpi slt, %sub3A_153, %lt3A_155 : vector<16xi32>
        %ge3A_157 = arith.constant 5000 : i32
        %ge3A_158 = vector.broadcast %ge3A_157 : i32 to vector<16xi32>
        %ge3A_159 = arith.cmpi sge, %sub3A_153, %ge3A_158 : vector<16xi32>
        %or3A = arith.ori %lt3A_156, %ge3A_159 : vector<16xi1>
        %jit3A_160 = arith.constant 5000 : i32
        %broadcast_in_dim3A_161 = vector.broadcast %jit3A_160 : i32 to vector<16xi32>
        %select_n3A_162 = arith.select %or3A, %broadcast_in_dim3A_161, %sub3A_153 : vector<16xi1>, vector<16xi32>
        %swap3A = arith.constant 0 : index
        %swap3A_163 = tpu.vector_load %arg5[%swap3A] {strides = array<i32>} : memref<128xi32, #tpu.memory_space<vmem>>, vector<16xi32>,
        %swap3A_164 = vector.shape_cast %swap3A_163 : vector<16xi32> to vector<16xi32>
        %swap3A_165 = vector.shape_cast %select_n3A_162 : vector<16xi32> to vector<16xi32>
        tpu.vector_store %arg5[%swap3A], %swap3A_165 {strides = array<i32>} : memref<128xi32, #tpu.memory_space<vmem>>, vector<16xi32>,
        %get3A_166 = arith.constant 16 : index
        %get3A_167 = tpu.vector_load %arg4[%get3A_166] {strides = array<i32>} : memref<128xi32, #tpu.memory_space<vmem>>, vector<16xi32>,
        %get3A_168 = vector.shape_cast %get3A_167 : vector<16xi32> to vector<16xi32>
        %sub3A_169 = vector.broadcast %mul3A_0 : i32 to vector<16xi32>
        %sub3A_170 = arith.subi %get3A_168, %sub3A_169 : vector<16xi32>
        %lt3A_171 = arith.constant 0 : i32
        %lt3A_172 = vector.broadcast %lt3A_171 : i32 to vector<16xi32>
        %lt3A_173 = arith.cmpi slt, %sub3A_170, %lt3A_172 : vector<16xi32>
        %ge3A_174 = arith.constant 5000 : i32
        %ge3A_175 = vector.broadcast %ge3A_174 : i32 to vector<16xi32>
        %ge3A_176 = arith.cmpi sge, %sub3A_170, %ge3A_175 : vector<16xi32>
        %or3A_177 = arith.ori %lt3A_173, %ge3A_176 : vector<16xi1>
        %jit3A_178 = arith.constant 5000 : i32
        %broadcast_in_dim3A_179 = vector.broadcast %jit3A_178 : i32 to vector<16xi32>
        %select_n3A_180 = arith.select %or3A_177, %broadcast_in_dim3A_179, %sub3A_170 : vector<16xi1>, vector<16xi32>
        %swap3A_181 = arith.constant 16 : index
        %swap3A_182 = tpu.vector_load %arg5[%swap3A_181] {strides = array<i32>} : memref<128xi32, #tpu.memory_space<vmem>>, vector<16xi32>,
        %swap3A_183 = vector.shape_cast %swap3A_182 : vector<16xi32> to vector<16xi32>
        %swap3A_184 = vector.shape_cast %select_n3A_180 : vector<16xi32> to vector<16xi32>
        tpu.vector_store %arg5[%swap3A_181], %swap3A_184 {strides = array<i32>} : memref<128xi32, #tpu.memory_space<vmem>>, vector<16xi32>,
        %get3A_185 = arith.constant 32 : index
        %get3A_186 = tpu.vector_load %arg4[%get3A_185] {strides = array<i32>} : memref<128xi32, #tpu.memory_space<vmem>>, vector<16xi32>,
        %get3A_187 = vector.shape_cast %get3A_186 : vector<16xi32> to vector<16xi32>
        %sub3A_188 = vector.broadcast %mul3A_0 : i32 to vector<16xi32>
        %sub3A_189 = arith.subi %get3A_187, %sub3A_188 : vector<16xi32>
        %lt3A_190 = arith.constant 0 : i32
        %lt3A_191 = vector.broadcast %lt3A_190 : i32 to vector<16xi32>
        %lt3A_192 = arith.cmpi slt, %sub3A_189, %lt3A_191 : vector<16xi32>
        %ge3A_193 = arith.constant 5000 : i32
        %ge3A_194 = vector.broadcast %ge3A_193 : i32 to vector<16xi32>
        %ge3A_195 = arith.cmpi sge, %sub3A_189, %ge3A_194 : vector<16xi32>
        %or3A_196 = arith.ori %lt3A_192, %ge3A_195 : vector<16xi1>
        %jit3A_197 = arith.constant 5000 : i32
        %broadcast_in_dim3A_198 = vector.broadcast %jit3A_197 : i32 to vector<16xi32>
        %select_n3A_199 = arith.select %or3A_196, %broadcast_in_dim3A_198, %sub3A_189 : vector<16xi1>, vector<16xi32>
        %swap3A_200 = arith.constant 32 : index
        %swap3A_201 = tpu.vector_load %arg5[%swap3A_200] {strides = array<i32>} : memref<128xi32, #tpu.memory_space<vmem>>, vector<16xi32>,
        %swap3A_202 = vector.shape_cast %swap3A_201 : vector<16xi32> to vector<16xi32>
        %swap3A_203 = vector.shape_cast %select_n3A_199 : vector<16xi32> to vector<16xi32>
        tpu.vector_store %arg5[%swap3A_200], %swap3A_203 {strides = array<i32>} : memref<128xi32, #tpu.memory_space<vmem>>, vector<16xi32>,
        %get3A_204 = arith.constant 48 : index
        %get3A_205 = tpu.vector_load %arg4[%get3A_204] {strides = array<i32>} : memref<128xi32, #tpu.memory_space<vmem>>, vector<16xi32>,
        %get3A_206 = vector.shape_cast %get3A_205 : vector<16xi32> to vector<16xi32>
        %sub3A_207 = vector.broadcast %mul3A_0 : i32 to vector<16xi32>
        %sub3A_208 = arith.subi %get3A_206, %sub3A_207 : vector<16xi32>
        %lt3A_209 = arith.constant 0 : i32
        %lt3A_210 = vector.broadcast %lt3A_209 : i32 to vector<16xi32>
        %lt3A_211 = arith.cmpi slt, %sub3A_208, %lt3A_210 : vector<16xi32>
        %ge3A_212 = arith.constant 5000 : i32
        %ge3A_213 = vector.broadcast %ge3A_212 : i32 to vector<16xi32>
        %ge3A_214 = arith.cmpi sge, %sub3A_208, %ge3A_213 : vector<16xi32>
        %or3A_215 = arith.ori %lt3A_211, %ge3A_214 : vector<16xi1>
        %jit3A_216 = arith.constant 5000 : i32
        %broadcast_in_dim3A_217 = vector.broadcast %jit3A_216 : i32 to vector<16xi32>
        %select_n3A_218 = arith.select %or3A_215, %broadcast_in_dim3A_217, %sub3A_208 : vector<16xi1>, vector<16xi32>
        %swap3A_219 = arith.constant 48 : index
        %swap3A_220 = tpu.vector_load %arg5[%swap3A_219] {strides = array<i32>} : memref<128xi32, #tpu.memory_space<vmem>>, vector<16xi32>,
        %swap3A_221 = vector.shape_cast %swap3A_220 : vector<16xi32> to vector<16xi32>
        %swap3A_222 = vector.shape_cast %select_n3A_218 : vector<16xi32> to vector<16xi32>
        tpu.vector_store %arg5[%swap3A_219], %swap3A_222 {strides = array<i32>} : memref<128xi32, #tpu.memory_space<vmem>>, vector<16xi32>,
        %get3A_223 = arith.constant 64 : index
        %get3A_224 = tpu.vector_load %arg4[%get3A_223] {strides = array<i32>} : memref<128xi32, #tpu.memory_space<vmem>>, vector<16xi32>,
        %get3A_225 = vector.shape_cast %get3A_224 : vector<16xi32> to vector<16xi32>
        %sub3A_226 = vector.broadcast %mul3A_0 : i32 to vector<16xi32>
        %sub3A_227 = arith.subi %get3A_225, %sub3A_226 : vector<16xi32>
        %lt3A_228 = arith.constant 0 : i32
        %lt3A_229 = vector.broadcast %lt3A_228 : i32 to vector<16xi32>
        %lt3A_230 = arith.cmpi slt, %sub3A_227, %lt3A_229 : vector<16xi32>
        %ge3A_231 = arith.constant 5000 : i32
        %ge3A_232 = vector.broadcast %ge3A_231 : i32 to vector<16xi32>
        %ge3A_233 = arith.cmpi sge, %sub3A_227, %ge3A_232 : vector<16xi32>
        %or3A_234 = arith.ori %lt3A_230, %ge3A_233 : vector<16xi1>
        %jit3A_235 = arith.constant 5000 : i32
        %broadcast_in_dim3A_236 = vector.broadcast %jit3A_235 : i32 to vector<16xi32>
        %select_n3A_237 = arith.select %or3A_234, %broadcast_in_dim3A_236, %sub3A_227 : vector<16xi1>, vector<16xi32>
        %swap3A_238 = arith.constant 64 : index
        %swap3A_239 = tpu.vector_load %arg5[%swap3A_238] {strides = array<i32>} : memref<128xi32, #tpu.memory_space<vmem>>, vector<16xi32>,
        %swap3A_240 = vector.shape_cast %swap3A_239 : vector<16xi32> to vector<16xi32>
        %swap3A_241 = vector.shape_cast %select_n3A_237 : vector<16xi32> to vector<16xi32>
        tpu.vector_store %arg5[%swap3A_238], %swap3A_241 {strides = array<i32>} : memref<128xi32, #tpu.memory_space<vmem>>, vector<16xi32>,
        %get3A_242 = arith.constant 80 : index
        %get3A_243 = tpu.vector_load %arg4[%get3A_242] {strides = array<i32>} : memref<128xi32, #tpu.memory_space<vmem>>, vector<16xi32>,
        %get3A_244 = vector.shape_cast %get3A_243 : vector<16xi32> to vector<16xi32>
        %sub3A_245 = vector.broadcast %mul3A_0 : i32 to vector<16xi32>
        %sub3A_246 = arith.subi %get3A_244, %sub3A_245 : vector<16xi32>
        %lt3A_247 = arith.constant 0 : i32
        %lt3A_248 = vector.broadcast %lt3A_247 : i32 to vector<16xi32>
        %lt3A_249 = arith.cmpi slt, %sub3A_246, %lt3A_248 : vector<16xi32>
        %ge3A_250 = arith.constant 5000 : i32
        %ge3A_251 = vector.broadcast %ge3A_250 : i32 to vector<16xi32>
        %ge3A_252 = arith.cmpi sge, %sub3A_246, %ge3A_251 : vector<16xi32>
        %or3A_253 = arith.ori %lt3A_249, %ge3A_252 : vector<16xi1>
        %jit3A_254 = arith.constant 5000 : i32
        %broadcast_in_dim3A_255 = vector.broadcast %jit3A_254 : i32 to vector<16xi32>
        %select_n3A_256 = arith.select %or3A_253, %broadcast_in_dim3A_255, %sub3A_246 : vector<16xi1>, vector<16xi32>
        %swap3A_257 = arith.constant 80 : index
        %swap3A_258 = tpu.vector_load %arg5[%swap3A_257] {strides = array<i32>} : memref<128xi32, #tpu.memory_space<vmem>>, vector<16xi32>,
        %swap3A_259 = vector.shape_cast %swap3A_258 : vector<16xi32> to vector<16xi32>
        %swap3A_260 = vector.shape_cast %select_n3A_256 : vector<16xi32> to vector<16xi32>
        tpu.vector_store %arg5[%swap3A_257], %swap3A_260 {strides = array<i32>} : memref<128xi32, #tpu.memory_space<vmem>>, vector<16xi32>,
        %get3A_261 = arith.constant 96 : index
        %get3A_262 = tpu.vector_load %arg4[%get3A_261] {strides = array<i32>} : memref<128xi32, #tpu.memory_space<vmem>>, vector<16xi32>,
        %get3A_263 = vector.shape_cast %get3A_262 : vector<16xi32> to vector<16xi32>
        %sub3A_264 = vector.broadcast %mul3A_0 : i32 to vector<16xi32>
        %sub3A_265 = arith.subi %get3A_263, %sub3A_264 : vector<16xi32>
        %lt3A_266 = arith.constant 0 : i32
        %lt3A_267 = vector.broadcast %lt3A_266 : i32 to vector<16xi32>
        %lt3A_268 = arith.cmpi slt, %sub3A_265, %lt3A_267 : vector<16xi32>
        %ge3A_269 = arith.constant 5000 : i32
        %ge3A_270 = vector.broadcast %ge3A_269 : i32 to vector<16xi32>
        %ge3A_271 = arith.cmpi sge, %sub3A_265, %ge3A_270 : vector<16xi32>
        %or3A_272 = arith.ori %lt3A_268, %ge3A_271 : vector<16xi1>
        %jit3A_273 = arith.constant 5000 : i32
        %broadcast_in_dim3A_274 = vector.broadcast %jit3A_273 : i32 to vector<16xi32>
        %select_n3A_275 = arith.select %or3A_272, %broadcast_in_dim3A_274, %sub3A_265 : vector<16xi1>, vector<16xi32>
        %swap3A_276 = arith.constant 96 : index
        %swap3A_277 = tpu.vector_load %arg5[%swap3A_276] {strides = array<i32>} : memref<128xi32, #tpu.memory_space<vmem>>, vector<16xi32>,
        %swap3A_278 = vector.shape_cast %swap3A_277 : vector<16xi32> to vector<16xi32>
        %swap3A_279 = vector.shape_cast %select_n3A_275 : vector<16xi32> to vector<16xi32>
        tpu.vector_store %arg5[%swap3A_276], %swap3A_279 {strides = array<i32>} : memref<128xi32, #tpu.memory_space<vmem>>, vector<16xi32>,
        %get3A_280 = arith.constant 112 : index
        %get3A_281 = tpu.vector_load %arg4[%get3A_280] {strides = array<i32>} : memref<128xi32, #tpu.memory_space<vmem>>, vector<16xi32>,
        %get3A_282 = vector.shape_cast %get3A_281 : vector<16xi32> to vector<16xi32>
        %sub3A_283 = vector.broadcast %mul3A_0 : i32 to vector<16xi32>
        %sub3A_284 = arith.subi %get3A_282, %sub3A_283 : vector<16xi32>
        %lt3A_285 = arith.constant 0 : i32
        %lt3A_286 = vector.broadcast %lt3A_285 : i32 to vector<16xi32>
        %lt3A_287 = arith.cmpi slt, %sub3A_284, %lt3A_286 : vector<16xi32>
        %ge3A_288 = arith.constant 5000 : i32
        %ge3A_289 = vector.broadcast %ge3A_288 : i32 to vector<16xi32>
        %ge3A_290 = arith.cmpi sge, %sub3A_284, %ge3A_289 : vector<16xi32>
        %or3A_291 = arith.ori %lt3A_287, %ge3A_290 : vector<16xi1>
        %jit3A_292 = arith.constant 5000 : i32
        %broadcast_in_dim3A_293 = vector.broadcast %jit3A_292 : i32 to vector<16xi32>
        %select_n3A_294 = arith.select %or3A_291, %broadcast_in_dim3A_293, %sub3A_284 : vector<16xi1>, vector<16xi32>
        %swap3A_295 = arith.constant 112 : index
        %swap3A_296 = tpu.vector_load %arg5[%swap3A_295] {strides = array<i32>} : memref<128xi32, #tpu.memory_space<vmem>>, vector<16xi32>,
        %swap3A_297 = vector.shape_cast %swap3A_296 : vector<16xi32> to vector<16xi32>
        %swap3A_298 = vector.shape_cast %select_n3A_294 : vector<16xi32> to vector<16xi32>
        tpu.vector_store %arg5[%swap3A_295], %swap3A_298 {strides = array<i32>} : memref<128xi32, #tpu.memory_space<vmem>>, vector<16xi32>,
        "tpu.region"() ({
          %run_scoped3A = tpu.sem_alloc : memref<!tpu.dma_semaphore, #tpu.memory_space<semaphore_mem>>
          %dma_start3A = arith.constant 0 : i32
          %dma_start3A_299 = arith.constant 0 : i32
          %dma_start3A_300 = tpu.memref_slice %arg8[%dma_start3A, %dma_start3A_299] : memref<5008x128xf32, #tpu.memory_space<vmem_shared>> -> memref<5008x128xf32, #tpu.memory_space<vmem_shared>>
          tpu.enqueue_indirect_dma source(%arg6 : memref<128x128xf32, #tpu.memory_space<vmem>>) target(%dma_start3A_300 : memref<5008x128xf32, #tpu.memory_space<vmem_shared>>) offsets(%arg5 : memref<128xi32, #tpu.memory_space<vmem>>) semaphore(%run_scoped3A : memref<!tpu.dma_semaphore, #tpu.memory_space<semaphore_mem>>) {add = true}
          %dma_wait3A = arith.constant 0 : i32
          %dma_wait3A_301 = arith.constant 0 : i32
          %dma_wait3A_302 = tpu.memref_slice %arg8[%dma_wait3A, %dma_wait3A_301] : memref<5008x128xf32, #tpu.memory_space<vmem_shared>> -> memref<5008x128xf32, #tpu.memory_space<vmem_shared>>
          tpu.wait_indirect_dma semaphore(%run_scoped3A : memref<!tpu.dma_semaphore, #tpu.memory_space<semaphore_mem>>) src(%arg6 : memref<128x128xf32, #tpu.memory_space<vmem>>) dst(%dma_wait3A_302 : memref<5008x128xf32, #tpu.memory_space<vmem_shared>>)
          tpu.yield
        }) : () -> ()
      } else {
      }
      %while3A_148 = arith.constant 0 : i32
      scf.yield %while3A_148 : i32
    }
    %barrier3A_82 = arith.constant 0 : index
    tpu.barrier barrier_id(%barrier3A_82)
    %sub3A_83 = arith.constant 38 : i32
    %sub3A_84 = arith.subi %sub3A_83, %arg1 : i32
    %jit3A_85 = arith.constant 16 : i32
    %div3A_86 = arith.divsi %sub3A_84, %jit3A_85 : i32
    %sign3A_87 = arith.constant 0 : i32
    %sign3A_88 = arith.cmpi sgt, %sub3A_84, %sign3A_87 : i32
    %sign3A_89 = arith.extui %sign3A_88 : i1 to i32
    %sign3A_90 = arith.constant 0 : i32
    %sign3A_91 = arith.cmpi slt, %sub3A_84, %sign3A_90 : i32
    %sign3A_92 = arith.extui %sign3A_91 : i1 to i32
    %sign3A_93 = arith.subi %sign3A_89, %sign3A_92 : i32
    %sign3A_94 = arith.constant 0 : i32
    %sign3A_95 = arith.cmpi sgt, %jit3A_85, %sign3A_94 : i32
    %sign3A_96 = arith.extui %sign3A_95 : i1 to i32
    %sign3A_97 = arith.constant 0 : i32
    %sign3A_98 = arith.cmpi slt, %jit3A_85, %sign3A_97 : i32
    %sign3A_99 = arith.extui %sign3A_98 : i1 to i32
    %sign3A_100 = arith.subi %sign3A_96, %sign3A_99 : i32
    %ne3A_101 = arith.cmpi ne, %sign3A_93, %sign3A_100 : i32
    %rem3A_102 = arith.remsi %sub3A_84, %jit3A_85 : i32
    %ne3A_103 = arith.constant 0 : i32
    %ne3A_104 = arith.cmpi ne, %rem3A_102, %ne3A_103 : i32
    %and3A_105 = arith.andi %ne3A_101, %ne3A_104 : i1
    %sub3A_106 = arith.constant 1 : i32
    %sub3A_107 = arith.subi %div3A_86, %sub3A_106 : i32
    %select_n3A_108 = arith.select %and3A_105, %sub3A_107, %div3A_86 : i32
    %add3A_109 = arith.constant 1 : i32
    %add3A_110 = arith.addi %select_n3A_108, %add3A_109 : i32
    %while3A_111 = arith.constant 0 : i32
    %while3A_112 = arith.constant 0 : i32
    %while3A_113 = arith.subi %add3A_110, %while3A_111 : i32
    %while3A_114 = arith.addi %while3A_111, %while3A_113 : i32
    %while3A_115 = arith.constant 1 : i32
    %while3A_116 = arith.divsi %while3A_113, %while3A_115 : i32
    %while3A_117 = arith.muli %while3A_116, %while3A_115 : i32
    %while3A_118 = arith.addi %while3A_111, %while3A_117 : i32
    %while3A_119 = arith.constant 1 : i32
    %while3A_120 = scf.for %while3A_128 = %while3A_111 to %while3A_118 step %while3A_119 iter_args(%while3A_129 = %while3A_112) -> (i32)  : i32 {
      %mul3A_130 = arith.constant 16 : i32
      %mul3A_131 = arith.muli %while3A_128, %mul3A_130 : i32
      %add3A_132 = arith.addi %arg1, %mul3A_131 : i32
      %mul3A_133 = arith.constant 128 : i32
      %mul3A_134 = arith.muli %add3A_132, %mul3A_133 : i32
      "tpu.region"() ({
        %run_scoped3A = tpu.sem_alloc : memref<!tpu.dma_semaphore, #tpu.memory_space<semaphore_mem>>
        %dma_start3A = arith.constant 0 : i32
        %dma_start3A_137 = tpu.memref_slice %arg8[%mul3A_134, %dma_start3A] : memref<5008x128xf32, #tpu.memory_space<vmem_shared>> -> memref<128x128xf32, #tpu.memory_space<vmem_shared>>
        %dma_start3A_138 = arith.constant 0 : i32
        %dma_start3A_139 = tpu.memref_slice %arg8[%mul3A_134, %dma_start3A_138] : memref<5008x128xf32, #tpu.memory_space<vmem_shared>> -> memref<128x128xf32, #tpu.memory_space<vmem_shared>>
        tpu.enqueue_dma source(%dma_start3A_139 : memref<128x128xf32, #tpu.memory_space<vmem_shared>>) target(%arg7 : memref<128x128xf32, #tpu.memory_space<vmem>>) target_semaphore(%run_scoped3A : memref<!tpu.dma_semaphore, #tpu.memory_space<semaphore_mem>>)
        %dma_wait3A = arith.constant 0 : i32
        %dma_wait3A_140 = tpu.memref_slice %arg8[%mul3A_134, %dma_wait3A] : memref<5008x128xf32, #tpu.memory_space<vmem_shared>> -> memref<128x128xf32, #tpu.memory_space<vmem_shared>>
        %dma_wait3A_141 = arith.constant 0 : i32
        %dma_wait3A_142 = tpu.memref_slice %arg8[%mul3A_134, %dma_wait3A_141] : memref<5008x128xf32, #tpu.memory_space<vmem_shared>> -> memref<128x128xf32, #tpu.memory_space<vmem_shared>>
        tpu.wait_dma2 semaphore(%run_scoped3A : memref<!tpu.dma_semaphore, #tpu.memory_space<semaphore_mem>>) src(%dma_wait3A_142 : memref<128x128xf32, #tpu.memory_space<vmem_shared>>) dst(%arg7 : memref<128x128xf32, #tpu.memory_space<vmem>>)
        tpu.yield
      }) : () -> ()
      %add3A_135 = arith.addi %mul3A_0, %mul3A_134 : i32
      "tpu.region"() ({
        %run_scoped3A = tpu.sem_alloc : memref<!tpu.dma_semaphore, #tpu.memory_space<semaphore_mem>>
        %dma_start3A = arith.constant 0 : i32
        %dma_start3A_137 = tpu.memref_slice %arg3[%add3A_135, %dma_start3A] : memref<10000x128xf32, #tpu.memory_space<hbm>> -> memref<128x128xf32, #tpu.memory_space<hbm>>
        %dma_start3A_138 = arith.constant 0 : i32
        %dma_start3A_139 = tpu.memref_slice %arg3[%add3A_135, %dma_start3A_138] : memref<10000x128xf32, #tpu.memory_space<hbm>> -> memref<128x128xf32, #tpu.memory_space<hbm>>
        tpu.enqueue_dma source(%arg7 : memref<128x128xf32, #tpu.memory_space<vmem>>) target(%dma_start3A_139 : memref<128x128xf32, #tpu.memory_space<hbm>>) target_semaphore(%run_scoped3A : memref<!tpu.dma_semaphore, #tpu.memory_space<semaphore_mem>>)
        %dma_wait3A = arith.constant 0 : i32
        %dma_wait3A_140 = tpu.memref_slice %arg3[%add3A_135, %dma_wait3A] : memref<10000x128xf32, #tpu.memory_space<hbm>> -> memref<128x128xf32, #tpu.memory_space<hbm>>
        %dma_wait3A_141 = arith.constant 0 : i32
        %dma_wait3A_142 = tpu.memref_slice %arg3[%add3A_135, %dma_wait3A_141] : memref<10000x128xf32, #tpu.memory_space<hbm>> -> memref<128x128xf32, #tpu.memory_space<hbm>>
        tpu.wait_dma2 semaphore(%run_scoped3A : memref<!tpu.dma_semaphore, #tpu.memory_space<semaphore_mem>>) src(%arg7 : memref<128x128xf32, #tpu.memory_space<vmem>>) dst(%dma_wait3A_142 : memref<128x128xf32, #tpu.memory_space<hbm>>)
        tpu.yield
      }) : () -> ()
      %while3A_136 = arith.constant 0 : i32
      scf.yield %while3A_136 : i32
    }
    %while3A_121 = arith.constant 1 : i32
    %while3A_122 = scf.for %while3A_128 = %while3A_118 to %while3A_114 step %while3A_121 iter_args(%while3A_129 = %while3A_120) -> (i32)  : i32 {
      %mul3A_130 = arith.constant 16 : i32
      %mul3A_131 = arith.muli %while3A_128, %mul3A_130 : i32
      %add3A_132 = arith.addi %arg1, %mul3A_131 : i32
      %mul3A_133 = arith.constant 128 : i32
      %mul3A_134 = arith.muli %add3A_132, %mul3A_133 : i32
      "tpu.region"() ({
        %run_scoped3A = tpu.sem_alloc : memref<!tpu.dma_semaphore, #tpu.memory_space<semaphore_mem>>
        %dma_start3A = arith.constant 0 : i32
        %dma_start3A_137 = tpu.memref_slice %arg8[%mul3A_134, %dma_start3A] : memref<5008x128xf32, #tpu.memory_space<vmem_shared>> -> memref<128x128xf32, #tpu.memory_space<vmem_shared>>
        %dma_start3A_138 = arith.constant 0 : i32
        %dma_start3A_139 = tpu.memref_slice %arg8[%mul3A_134, %dma_start3A_138] : memref<5008x128xf32, #tpu.memory_space<vmem_shared>> -> memref<128x128xf32, #tpu.memory_space<vmem_shared>>
        tpu.enqueue_dma source(%dma_start3A_139 : memref<128x128xf32, #tpu.memory_space<vmem_shared>>) target(%arg7 : memref<128x128xf32, #tpu.memory_space<vmem>>) target_semaphore(%run_scoped3A : memref<!tpu.dma_semaphore, #tpu.memory_space<semaphore_mem>>)
        %dma_wait3A = arith.constant 0 : i32
        %dma_wait3A_140 = tpu.memref_slice %arg8[%mul3A_134, %dma_wait3A] : memref<5008x128xf32, #tpu.memory_space<vmem_shared>> -> memref<128x128xf32, #tpu.memory_space<vmem_shared>>
        %dma_wait3A_141 = arith.constant 0 : i32
        %dma_wait3A_142 = tpu.memref_slice %arg8[%mul3A_134, %dma_wait3A_141] : memref<5008x128xf32, #tpu.memory_space<vmem_shared>> -> memref<128x128xf32, #tpu.memory_space<vmem_shared>>
        tpu.wait_dma2 semaphore(%run_scoped3A : memref<!tpu.dma_semaphore, #tpu.memory_space<semaphore_mem>>) src(%dma_wait3A_142 : memref<128x128xf32, #tpu.memory_space<vmem_shared>>) dst(%arg7 : memref<128x128xf32, #tpu.memory_space<vmem>>)
        tpu.yield
      }) : () -> ()
      %add3A_135 = arith.addi %mul3A_0, %mul3A_134 : i32
      "tpu.region"() ({
        %run_scoped3A = tpu.sem_alloc : memref<!tpu.dma_semaphore, #tpu.memory_space<semaphore_mem>>
        %dma_start3A = arith.constant 0 : i32
        %dma_start3A_137 = tpu.memref_slice %arg3[%add3A_135, %dma_start3A] : memref<10000x128xf32, #tpu.memory_space<hbm>> -> memref<128x128xf32, #tpu.memory_space<hbm>>
        %dma_start3A_138 = arith.constant 0 : i32
        %dma_start3A_139 = tpu.memref_slice %arg3[%add3A_135, %dma_start3A_138] : memref<10000x128xf32, #tpu.memory_space<hbm>> -> memref<128x128xf32, #tpu.memory_space<hbm>>
        tpu.enqueue_dma source(%arg7 : memref<128x128xf32, #tpu.memory_space<vmem>>) target(%dma_start3A_139 : memref<128x128xf32, #tpu.memory_space<hbm>>) target_semaphore(%run_scoped3A : memref<!tpu.dma_semaphore, #tpu.memory_space<semaphore_mem>>)
        %dma_wait3A = arith.constant 0 : i32
        %dma_wait3A_140 = tpu.memref_slice %arg3[%add3A_135, %dma_wait3A] : memref<10000x128xf32, #tpu.memory_space<hbm>> -> memref<128x128xf32, #tpu.memory_space<hbm>>
        %dma_wait3A_141 = arith.constant 0 : i32
        %dma_wait3A_142 = tpu.memref_slice %arg3[%add3A_135, %dma_wait3A_141] : memref<10000x128xf32, #tpu.memory_space<hbm>> -> memref<128x128xf32, #tpu.memory_space<hbm>>
        tpu.wait_dma2 semaphore(%run_scoped3A : memref<!tpu.dma_semaphore, #tpu.memory_space<semaphore_mem>>) src(%arg7 : memref<128x128xf32, #tpu.memory_space<vmem>>) dst(%dma_wait3A_142 : memref<128x128xf32, #tpu.memory_space<hbm>>)
        tpu.yield
      }) : () -> ()
      %while3A_136 = arith.constant 0 : i32
      scf.yield %while3A_136 : i32
    }
    %eq3A_123 = arith.constant 0 : i32
    %eq3A_124 = arith.cmpi eq, %arg1, %eq3A_123 : i32
    %convert_element_type3A_125 = arith.extui %eq3A_124 : i1 to i32
    %cond3A_126 = arith.constant 0 : i32
    %cond3A_127 = arith.cmpi ne, %convert_element_type3A_125, %cond3A_126 : i32
    scf.if %cond3A_127 {
      "tpu.region"() ({
        %run_scoped3A = tpu.sem_alloc : memref<!tpu.dma_semaphore, #tpu.memory_space<semaphore_mem>>
        %dma_start3A = arith.constant 0 : i32
        %dma_start3A_130 = arith.constant 0 : i32
        %dma_start3A_131 = tpu.memref_slice %arg7[%dma_start3A, %dma_start3A_130] : memref<128x128xf32, #tpu.memory_space<vmem>> -> memref<8x128xf32, #tpu.memory_space<vmem>>
        %dma_start3A_132 = arith.constant 4992 : i32
        %dma_start3A_133 = arith.constant 0 : i32
        %dma_start3A_134 = tpu.memref_slice %arg8[%dma_start3A_132, %dma_start3A_133] : memref<5008x128xf32, #tpu.memory_space<vmem_shared>> -> memref<8x128xf32, #tpu.memory_space<vmem_shared>>
        %dma_start3A_135 = arith.constant 0 : i32
        %dma_start3A_136 = arith.constant 0 : i32
        %dma_start3A_137 = tpu.memref_slice %arg7[%dma_start3A_135, %dma_start3A_136] : memref<128x128xf32, #tpu.memory_space<vmem>> -> memref<8x128xf32, #tpu.memory_space<vmem>>
        %dma_start3A_138 = arith.constant 4992 : i32
        %dma_start3A_139 = arith.constant 0 : i32
        %dma_start3A_140 = tpu.memref_slice %arg8[%dma_start3A_138, %dma_start3A_139] : memref<5008x128xf32, #tpu.memory_space<vmem_shared>> -> memref<8x128xf32, #tpu.memory_space<vmem_shared>>
        tpu.enqueue_dma source(%dma_start3A_140 : memref<8x128xf32, #tpu.memory_space<vmem_shared>>) target(%dma_start3A_137 : memref<8x128xf32, #tpu.memory_space<vmem>>) target_semaphore(%run_scoped3A : memref<!tpu.dma_semaphore, #tpu.memory_space<semaphore_mem>>)
        %dma_wait3A = arith.constant 0 : i32
        %dma_wait3A_141 = arith.constant 0 : i32
        %dma_wait3A_142 = tpu.memref_slice %arg7[%dma_wait3A, %dma_wait3A_141] : memref<128x128xf32, #tpu.memory_space<vmem>> -> memref<8x128xf32, #tpu.memory_space<vmem>>
        %dma_wait3A_143 = arith.constant 4992 : i32
        %dma_wait3A_144 = arith.constant 0 : i32
        %dma_wait3A_145 = tpu.memref_slice %arg8[%dma_wait3A_143, %dma_wait3A_144] : memref<5008x128xf32, #tpu.memory_space<vmem_shared>> -> memref<8x128xf32, #tpu.memory_space<vmem_shared>>
        %dma_wait3A_146 = arith.constant 0 : i32
        %dma_wait3A_147 = arith.constant 0 : i32
        %dma_wait3A_148 = tpu.memref_slice %arg7[%dma_wait3A_146, %dma_wait3A_147] : memref<128x128xf32, #tpu.memory_space<vmem>> -> memref<8x128xf32, #tpu.memory_space<vmem>>
        %dma_wait3A_149 = arith.constant 4992 : i32
        %dma_wait3A_150 = arith.constant 0 : i32
        %dma_wait3A_151 = tpu.memref_slice %arg8[%dma_wait3A_149, %dma_wait3A_150] : memref<5008x128xf32, #tpu.memory_space<vmem_shared>> -> memref<8x128xf32, #tpu.memory_space<vmem_shared>>
        tpu.wait_dma2 semaphore(%run_scoped3A : memref<!tpu.dma_semaphore, #tpu.memory_space<semaphore_mem>>) src(%dma_wait3A_151 : memref<8x128xf32, #tpu.memory_space<vmem_shared>>) dst(%dma_wait3A_148 : memref<8x128xf32, #tpu.memory_space<vmem>>)
        tpu.yield
      }) : () -> ()
      %add3A_128 = arith.constant 4992 : i32
      %add3A_129 = arith.addi %mul3A_0, %add3A_128 : i32
      "tpu.region"() ({
        %run_scoped3A = tpu.sem_alloc : memref<!tpu.dma_semaphore, #tpu.memory_space<semaphore_mem>>
        %dma_start3A = arith.constant 0 : i32
        %dma_start3A_130 = arith.constant 0 : i32
        %dma_start3A_131 = tpu.memref_slice %arg7[%dma_start3A, %dma_start3A_130] : memref<128x128xf32, #tpu.memory_space<vmem>> -> memref<8x128xf32, #tpu.memory_space<vmem>>
        %dma_start3A_132 = arith.constant 0 : i32
        %dma_start3A_133 = tpu.memref_slice %arg3[%add3A_129, %dma_start3A_132] : memref<10000x128xf32, #tpu.memory_space<hbm>> -> memref<8x128xf32, #tpu.memory_space<hbm>>
        %dma_start3A_134 = arith.constant 0 : i32
        %dma_start3A_135 = tpu.memref_slice %arg3[%add3A_129, %dma_start3A_134] : memref<10000x128xf32, #tpu.memory_space<hbm>> -> memref<8x128xf32, #tpu.memory_space<hbm>>
        %dma_start3A_136 = arith.constant 0 : i32
        %dma_start3A_137 = arith.constant 0 : i32
        %dma_start3A_138 = tpu.memref_slice %arg7[%dma_start3A_136, %dma_start3A_137] : memref<128x128xf32, #tpu.memory_space<vmem>> -> memref<8x128xf32, #tpu.memory_space<vmem>>
        tpu.enqueue_dma source(%dma_start3A_138 : memref<8x128xf32, #tpu.memory_space<vmem>>) target(%dma_start3A_135 : memref<8x128xf32, #tpu.memory_space<hbm>>) target_semaphore(%run_scoped3A : memref<!tpu.dma_semaphore, #tpu.memory_space<semaphore_mem>>)
        %dma_wait3A = arith.constant 0 : i32
        %dma_wait3A_139 = arith.constant 0 : i32
        %dma_wait3A_140 = tpu.memref_slice %arg7[%dma_wait3A, %dma_wait3A_139] : memref<128x128xf32, #tpu.memory_space<vmem>> -> memref<8x128xf32, #tpu.memory_space<vmem>>
        %dma_wait3A_141 = arith.constant 0 : i32
        %dma_wait3A_142 = tpu.memref_slice %arg3[%add3A_129, %dma_wait3A_141] : memref<10000x128xf32, #tpu.memory_space<hbm>> -> memref<8x128xf32, #tpu.memory_space<hbm>>
        %dma_wait3A_143 = arith.constant 0 : i32
        %dma_wait3A_144 = tpu.memref_slice %arg3[%add3A_129, %dma_wait3A_143] : memref<10000x128xf32, #tpu.memory_space<hbm>> -> memref<8x128xf32, #tpu.memory_space<hbm>>
        %dma_wait3A_145 = arith.constant 0 : i32
        %dma_wait3A_146 = arith.constant 0 : i32
        %dma_wait3A_147 = tpu.memref_slice %arg7[%dma_wait3A_145, %dma_wait3A_146] : memref<128x128xf32, #tpu.memory_space<vmem>> -> memref<8x128xf32, #tpu.memory_space<vmem>>
        tpu.wait_dma2 semaphore(%run_scoped3A : memref<!tpu.dma_semaphore, #tpu.memory_space<semaphore_mem>>) src(%dma_wait3A_147 : memref<8x128xf32, #tpu.memory_space<vmem>>) dst(%dma_wait3A_144 : memref<8x128xf32, #tpu.memory_space<hbm>>)
        tpu.yield
      }) : () -> ()
    } else {
    }
    return
  }
}

#map = affine_map<(d0, d1) -> (0, 0)>
#map1 = affine_map<(d0, d1) -> (0)>
module attributes {stable_mosaic.version = 14 : i64} {
  func.func @_sc_edge_kernel(%arg0: i32, %arg1: i32, %arg2: memref<20000x128xf32, #tpu.memory_space<hbm>>, %arg3: memref<320000x128xf32, #tpu.memory_space<hbm>>, %arg4: memref<320000xi32, #tpu.memory_space<hbm>>, %arg5: memref<320000xi32, #tpu.memory_space<hbm>>, %arg6: memref<128xf32, #tpu.memory_space<hbm>>, %arg7: memref<10000x128xf32, #tpu.memory_space<hbm>>, %arg8: memref<256xi32, #tpu.memory_space<vmem>>, %arg9: memref<2x64xi32, #tpu.memory_space<vmem>>, %arg10: memref<256x128xf32, #tpu.memory_space<vmem>>, %arg11: memref<64x128xf32, #tpu.memory_space<vmem>>, %arg12: memref<128x128xf32, #tpu.memory_space<vmem>>, %arg13: memref<128xf32, #tpu.memory_space<vmem>>, %arg14: memref<5008x128xf32, #tpu.memory_space<vmem_shared>>, %arg15: memref<!tpu.dma_semaphore, #tpu.memory_space<semaphore_mem>>, %arg16: memref<!tpu.dma_semaphore, #tpu.memory_space<semaphore_mem>>, %arg17: memref<!tpu.dma_semaphore, #tpu.memory_space<semaphore_mem>>, %arg18: memref<!tpu.dma_semaphore, #tpu.memory_space<semaphore_mem>>, %arg19: memref<!tpu.dma_semaphore, #tpu.memory_space<semaphore_mem>>) attributes {dimension_semantics = [#tpu.dimension_semantics<core_parallel>, #tpu.dimension_semantics<subcore_parallel>], iteration_bounds = array<i64: 2, 16>, scalar_prefetch = 0 : i64, scratch_operands = 12 : i64, tpu.core_type = #tpu.core_type<sc_vector_subcore>, window_params = [{transform_indices = #map}, {transform_indices = #map}, {transform_indices = #map1}, {transform_indices = #map1}, {transform_indices = #map1}, {transform_indices = #map}]} {
    %mul3A = arith.constant 5000 : i32
    %mul3A_0 = arith.muli %arg0, %mul3A : i32
    "tpu.region"() ({
      %run_scoped3A = tpu.sem_alloc : memref<!tpu.dma_semaphore, #tpu.memory_space<semaphore_mem>>
      tpu.enqueue_dma source(%arg6 : memref<128xf32, #tpu.memory_space<hbm>>) target(%arg13 : memref<128xf32, #tpu.memory_space<vmem>>) target_semaphore(%run_scoped3A : memref<!tpu.dma_semaphore, #tpu.memory_space<semaphore_mem>>)
      tpu.wait_dma2 semaphore(%run_scoped3A : memref<!tpu.dma_semaphore, #tpu.memory_space<semaphore_mem>>) src(%arg6 : memref<128xf32, #tpu.memory_space<hbm>>) dst(%arg13 : memref<128xf32, #tpu.memory_space<vmem>>)
      tpu.yield
    }) : () -> ()
    %get3A = arith.constant 0 : index
    %get3A_1 = tpu.vector_load %arg13[%get3A] {strides = array<i32>} : memref<128xf32, #tpu.memory_space<vmem>>, vector<16xf32>,
    %get3A_2 = vector.shape_cast %get3A_1 : vector<16xf32> to vector<16xf32>
    %get3A_3 = arith.constant 16 : index
    %get3A_4 = tpu.vector_load %arg13[%get3A_3] {strides = array<i32>} : memref<128xf32, #tpu.memory_space<vmem>>, vector<16xf32>,
    %get3A_5 = vector.shape_cast %get3A_4 : vector<16xf32> to vector<16xf32>
    %get3A_6 = arith.constant 32 : index
    %get3A_7 = tpu.vector_load %arg13[%get3A_6] {strides = array<i32>} : memref<128xf32, #tpu.memory_space<vmem>>, vector<16xf32>,
    %get3A_8 = vector.shape_cast %get3A_7 : vector<16xf32> to vector<16xf32>
    %get3A_9 = arith.constant 48 : index
    %get3A_10 = tpu.vector_load %arg13[%get3A_9] {strides = array<i32>} : memref<128xf32, #tpu.memory_space<vmem>>, vector<16xf32>,
    %get3A_11 = vector.shape_cast %get3A_10 : vector<16xf32> to vector<16xf32>
    %get3A_12 = arith.constant 64 : index
    %get3A_13 = tpu.vector_load %arg13[%get3A_12] {strides = array<i32>} : memref<128xf32, #tpu.memory_space<vmem>>, vector<16xf32>,
    %get3A_14 = vector.shape_cast %get3A_13 : vector<16xf32> to vector<16xf32>
    %get3A_15 = arith.constant 80 : index
    %get3A_16 = tpu.vector_load %arg13[%get3A_15] {strides = array<i32>} : memref<128xf32, #tpu.memory_space<vmem>>, vector<16xf32>,
    %get3A_17 = vector.shape_cast %get3A_16 : vector<16xf32> to vector<16xf32>
    %get3A_18 = arith.constant 96 : index
    %get3A_19 = tpu.vector_load %arg13[%get3A_18] {strides = array<i32>} : memref<128xf32, #tpu.memory_space<vmem>>, vector<16xf32>,
    %get3A_20 = vector.shape_cast %get3A_19 : vector<16xf32> to vector<16xf32>
    %get3A_21 = arith.constant 112 : index
    %get3A_22 = tpu.vector_load %arg13[%get3A_21] {strides = array<i32>} : memref<128xf32, #tpu.memory_space<vmem>>, vector<16xf32>,
    %get3A_23 = vector.shape_cast %get3A_22 : vector<16xf32> to vector<16xf32>
    %broadcast_in_dim3A = arith.constant 0.000000e+00 : f32
    %broadcast_in_dim3A_24 = vector.broadcast %broadcast_in_dim3A : f32 to vector<16xf32>
    %scan3A = arith.constant 0 : i32
    %scan3A_25 = arith.constant 0 : i32
    %scan3A_26 = arith.constant 64 : i32
    %scan3A_27 = arith.addi %scan3A_25, %scan3A_26 : i32
    %scan3A_28 = arith.constant 1 : i32
    %scan3A_29 = scf.for %scan3A_184 = %scan3A_25 to %scan3A_27 step %scan3A_28 iter_args(%scan3A_185 = %scan3A) -> (i32)  : i32 {
      %swap3A = arith.index_cast %scan3A_184 : i32 to index
      %swap3A_186 = arith.constant 0 : index
      %swap3A_187 = tpu.vector_load %arg11[%swap3A, %swap3A_186] {strides = array<i32>} : memref<64x128xf32, #tpu.memory_space<vmem>>, vector<1x16xf32>,
      %swap3A_188 = vector.shape_cast %swap3A_187 : vector<1x16xf32> to vector<16xf32>
      %swap3A_189 = vector.shape_cast %broadcast_in_dim3A_24 : vector<16xf32> to vector<1x16xf32>
      tpu.vector_store %arg11[%swap3A, %swap3A_186], %swap3A_189 {strides = array<i32>} : memref<64x128xf32, #tpu.memory_space<vmem>>, vector<1x16xf32>,
      %swap3A_190 = arith.index_cast %scan3A_184 : i32 to index
      %swap3A_191 = arith.constant 16 : index
      %swap3A_192 = tpu.vector_load %arg11[%swap3A_190, %swap3A_191] {strides = array<i32>} : memref<64x128xf32, #tpu.memory_space<vmem>>, vector<1x16xf32>,
      %swap3A_193 = vector.shape_cast %swap3A_192 : vector<1x16xf32> to vector<16xf32>
      %swap3A_194 = vector.shape_cast %broadcast_in_dim3A_24 : vector<16xf32> to vector<1x16xf32>
      tpu.vector_store %arg11[%swap3A_190, %swap3A_191], %swap3A_194 {strides = array<i32>} : memref<64x128xf32, #tpu.memory_space<vmem>>, vector<1x16xf32>,
      %swap3A_195 = arith.index_cast %scan3A_184 : i32 to index
      %swap3A_196 = arith.constant 32 : index
      %swap3A_197 = tpu.vector_load %arg11[%swap3A_195, %swap3A_196] {strides = array<i32>} : memref<64x128xf32, #tpu.memory_space<vmem>>, vector<1x16xf32>,
      %swap3A_198 = vector.shape_cast %swap3A_197 : vector<1x16xf32> to vector<16xf32>
      %swap3A_199 = vector.shape_cast %broadcast_in_dim3A_24 : vector<16xf32> to vector<1x16xf32>
      tpu.vector_store %arg11[%swap3A_195, %swap3A_196], %swap3A_199 {strides = array<i32>} : memref<64x128xf32, #tpu.memory_space<vmem>>, vector<1x16xf32>,
      %swap3A_200 = arith.index_cast %scan3A_184 : i32 to index
      %swap3A_201 = arith.constant 48 : index
      %swap3A_202 = tpu.vector_load %arg11[%swap3A_200, %swap3A_201] {strides = array<i32>} : memref<64x128xf32, #tpu.memory_space<vmem>>, vector<1x16xf32>,
      %swap3A_203 = vector.shape_cast %swap3A_202 : vector<1x16xf32> to vector<16xf32>
      %swap3A_204 = vector.shape_cast %broadcast_in_dim3A_24 : vector<16xf32> to vector<1x16xf32>
      tpu.vector_store %arg11[%swap3A_200, %swap3A_201], %swap3A_204 {strides = array<i32>} : memref<64x128xf32, #tpu.memory_space<vmem>>, vector<1x16xf32>,
      %swap3A_205 = arith.index_cast %scan3A_184 : i32 to index
      %swap3A_206 = arith.constant 64 : index
      %swap3A_207 = tpu.vector_load %arg11[%swap3A_205, %swap3A_206] {strides = array<i32>} : memref<64x128xf32, #tpu.memory_space<vmem>>, vector<1x16xf32>,
      %swap3A_208 = vector.shape_cast %swap3A_207 : vector<1x16xf32> to vector<16xf32>
      %swap3A_209 = vector.shape_cast %broadcast_in_dim3A_24 : vector<16xf32> to vector<1x16xf32>
      tpu.vector_store %arg11[%swap3A_205, %swap3A_206], %swap3A_209 {strides = array<i32>} : memref<64x128xf32, #tpu.memory_space<vmem>>, vector<1x16xf32>,
      %swap3A_210 = arith.index_cast %scan3A_184 : i32 to index
      %swap3A_211 = arith.constant 80 : index
      %swap3A_212 = tpu.vector_load %arg11[%swap3A_210, %swap3A_211] {strides = array<i32>} : memref<64x128xf32, #tpu.memory_space<vmem>>, vector<1x16xf32>,
      %swap3A_213 = vector.shape_cast %swap3A_212 : vector<1x16xf32> to vector<16xf32>
      %swap3A_214 = vector.shape_cast %broadcast_in_dim3A_24 : vector<16xf32> to vector<1x16xf32>
      tpu.vector_store %arg11[%swap3A_210, %swap3A_211], %swap3A_214 {strides = array<i32>} : memref<64x128xf32, #tpu.memory_space<vmem>>, vector<1x16xf32>,
      %swap3A_215 = arith.index_cast %scan3A_184 : i32 to index
      %swap3A_216 = arith.constant 96 : index
      %swap3A_217 = tpu.vector_load %arg11[%swap3A_215, %swap3A_216] {strides = array<i32>} : memref<64x128xf32, #tpu.memory_space<vmem>>, vector<1x16xf32>,
      %swap3A_218 = vector.shape_cast %swap3A_217 : vector<1x16xf32> to vector<16xf32>
      %swap3A_219 = vector.shape_cast %broadcast_in_dim3A_24 : vector<16xf32> to vector<1x16xf32>
      tpu.vector_store %arg11[%swap3A_215, %swap3A_216], %swap3A_219 {strides = array<i32>} : memref<64x128xf32, #tpu.memory_space<vmem>>, vector<1x16xf32>,
      %swap3A_220 = arith.index_cast %scan3A_184 : i32 to index
      %swap3A_221 = arith.constant 112 : index
      %swap3A_222 = tpu.vector_load %arg11[%swap3A_220, %swap3A_221] {strides = array<i32>} : memref<64x128xf32, #tpu.memory_space<vmem>>, vector<1x16xf32>,
      %swap3A_223 = vector.shape_cast %swap3A_222 : vector<1x16xf32> to vector<16xf32>
      %swap3A_224 = vector.shape_cast %broadcast_in_dim3A_24 : vector<16xf32> to vector<1x16xf32>
      tpu.vector_store %arg11[%swap3A_220, %swap3A_221], %swap3A_224 {strides = array<i32>} : memref<64x128xf32, #tpu.memory_space<vmem>>, vector<1x16xf32>,
      %scan3A_225 = arith.constant 0 : i32
      scf.yield %scan3A_225 : i32
    }
    %scan3A_30 = arith.constant 64 : i32
    %sub3A = arith.constant 77 : i32
    %sub3A_31 = arith.subi %sub3A, %arg1 : i32
    %jit3A = arith.constant 16 : i32
    %div3A = arith.divsi %sub3A_31, %jit3A : i32
    %sign3A = arith.constant 0 : i32
    %sign3A_32 = arith.cmpi sgt, %sub3A_31, %sign3A : i32
    %sign3A_33 = arith.extui %sign3A_32 : i1 to i32
    %sign3A_34 = arith.constant 0 : i32
    %sign3A_35 = arith.cmpi slt, %sub3A_31, %sign3A_34 : i32
    %sign3A_36 = arith.extui %sign3A_35 : i1 to i32
    %sign3A_37 = arith.subi %sign3A_33, %sign3A_36 : i32
    %sign3A_38 = arith.constant 0 : i32
    %sign3A_39 = arith.cmpi sgt, %jit3A, %sign3A_38 : i32
    %sign3A_40 = arith.extui %sign3A_39 : i1 to i32
    %sign3A_41 = arith.constant 0 : i32
    %sign3A_42 = arith.cmpi slt, %jit3A, %sign3A_41 : i32
    %sign3A_43 = arith.extui %sign3A_42 : i1 to i32
    %sign3A_44 = arith.subi %sign3A_40, %sign3A_43 : i32
    %ne3A = arith.cmpi ne, %sign3A_37, %sign3A_44 : i32
    %rem3A = arith.remsi %sub3A_31, %jit3A : i32
    %ne3A_45 = arith.constant 0 : i32
    %ne3A_46 = arith.cmpi ne, %rem3A, %ne3A_45 : i32
    %and3A = arith.andi %ne3A, %ne3A_46 : i1
    %sub3A_47 = arith.constant 1 : i32
    %sub3A_48 = arith.subi %div3A, %sub3A_47 : i32
    %select_n3A = arith.select %and3A, %sub3A_48, %div3A : i32
    %add3A = arith.constant 1 : i32
    %add3A_49 = arith.addi %select_n3A, %add3A : i32
    %while3A = arith.constant 0 : i32
    %while3A_50 = arith.constant 0 : i32
    %while3A_51 = arith.subi %add3A_49, %while3A : i32
    %while3A_52 = arith.addi %while3A, %while3A_51 : i32
    %while3A_53 = arith.constant 1 : i32
    %while3A_54 = arith.divsi %while3A_51, %while3A_53 : i32
    %while3A_55 = arith.muli %while3A_54, %while3A_53 : i32
    %while3A_56 = arith.addi %while3A, %while3A_55 : i32
    %while3A_57 = arith.constant 1 : i32
    %while3A_58 = scf.for %while3A_184 = %while3A to %while3A_56 step %while3A_57 iter_args(%while3A_185 = %while3A_50) -> (i32)  : i32 {
      %mul3A_186 = arith.constant 16 : i32
      %mul3A_187 = arith.muli %while3A_184, %mul3A_186 : i32
      %add3A_188 = arith.addi %arg1, %mul3A_187 : i32
      %mul3A_189 = arith.constant 64 : i32
      %mul3A_190 = arith.muli %add3A_188, %mul3A_189 : i32
      "tpu.region"() ({
        %run_scoped3A = tpu.sem_alloc : memref<!tpu.dma_semaphore, #tpu.memory_space<semaphore_mem>>
        %dma_start3A = arith.constant 0 : i32
        %dma_start3A_192 = tpu.memref_slice %arg14[%mul3A_190, %dma_start3A] : memref<5008x128xf32, #tpu.memory_space<vmem_shared>> -> memref<64x128xf32, #tpu.memory_space<vmem_shared>>
        %dma_start3A_193 = arith.constant 0 : i32
        %dma_start3A_194 = tpu.memref_slice %arg14[%mul3A_190, %dma_start3A_193] : memref<5008x128xf32, #tpu.memory_space<vmem_shared>> -> memref<64x128xf32, #tpu.memory_space<vmem_shared>>
        tpu.enqueue_dma source(%arg11 : memref<64x128xf32, #tpu.memory_space<vmem>>) target(%dma_start3A_194 : memref<64x128xf32, #tpu.memory_space<vmem_shared>>) target_semaphore(%run_scoped3A : memref<!tpu.dma_semaphore, #tpu.memory_space<semaphore_mem>>)
        %dma_wait3A = arith.constant 0 : i32
        %dma_wait3A_195 = tpu.memref_slice %arg14[%mul3A_190, %dma_wait3A] : memref<5008x128xf32, #tpu.memory_space<vmem_shared>> -> memref<64x128xf32, #tpu.memory_space<vmem_shared>>
        %dma_wait3A_196 = arith.constant 0 : i32
        %dma_wait3A_197 = tpu.memref_slice %arg14[%mul3A_190, %dma_wait3A_196] : memref<5008x128xf32, #tpu.memory_space<vmem_shared>> -> memref<64x128xf32, #tpu.memory_space<vmem_shared>>
        tpu.wait_dma2 semaphore(%run_scoped3A : memref<!tpu.dma_semaphore, #tpu.memory_space<semaphore_mem>>) src(%arg11 : memref<64x128xf32, #tpu.memory_space<vmem>>) dst(%dma_wait3A_197 : memref<64x128xf32, #tpu.memory_space<vmem_shared>>)
        tpu.yield
      }) : () -> ()
      %while3A_191 = arith.constant 0 : i32
      scf.yield %while3A_191 : i32
    }
    %while3A_59 = arith.constant 1 : i32
    %while3A_60 = scf.for %while3A_184 = %while3A_56 to %while3A_52 step %while3A_59 iter_args(%while3A_185 = %while3A_58) -> (i32)  : i32 {
      %mul3A_186 = arith.constant 16 : i32
      %mul3A_187 = arith.muli %while3A_184, %mul3A_186 : i32
      %add3A_188 = arith.addi %arg1, %mul3A_187 : i32
      %mul3A_189 = arith.constant 64 : i32
      %mul3A_190 = arith.muli %add3A_188, %mul3A_189 : i32
      "tpu.region"() ({
        %run_scoped3A = tpu.sem_alloc : memref<!tpu.dma_semaphore, #tpu.memory_space<semaphore_mem>>
        %dma_start3A = arith.constant 0 : i32
        %dma_start3A_192 = tpu.memref_slice %arg14[%mul3A_190, %dma_start3A] : memref<5008x128xf32, #tpu.memory_space<vmem_shared>> -> memref<64x128xf32, #tpu.memory_space<vmem_shared>>
        %dma_start3A_193 = arith.constant 0 : i32
        %dma_start3A_194 = tpu.memref_slice %arg14[%mul3A_190, %dma_start3A_193] : memref<5008x128xf32, #tpu.memory_space<vmem_shared>> -> memref<64x128xf32, #tpu.memory_space<vmem_shared>>
        tpu.enqueue_dma source(%arg11 : memref<64x128xf32, #tpu.memory_space<vmem>>) target(%dma_start3A_194 : memref<64x128xf32, #tpu.memory_space<vmem_shared>>) target_semaphore(%run_scoped3A : memref<!tpu.dma_semaphore, #tpu.memory_space<semaphore_mem>>)
        %dma_wait3A = arith.constant 0 : i32
        %dma_wait3A_195 = tpu.memref_slice %arg14[%mul3A_190, %dma_wait3A] : memref<5008x128xf32, #tpu.memory_space<vmem_shared>> -> memref<64x128xf32, #tpu.memory_space<vmem_shared>>
        %dma_wait3A_196 = arith.constant 0 : i32
        %dma_wait3A_197 = tpu.memref_slice %arg14[%mul3A_190, %dma_wait3A_196] : memref<5008x128xf32, #tpu.memory_space<vmem_shared>> -> memref<64x128xf32, #tpu.memory_space<vmem_shared>>
        tpu.wait_dma2 semaphore(%run_scoped3A : memref<!tpu.dma_semaphore, #tpu.memory_space<semaphore_mem>>) src(%arg11 : memref<64x128xf32, #tpu.memory_space<vmem>>) dst(%dma_wait3A_197 : memref<64x128xf32, #tpu.memory_space<vmem_shared>>)
        tpu.yield
      }) : () -> ()
      %while3A_191 = arith.constant 0 : i32
      scf.yield %while3A_191 : i32
    }
    %eq3A = arith.constant 0 : i32
    %eq3A_61 = arith.cmpi eq, %arg1, %eq3A : i32
    %convert_element_type3A = arith.extui %eq3A_61 : i1 to i32
    %cond3A = arith.constant 0 : i32
    %cond3A_62 = arith.cmpi ne, %convert_element_type3A, %cond3A : i32
    scf.if %cond3A_62 {
      "tpu.region"() ({
        %run_scoped3A = tpu.sem_alloc : memref<!tpu.dma_semaphore, #tpu.memory_space<semaphore_mem>>
        %dma_start3A = arith.constant 0 : i32
        %dma_start3A_184 = arith.constant 0 : i32
        %dma_start3A_185 = tpu.memref_slice %arg11[%dma_start3A, %dma_start3A_184] : memref<64x128xf32, #tpu.memory_space<vmem>> -> memref<16x128xf32, #tpu.memory_space<vmem>>
        %dma_start3A_186 = arith.constant 4992 : i32
        %dma_start3A_187 = arith.constant 0 : i32
        %dma_start3A_188 = tpu.memref_slice %arg14[%dma_start3A_186, %dma_start3A_187] : memref<5008x128xf32, #tpu.memory_space<vmem_shared>> -> memref<16x128xf32, #tpu.memory_space<vmem_shared>>
        %dma_start3A_189 = arith.constant 4992 : i32
        %dma_start3A_190 = arith.constant 0 : i32
        %dma_start3A_191 = tpu.memref_slice %arg14[%dma_start3A_189, %dma_start3A_190] : memref<5008x128xf32, #tpu.memory_space<vmem_shared>> -> memref<16x128xf32, #tpu.memory_space<vmem_shared>>
        %dma_start3A_192 = arith.constant 0 : i32
        %dma_start3A_193 = arith.constant 0 : i32
        %dma_start3A_194 = tpu.memref_slice %arg11[%dma_start3A_192, %dma_start3A_193] : memref<64x128xf32, #tpu.memory_space<vmem>> -> memref<16x128xf32, #tpu.memory_space<vmem>>
        tpu.enqueue_dma source(%dma_start3A_194 : memref<16x128xf32, #tpu.memory_space<vmem>>) target(%dma_start3A_191 : memref<16x128xf32, #tpu.memory_space<vmem_shared>>) target_semaphore(%run_scoped3A : memref<!tpu.dma_semaphore, #tpu.memory_space<semaphore_mem>>)
        %dma_wait3A = arith.constant 0 : i32
        %dma_wait3A_195 = arith.constant 0 : i32
        %dma_wait3A_196 = tpu.memref_slice %arg11[%dma_wait3A, %dma_wait3A_195] : memref<64x128xf32, #tpu.memory_space<vmem>> -> memref<16x128xf32, #tpu.memory_space<vmem>>
        %dma_wait3A_197 = arith.constant 4992 : i32
        %dma_wait3A_198 = arith.constant 0 : i32
        %dma_wait3A_199 = tpu.memref_slice %arg14[%dma_wait3A_197, %dma_wait3A_198] : memref<5008x128xf32, #tpu.memory_space<vmem_shared>> -> memref<16x128xf32, #tpu.memory_space<vmem_shared>>
        %dma_wait3A_200 = arith.constant 4992 : i32
        %dma_wait3A_201 = arith.constant 0 : i32
        %dma_wait3A_202 = tpu.memref_slice %arg14[%dma_wait3A_200, %dma_wait3A_201] : memref<5008x128xf32, #tpu.memory_space<vmem_shared>> -> memref<16x128xf32, #tpu.memory_space<vmem_shared>>
        %dma_wait3A_203 = arith.constant 0 : i32
        %dma_wait3A_204 = arith.constant 0 : i32
        %dma_wait3A_205 = tpu.memref_slice %arg11[%dma_wait3A_203, %dma_wait3A_204] : memref<64x128xf32, #tpu.memory_space<vmem>> -> memref<16x128xf32, #tpu.memory_space<vmem>>
        tpu.wait_dma2 semaphore(%run_scoped3A : memref<!tpu.dma_semaphore, #tpu.memory_space<semaphore_mem>>) src(%dma_wait3A_205 : memref<16x128xf32, #tpu.memory_space<vmem>>) dst(%dma_wait3A_202 : memref<16x128xf32, #tpu.memory_space<vmem_shared>>)
        tpu.yield
      }) : () -> ()
    } else {
    }
    %barrier3A = arith.constant 0 : index
    tpu.barrier barrier_id(%barrier3A)
    %sub3A_63 = arith.constant 4999 : i32
    %sub3A_64 = arith.subi %sub3A_63, %arg1 : i32
    %jit3A_65 = arith.constant 16 : i32
    %div3A_66 = arith.divsi %sub3A_64, %jit3A_65 : i32
    %sign3A_67 = arith.constant 0 : i32
    %sign3A_68 = arith.cmpi sgt, %sub3A_64, %sign3A_67 : i32
    %sign3A_69 = arith.extui %sign3A_68 : i1 to i32
    %sign3A_70 = arith.constant 0 : i32
    %sign3A_71 = arith.cmpi slt, %sub3A_64, %sign3A_70 : i32
    %sign3A_72 = arith.extui %sign3A_71 : i1 to i32
    %sign3A_73 = arith.subi %sign3A_69, %sign3A_72 : i32
    %sign3A_74 = arith.constant 0 : i32
    %sign3A_75 = arith.cmpi sgt, %jit3A_65, %sign3A_74 : i32
    %sign3A_76 = arith.extui %sign3A_75 : i1 to i32
    %sign3A_77 = arith.constant 0 : i32
    %sign3A_78 = arith.cmpi slt, %jit3A_65, %sign3A_77 : i32
    %sign3A_79 = arith.extui %sign3A_78 : i1 to i32
    %sign3A_80 = arith.subi %sign3A_76, %sign3A_79 : i32
    %ne3A_81 = arith.cmpi ne, %sign3A_73, %sign3A_80 : i32
    %rem3A_82 = arith.remsi %sub3A_64, %jit3A_65 : i32
    %ne3A_83 = arith.constant 0 : i32
    %ne3A_84 = arith.cmpi ne, %rem3A_82, %ne3A_83 : i32
    %and3A_85 = arith.andi %ne3A_81, %ne3A_84 : i1
    %sub3A_86 = arith.constant 1 : i32
    %sub3A_87 = arith.subi %div3A_66, %sub3A_86 : i32
    %select_n3A_88 = arith.select %and3A_85, %sub3A_87, %div3A_66 : i32
    %add3A_89 = arith.constant 1 : i32
    %add3A_90 = arith.addi %select_n3A_88, %add3A_89 : i32
    %add3A_91 = arith.constant 5000 : i32
    %add3A_92 = arith.addi %mul3A_0, %add3A_91 : i32
    %jit3A_93 = arith.constant 2 : i32
    %div3A_94 = arith.divsi %add3A_90, %jit3A_93 : i32
    %sign3A_95 = arith.constant 0 : i32
    %sign3A_96 = arith.cmpi sgt, %add3A_90, %sign3A_95 : i32
    %sign3A_97 = arith.extui %sign3A_96 : i1 to i32
    %sign3A_98 = arith.constant 0 : i32
    %sign3A_99 = arith.cmpi slt, %add3A_90, %sign3A_98 : i32
    %sign3A_100 = arith.extui %sign3A_99 : i1 to i32
    %sign3A_101 = arith.subi %sign3A_97, %sign3A_100 : i32
    %sign3A_102 = arith.constant 0 : i32
    %sign3A_103 = arith.cmpi sgt, %jit3A_93, %sign3A_102 : i32
    %sign3A_104 = arith.extui %sign3A_103 : i1 to i32
    %sign3A_105 = arith.constant 0 : i32
    %sign3A_106 = arith.cmpi slt, %jit3A_93, %sign3A_105 : i32
    %sign3A_107 = arith.extui %sign3A_106 : i1 to i32
    %sign3A_108 = arith.subi %sign3A_104, %sign3A_107 : i32
    %ne3A_109 = arith.cmpi ne, %sign3A_101, %sign3A_108 : i32
    %rem3A_110 = arith.remsi %add3A_90, %jit3A_93 : i32
    %ne3A_111 = arith.constant 0 : i32
    %ne3A_112 = arith.cmpi ne, %rem3A_110, %ne3A_111 : i32
    %and3A_113 = arith.andi %ne3A_109, %ne3A_112 : i1
    %sub3A_114 = arith.constant 1 : i32
    %sub3A_115 = arith.subi %div3A_94, %sub3A_114 : i32
    %select_n3A_116 = arith.select %and3A_113, %sub3A_115, %div3A_94 : i32
    %add3A_117 = arith.constant 1 : i32
    %add3A_118 = arith.addi %select_n3A_116, %add3A_117 : i32
    %while3A_119 = arith.constant 0 : i32
    %while3A_120 = arith.constant false
    %while3A_121 = arith.constant false
    %while3A_122 = arith.subi %add3A_118, %while3A_119 : i32
    %while3A_123 = arith.addi %while3A_119, %while3A_122 : i32
    %while3A_124 = arith.constant 1 : i32
    %while3A_125 = arith.divsi %while3A_122, %while3A_124 : i32
    %while3A_126 = arith.muli %while3A_125, %while3A_124 : i32
    %while3A_127 = arith.addi %while3A_119, %while3A_126 : i32
    %while3A_128 = arith.constant 1 : i32
    %while3A_129:2 = scf.for %while3A_184 = %while3A_119 to %while3A_127 step %while3A_128 iter_args(%while3A_185 = %while3A_120, %while3A_186 = %while3A_121) -> (i1, i1)  : i32 {
      %mul3A_187 = arith.constant 2 : i32
      %mul3A_188 = arith.muli %mul3A_187, %while3A_184 : i32
      %sub3A_189 = arith.constant 1 : i32
      %sub3A_190 = arith.subi %add3A_90, %sub3A_189 : i32
      %min3A = arith.minsi %mul3A_188, %sub3A_190 : i32
      %mul3A_191 = arith.constant 16 : i32
      %mul3A_192 = arith.muli %min3A, %mul3A_191 : i32
      %add3A_193 = arith.addi %arg1, %mul3A_192 : i32
      %mul3A_194 = arith.constant 64 : i32
      %mul3A_195 = arith.muli %add3A_193, %mul3A_194 : i32
      "tpu.region"() ({
        %run_scoped3A = tpu.sem_alloc : memref<!tpu.dma_semaphore, #tpu.memory_space<semaphore_mem>>
        %dma_start3A = arith.constant 64 : i32
        %dma_start3A_248 = tpu.memref_slice %arg8[%dma_start3A] : memref<256xi32, #tpu.memory_space<vmem>> -> memref<64xi32, #tpu.memory_space<vmem>>
        %dma_start3A_249 = tpu.memref_slice %arg5[%mul3A_195] : memref<320000xi32, #tpu.memory_space<hbm>> -> memref<64xi32, #tpu.memory_space<hbm>>
        %dma_start3A_250 = arith.constant 64 : i32
        %dma_start3A_251 = tpu.memref_slice %arg8[%dma_start3A_250] : memref<256xi32, #tpu.memory_space<vmem>> -> memref<64xi32, #tpu.memory_space<vmem>>
        %dma_start3A_252 = tpu.memref_slice %arg5[%mul3A_195] : memref<320000xi32, #tpu.memory_space<hbm>> -> memref<64xi32, #tpu.memory_space<hbm>>
        tpu.enqueue_dma source(%dma_start3A_252 : memref<64xi32, #tpu.memory_space<hbm>>) target(%dma_start3A_251 : memref<64xi32, #tpu.memory_space<vmem>>) target_semaphore(%run_scoped3A : memref<!tpu.dma_semaphore, #tpu.memory_space<semaphore_mem>>)
        %dma_wait3A = arith.constant 64 : i32
        %dma_wait3A_253 = tpu.memref_slice %arg8[%dma_wait3A] : memref<256xi32, #tpu.memory_space<vmem>> -> memref<64xi32, #tpu.memory_space<vmem>>
        %dma_wait3A_254 = tpu.memref_slice %arg5[%mul3A_195] : memref<320000xi32, #tpu.memory_space<hbm>> -> memref<64xi32, #tpu.memory_space<hbm>>
        %dma_wait3A_255 = arith.constant 64 : i32
        %dma_wait3A_256 = tpu.memref_slice %arg8[%dma_wait3A_255] : memref<256xi32, #tpu.memory_space<vmem>> -> memref<64xi32, #tpu.memory_space<vmem>>
        %dma_wait3A_257 = tpu.memref_slice %arg5[%mul3A_195] : memref<320000xi32, #tpu.memory_space<hbm>> -> memref<64xi32, #tpu.memory_space<hbm>>
        tpu.wait_dma2 semaphore(%run_scoped3A : memref<!tpu.dma_semaphore, #tpu.memory_space<semaphore_mem>>) src(%dma_wait3A_257 : memref<64xi32, #tpu.memory_space<hbm>>) dst(%dma_wait3A_256 : memref<64xi32, #tpu.memory_space<vmem>>)
        tpu.yield
      }) : () -> ()
      %get3A_196 = arith.constant 64 : index
      %get3A_197 = tpu.vector_load %arg8[%get3A_196] {strides = array<i32>} : memref<256xi32, #tpu.memory_space<vmem>>, vector<16xi32>,
      %get3A_198 = vector.shape_cast %get3A_197 : vector<16xi32> to vector<16xi32>
      %slice3A = vector.extract_strided_slice %get3A_198 {offsets = [0], sizes = [1], strides = [1]} : vector<16xi32> to vector<1xi32>
      %squeeze3A = vector.extract %slice3A[0] : i32 from vector<1xi32>
      %get3A_199 = arith.constant 112 : index
      %get3A_200 = tpu.vector_load %arg8[%get3A_199] {strides = array<i32>} : memref<256xi32, #tpu.memory_space<vmem>>, vector<16xi32>,
      %get3A_201 = vector.shape_cast %get3A_200 : vector<16xi32> to vector<16xi32>
      %slice3A_202 = vector.extract_strided_slice %get3A_201 {offsets = [15], sizes = [1], strides = [1]} : vector<16xi32> to vector<1xi32>
      %squeeze3A_203 = vector.extract %slice3A_202[0] : i32 from vector<1xi32>
      %lt3A = arith.cmpi slt, %mul3A_188, %add3A_90 : i32
      %ge3A = arith.cmpi sge, %squeeze3A_203, %mul3A_0 : i32
      %and3A_204 = arith.andi %lt3A, %ge3A : i1
      %lt3A_205 = arith.cmpi slt, %squeeze3A, %add3A_92 : i32
      %and3A_206 = arith.andi %and3A_204, %lt3A_205 : i1
      %convert_element_type3A_207 = arith.extui %and3A_206 : i1 to i32
      %cond3A_208 = arith.constant 0 : i32
      %cond3A_209 = arith.cmpi ne, %convert_element_type3A_207, %cond3A_208 : i32
      scf.if %cond3A_209 {
        "tpu.region"() ({
          %run_scoped3A = tpu.sem_alloc : memref<!tpu.dma_semaphore, #tpu.memory_space<semaphore_mem>>
          %dma_start3A_384 = arith.constant 0 : i32
          %dma_start3A_385 = tpu.memref_slice %arg8[%dma_start3A_384] : memref<256xi32, #tpu.memory_space<vmem>> -> memref<64xi32, #tpu.memory_space<vmem>>
          %dma_start3A_386 = tpu.memref_slice %arg4[%mul3A_195] : memref<320000xi32, #tpu.memory_space<hbm>> -> memref<64xi32, #tpu.memory_space<hbm>>
          %dma_start3A_387 = arith.constant 0 : i32
          %dma_start3A_388 = tpu.memref_slice %arg8[%dma_start3A_387] : memref<256xi32, #tpu.memory_space<vmem>> -> memref<64xi32, #tpu.memory_space<vmem>>
          %dma_start3A_389 = tpu.memref_slice %arg4[%mul3A_195] : memref<320000xi32, #tpu.memory_space<hbm>> -> memref<64xi32, #tpu.memory_space<hbm>>
          tpu.enqueue_dma source(%dma_start3A_389 : memref<64xi32, #tpu.memory_space<hbm>>) target(%dma_start3A_388 : memref<64xi32, #tpu.memory_space<vmem>>) target_semaphore(%run_scoped3A : memref<!tpu.dma_semaphore, #tpu.memory_space<semaphore_mem>>)
          %dma_wait3A = arith.constant 0 : i32
          %dma_wait3A_390 = tpu.memref_slice %arg8[%dma_wait3A] : memref<256xi32, #tpu.memory_space<vmem>> -> memref<64xi32, #tpu.memory_space<vmem>>
          %dma_wait3A_391 = tpu.memref_slice %arg4[%mul3A_195] : memref<320000xi32, #tpu.memory_space<hbm>> -> memref<64xi32, #tpu.memory_space<hbm>>
          %dma_wait3A_392 = arith.constant 0 : i32
          %dma_wait3A_393 = tpu.memref_slice %arg8[%dma_wait3A_392] : memref<256xi32, #tpu.memory_space<vmem>> -> memref<64xi32, #tpu.memory_space<vmem>>
          %dma_wait3A_394 = tpu.memref_slice %arg4[%mul3A_195] : memref<320000xi32, #tpu.memory_space<hbm>> -> memref<64xi32, #tpu.memory_space<hbm>>
          tpu.wait_dma2 semaphore(%run_scoped3A : memref<!tpu.dma_semaphore, #tpu.memory_space<semaphore_mem>>) src(%dma_wait3A_394 : memref<64xi32, #tpu.memory_space<hbm>>) dst(%dma_wait3A_393 : memref<64xi32, #tpu.memory_space<vmem>>)
          tpu.yield
        }) : () -> ()
        %get3A_248 = arith.constant 64 : index
        %get3A_249 = tpu.vector_load %arg8[%get3A_248] {strides = array<i32>} : memref<256xi32, #tpu.memory_space<vmem>>, vector<16xi32>,
        %get3A_250 = vector.shape_cast %get3A_249 : vector<16xi32> to vector<16xi32>
        %sub3A_251 = vector.broadcast %mul3A_0 : i32 to vector<16xi32>
        %sub3A_252 = arith.subi %get3A_250, %sub3A_251 : vector<16xi32>
        %lt3A_253 = arith.constant 0 : i32
        %lt3A_254 = vector.broadcast %lt3A_253 : i32 to vector<16xi32>
        %lt3A_255 = arith.cmpi slt, %sub3A_252, %lt3A_254 : vector<16xi32>
        %ge3A_256 = arith.constant 5000 : i32
        %ge3A_257 = vector.broadcast %ge3A_256 : i32 to vector<16xi32>
        %ge3A_258 = arith.cmpi sge, %sub3A_252, %ge3A_257 : vector<16xi32>
        %or3A_259 = arith.ori %lt3A_255, %ge3A_258 : vector<16xi1>
        %jit3A_260 = arith.constant 5000 : i32
        %broadcast_in_dim3A_261 = vector.broadcast %jit3A_260 : i32 to vector<16xi32>
        %select_n3A_262 = arith.select %or3A_259, %broadcast_in_dim3A_261, %sub3A_252 : vector<16xi1>, vector<16xi32>
        %swap3A = arith.constant 0 : i32
        %swap3A_263 = arith.index_cast %swap3A : i32 to index
        %swap3A_264 = arith.constant 0 : index
        %swap3A_265 = tpu.vector_load %arg9[%swap3A_263, %swap3A_264] {strides = array<i32>} : memref<2x64xi32, #tpu.memory_space<vmem>>, vector<1x16xi32>,
        %swap3A_266 = vector.shape_cast %swap3A_265 : vector<1x16xi32> to vector<16xi32>
        %swap3A_267 = vector.shape_cast %select_n3A_262 : vector<16xi32> to vector<1x16xi32>
        tpu.vector_store %arg9[%swap3A_263, %swap3A_264], %swap3A_267 {strides = array<i32>} : memref<2x64xi32, #tpu.memory_space<vmem>>, vector<1x16xi32>,
        %add3A_268 = arith.constant 10000 : i32
        %add3A_269 = vector.broadcast %add3A_268 : i32 to vector<16xi32>
        %add3A_270 = arith.addi %get3A_250, %add3A_269 : vector<16xi32>
        %swap3A_271 = arith.constant 64 : index
        %swap3A_272 = tpu.vector_load %arg8[%swap3A_271] {strides = array<i32>} : memref<256xi32, #tpu.memory_space<vmem>>, vector<16xi32>,
        %swap3A_273 = vector.shape_cast %swap3A_272 : vector<16xi32> to vector<16xi32>
        %swap3A_274 = vector.shape_cast %add3A_270 : vector<16xi32> to vector<16xi32>
        tpu.vector_store %arg8[%swap3A_271], %swap3A_274 {strides = array<i32>} : memref<256xi32, #tpu.memory_space<vmem>>, vector<16xi32>,
        %get3A_275 = arith.constant 80 : index
        %get3A_276 = tpu.vector_load %arg8[%get3A_275] {strides = array<i32>} : memref<256xi32, #tpu.memory_space<vmem>>, vector<16xi32>,
        %get3A_277 = vector.shape_cast %get3A_276 : vector<16xi32> to vector<16xi32>
        %sub3A_278 = vector.broadcast %mul3A_0 : i32 to vector<16xi32>
        %sub3A_279 = arith.subi %get3A_277, %sub3A_278 : vector<16xi32>
        %lt3A_280 = arith.constant 0 : i32
        %lt3A_281 = vector.broadcast %lt3A_280 : i32 to vector<16xi32>
        %lt3A_282 = arith.cmpi slt, %sub3A_279, %lt3A_281 : vector<16xi32>
        %ge3A_283 = arith.constant 5000 : i32
        %ge3A_284 = vector.broadcast %ge3A_283 : i32 to vector<16xi32>
        %ge3A_285 = arith.cmpi sge, %sub3A_279, %ge3A_284 : vector<16xi32>
        %or3A_286 = arith.ori %lt3A_282, %ge3A_285 : vector<16xi1>
        %jit3A_287 = arith.constant 5000 : i32
        %broadcast_in_dim3A_288 = vector.broadcast %jit3A_287 : i32 to vector<16xi32>
        %select_n3A_289 = arith.select %or3A_286, %broadcast_in_dim3A_288, %sub3A_279 : vector<16xi1>, vector<16xi32>
        %swap3A_290 = arith.constant 0 : i32
        %swap3A_291 = arith.index_cast %swap3A_290 : i32 to index
        %swap3A_292 = arith.constant 16 : index
        %swap3A_293 = tpu.vector_load %arg9[%swap3A_291, %swap3A_292] {strides = array<i32>} : memref<2x64xi32, #tpu.memory_space<vmem>>, vector<1x16xi32>,
        %swap3A_294 = vector.shape_cast %swap3A_293 : vector<1x16xi32> to vector<16xi32>
        %swap3A_295 = vector.shape_cast %select_n3A_289 : vector<16xi32> to vector<1x16xi32>
        tpu.vector_store %arg9[%swap3A_291, %swap3A_292], %swap3A_295 {strides = array<i32>} : memref<2x64xi32, #tpu.memory_space<vmem>>, vector<1x16xi32>,
        %add3A_296 = arith.constant 10000 : i32
        %add3A_297 = vector.broadcast %add3A_296 : i32 to vector<16xi32>
        %add3A_298 = arith.addi %get3A_277, %add3A_297 : vector<16xi32>
        %swap3A_299 = arith.constant 80 : index
        %swap3A_300 = tpu.vector_load %arg8[%swap3A_299] {strides = array<i32>} : memref<256xi32, #tpu.memory_space<vmem>>, vector<16xi32>,
        %swap3A_301 = vector.shape_cast %swap3A_300 : vector<16xi32> to vector<16xi32>
        %swap3A_302 = vector.shape_cast %add3A_298 : vector<16xi32> to vector<16xi32>
        tpu.vector_store %arg8[%swap3A_299], %swap3A_302 {strides = array<i32>} : memref<256xi32, #tpu.memory_space<vmem>>, vector<16xi32>,
        %get3A_303 = arith.constant 96 : index
        %get3A_304 = tpu.vector_load %arg8[%get3A_303] {strides = array<i32>} : memref<256xi32, #tpu.memory_space<vmem>>, vector<16xi32>,
        %get3A_305 = vector.shape_cast %get3A_304 : vector<16xi32> to vector<16xi32>
        %sub3A_306 = vector.broadcast %mul3A_0 : i32 to vector<16xi32>
        %sub3A_307 = arith.subi %get3A_305, %sub3A_306 : vector<16xi32>
        %lt3A_308 = arith.constant 0 : i32
        %lt3A_309 = vector.broadcast %lt3A_308 : i32 to vector<16xi32>
        %lt3A_310 = arith.cmpi slt, %sub3A_307, %lt3A_309 : vector<16xi32>
        %ge3A_311 = arith.constant 5000 : i32
        %ge3A_312 = vector.broadcast %ge3A_311 : i32 to vector<16xi32>
        %ge3A_313 = arith.cmpi sge, %sub3A_307, %ge3A_312 : vector<16xi32>
        %or3A_314 = arith.ori %lt3A_310, %ge3A_313 : vector<16xi1>
        %jit3A_315 = arith.constant 5000 : i32
        %broadcast_in_dim3A_316 = vector.broadcast %jit3A_315 : i32 to vector<16xi32>
        %select_n3A_317 = arith.select %or3A_314, %broadcast_in_dim3A_316, %sub3A_307 : vector<16xi1>, vector<16xi32>
        %swap3A_318 = arith.constant 0 : i32
        %swap3A_319 = arith.index_cast %swap3A_318 : i32 to index
        %swap3A_320 = arith.constant 32 : index
        %swap3A_321 = tpu.vector_load %arg9[%swap3A_319, %swap3A_320] {strides = array<i32>} : memref<2x64xi32, #tpu.memory_space<vmem>>, vector<1x16xi32>,
        %swap3A_322 = vector.shape_cast %swap3A_321 : vector<1x16xi32> to vector<16xi32>
        %swap3A_323 = vector.shape_cast %select_n3A_317 : vector<16xi32> to vector<1x16xi32>
        tpu.vector_store %arg9[%swap3A_319, %swap3A_320], %swap3A_323 {strides = array<i32>} : memref<2x64xi32, #tpu.memory_space<vmem>>, vector<1x16xi32>,
        %add3A_324 = arith.constant 10000 : i32
        %add3A_325 = vector.broadcast %add3A_324 : i32 to vector<16xi32>
        %add3A_326 = arith.addi %get3A_305, %add3A_325 : vector<16xi32>
        %swap3A_327 = arith.constant 96 : index
        %swap3A_328 = tpu.vector_load %arg8[%swap3A_327] {strides = array<i32>} : memref<256xi32, #tpu.memory_space<vmem>>, vector<16xi32>,
        %swap3A_329 = vector.shape_cast %swap3A_328 : vector<16xi32> to vector<16xi32>
        %swap3A_330 = vector.shape_cast %add3A_326 : vector<16xi32> to vector<16xi32>
        tpu.vector_store %arg8[%swap3A_327], %swap3A_330 {strides = array<i32>} : memref<256xi32, #tpu.memory_space<vmem>>, vector<16xi32>,
        %get3A_331 = arith.constant 112 : index
        %get3A_332 = tpu.vector_load %arg8[%get3A_331] {strides = array<i32>} : memref<256xi32, #tpu.memory_space<vmem>>, vector<16xi32>,
        %get3A_333 = vector.shape_cast %get3A_332 : vector<16xi32> to vector<16xi32>
        %sub3A_334 = vector.broadcast %mul3A_0 : i32 to vector<16xi32>
        %sub3A_335 = arith.subi %get3A_333, %sub3A_334 : vector<16xi32>
        %lt3A_336 = arith.constant 0 : i32
        %lt3A_337 = vector.broadcast %lt3A_336 : i32 to vector<16xi32>
        %lt3A_338 = arith.cmpi slt, %sub3A_335, %lt3A_337 : vector<16xi32>
        %ge3A_339 = arith.constant 5000 : i32
        %ge3A_340 = vector.broadcast %ge3A_339 : i32 to vector<16xi32>
        %ge3A_341 = arith.cmpi sge, %sub3A_335, %ge3A_340 : vector<16xi32>
        %or3A_342 = arith.ori %lt3A_338, %ge3A_341 : vector<16xi1>
        %jit3A_343 = arith.constant 5000 : i32
        %broadcast_in_dim3A_344 = vector.broadcast %jit3A_343 : i32 to vector<16xi32>
        %select_n3A_345 = arith.select %or3A_342, %broadcast_in_dim3A_344, %sub3A_335 : vector<16xi1>, vector<16xi32>
        %swap3A_346 = arith.constant 0 : i32
        %swap3A_347 = arith.index_cast %swap3A_346 : i32 to index
        %swap3A_348 = arith.constant 48 : index
        %swap3A_349 = tpu.vector_load %arg9[%swap3A_347, %swap3A_348] {strides = array<i32>} : memref<2x64xi32, #tpu.memory_space<vmem>>, vector<1x16xi32>,
        %swap3A_350 = vector.shape_cast %swap3A_349 : vector<1x16xi32> to vector<16xi32>
        %swap3A_351 = vector.shape_cast %select_n3A_345 : vector<16xi32> to vector<1x16xi32>
        tpu.vector_store %arg9[%swap3A_347, %swap3A_348], %swap3A_351 {strides = array<i32>} : memref<2x64xi32, #tpu.memory_space<vmem>>, vector<1x16xi32>,
        %add3A_352 = arith.constant 10000 : i32
        %add3A_353 = vector.broadcast %add3A_352 : i32 to vector<16xi32>
        %add3A_354 = arith.addi %get3A_333, %add3A_353 : vector<16xi32>
        %swap3A_355 = arith.constant 112 : index
        %swap3A_356 = tpu.vector_load %arg8[%swap3A_355] {strides = array<i32>} : memref<256xi32, #tpu.memory_space<vmem>>, vector<16xi32>,
        %swap3A_357 = vector.shape_cast %swap3A_356 : vector<16xi32> to vector<16xi32>
        %swap3A_358 = vector.shape_cast %add3A_354 : vector<16xi32> to vector<16xi32>
        tpu.vector_store %arg8[%swap3A_355], %swap3A_358 {strides = array<i32>} : memref<256xi32, #tpu.memory_space<vmem>>, vector<16xi32>,
        %dma_start3A = arith.constant 0 : i32
        %dma_start3A_359 = arith.constant 0 : i32
        %dma_start3A_360 = tpu.memref_slice %arg10[%dma_start3A, %dma_start3A_359] : memref<256x128xf32, #tpu.memory_space<vmem>> -> memref<64x128xf32, #tpu.memory_space<vmem>>
        %dma_start3A_361 = arith.constant 0 : i32
        %dma_start3A_362 = tpu.memref_slice %arg8[%dma_start3A_361] : memref<256xi32, #tpu.memory_space<vmem>> -> memref<64xi32, #tpu.memory_space<vmem>>
        %dma_start3A_363 = arith.constant 0 : i32
        %dma_start3A_364 = arith.constant 0 : i32
        %dma_start3A_365 = tpu.memref_slice %arg2[%dma_start3A_363, %dma_start3A_364] : memref<20000x128xf32, #tpu.memory_space<hbm>> -> memref<20000x128xf32, #tpu.memory_space<hbm>>
        tpu.enqueue_indirect_dma source(%dma_start3A_365 : memref<20000x128xf32, #tpu.memory_space<hbm>>) target(%dma_start3A_360 : memref<64x128xf32, #tpu.memory_space<vmem>>) offsets(%dma_start3A_362 : memref<64xi32, #tpu.memory_space<vmem>>) semaphore(%arg15 : memref<!tpu.dma_semaphore, #tpu.memory_space<semaphore_mem>>)
        %dma_start3A_366 = arith.constant 64 : i32
        %dma_start3A_367 = arith.constant 0 : i32
        %dma_start3A_368 = tpu.memref_slice %arg10[%dma_start3A_366, %dma_start3A_367] : memref<256x128xf32, #tpu.memory_space<vmem>> -> memref<64x128xf32, #tpu.memory_space<vmem>>
        %dma_start3A_369 = arith.constant 64 : i32
        %dma_start3A_370 = tpu.memref_slice %arg8[%dma_start3A_369] : memref<256xi32, #tpu.memory_space<vmem>> -> memref<64xi32, #tpu.memory_space<vmem>>
        %dma_start3A_371 = arith.constant 0 : i32
        %dma_start3A_372 = arith.constant 0 : i32
        %dma_start3A_373 = tpu.memref_slice %arg2[%dma_start3A_371, %dma_start3A_372] : memref<20000x128xf32, #tpu.memory_space<hbm>> -> memref<20000x128xf32, #tpu.memory_space<hbm>>
        tpu.enqueue_indirect_dma source(%dma_start3A_373 : memref<20000x128xf32, #tpu.memory_space<hbm>>) target(%dma_start3A_368 : memref<64x128xf32, #tpu.memory_space<vmem>>) offsets(%dma_start3A_370 : memref<64xi32, #tpu.memory_space<vmem>>) semaphore(%arg15 : memref<!tpu.dma_semaphore, #tpu.memory_space<semaphore_mem>>)
        %dma_start3A_374 = arith.constant 0 : i32
        %dma_start3A_375 = arith.constant 0 : i32
        %dma_start3A_376 = tpu.memref_slice %arg12[%dma_start3A_374, %dma_start3A_375] : memref<128x128xf32, #tpu.memory_space<vmem>> -> memref<64x128xf32, #tpu.memory_space<vmem>>
        %dma_start3A_377 = arith.constant 0 : i32
        %dma_start3A_378 = tpu.memref_slice %arg3[%mul3A_195, %dma_start3A_377] : memref<320000x128xf32, #tpu.memory_space<hbm>> -> memref<64x128xf32, #tpu.memory_space<hbm>>
        %dma_start3A_379 = arith.constant 0 : i32
        %dma_start3A_380 = arith.constant 0 : i32
        %dma_start3A_381 = tpu.memref_slice %arg12[%dma_start3A_379, %dma_start3A_380] : memref<128x128xf32, #tpu.memory_space<vmem>> -> memref<64x128xf32, #tpu.memory_space<vmem>>
        %dma_start3A_382 = arith.constant 0 : i32
        %dma_start3A_383 = tpu.memref_slice %arg3[%mul3A_195, %dma_start3A_382] : memref<320000x128xf32, #tpu.memory_space<hbm>> -> memref<64x128xf32, #tpu.memory_space<hbm>>
        tpu.enqueue_dma source(%dma_start3A_383 : memref<64x128xf32, #tpu.memory_space<hbm>>) target(%dma_start3A_381 : memref<64x128xf32, #tpu.memory_space<vmem>>) target_semaphore(%arg17 : memref<!tpu.dma_semaphore, #tpu.memory_space<semaphore_mem>>)
      } else {
      }
      %convert_element_type3A_210 = arith.extui %while3A_185 : i1 to i32
      %cond3A_211 = arith.constant 0 : i32
      %cond3A_212 = arith.cmpi ne, %convert_element_type3A_210, %cond3A_211 : i32
      scf.if %cond3A_212 {
        %convert_element_type3A_248 = arith.extui %while3A_186 : i1 to i32
        %cond3A_249 = arith.constant 0 : i32
        %cond3A_250 = arith.cmpi ne, %convert_element_type3A_248, %cond3A_249 : i32
        scf.if %cond3A_250 {
          %dma_wait3A_291 = arith.constant 0 : i32
          %dma_wait3A_292 = arith.constant 0 : i32
          %dma_wait3A_293 = tpu.memref_slice %arg9[%dma_wait3A_291, %dma_wait3A_292] : memref<2x64xi32, #tpu.memory_space<vmem>> -> memref<1x64xi32, #tpu.memory_space<vmem>>
          %dma_wait3A_294 = tpu.memref_squeeze %dma_wait3A_293 : memref<1x64xi32, #tpu.memory_space<vmem>> -> memref<64xi32, #tpu.memory_space<vmem>>
          %dma_wait3A_295 = arith.constant 0 : i32
          %dma_wait3A_296 = arith.constant 0 : i32
          %dma_wait3A_297 = tpu.memref_slice %arg14[%dma_wait3A_295, %dma_wait3A_296] : memref<5008x128xf32, #tpu.memory_space<vmem_shared>> -> memref<5008x128xf32, #tpu.memory_space<vmem_shared>>
          tpu.wait_indirect_dma semaphore(%arg19 : memref<!tpu.dma_semaphore, #tpu.memory_space<semaphore_mem>>) src(%arg11 : memref<64x128xf32, #tpu.memory_space<vmem>>) dst(%dma_wait3A_297 : memref<5008x128xf32, #tpu.memory_space<vmem_shared>>)
        } else {
        }
        %dma_wait3A = arith.constant 128 : i32
        %dma_wait3A_251 = arith.constant 0 : i32
        %dma_wait3A_252 = tpu.memref_slice %arg10[%dma_wait3A, %dma_wait3A_251] : memref<256x128xf32, #tpu.memory_space<vmem>> -> memref<64x128xf32, #tpu.memory_space<vmem>>
        %dma_wait3A_253 = arith.constant 128 : i32
        %dma_wait3A_254 = tpu.memref_slice %arg8[%dma_wait3A_253] : memref<256xi32, #tpu.memory_space<vmem>> -> memref<64xi32, #tpu.memory_space<vmem>>
        %dma_wait3A_255 = arith.constant 0 : i32
        %dma_wait3A_256 = arith.constant 0 : i32
        %dma_wait3A_257 = tpu.memref_slice %arg2[%dma_wait3A_255, %dma_wait3A_256] : memref<20000x128xf32, #tpu.memory_space<hbm>> -> memref<20000x128xf32, #tpu.memory_space<hbm>>
        tpu.wait_indirect_dma semaphore(%arg16 : memref<!tpu.dma_semaphore, #tpu.memory_space<semaphore_mem>>) src(%dma_wait3A_257 : memref<20000x128xf32, #tpu.memory_space<hbm>>) dst(%dma_wait3A_252 : memref<64x128xf32, #tpu.memory_space<vmem>>)
        %dma_wait3A_258 = arith.constant 192 : i32
        %dma_wait3A_259 = arith.constant 0 : i32
        %dma_wait3A_260 = tpu.memref_slice %arg10[%dma_wait3A_258, %dma_wait3A_259] : memref<256x128xf32, #tpu.memory_space<vmem>> -> memref<64x128xf32, #tpu.memory_space<vmem>>
        %dma_wait3A_261 = arith.constant 192 : i32
        %dma_wait3A_262 = tpu.memref_slice %arg8[%dma_wait3A_261] : memref<256xi32, #tpu.memory_space<vmem>> -> memref<64xi32, #tpu.memory_space<vmem>>
        %dma_wait3A_263 = arith.constant 0 : i32
        %dma_wait3A_264 = arith.constant 0 : i32
        %dma_wait3A_265 = tpu.memref_slice %arg2[%dma_wait3A_263, %dma_wait3A_264] : memref<20000x128xf32, #tpu.memory_space<hbm>> -> memref<20000x128xf32, #tpu.memory_space<hbm>>
        tpu.wait_indirect_dma semaphore(%arg16 : memref<!tpu.dma_semaphore, #tpu.memory_space<semaphore_mem>>) src(%dma_wait3A_265 : memref<20000x128xf32, #tpu.memory_space<hbm>>) dst(%dma_wait3A_260 : memref<64x128xf32, #tpu.memory_space<vmem>>)
        %dma_wait3A_266 = arith.constant 64 : i32
        %dma_wait3A_267 = arith.constant 0 : i32
        %dma_wait3A_268 = tpu.memref_slice %arg12[%dma_wait3A_266, %dma_wait3A_267] : memref<128x128xf32, #tpu.memory_space<vmem>> -> memref<64x128xf32, #tpu.memory_space<vmem>>
        %dma_wait3A_269 = arith.constant 0 : i32
        %dma_wait3A_270 = arith.constant 0 : i32
        %dma_wait3A_271 = tpu.memref_slice %arg3[%dma_wait3A_269, %dma_wait3A_270] : memref<320000x128xf32, #tpu.memory_space<hbm>> -> memref<64x128xf32, #tpu.memory_space<hbm>>
        %dma_wait3A_272 = arith.constant 64 : i32
        %dma_wait3A_273 = arith.constant 0 : i32
        %dma_wait3A_274 = tpu.memref_slice %arg12[%dma_wait3A_272, %dma_wait3A_273] : memref<128x128xf32, #tpu.memory_space<vmem>> -> memref<64x128xf32, #tpu.memory_space<vmem>>
        %dma_wait3A_275 = arith.constant 0 : i32
        %dma_wait3A_276 = arith.constant 0 : i32
        %dma_wait3A_277 = tpu.memref_slice %arg3[%dma_wait3A_275, %dma_wait3A_276] : memref<320000x128xf32, #tpu.memory_space<hbm>> -> memref<64x128xf32, #tpu.memory_space<hbm>>
        tpu.wait_dma2 semaphore(%arg18 : memref<!tpu.dma_semaphore, #tpu.memory_space<semaphore_mem>>) src(%dma_wait3A_277 : memref<64x128xf32, #tpu.memory_space<hbm>>) dst(%dma_wait3A_274 : memref<64x128xf32, #tpu.memory_space<vmem>>)
        %scan3A_278 = arith.constant 0 : i32
        %scan3A_279 = arith.constant 0 : i32
        %scan3A_280 = arith.constant 64 : i32
        %scan3A_281 = arith.addi %scan3A_279, %scan3A_280 : i32
        %scan3A_282 = arith.constant 1 : i32
        %scan3A_283 = scf.for %scan3A_291 = %scan3A_279 to %scan3A_281 step %scan3A_282 iter_args(%scan3A_292 = %scan3A_278) -> (i32)  : i32 {
          %add3A_293 = arith.constant 128 : i32
          %add3A_294 = arith.addi %add3A_293, %scan3A_291 : i32
          %get3A_295 = arith.index_cast %add3A_294 : i32 to index
          %get3A_296 = arith.constant 0 : index
          %get3A_297 = tpu.vector_load %arg10[%get3A_295, %get3A_296] {strides = array<i32>} : memref<256x128xf32, #tpu.memory_space<vmem>>, vector<1x16xf32>,
          %get3A_298 = vector.shape_cast %get3A_297 : vector<1x16xf32> to vector<16xf32>
          %add3A_299 = arith.constant 192 : i32
          %add3A_300 = arith.addi %add3A_299, %scan3A_291 : i32
          %get3A_301 = arith.index_cast %add3A_300 : i32 to index
          %get3A_302 = arith.constant 0 : index
          %get3A_303 = tpu.vector_load %arg10[%get3A_301, %get3A_302] {strides = array<i32>} : memref<256x128xf32, #tpu.memory_space<vmem>>, vector<1x16xf32>,
          %get3A_304 = vector.shape_cast %get3A_303 : vector<1x16xf32> to vector<16xf32>
          %add3A_305 = arith.addf %get3A_298, %get3A_304 : vector<16xf32>
          %add3A_306 = arith.constant 64 : i32
          %add3A_307 = arith.addi %add3A_306, %scan3A_291 : i32
          %get3A_308 = arith.index_cast %add3A_307 : i32 to index
          %get3A_309 = arith.constant 0 : index
          %get3A_310 = tpu.vector_load %arg12[%get3A_308, %get3A_309] {strides = array<i32>} : memref<128x128xf32, #tpu.memory_space<vmem>>, vector<1x16xf32>,
          %get3A_311 = vector.shape_cast %get3A_310 : vector<1x16xf32> to vector<16xf32>
          %add3A_312 = arith.addf %add3A_305, %get3A_311 : vector<16xf32>
          %mul3A_313 = arith.mulf %add3A_312, %get3A_2 : vector<16xf32>
          %exp3A = math.exp %mul3A_313 : vector<16xf32>
          %add3A_314 = arith.constant 1.000000e+00 : f32
          %add3A_315 = vector.broadcast %add3A_314 : f32 to vector<16xf32>
          %add3A_316 = arith.addf %add3A_315, %exp3A : vector<16xf32>
          %div3A_317 = arith.divf %add3A_312, %add3A_316 : vector<16xf32>
          %swap3A = arith.index_cast %scan3A_291 : i32 to index
          %swap3A_318 = arith.constant 0 : index
          %swap3A_319 = tpu.vector_load %arg11[%swap3A, %swap3A_318] {strides = array<i32>} : memref<64x128xf32, #tpu.memory_space<vmem>>, vector<1x16xf32>,
          %swap3A_320 = vector.shape_cast %swap3A_319 : vector<1x16xf32> to vector<16xf32>
          %swap3A_321 = vector.shape_cast %div3A_317 : vector<16xf32> to vector<1x16xf32>
          tpu.vector_store %arg11[%swap3A, %swap3A_318], %swap3A_321 {strides = array<i32>} : memref<64x128xf32, #tpu.memory_space<vmem>>, vector<1x16xf32>,
          %add3A_322 = arith.constant 128 : i32
          %add3A_323 = arith.addi %add3A_322, %scan3A_291 : i32
          %get3A_324 = arith.index_cast %add3A_323 : i32 to index
          %get3A_325 = arith.constant 16 : index
          %get3A_326 = tpu.vector_load %arg10[%get3A_324, %get3A_325] {strides = array<i32>} : memref<256x128xf32, #tpu.memory_space<vmem>>, vector<1x16xf32>,
          %get3A_327 = vector.shape_cast %get3A_326 : vector<1x16xf32> to vector<16xf32>
          %add3A_328 = arith.constant 192 : i32
          %add3A_329 = arith.addi %add3A_328, %scan3A_291 : i32
          %get3A_330 = arith.index_cast %add3A_329 : i32 to index
          %get3A_331 = arith.constant 16 : index
          %get3A_332 = tpu.vector_load %arg10[%get3A_330, %get3A_331] {strides = array<i32>} : memref<256x128xf32, #tpu.memory_space<vmem>>, vector<1x16xf32>,
          %get3A_333 = vector.shape_cast %get3A_332 : vector<1x16xf32> to vector<16xf32>
          %add3A_334 = arith.addf %get3A_327, %get3A_333 : vector<16xf32>
          %add3A_335 = arith.constant 64 : i32
          %add3A_336 = arith.addi %add3A_335, %scan3A_291 : i32
          %get3A_337 = arith.index_cast %add3A_336 : i32 to index
          %get3A_338 = arith.constant 16 : index
          %get3A_339 = tpu.vector_load %arg12[%get3A_337, %get3A_338] {strides = array<i32>} : memref<128x128xf32, #tpu.memory_space<vmem>>, vector<1x16xf32>,
          %get3A_340 = vector.shape_cast %get3A_339 : vector<1x16xf32> to vector<16xf32>
          %add3A_341 = arith.addf %add3A_334, %get3A_340 : vector<16xf32>
          %mul3A_342 = arith.mulf %add3A_341, %get3A_5 : vector<16xf32>
          %exp3A_343 = math.exp %mul3A_342 : vector<16xf32>
          %add3A_344 = arith.constant 1.000000e+00 : f32
          %add3A_345 = vector.broadcast %add3A_344 : f32 to vector<16xf32>
          %add3A_346 = arith.addf %add3A_345, %exp3A_343 : vector<16xf32>
          %div3A_347 = arith.divf %add3A_341, %add3A_346 : vector<16xf32>
          %swap3A_348 = arith.index_cast %scan3A_291 : i32 to index
          %swap3A_349 = arith.constant 16 : index
          %swap3A_350 = tpu.vector_load %arg11[%swap3A_348, %swap3A_349] {strides = array<i32>} : memref<64x128xf32, #tpu.memory_space<vmem>>, vector<1x16xf32>,
          %swap3A_351 = vector.shape_cast %swap3A_350 : vector<1x16xf32> to vector<16xf32>
          %swap3A_352 = vector.shape_cast %div3A_347 : vector<16xf32> to vector<1x16xf32>
          tpu.vector_store %arg11[%swap3A_348, %swap3A_349], %swap3A_352 {strides = array<i32>} : memref<64x128xf32, #tpu.memory_space<vmem>>, vector<1x16xf32>,
          %add3A_353 = arith.constant 128 : i32
          %add3A_354 = arith.addi %add3A_353, %scan3A_291 : i32
          %get3A_355 = arith.index_cast %add3A_354 : i32 to index
          %get3A_356 = arith.constant 32 : index
          %get3A_357 = tpu.vector_load %arg10[%get3A_355, %get3A_356] {strides = array<i32>} : memref<256x128xf32, #tpu.memory_space<vmem>>, vector<1x16xf32>,
          %get3A_358 = vector.shape_cast %get3A_357 : vector<1x16xf32> to vector<16xf32>
          %add3A_359 = arith.constant 192 : i32
          %add3A_360 = arith.addi %add3A_359, %scan3A_291 : i32
          %get3A_361 = arith.index_cast %add3A_360 : i32 to index
          %get3A_362 = arith.constant 32 : index
          %get3A_363 = tpu.vector_load %arg10[%get3A_361, %get3A_362] {strides = array<i32>} : memref<256x128xf32, #tpu.memory_space<vmem>>, vector<1x16xf32>,
          %get3A_364 = vector.shape_cast %get3A_363 : vector<1x16xf32> to vector<16xf32>
          %add3A_365 = arith.addf %get3A_358, %get3A_364 : vector<16xf32>
          %add3A_366 = arith.constant 64 : i32
          %add3A_367 = arith.addi %add3A_366, %scan3A_291 : i32
          %get3A_368 = arith.index_cast %add3A_367 : i32 to index
          %get3A_369 = arith.constant 32 : index
          %get3A_370 = tpu.vector_load %arg12[%get3A_368, %get3A_369] {strides = array<i32>} : memref<128x128xf32, #tpu.memory_space<vmem>>, vector<1x16xf32>,
          %get3A_371 = vector.shape_cast %get3A_370 : vector<1x16xf32> to vector<16xf32>
          %add3A_372 = arith.addf %add3A_365, %get3A_371 : vector<16xf32>
          %mul3A_373 = arith.mulf %add3A_372, %get3A_8 : vector<16xf32>
          %exp3A_374 = math.exp %mul3A_373 : vector<16xf32>
          %add3A_375 = arith.constant 1.000000e+00 : f32
          %add3A_376 = vector.broadcast %add3A_375 : f32 to vector<16xf32>
          %add3A_377 = arith.addf %add3A_376, %exp3A_374 : vector<16xf32>
          %div3A_378 = arith.divf %add3A_372, %add3A_377 : vector<16xf32>
          %swap3A_379 = arith.index_cast %scan3A_291 : i32 to index
          %swap3A_380 = arith.constant 32 : index
          %swap3A_381 = tpu.vector_load %arg11[%swap3A_379, %swap3A_380] {strides = array<i32>} : memref<64x128xf32, #tpu.memory_space<vmem>>, vector<1x16xf32>,
          %swap3A_382 = vector.shape_cast %swap3A_381 : vector<1x16xf32> to vector<16xf32>
          %swap3A_383 = vector.shape_cast %div3A_378 : vector<16xf32> to vector<1x16xf32>
          tpu.vector_store %arg11[%swap3A_379, %swap3A_380], %swap3A_383 {strides = array<i32>} : memref<64x128xf32, #tpu.memory_space<vmem>>, vector<1x16xf32>,
          %add3A_384 = arith.constant 128 : i32
          %add3A_385 = arith.addi %add3A_384, %scan3A_291 : i32
          %get3A_386 = arith.index_cast %add3A_385 : i32 to index
          %get3A_387 = arith.constant 48 : index
          %get3A_388 = tpu.vector_load %arg10[%get3A_386, %get3A_387] {strides = array<i32>} : memref<256x128xf32, #tpu.memory_space<vmem>>, vector<1x16xf32>,
          %get3A_389 = vector.shape_cast %get3A_388 : vector<1x16xf32> to vector<16xf32>
          %add3A_390 = arith.constant 192 : i32
          %add3A_391 = arith.addi %add3A_390, %scan3A_291 : i32
          %get3A_392 = arith.index_cast %add3A_391 : i32 to index
          %get3A_393 = arith.constant 48 : index
          %get3A_394 = tpu.vector_load %arg10[%get3A_392, %get3A_393] {strides = array<i32>} : memref<256x128xf32, #tpu.memory_space<vmem>>, vector<1x16xf32>,
          %get3A_395 = vector.shape_cast %get3A_394 : vector<1x16xf32> to vector<16xf32>
          %add3A_396 = arith.addf %get3A_389, %get3A_395 : vector<16xf32>
          %add3A_397 = arith.constant 64 : i32
          %add3A_398 = arith.addi %add3A_397, %scan3A_291 : i32
          %get3A_399 = arith.index_cast %add3A_398 : i32 to index
          %get3A_400 = arith.constant 48 : index
          %get3A_401 = tpu.vector_load %arg12[%get3A_399, %get3A_400] {strides = array<i32>} : memref<128x128xf32, #tpu.memory_space<vmem>>, vector<1x16xf32>,
          %get3A_402 = vector.shape_cast %get3A_401 : vector<1x16xf32> to vector<16xf32>
          %add3A_403 = arith.addf %add3A_396, %get3A_402 : vector<16xf32>
          %mul3A_404 = arith.mulf %add3A_403, %get3A_11 : vector<16xf32>
          %exp3A_405 = math.exp %mul3A_404 : vector<16xf32>
          %add3A_406 = arith.constant 1.000000e+00 : f32
          %add3A_407 = vector.broadcast %add3A_406 : f32 to vector<16xf32>
          %add3A_408 = arith.addf %add3A_407, %exp3A_405 : vector<16xf32>
          %div3A_409 = arith.divf %add3A_403, %add3A_408 : vector<16xf32>
          %swap3A_410 = arith.index_cast %scan3A_291 : i32 to index
          %swap3A_411 = arith.constant 48 : index
          %swap3A_412 = tpu.vector_load %arg11[%swap3A_410, %swap3A_411] {strides = array<i32>} : memref<64x128xf32, #tpu.memory_space<vmem>>, vector<1x16xf32>,
          %swap3A_413 = vector.shape_cast %swap3A_412 : vector<1x16xf32> to vector<16xf32>
          %swap3A_414 = vector.shape_cast %div3A_409 : vector<16xf32> to vector<1x16xf32>
          tpu.vector_store %arg11[%swap3A_410, %swap3A_411], %swap3A_414 {strides = array<i32>} : memref<64x128xf32, #tpu.memory_space<vmem>>, vector<1x16xf32>,
          %add3A_415 = arith.constant 128 : i32
          %add3A_416 = arith.addi %add3A_415, %scan3A_291 : i32
          %get3A_417 = arith.index_cast %add3A_416 : i32 to index
          %get3A_418 = arith.constant 64 : index
          %get3A_419 = tpu.vector_load %arg10[%get3A_417, %get3A_418] {strides = array<i32>} : memref<256x128xf32, #tpu.memory_space<vmem>>, vector<1x16xf32>,
          %get3A_420 = vector.shape_cast %get3A_419 : vector<1x16xf32> to vector<16xf32>
          %add3A_421 = arith.constant 192 : i32
          %add3A_422 = arith.addi %add3A_421, %scan3A_291 : i32
          %get3A_423 = arith.index_cast %add3A_422 : i32 to index
          %get3A_424 = arith.constant 64 : index
          %get3A_425 = tpu.vector_load %arg10[%get3A_423, %get3A_424] {strides = array<i32>} : memref<256x128xf32, #tpu.memory_space<vmem>>, vector<1x16xf32>,
          %get3A_426 = vector.shape_cast %get3A_425 : vector<1x16xf32> to vector<16xf32>
          %add3A_427 = arith.addf %get3A_420, %get3A_426 : vector<16xf32>
          %add3A_428 = arith.constant 64 : i32
          %add3A_429 = arith.addi %add3A_428, %scan3A_291 : i32
          %get3A_430 = arith.index_cast %add3A_429 : i32 to index
          %get3A_431 = arith.constant 64 : index
          %get3A_432 = tpu.vector_load %arg12[%get3A_430, %get3A_431] {strides = array<i32>} : memref<128x128xf32, #tpu.memory_space<vmem>>, vector<1x16xf32>,
          %get3A_433 = vector.shape_cast %get3A_432 : vector<1x16xf32> to vector<16xf32>
          %add3A_434 = arith.addf %add3A_427, %get3A_433 : vector<16xf32>
          %mul3A_435 = arith.mulf %add3A_434, %get3A_14 : vector<16xf32>
          %exp3A_436 = math.exp %mul3A_435 : vector<16xf32>
          %add3A_437 = arith.constant 1.000000e+00 : f32
          %add3A_438 = vector.broadcast %add3A_437 : f32 to vector<16xf32>
          %add3A_439 = arith.addf %add3A_438, %exp3A_436 : vector<16xf32>
          %div3A_440 = arith.divf %add3A_434, %add3A_439 : vector<16xf32>
          %swap3A_441 = arith.index_cast %scan3A_291 : i32 to index
          %swap3A_442 = arith.constant 64 : index
          %swap3A_443 = tpu.vector_load %arg11[%swap3A_441, %swap3A_442] {strides = array<i32>} : memref<64x128xf32, #tpu.memory_space<vmem>>, vector<1x16xf32>,
          %swap3A_444 = vector.shape_cast %swap3A_443 : vector<1x16xf32> to vector<16xf32>
          %swap3A_445 = vector.shape_cast %div3A_440 : vector<16xf32> to vector<1x16xf32>
          tpu.vector_store %arg11[%swap3A_441, %swap3A_442], %swap3A_445 {strides = array<i32>} : memref<64x128xf32, #tpu.memory_space<vmem>>, vector<1x16xf32>,
          %add3A_446 = arith.constant 128 : i32
          %add3A_447 = arith.addi %add3A_446, %scan3A_291 : i32
          %get3A_448 = arith.index_cast %add3A_447 : i32 to index
          %get3A_449 = arith.constant 80 : index
          %get3A_450 = tpu.vector_load %arg10[%get3A_448, %get3A_449] {strides = array<i32>} : memref<256x128xf32, #tpu.memory_space<vmem>>, vector<1x16xf32>,
          %get3A_451 = vector.shape_cast %get3A_450 : vector<1x16xf32> to vector<16xf32>
          %add3A_452 = arith.constant 192 : i32
          %add3A_453 = arith.addi %add3A_452, %scan3A_291 : i32
          %get3A_454 = arith.index_cast %add3A_453 : i32 to index
          %get3A_455 = arith.constant 80 : index
          %get3A_456 = tpu.vector_load %arg10[%get3A_454, %get3A_455] {strides = array<i32>} : memref<256x128xf32, #tpu.memory_space<vmem>>, vector<1x16xf32>,
          %get3A_457 = vector.shape_cast %get3A_456 : vector<1x16xf32> to vector<16xf32>
          %add3A_458 = arith.addf %get3A_451, %get3A_457 : vector<16xf32>
          %add3A_459 = arith.constant 64 : i32
          %add3A_460 = arith.addi %add3A_459, %scan3A_291 : i32
          %get3A_461 = arith.index_cast %add3A_460 : i32 to index
          %get3A_462 = arith.constant 80 : index
          %get3A_463 = tpu.vector_load %arg12[%get3A_461, %get3A_462] {strides = array<i32>} : memref<128x128xf32, #tpu.memory_space<vmem>>, vector<1x16xf32>,
          %get3A_464 = vector.shape_cast %get3A_463 : vector<1x16xf32> to vector<16xf32>
          %add3A_465 = arith.addf %add3A_458, %get3A_464 : vector<16xf32>
          %mul3A_466 = arith.mulf %add3A_465, %get3A_17 : vector<16xf32>
          %exp3A_467 = math.exp %mul3A_466 : vector<16xf32>
          %add3A_468 = arith.constant 1.000000e+00 : f32
          %add3A_469 = vector.broadcast %add3A_468 : f32 to vector<16xf32>
          %add3A_470 = arith.addf %add3A_469, %exp3A_467 : vector<16xf32>
          %div3A_471 = arith.divf %add3A_465, %add3A_470 : vector<16xf32>
          %swap3A_472 = arith.index_cast %scan3A_291 : i32 to index
          %swap3A_473 = arith.constant 80 : index
          %swap3A_474 = tpu.vector_load %arg11[%swap3A_472, %swap3A_473] {strides = array<i32>} : memref<64x128xf32, #tpu.memory_space<vmem>>, vector<1x16xf32>,
          %swap3A_475 = vector.shape_cast %swap3A_474 : vector<1x16xf32> to vector<16xf32>
          %swap3A_476 = vector.shape_cast %div3A_471 : vector<16xf32> to vector<1x16xf32>
          tpu.vector_store %arg11[%swap3A_472, %swap3A_473], %swap3A_476 {strides = array<i32>} : memref<64x128xf32, #tpu.memory_space<vmem>>, vector<1x16xf32>,
          %add3A_477 = arith.constant 128 : i32
          %add3A_478 = arith.addi %add3A_477, %scan3A_291 : i32
          %get3A_479 = arith.index_cast %add3A_478 : i32 to index
          %get3A_480 = arith.constant 96 : index
          %get3A_481 = tpu.vector_load %arg10[%get3A_479, %get3A_480] {strides = array<i32>} : memref<256x128xf32, #tpu.memory_space<vmem>>, vector<1x16xf32>,
          %get3A_482 = vector.shape_cast %get3A_481 : vector<1x16xf32> to vector<16xf32>
          %add3A_483 = arith.constant 192 : i32
          %add3A_484 = arith.addi %add3A_483, %scan3A_291 : i32
          %get3A_485 = arith.index_cast %add3A_484 : i32 to index
          %get3A_486 = arith.constant 96 : index
          %get3A_487 = tpu.vector_load %arg10[%get3A_485, %get3A_486] {strides = array<i32>} : memref<256x128xf32, #tpu.memory_space<vmem>>, vector<1x16xf32>,
          %get3A_488 = vector.shape_cast %get3A_487 : vector<1x16xf32> to vector<16xf32>
          %add3A_489 = arith.addf %get3A_482, %get3A_488 : vector<16xf32>
          %add3A_490 = arith.constant 64 : i32
          %add3A_491 = arith.addi %add3A_490, %scan3A_291 : i32
          %get3A_492 = arith.index_cast %add3A_491 : i32 to index
          %get3A_493 = arith.constant 96 : index
          %get3A_494 = tpu.vector_load %arg12[%get3A_492, %get3A_493] {strides = array<i32>} : memref<128x128xf32, #tpu.memory_space<vmem>>, vector<1x16xf32>,
          %get3A_495 = vector.shape_cast %get3A_494 : vector<1x16xf32> to vector<16xf32>
          %add3A_496 = arith.addf %add3A_489, %get3A_495 : vector<16xf32>
          %mul3A_497 = arith.mulf %add3A_496, %get3A_20 : vector<16xf32>
          %exp3A_498 = math.exp %mul3A_497 : vector<16xf32>
          %add3A_499 = arith.constant 1.000000e+00 : f32
          %add3A_500 = vector.broadcast %add3A_499 : f32 to vector<16xf32>
          %add3A_501 = arith.addf %add3A_500, %exp3A_498 : vector<16xf32>
          %div3A_502 = arith.divf %add3A_496, %add3A_501 : vector<16xf32>
          %swap3A_503 = arith.index_cast %scan3A_291 : i32 to index
          %swap3A_504 = arith.constant 96 : index
          %swap3A_505 = tpu.vector_load %arg11[%swap3A_503, %swap3A_504] {strides = array<i32>} : memref<64x128xf32, #tpu.memory_space<vmem>>, vector<1x16xf32>,
          %swap3A_506 = vector.shape_cast %swap3A_505 : vector<1x16xf32> to vector<16xf32>
          %swap3A_507 = vector.shape_cast %div3A_502 : vector<16xf32> to vector<1x16xf32>
          tpu.vector_store %arg11[%swap3A_503, %swap3A_504], %swap3A_507 {strides = array<i32>} : memref<64x128xf32, #tpu.memory_space<vmem>>, vector<1x16xf32>,
          %add3A_508 = arith.constant 128 : i32
          %add3A_509 = arith.addi %add3A_508, %scan3A_291 : i32
          %get3A_510 = arith.index_cast %add3A_509 : i32 to index
          %get3A_511 = arith.constant 112 : index
          %get3A_512 = tpu.vector_load %arg10[%get3A_510, %get3A_511] {strides = array<i32>} : memref<256x128xf32, #tpu.memory_space<vmem>>, vector<1x16xf32>,
          %get3A_513 = vector.shape_cast %get3A_512 : vector<1x16xf32> to vector<16xf32>
          %add3A_514 = arith.constant 192 : i32
          %add3A_515 = arith.addi %add3A_514, %scan3A_291 : i32
          %get3A_516 = arith.index_cast %add3A_515 : i32 to index
          %get3A_517 = arith.constant 112 : index
          %get3A_518 = tpu.vector_load %arg10[%get3A_516, %get3A_517] {strides = array<i32>} : memref<256x128xf32, #tpu.memory_space<vmem>>, vector<1x16xf32>,
          %get3A_519 = vector.shape_cast %get3A_518 : vector<1x16xf32> to vector<16xf32>
          %add3A_520 = arith.addf %get3A_513, %get3A_519 : vector<16xf32>
          %add3A_521 = arith.constant 64 : i32
          %add3A_522 = arith.addi %add3A_521, %scan3A_291 : i32
          %get3A_523 = arith.index_cast %add3A_522 : i32 to index
          %get3A_524 = arith.constant 112 : index
          %get3A_525 = tpu.vector_load %arg12[%get3A_523, %get3A_524] {strides = array<i32>} : memref<128x128xf32, #tpu.memory_space<vmem>>, vector<1x16xf32>,
          %get3A_526 = vector.shape_cast %get3A_525 : vector<1x16xf32> to vector<16xf32>
          %add3A_527 = arith.addf %add3A_520, %get3A_526 : vector<16xf32>
          %mul3A_528 = arith.mulf %add3A_527, %get3A_23 : vector<16xf32>
          %exp3A_529 = math.exp %mul3A_528 : vector<16xf32>
          %add3A_530 = arith.constant 1.000000e+00 : f32
          %add3A_531 = vector.broadcast %add3A_530 : f32 to vector<16xf32>
          %add3A_532 = arith.addf %add3A_531, %exp3A_529 : vector<16xf32>
          %div3A_533 = arith.divf %add3A_527, %add3A_532 : vector<16xf32>
          %swap3A_534 = arith.index_cast %scan3A_291 : i32 to index
          %swap3A_535 = arith.constant 112 : index
          %swap3A_536 = tpu.vector_load %arg11[%swap3A_534, %swap3A_535] {strides = array<i32>} : memref<64x128xf32, #tpu.memory_space<vmem>>, vector<1x16xf32>,
          %swap3A_537 = vector.shape_cast %swap3A_536 : vector<1x16xf32> to vector<16xf32>
          %swap3A_538 = vector.shape_cast %div3A_533 : vector<16xf32> to vector<1x16xf32>
          tpu.vector_store %arg11[%swap3A_534, %swap3A_535], %swap3A_538 {strides = array<i32>} : memref<64x128xf32, #tpu.memory_space<vmem>>, vector<1x16xf32>,
          %scan3A_539 = arith.constant 0 : i32
          scf.yield %scan3A_539 : i32
        }
        %scan3A_284 = arith.constant 64 : i32
        %dma_start3A = arith.constant 1 : i32
        %dma_start3A_285 = arith.constant 0 : i32
        %dma_start3A_286 = tpu.memref_slice %arg9[%dma_start3A, %dma_start3A_285] : memref<2x64xi32, #tpu.memory_space<vmem>> -> memref<1x64xi32, #tpu.memory_space<vmem>>
        %dma_start3A_287 = tpu.memref_squeeze %dma_start3A_286 : memref<1x64xi32, #tpu.memory_space<vmem>> -> memref<64xi32, #tpu.memory_space<vmem>>
        %dma_start3A_288 = arith.constant 0 : i32
        %dma_start3A_289 = arith.constant 0 : i32
        %dma_start3A_290 = tpu.memref_slice %arg14[%dma_start3A_288, %dma_start3A_289] : memref<5008x128xf32, #tpu.memory_space<vmem_shared>> -> memref<5008x128xf32, #tpu.memory_space<vmem_shared>>
        tpu.enqueue_indirect_dma source(%arg11 : memref<64x128xf32, #tpu.memory_space<vmem>>) target(%dma_start3A_290 : memref<5008x128xf32, #tpu.memory_space<vmem_shared>>) offsets(%dma_start3A_287 : memref<64xi32, #tpu.memory_space<vmem>>) semaphore(%arg19 : memref<!tpu.dma_semaphore, #tpu.memory_space<semaphore_mem>>) {add = true}
      } else {
      }
      %or3A_213 = arith.ori %while3A_185, %while3A_186 : i1
      %mul3A_214 = arith.constant 2 : i32
      %mul3A_215 = arith.muli %mul3A_214, %while3A_184 : i32
      %add3A_216 = arith.constant 1 : i32
      %add3A_217 = arith.addi %mul3A_215, %add3A_216 : i32
      %sub3A_218 = arith.constant 1 : i32
      %sub3A_219 = arith.subi %add3A_90, %sub3A_218 : i32
      %min3A_220 = arith.minsi %add3A_217, %sub3A_219 : i32
      %mul3A_221 = arith.constant 16 : i32
      %mul3A_222 = arith.muli %min3A_220, %mul3A_221 : i32
      %add3A_223 = arith.addi %arg1, %mul3A_222 : i32
      %mul3A_224 = arith.constant 64 : i32
      %mul3A_225 = arith.muli %add3A_223, %mul3A_224 : i32
      "tpu.region"() ({
        %run_scoped3A = tpu.sem_alloc : memref<!tpu.dma_semaphore, #tpu.memory_space<semaphore_mem>>
        %dma_start3A = arith.constant 192 : i32
        %dma_start3A_248 = tpu.memref_slice %arg8[%dma_start3A] : memref<256xi32, #tpu.memory_space<vmem>> -> memref<64xi32, #tpu.memory_space<vmem>>
        %dma_start3A_249 = tpu.memref_slice %arg5[%mul3A_225] : memref<320000xi32, #tpu.memory_space<hbm>> -> memref<64xi32, #tpu.memory_space<hbm>>
        %dma_start3A_250 = arith.constant 192 : i32
        %dma_start3A_251 = tpu.memref_slice %arg8[%dma_start3A_250] : memref<256xi32, #tpu.memory_space<vmem>> -> memref<64xi32, #tpu.memory_space<vmem>>
        %dma_start3A_252 = tpu.memref_slice %arg5[%mul3A_225] : memref<320000xi32, #tpu.memory_space<hbm>> -> memref<64xi32, #tpu.memory_space<hbm>>
        tpu.enqueue_dma source(%dma_start3A_252 : memref<64xi32, #tpu.memory_space<hbm>>) target(%dma_start3A_251 : memref<64xi32, #tpu.memory_space<vmem>>) target_semaphore(%run_scoped3A : memref<!tpu.dma_semaphore, #tpu.memory_space<semaphore_mem>>)
        %dma_wait3A = arith.constant 192 : i32
        %dma_wait3A_253 = tpu.memref_slice %arg8[%dma_wait3A] : memref<256xi32, #tpu.memory_space<vmem>> -> memref<64xi32, #tpu.memory_space<vmem>>
        %dma_wait3A_254 = tpu.memref_slice %arg5[%mul3A_225] : memref<320000xi32, #tpu.memory_space<hbm>> -> memref<64xi32, #tpu.memory_space<hbm>>
        %dma_wait3A_255 = arith.constant 192 : i32
        %dma_wait3A_256 = tpu.memref_slice %arg8[%dma_wait3A_255] : memref<256xi32, #tpu.memory_space<vmem>> -> memref<64xi32, #tpu.memory_space<vmem>>
        %dma_wait3A_257 = tpu.memref_slice %arg5[%mul3A_225] : memref<320000xi32, #tpu.memory_space<hbm>> -> memref<64xi32, #tpu.memory_space<hbm>>
        tpu.wait_dma2 semaphore(%run_scoped3A : memref<!tpu.dma_semaphore, #tpu.memory_space<semaphore_mem>>) src(%dma_wait3A_257 : memref<64xi32, #tpu.memory_space<hbm>>) dst(%dma_wait3A_256 : memref<64xi32, #tpu.memory_space<vmem>>)
        tpu.yield
      }) : () -> ()
      %get3A_226 = arith.constant 192 : index
      %get3A_227 = tpu.vector_load %arg8[%get3A_226] {strides = array<i32>} : memref<256xi32, #tpu.memory_space<vmem>>, vector<16xi32>,
      %get3A_228 = vector.shape_cast %get3A_227 : vector<16xi32> to vector<16xi32>
      %slice3A_229 = vector.extract_strided_slice %get3A_228 {offsets = [0], sizes = [1], strides = [1]} : vector<16xi32> to vector<1xi32>
      %squeeze3A_230 = vector.extract %slice3A_229[0] : i32 from vector<1xi32>
      %get3A_231 = arith.constant 240 : index
      %get3A_232 = tpu.vector_load %arg8[%get3A_231] {strides = array<i32>} : memref<256xi32, #tpu.memory_space<vmem>>, vector<16xi32>,
      %get3A_233 = vector.shape_cast %get3A_232 : vector<16xi32> to vector<16xi32>
      %slice3A_234 = vector.extract_strided_slice %get3A_233 {offsets = [15], sizes = [1], strides = [1]} : vector<16xi32> to vector<1xi32>
      %squeeze3A_235 = vector.extract %slice3A_234[0] : i32 from vector<1xi32>
      %lt3A_236 = arith.cmpi slt, %add3A_217, %add3A_90 : i32
      %ge3A_237 = arith.cmpi sge, %squeeze3A_235, %mul3A_0 : i32
      %and3A_238 = arith.andi %lt3A_236, %ge3A_237 : i1
      %lt3A_239 = arith.cmpi slt, %squeeze3A_230, %add3A_92 : i32
      %and3A_240 = arith.andi %and3A_238, %lt3A_239 : i1
      %convert_element_type3A_241 = arith.extui %and3A_240 : i1 to i32
      %cond3A_242 = arith.constant 0 : i32
      %cond3A_243 = arith.cmpi ne, %convert_element_type3A_241, %cond3A_242 : i32
      scf.if %cond3A_243 {
        "tpu.region"() ({
          %run_scoped3A = tpu.sem_alloc : memref<!tpu.dma_semaphore, #tpu.memory_space<semaphore_mem>>
          %dma_start3A_384 = arith.constant 128 : i32
          %dma_start3A_385 = tpu.memref_slice %arg8[%dma_start3A_384] : memref<256xi32, #tpu.memory_space<vmem>> -> memref<64xi32, #tpu.memory_space<vmem>>
          %dma_start3A_386 = tpu.memref_slice %arg4[%mul3A_225] : memref<320000xi32, #tpu.memory_space<hbm>> -> memref<64xi32, #tpu.memory_space<hbm>>
          %dma_start3A_387 = arith.constant 128 : i32
          %dma_start3A_388 = tpu.memref_slice %arg8[%dma_start3A_387] : memref<256xi32, #tpu.memory_space<vmem>> -> memref<64xi32, #tpu.memory_space<vmem>>
          %dma_start3A_389 = tpu.memref_slice %arg4[%mul3A_225] : memref<320000xi32, #tpu.memory_space<hbm>> -> memref<64xi32, #tpu.memory_space<hbm>>
          tpu.enqueue_dma source(%dma_start3A_389 : memref<64xi32, #tpu.memory_space<hbm>>) target(%dma_start3A_388 : memref<64xi32, #tpu.memory_space<vmem>>) target_semaphore(%run_scoped3A : memref<!tpu.dma_semaphore, #tpu.memory_space<semaphore_mem>>)
          %dma_wait3A = arith.constant 128 : i32
          %dma_wait3A_390 = tpu.memref_slice %arg8[%dma_wait3A] : memref<256xi32, #tpu.memory_space<vmem>> -> memref<64xi32, #tpu.memory_space<vmem>>
          %dma_wait3A_391 = tpu.memref_slice %arg4[%mul3A_225] : memref<320000xi32, #tpu.memory_space<hbm>> -> memref<64xi32, #tpu.memory_space<hbm>>
          %dma_wait3A_392 = arith.constant 128 : i32
          %dma_wait3A_393 = tpu.memref_slice %arg8[%dma_wait3A_392] : memref<256xi32, #tpu.memory_space<vmem>> -> memref<64xi32, #tpu.memory_space<vmem>>
          %dma_wait3A_394 = tpu.memref_slice %arg4[%mul3A_225] : memref<320000xi32, #tpu.memory_space<hbm>> -> memref<64xi32, #tpu.memory_space<hbm>>
          tpu.wait_dma2 semaphore(%run_scoped3A : memref<!tpu.dma_semaphore, #tpu.memory_space<semaphore_mem>>) src(%dma_wait3A_394 : memref<64xi32, #tpu.memory_space<hbm>>) dst(%dma_wait3A_393 : memref<64xi32, #tpu.memory_space<vmem>>)
          tpu.yield
        }) : () -> ()
        %get3A_248 = arith.constant 192 : index
        %get3A_249 = tpu.vector_load %arg8[%get3A_248] {strides = array<i32>} : memref<256xi32, #tpu.memory_space<vmem>>, vector<16xi32>,
        %get3A_250 = vector.shape_cast %get3A_249 : vector<16xi32> to vector<16xi32>
        %sub3A_251 = vector.broadcast %mul3A_0 : i32 to vector<16xi32>
        %sub3A_252 = arith.subi %get3A_250, %sub3A_251 : vector<16xi32>
        %lt3A_253 = arith.constant 0 : i32
        %lt3A_254 = vector.broadcast %lt3A_253 : i32 to vector<16xi32>
        %lt3A_255 = arith.cmpi slt, %sub3A_252, %lt3A_254 : vector<16xi32>
        %ge3A_256 = arith.constant 5000 : i32
        %ge3A_257 = vector.broadcast %ge3A_256 : i32 to vector<16xi32>
        %ge3A_258 = arith.cmpi sge, %sub3A_252, %ge3A_257 : vector<16xi32>
        %or3A_259 = arith.ori %lt3A_255, %ge3A_258 : vector<16xi1>
        %jit3A_260 = arith.constant 5000 : i32
        %broadcast_in_dim3A_261 = vector.broadcast %jit3A_260 : i32 to vector<16xi32>
        %select_n3A_262 = arith.select %or3A_259, %broadcast_in_dim3A_261, %sub3A_252 : vector<16xi1>, vector<16xi32>
        %swap3A = arith.constant 1 : i32
        %swap3A_263 = arith.index_cast %swap3A : i32 to index
        %swap3A_264 = arith.constant 0 : index
        %swap3A_265 = tpu.vector_load %arg9[%swap3A_263, %swap3A_264] {strides = array<i32>} : memref<2x64xi32, #tpu.memory_space<vmem>>, vector<1x16xi32>,
        %swap3A_266 = vector.shape_cast %swap3A_265 : vector<1x16xi32> to vector<16xi32>
        %swap3A_267 = vector.shape_cast %select_n3A_262 : vector<16xi32> to vector<1x16xi32>
        tpu.vector_store %arg9[%swap3A_263, %swap3A_264], %swap3A_267 {strides = array<i32>} : memref<2x64xi32, #tpu.memory_space<vmem>>, vector<1x16xi32>,
        %add3A_268 = arith.constant 10000 : i32
        %add3A_269 = vector.broadcast %add3A_268 : i32 to vector<16xi32>
        %add3A_270 = arith.addi %get3A_250, %add3A_269 : vector<16xi32>
        %swap3A_271 = arith.constant 192 : index
        %swap3A_272 = tpu.vector_load %arg8[%swap3A_271] {strides = array<i32>} : memref<256xi32, #tpu.memory_space<vmem>>, vector<16xi32>,
        %swap3A_273 = vector.shape_cast %swap3A_272 : vector<16xi32> to vector<16xi32>
        %swap3A_274 = vector.shape_cast %add3A_270 : vector<16xi32> to vector<16xi32>
        tpu.vector_store %arg8[%swap3A_271], %swap3A_274 {strides = array<i32>} : memref<256xi32, #tpu.memory_space<vmem>>, vector<16xi32>,
        %get3A_275 = arith.constant 208 : index
        %get3A_276 = tpu.vector_load %arg8[%get3A_275] {strides = array<i32>} : memref<256xi32, #tpu.memory_space<vmem>>, vector<16xi32>,
        %get3A_277 = vector.shape_cast %get3A_276 : vector<16xi32> to vector<16xi32>
        %sub3A_278 = vector.broadcast %mul3A_0 : i32 to vector<16xi32>
        %sub3A_279 = arith.subi %get3A_277, %sub3A_278 : vector<16xi32>
        %lt3A_280 = arith.constant 0 : i32
        %lt3A_281 = vector.broadcast %lt3A_280 : i32 to vector<16xi32>
        %lt3A_282 = arith.cmpi slt, %sub3A_279, %lt3A_281 : vector<16xi32>
        %ge3A_283 = arith.constant 5000 : i32
        %ge3A_284 = vector.broadcast %ge3A_283 : i32 to vector<16xi32>
        %ge3A_285 = arith.cmpi sge, %sub3A_279, %ge3A_284 : vector<16xi32>
        %or3A_286 = arith.ori %lt3A_282, %ge3A_285 : vector<16xi1>
        %jit3A_287 = arith.constant 5000 : i32
        %broadcast_in_dim3A_288 = vector.broadcast %jit3A_287 : i32 to vector<16xi32>
        %select_n3A_289 = arith.select %or3A_286, %broadcast_in_dim3A_288, %sub3A_279 : vector<16xi1>, vector<16xi32>
        %swap3A_290 = arith.constant 1 : i32
        %swap3A_291 = arith.index_cast %swap3A_290 : i32 to index
        %swap3A_292 = arith.constant 16 : index
        %swap3A_293 = tpu.vector_load %arg9[%swap3A_291, %swap3A_292] {strides = array<i32>} : memref<2x64xi32, #tpu.memory_space<vmem>>, vector<1x16xi32>,
        %swap3A_294 = vector.shape_cast %swap3A_293 : vector<1x16xi32> to vector<16xi32>
        %swap3A_295 = vector.shape_cast %select_n3A_289 : vector<16xi32> to vector<1x16xi32>
        tpu.vector_store %arg9[%swap3A_291, %swap3A_292], %swap3A_295 {strides = array<i32>} : memref<2x64xi32, #tpu.memory_space<vmem>>, vector<1x16xi32>,
        %add3A_296 = arith.constant 10000 : i32
        %add3A_297 = vector.broadcast %add3A_296 : i32 to vector<16xi32>
        %add3A_298 = arith.addi %get3A_277, %add3A_297 : vector<16xi32>
        %swap3A_299 = arith.constant 208 : index
        %swap3A_300 = tpu.vector_load %arg8[%swap3A_299] {strides = array<i32>} : memref<256xi32, #tpu.memory_space<vmem>>, vector<16xi32>,
        %swap3A_301 = vector.shape_cast %swap3A_300 : vector<16xi32> to vector<16xi32>
        %swap3A_302 = vector.shape_cast %add3A_298 : vector<16xi32> to vector<16xi32>
        tpu.vector_store %arg8[%swap3A_299], %swap3A_302 {strides = array<i32>} : memref<256xi32, #tpu.memory_space<vmem>>, vector<16xi32>,
        %get3A_303 = arith.constant 224 : index
        %get3A_304 = tpu.vector_load %arg8[%get3A_303] {strides = array<i32>} : memref<256xi32, #tpu.memory_space<vmem>>, vector<16xi32>,
        %get3A_305 = vector.shape_cast %get3A_304 : vector<16xi32> to vector<16xi32>
        %sub3A_306 = vector.broadcast %mul3A_0 : i32 to vector<16xi32>
        %sub3A_307 = arith.subi %get3A_305, %sub3A_306 : vector<16xi32>
        %lt3A_308 = arith.constant 0 : i32
        %lt3A_309 = vector.broadcast %lt3A_308 : i32 to vector<16xi32>
        %lt3A_310 = arith.cmpi slt, %sub3A_307, %lt3A_309 : vector<16xi32>
        %ge3A_311 = arith.constant 5000 : i32
        %ge3A_312 = vector.broadcast %ge3A_311 : i32 to vector<16xi32>
        %ge3A_313 = arith.cmpi sge, %sub3A_307, %ge3A_312 : vector<16xi32>
        %or3A_314 = arith.ori %lt3A_310, %ge3A_313 : vector<16xi1>
        %jit3A_315 = arith.constant 5000 : i32
        %broadcast_in_dim3A_316 = vector.broadcast %jit3A_315 : i32 to vector<16xi32>
        %select_n3A_317 = arith.select %or3A_314, %broadcast_in_dim3A_316, %sub3A_307 : vector<16xi1>, vector<16xi32>
        %swap3A_318 = arith.constant 1 : i32
        %swap3A_319 = arith.index_cast %swap3A_318 : i32 to index
        %swap3A_320 = arith.constant 32 : index
        %swap3A_321 = tpu.vector_load %arg9[%swap3A_319, %swap3A_320] {strides = array<i32>} : memref<2x64xi32, #tpu.memory_space<vmem>>, vector<1x16xi32>,
        %swap3A_322 = vector.shape_cast %swap3A_321 : vector<1x16xi32> to vector<16xi32>
        %swap3A_323 = vector.shape_cast %select_n3A_317 : vector<16xi32> to vector<1x16xi32>
        tpu.vector_store %arg9[%swap3A_319, %swap3A_320], %swap3A_323 {strides = array<i32>} : memref<2x64xi32, #tpu.memory_space<vmem>>, vector<1x16xi32>,
        %add3A_324 = arith.constant 10000 : i32
        %add3A_325 = vector.broadcast %add3A_324 : i32 to vector<16xi32>
        %add3A_326 = arith.addi %get3A_305, %add3A_325 : vector<16xi32>
        %swap3A_327 = arith.constant 224 : index
        %swap3A_328 = tpu.vector_load %arg8[%swap3A_327] {strides = array<i32>} : memref<256xi32, #tpu.memory_space<vmem>>, vector<16xi32>,
        %swap3A_329 = vector.shape_cast %swap3A_328 : vector<16xi32> to vector<16xi32>
        %swap3A_330 = vector.shape_cast %add3A_326 : vector<16xi32> to vector<16xi32>
        tpu.vector_store %arg8[%swap3A_327], %swap3A_330 {strides = array<i32>} : memref<256xi32, #tpu.memory_space<vmem>>, vector<16xi32>,
        %get3A_331 = arith.constant 240 : index
        %get3A_332 = tpu.vector_load %arg8[%get3A_331] {strides = array<i32>} : memref<256xi32, #tpu.memory_space<vmem>>, vector<16xi32>,
        %get3A_333 = vector.shape_cast %get3A_332 : vector<16xi32> to vector<16xi32>
        %sub3A_334 = vector.broadcast %mul3A_0 : i32 to vector<16xi32>
        %sub3A_335 = arith.subi %get3A_333, %sub3A_334 : vector<16xi32>
        %lt3A_336 = arith.constant 0 : i32
        %lt3A_337 = vector.broadcast %lt3A_336 : i32 to vector<16xi32>
        %lt3A_338 = arith.cmpi slt, %sub3A_335, %lt3A_337 : vector<16xi32>
        %ge3A_339 = arith.constant 5000 : i32
        %ge3A_340 = vector.broadcast %ge3A_339 : i32 to vector<16xi32>
        %ge3A_341 = arith.cmpi sge, %sub3A_335, %ge3A_340 : vector<16xi32>
        %or3A_342 = arith.ori %lt3A_338, %ge3A_341 : vector<16xi1>
        %jit3A_343 = arith.constant 5000 : i32
        %broadcast_in_dim3A_344 = vector.broadcast %jit3A_343 : i32 to vector<16xi32>
        %select_n3A_345 = arith.select %or3A_342, %broadcast_in_dim3A_344, %sub3A_335 : vector<16xi1>, vector<16xi32>
        %swap3A_346 = arith.constant 1 : i32
        %swap3A_347 = arith.index_cast %swap3A_346 : i32 to index
        %swap3A_348 = arith.constant 48 : index
        %swap3A_349 = tpu.vector_load %arg9[%swap3A_347, %swap3A_348] {strides = array<i32>} : memref<2x64xi32, #tpu.memory_space<vmem>>, vector<1x16xi32>,
        %swap3A_350 = vector.shape_cast %swap3A_349 : vector<1x16xi32> to vector<16xi32>
        %swap3A_351 = vector.shape_cast %select_n3A_345 : vector<16xi32> to vector<1x16xi32>
        tpu.vector_store %arg9[%swap3A_347, %swap3A_348], %swap3A_351 {strides = array<i32>} : memref<2x64xi32, #tpu.memory_space<vmem>>, vector<1x16xi32>,
        %add3A_352 = arith.constant 10000 : i32
        %add3A_353 = vector.broadcast %add3A_352 : i32 to vector<16xi32>
        %add3A_354 = arith.addi %get3A_333, %add3A_353 : vector<16xi32>
        %swap3A_355 = arith.constant 240 : index
        %swap3A_356 = tpu.vector_load %arg8[%swap3A_355] {strides = array<i32>} : memref<256xi32, #tpu.memory_space<vmem>>, vector<16xi32>,
        %swap3A_357 = vector.shape_cast %swap3A_356 : vector<16xi32> to vector<16xi32>
        %swap3A_358 = vector.shape_cast %add3A_354 : vector<16xi32> to vector<16xi32>
        tpu.vector_store %arg8[%swap3A_355], %swap3A_358 {strides = array<i32>} : memref<256xi32, #tpu.memory_space<vmem>>, vector<16xi32>,
        %dma_start3A = arith.constant 128 : i32
        %dma_start3A_359 = arith.constant 0 : i32
        %dma_start3A_360 = tpu.memref_slice %arg10[%dma_start3A, %dma_start3A_359] : memref<256x128xf32, #tpu.memory_space<vmem>> -> memref<64x128xf32, #tpu.memory_space<vmem>>
        %dma_start3A_361 = arith.constant 128 : i32
        %dma_start3A_362 = tpu.memref_slice %arg8[%dma_start3A_361] : memref<256xi32, #tpu.memory_space<vmem>> -> memref<64xi32, #tpu.memory_space<vmem>>
        %dma_start3A_363 = arith.constant 0 : i32
        %dma_start3A_364 = arith.constant 0 : i32
        %dma_start3A_365 = tpu.memref_slice %arg2[%dma_start3A_363, %dma_start3A_364] : memref<20000x128xf32, #tpu.memory_space<hbm>> -> memref<20000x128xf32, #tpu.memory_space<hbm>>
        tpu.enqueue_indirect_dma source(%dma_start3A_365 : memref<20000x128xf32, #tpu.memory_space<hbm>>) target(%dma_start3A_360 : memref<64x128xf32, #tpu.memory_space<vmem>>) offsets(%dma_start3A_362 : memref<64xi32, #tpu.memory_space<vmem>>) semaphore(%arg16 : memref<!tpu.dma_semaphore, #tpu.memory_space<semaphore_mem>>)
        %dma_start3A_366 = arith.constant 192 : i32
        %dma_start3A_367 = arith.constant 0 : i32
        %dma_start3A_368 = tpu.memref_slice %arg10[%dma_start3A_366, %dma_start3A_367] : memref<256x128xf32, #tpu.memory_space<vmem>> -> memref<64x128xf32, #tpu.memory_space<vmem>>
        %dma_start3A_369 = arith.constant 192 : i32
        %dma_start3A_370 = tpu.memref_slice %arg8[%dma_start3A_369] : memref<256xi32, #tpu.memory_space<vmem>> -> memref<64xi32, #tpu.memory_space<vmem>>
        %dma_start3A_371 = arith.constant 0 : i32
        %dma_start3A_372 = arith.constant 0 : i32
        %dma_start3A_373 = tpu.memref_slice %arg2[%dma_start3A_371, %dma_start3A_372] : memref<20000x128xf32, #tpu.memory_space<hbm>> -> memref<20000x128xf32, #tpu.memory_space<hbm>>
        tpu.enqueue_indirect_dma source(%dma_start3A_373 : memref<20000x128xf32, #tpu.memory_space<hbm>>) target(%dma_start3A_368 : memref<64x128xf32, #tpu.memory_space<vmem>>) offsets(%dma_start3A_370 : memref<64xi32, #tpu.memory_space<vmem>>) semaphore(%arg16 : memref<!tpu.dma_semaphore, #tpu.memory_space<semaphore_mem>>)
        %dma_start3A_374 = arith.constant 64 : i32
        %dma_start3A_375 = arith.constant 0 : i32
        %dma_start3A_376 = tpu.memref_slice %arg12[%dma_start3A_374, %dma_start3A_375] : memref<128x128xf32, #tpu.memory_space<vmem>> -> memref<64x128xf32, #tpu.memory_space<vmem>>
        %dma_start3A_377 = arith.constant 0 : i32
        %dma_start3A_378 = tpu.memref_slice %arg3[%mul3A_225, %dma_start3A_377] : memref<320000x128xf32, #tpu.memory_space<hbm>> -> memref<64x128xf32, #tpu.memory_space<hbm>>
        %dma_start3A_379 = arith.constant 64 : i32
        %dma_start3A_380 = arith.constant 0 : i32
        %dma_start3A_381 = tpu.memref_slice %arg12[%dma_start3A_379, %dma_start3A_380] : memref<128x128xf32, #tpu.memory_space<vmem>> -> memref<64x128xf32, #tpu.memory_space<vmem>>
        %dma_start3A_382 = arith.constant 0 : i32
        %dma_start3A_383 = tpu.memref_slice %arg3[%mul3A_225, %dma_start3A_382] : memref<320000x128xf32, #tpu.memory_space<hbm>> -> memref<64x128xf32, #tpu.memory_space<hbm>>
        tpu.enqueue_dma source(%dma_start3A_383 : memref<64x128xf32, #tpu.memory_space<hbm>>) target(%dma_start3A_381 : memref<64x128xf32, #tpu.memory_space<vmem>>) target_semaphore(%arg18 : memref<!tpu.dma_semaphore, #tpu.memory_space<semaphore_mem>>)
      } else {
      }
      %convert_element_type3A_244 = arith.extui %and3A_206 : i1 to i32
      %cond3A_245 = arith.constant 0 : i32
      %cond3A_246 = arith.cmpi ne, %convert_element_type3A_244, %cond3A_245 : i32
      scf.if %cond3A_246 {
        %convert_element_type3A_248 = arith.extui %or3A_213 : i1 to i32
        %cond3A_249 = arith.constant 0 : i32
        %cond3A_250 = arith.cmpi ne, %convert_element_type3A_248, %cond3A_249 : i32
        scf.if %cond3A_250 {
          %dma_wait3A_291 = arith.constant 1 : i32
          %dma_wait3A_292 = arith.constant 0 : i32
          %dma_wait3A_293 = tpu.memref_slice %arg9[%dma_wait3A_291, %dma_wait3A_292] : memref<2x64xi32, #tpu.memory_space<vmem>> -> memref<1x64xi32, #tpu.memory_space<vmem>>
          %dma_wait3A_294 = tpu.memref_squeeze %dma_wait3A_293 : memref<1x64xi32, #tpu.memory_space<vmem>> -> memref<64xi32, #tpu.memory_space<vmem>>
          %dma_wait3A_295 = arith.constant 0 : i32
          %dma_wait3A_296 = arith.constant 0 : i32
          %dma_wait3A_297 = tpu.memref_slice %arg14[%dma_wait3A_295, %dma_wait3A_296] : memref<5008x128xf32, #tpu.memory_space<vmem_shared>> -> memref<5008x128xf32, #tpu.memory_space<vmem_shared>>
          tpu.wait_indirect_dma semaphore(%arg19 : memref<!tpu.dma_semaphore, #tpu.memory_space<semaphore_mem>>) src(%arg11 : memref<64x128xf32, #tpu.memory_space<vmem>>) dst(%dma_wait3A_297 : memref<5008x128xf32, #tpu.memory_space<vmem_shared>>)
        } else {
        }
        %dma_wait3A = arith.constant 0 : i32
        %dma_wait3A_251 = arith.constant 0 : i32
        %dma_wait3A_252 = tpu.memref_slice %arg10[%dma_wait3A, %dma_wait3A_251] : memref<256x128xf32, #tpu.memory_space<vmem>> -> memref<64x128xf32, #tpu.memory_space<vmem>>
        %dma_wait3A_253 = arith.constant 0 : i32
        %dma_wait3A_254 = tpu.memref_slice %arg8[%dma_wait3A_253] : memref<256xi32, #tpu.memory_space<vmem>> -> memref<64xi32, #tpu.memory_space<vmem>>
        %dma_wait3A_255 = arith.constant 0 : i32
        %dma_wait3A_256 = arith.constant 0 : i32
        %dma_wait3A_257 = tpu.memref_slice %arg2[%dma_wait3A_255, %dma_wait3A_256] : memref<20000x128xf32, #tpu.memory_space<hbm>> -> memref<20000x128xf32, #tpu.memory_space<hbm>>
        tpu.wait_indirect_dma semaphore(%arg15 : memref<!tpu.dma_semaphore, #tpu.memory_space<semaphore_mem>>) src(%dma_wait3A_257 : memref<20000x128xf32, #tpu.memory_space<hbm>>) dst(%dma_wait3A_252 : memref<64x128xf32, #tpu.memory_space<vmem>>)
        %dma_wait3A_258 = arith.constant 64 : i32
        %dma_wait3A_259 = arith.constant 0 : i32
        %dma_wait3A_260 = tpu.memref_slice %arg10[%dma_wait3A_258, %dma_wait3A_259] : memref<256x128xf32, #tpu.memory_space<vmem>> -> memref<64x128xf32, #tpu.memory_space<vmem>>
        %dma_wait3A_261 = arith.constant 64 : i32
        %dma_wait3A_262 = tpu.memref_slice %arg8[%dma_wait3A_261] : memref<256xi32, #tpu.memory_space<vmem>> -> memref<64xi32, #tpu.memory_space<vmem>>
        %dma_wait3A_263 = arith.constant 0 : i32
        %dma_wait3A_264 = arith.constant 0 : i32
        %dma_wait3A_265 = tpu.memref_slice %arg2[%dma_wait3A_263, %dma_wait3A_264] : memref<20000x128xf32, #tpu.memory_space<hbm>> -> memref<20000x128xf32, #tpu.memory_space<hbm>>
        tpu.wait_indirect_dma semaphore(%arg15 : memref<!tpu.dma_semaphore, #tpu.memory_space<semaphore_mem>>) src(%dma_wait3A_265 : memref<20000x128xf32, #tpu.memory_space<hbm>>) dst(%dma_wait3A_260 : memref<64x128xf32, #tpu.memory_space<vmem>>)
        %dma_wait3A_266 = arith.constant 0 : i32
        %dma_wait3A_267 = arith.constant 0 : i32
        %dma_wait3A_268 = tpu.memref_slice %arg12[%dma_wait3A_266, %dma_wait3A_267] : memref<128x128xf32, #tpu.memory_space<vmem>> -> memref<64x128xf32, #tpu.memory_space<vmem>>
        %dma_wait3A_269 = arith.constant 0 : i32
        %dma_wait3A_270 = arith.constant 0 : i32
        %dma_wait3A_271 = tpu.memref_slice %arg3[%dma_wait3A_269, %dma_wait3A_270] : memref<320000x128xf32, #tpu.memory_space<hbm>> -> memref<64x128xf32, #tpu.memory_space<hbm>>
        %dma_wait3A_272 = arith.constant 0 : i32
        %dma_wait3A_273 = arith.constant 0 : i32
        %dma_wait3A_274 = tpu.memref_slice %arg12[%dma_wait3A_272, %dma_wait3A_273] : memref<128x128xf32, #tpu.memory_space<vmem>> -> memref<64x128xf32, #tpu.memory_space<vmem>>
        %dma_wait3A_275 = arith.constant 0 : i32
        %dma_wait3A_276 = arith.constant 0 : i32
        %dma_wait3A_277 = tpu.memref_slice %arg3[%dma_wait3A_275, %dma_wait3A_276] : memref<320000x128xf32, #tpu.memory_space<hbm>> -> memref<64x128xf32, #tpu.memory_space<hbm>>
        tpu.wait_dma2 semaphore(%arg17 : memref<!tpu.dma_semaphore, #tpu.memory_space<semaphore_mem>>) src(%dma_wait3A_277 : memref<64x128xf32, #tpu.memory_space<hbm>>) dst(%dma_wait3A_274 : memref<64x128xf32, #tpu.memory_space<vmem>>)
        %scan3A_278 = arith.constant 0 : i32
        %scan3A_279 = arith.constant 0 : i32
        %scan3A_280 = arith.constant 64 : i32
        %scan3A_281 = arith.addi %scan3A_279, %scan3A_280 : i32
        %scan3A_282 = arith.constant 1 : i32
        %scan3A_283 = scf.for %scan3A_291 = %scan3A_279 to %scan3A_281 step %scan3A_282 iter_args(%scan3A_292 = %scan3A_278) -> (i32)  : i32 {
          %add3A_293 = arith.constant 0 : i32
          %add3A_294 = arith.addi %add3A_293, %scan3A_291 : i32
          %get3A_295 = arith.index_cast %add3A_294 : i32 to index
          %get3A_296 = arith.constant 0 : index
          %get3A_297 = tpu.vector_load %arg10[%get3A_295, %get3A_296] {strides = array<i32>} : memref<256x128xf32, #tpu.memory_space<vmem>>, vector<1x16xf32>,
          %get3A_298 = vector.shape_cast %get3A_297 : vector<1x16xf32> to vector<16xf32>
          %add3A_299 = arith.constant 64 : i32
          %add3A_300 = arith.addi %add3A_299, %scan3A_291 : i32
          %get3A_301 = arith.index_cast %add3A_300 : i32 to index
          %get3A_302 = arith.constant 0 : index
          %get3A_303 = tpu.vector_load %arg10[%get3A_301, %get3A_302] {strides = array<i32>} : memref<256x128xf32, #tpu.memory_space<vmem>>, vector<1x16xf32>,
          %get3A_304 = vector.shape_cast %get3A_303 : vector<1x16xf32> to vector<16xf32>
          %add3A_305 = arith.addf %get3A_298, %get3A_304 : vector<16xf32>
          %add3A_306 = arith.constant 0 : i32
          %add3A_307 = arith.addi %add3A_306, %scan3A_291 : i32
          %get3A_308 = arith.index_cast %add3A_307 : i32 to index
          %get3A_309 = arith.constant 0 : index
          %get3A_310 = tpu.vector_load %arg12[%get3A_308, %get3A_309] {strides = array<i32>} : memref<128x128xf32, #tpu.memory_space<vmem>>, vector<1x16xf32>,
          %get3A_311 = vector.shape_cast %get3A_310 : vector<1x16xf32> to vector<16xf32>
          %add3A_312 = arith.addf %add3A_305, %get3A_311 : vector<16xf32>
          %mul3A_313 = arith.mulf %add3A_312, %get3A_2 : vector<16xf32>
          %exp3A = math.exp %mul3A_313 : vector<16xf32>
          %add3A_314 = arith.constant 1.000000e+00 : f32
          %add3A_315 = vector.broadcast %add3A_314 : f32 to vector<16xf32>
          %add3A_316 = arith.addf %add3A_315, %exp3A : vector<16xf32>
          %div3A_317 = arith.divf %add3A_312, %add3A_316 : vector<16xf32>
          %swap3A = arith.index_cast %scan3A_291 : i32 to index
          %swap3A_318 = arith.constant 0 : index
          %swap3A_319 = tpu.vector_load %arg11[%swap3A, %swap3A_318] {strides = array<i32>} : memref<64x128xf32, #tpu.memory_space<vmem>>, vector<1x16xf32>,
          %swap3A_320 = vector.shape_cast %swap3A_319 : vector<1x16xf32> to vector<16xf32>
          %swap3A_321 = vector.shape_cast %div3A_317 : vector<16xf32> to vector<1x16xf32>
          tpu.vector_store %arg11[%swap3A, %swap3A_318], %swap3A_321 {strides = array<i32>} : memref<64x128xf32, #tpu.memory_space<vmem>>, vector<1x16xf32>,
          %add3A_322 = arith.constant 0 : i32
          %add3A_323 = arith.addi %add3A_322, %scan3A_291 : i32
          %get3A_324 = arith.index_cast %add3A_323 : i32 to index
          %get3A_325 = arith.constant 16 : index
          %get3A_326 = tpu.vector_load %arg10[%get3A_324, %get3A_325] {strides = array<i32>} : memref<256x128xf32, #tpu.memory_space<vmem>>, vector<1x16xf32>,
          %get3A_327 = vector.shape_cast %get3A_326 : vector<1x16xf32> to vector<16xf32>
          %add3A_328 = arith.constant 64 : i32
          %add3A_329 = arith.addi %add3A_328, %scan3A_291 : i32
          %get3A_330 = arith.index_cast %add3A_329 : i32 to index
          %get3A_331 = arith.constant 16 : index
          %get3A_332 = tpu.vector_load %arg10[%get3A_330, %get3A_331] {strides = array<i32>} : memref<256x128xf32, #tpu.memory_space<vmem>>, vector<1x16xf32>,
          %get3A_333 = vector.shape_cast %get3A_332 : vector<1x16xf32> to vector<16xf32>
          %add3A_334 = arith.addf %get3A_327, %get3A_333 : vector<16xf32>
          %add3A_335 = arith.constant 0 : i32
          %add3A_336 = arith.addi %add3A_335, %scan3A_291 : i32
          %get3A_337 = arith.index_cast %add3A_336 : i32 to index
          %get3A_338 = arith.constant 16 : index
          %get3A_339 = tpu.vector_load %arg12[%get3A_337, %get3A_338] {strides = array<i32>} : memref<128x128xf32, #tpu.memory_space<vmem>>, vector<1x16xf32>,
          %get3A_340 = vector.shape_cast %get3A_339 : vector<1x16xf32> to vector<16xf32>
          %add3A_341 = arith.addf %add3A_334, %get3A_340 : vector<16xf32>
          %mul3A_342 = arith.mulf %add3A_341, %get3A_5 : vector<16xf32>
          %exp3A_343 = math.exp %mul3A_342 : vector<16xf32>
          %add3A_344 = arith.constant 1.000000e+00 : f32
          %add3A_345 = vector.broadcast %add3A_344 : f32 to vector<16xf32>
          %add3A_346 = arith.addf %add3A_345, %exp3A_343 : vector<16xf32>
          %div3A_347 = arith.divf %add3A_341, %add3A_346 : vector<16xf32>
          %swap3A_348 = arith.index_cast %scan3A_291 : i32 to index
          %swap3A_349 = arith.constant 16 : index
          %swap3A_350 = tpu.vector_load %arg11[%swap3A_348, %swap3A_349] {strides = array<i32>} : memref<64x128xf32, #tpu.memory_space<vmem>>, vector<1x16xf32>,
          %swap3A_351 = vector.shape_cast %swap3A_350 : vector<1x16xf32> to vector<16xf32>
          %swap3A_352 = vector.shape_cast %div3A_347 : vector<16xf32> to vector<1x16xf32>
          tpu.vector_store %arg11[%swap3A_348, %swap3A_349], %swap3A_352 {strides = array<i32>} : memref<64x128xf32, #tpu.memory_space<vmem>>, vector<1x16xf32>,
          %add3A_353 = arith.constant 0 : i32
          %add3A_354 = arith.addi %add3A_353, %scan3A_291 : i32
          %get3A_355 = arith.index_cast %add3A_354 : i32 to index
          %get3A_356 = arith.constant 32 : index
          %get3A_357 = tpu.vector_load %arg10[%get3A_355, %get3A_356] {strides = array<i32>} : memref<256x128xf32, #tpu.memory_space<vmem>>, vector<1x16xf32>,
          %get3A_358 = vector.shape_cast %get3A_357 : vector<1x16xf32> to vector<16xf32>
          %add3A_359 = arith.constant 64 : i32
          %add3A_360 = arith.addi %add3A_359, %scan3A_291 : i32
          %get3A_361 = arith.index_cast %add3A_360 : i32 to index
          %get3A_362 = arith.constant 32 : index
          %get3A_363 = tpu.vector_load %arg10[%get3A_361, %get3A_362] {strides = array<i32>} : memref<256x128xf32, #tpu.memory_space<vmem>>, vector<1x16xf32>,
          %get3A_364 = vector.shape_cast %get3A_363 : vector<1x16xf32> to vector<16xf32>
          %add3A_365 = arith.addf %get3A_358, %get3A_364 : vector<16xf32>
          %add3A_366 = arith.constant 0 : i32
          %add3A_367 = arith.addi %add3A_366, %scan3A_291 : i32
          %get3A_368 = arith.index_cast %add3A_367 : i32 to index
          %get3A_369 = arith.constant 32 : index
          %get3A_370 = tpu.vector_load %arg12[%get3A_368, %get3A_369] {strides = array<i32>} : memref<128x128xf32, #tpu.memory_space<vmem>>, vector<1x16xf32>,
          %get3A_371 = vector.shape_cast %get3A_370 : vector<1x16xf32> to vector<16xf32>
          %add3A_372 = arith.addf %add3A_365, %get3A_371 : vector<16xf32>
          %mul3A_373 = arith.mulf %add3A_372, %get3A_8 : vector<16xf32>
          %exp3A_374 = math.exp %mul3A_373 : vector<16xf32>
          %add3A_375 = arith.constant 1.000000e+00 : f32
          %add3A_376 = vector.broadcast %add3A_375 : f32 to vector<16xf32>
          %add3A_377 = arith.addf %add3A_376, %exp3A_374 : vector<16xf32>
          %div3A_378 = arith.divf %add3A_372, %add3A_377 : vector<16xf32>
          %swap3A_379 = arith.index_cast %scan3A_291 : i32 to index
          %swap3A_380 = arith.constant 32 : index
          %swap3A_381 = tpu.vector_load %arg11[%swap3A_379, %swap3A_380] {strides = array<i32>} : memref<64x128xf32, #tpu.memory_space<vmem>>, vector<1x16xf32>,
          %swap3A_382 = vector.shape_cast %swap3A_381 : vector<1x16xf32> to vector<16xf32>
          %swap3A_383 = vector.shape_cast %div3A_378 : vector<16xf32> to vector<1x16xf32>
          tpu.vector_store %arg11[%swap3A_379, %swap3A_380], %swap3A_383 {strides = array<i32>} : memref<64x128xf32, #tpu.memory_space<vmem>>, vector<1x16xf32>,
          %add3A_384 = arith.constant 0 : i32
          %add3A_385 = arith.addi %add3A_384, %scan3A_291 : i32
          %get3A_386 = arith.index_cast %add3A_385 : i32 to index
          %get3A_387 = arith.constant 48 : index
          %get3A_388 = tpu.vector_load %arg10[%get3A_386, %get3A_387] {strides = array<i32>} : memref<256x128xf32, #tpu.memory_space<vmem>>, vector<1x16xf32>,
          %get3A_389 = vector.shape_cast %get3A_388 : vector<1x16xf32> to vector<16xf32>
          %add3A_390 = arith.constant 64 : i32
          %add3A_391 = arith.addi %add3A_390, %scan3A_291 : i32
          %get3A_392 = arith.index_cast %add3A_391 : i32 to index
          %get3A_393 = arith.constant 48 : index
          %get3A_394 = tpu.vector_load %arg10[%get3A_392, %get3A_393] {strides = array<i32>} : memref<256x128xf32, #tpu.memory_space<vmem>>, vector<1x16xf32>,
          %get3A_395 = vector.shape_cast %get3A_394 : vector<1x16xf32> to vector<16xf32>
          %add3A_396 = arith.addf %get3A_389, %get3A_395 : vector<16xf32>
          %add3A_397 = arith.constant 0 : i32
          %add3A_398 = arith.addi %add3A_397, %scan3A_291 : i32
          %get3A_399 = arith.index_cast %add3A_398 : i32 to index
          %get3A_400 = arith.constant 48 : index
          %get3A_401 = tpu.vector_load %arg12[%get3A_399, %get3A_400] {strides = array<i32>} : memref<128x128xf32, #tpu.memory_space<vmem>>, vector<1x16xf32>,
          %get3A_402 = vector.shape_cast %get3A_401 : vector<1x16xf32> to vector<16xf32>
          %add3A_403 = arith.addf %add3A_396, %get3A_402 : vector<16xf32>
          %mul3A_404 = arith.mulf %add3A_403, %get3A_11 : vector<16xf32>
          %exp3A_405 = math.exp %mul3A_404 : vector<16xf32>
          %add3A_406 = arith.constant 1.000000e+00 : f32
          %add3A_407 = vector.broadcast %add3A_406 : f32 to vector<16xf32>
          %add3A_408 = arith.addf %add3A_407, %exp3A_405 : vector<16xf32>
          %div3A_409 = arith.divf %add3A_403, %add3A_408 : vector<16xf32>
          %swap3A_410 = arith.index_cast %scan3A_291 : i32 to index
          %swap3A_411 = arith.constant 48 : index
          %swap3A_412 = tpu.vector_load %arg11[%swap3A_410, %swap3A_411] {strides = array<i32>} : memref<64x128xf32, #tpu.memory_space<vmem>>, vector<1x16xf32>,
          %swap3A_413 = vector.shape_cast %swap3A_412 : vector<1x16xf32> to vector<16xf32>
          %swap3A_414 = vector.shape_cast %div3A_409 : vector<16xf32> to vector<1x16xf32>
          tpu.vector_store %arg11[%swap3A_410, %swap3A_411], %swap3A_414 {strides = array<i32>} : memref<64x128xf32, #tpu.memory_space<vmem>>, vector<1x16xf32>,
          %add3A_415 = arith.constant 0 : i32
          %add3A_416 = arith.addi %add3A_415, %scan3A_291 : i32
          %get3A_417 = arith.index_cast %add3A_416 : i32 to index
          %get3A_418 = arith.constant 64 : index
          %get3A_419 = tpu.vector_load %arg10[%get3A_417, %get3A_418] {strides = array<i32>} : memref<256x128xf32, #tpu.memory_space<vmem>>, vector<1x16xf32>,
          %get3A_420 = vector.shape_cast %get3A_419 : vector<1x16xf32> to vector<16xf32>
          %add3A_421 = arith.constant 64 : i32
          %add3A_422 = arith.addi %add3A_421, %scan3A_291 : i32
          %get3A_423 = arith.index_cast %add3A_422 : i32 to index
          %get3A_424 = arith.constant 64 : index
          %get3A_425 = tpu.vector_load %arg10[%get3A_423, %get3A_424] {strides = array<i32>} : memref<256x128xf32, #tpu.memory_space<vmem>>, vector<1x16xf32>,
          %get3A_426 = vector.shape_cast %get3A_425 : vector<1x16xf32> to vector<16xf32>
          %add3A_427 = arith.addf %get3A_420, %get3A_426 : vector<16xf32>
          %add3A_428 = arith.constant 0 : i32
          %add3A_429 = arith.addi %add3A_428, %scan3A_291 : i32
          %get3A_430 = arith.index_cast %add3A_429 : i32 to index
          %get3A_431 = arith.constant 64 : index
          %get3A_432 = tpu.vector_load %arg12[%get3A_430, %get3A_431] {strides = array<i32>} : memref<128x128xf32, #tpu.memory_space<vmem>>, vector<1x16xf32>,
          %get3A_433 = vector.shape_cast %get3A_432 : vector<1x16xf32> to vector<16xf32>
          %add3A_434 = arith.addf %add3A_427, %get3A_433 : vector<16xf32>
          %mul3A_435 = arith.mulf %add3A_434, %get3A_14 : vector<16xf32>
          %exp3A_436 = math.exp %mul3A_435 : vector<16xf32>
          %add3A_437 = arith.constant 1.000000e+00 : f32
          %add3A_438 = vector.broadcast %add3A_437 : f32 to vector<16xf32>
          %add3A_439 = arith.addf %add3A_438, %exp3A_436 : vector<16xf32>
          %div3A_440 = arith.divf %add3A_434, %add3A_439 : vector<16xf32>
          %swap3A_441 = arith.index_cast %scan3A_291 : i32 to index
          %swap3A_442 = arith.constant 64 : index
          %swap3A_443 = tpu.vector_load %arg11[%swap3A_441, %swap3A_442] {strides = array<i32>} : memref<64x128xf32, #tpu.memory_space<vmem>>, vector<1x16xf32>,
          %swap3A_444 = vector.shape_cast %swap3A_443 : vector<1x16xf32> to vector<16xf32>
          %swap3A_445 = vector.shape_cast %div3A_440 : vector<16xf32> to vector<1x16xf32>
          tpu.vector_store %arg11[%swap3A_441, %swap3A_442], %swap3A_445 {strides = array<i32>} : memref<64x128xf32, #tpu.memory_space<vmem>>, vector<1x16xf32>,
          %add3A_446 = arith.constant 0 : i32
          %add3A_447 = arith.addi %add3A_446, %scan3A_291 : i32
          %get3A_448 = arith.index_cast %add3A_447 : i32 to index
          %get3A_449 = arith.constant 80 : index
          %get3A_450 = tpu.vector_load %arg10[%get3A_448, %get3A_449] {strides = array<i32>} : memref<256x128xf32, #tpu.memory_space<vmem>>, vector<1x16xf32>,
          %get3A_451 = vector.shape_cast %get3A_450 : vector<1x16xf32> to vector<16xf32>
          %add3A_452 = arith.constant 64 : i32
          %add3A_453 = arith.addi %add3A_452, %scan3A_291 : i32
          %get3A_454 = arith.index_cast %add3A_453 : i32 to index
          %get3A_455 = arith.constant 80 : index
          %get3A_456 = tpu.vector_load %arg10[%get3A_454, %get3A_455] {strides = array<i32>} : memref<256x128xf32, #tpu.memory_space<vmem>>, vector<1x16xf32>,
          %get3A_457 = vector.shape_cast %get3A_456 : vector<1x16xf32> to vector<16xf32>
          %add3A_458 = arith.addf %get3A_451, %get3A_457 : vector<16xf32>
          %add3A_459 = arith.constant 0 : i32
          %add3A_460 = arith.addi %add3A_459, %scan3A_291 : i32
          %get3A_461 = arith.index_cast %add3A_460 : i32 to index
          %get3A_462 = arith.constant 80 : index
          %get3A_463 = tpu.vector_load %arg12[%get3A_461, %get3A_462] {strides = array<i32>} : memref<128x128xf32, #tpu.memory_space<vmem>>, vector<1x16xf32>,
          %get3A_464 = vector.shape_cast %get3A_463 : vector<1x16xf32> to vector<16xf32>
          %add3A_465 = arith.addf %add3A_458, %get3A_464 : vector<16xf32>
          %mul3A_466 = arith.mulf %add3A_465, %get3A_17 : vector<16xf32>
          %exp3A_467 = math.exp %mul3A_466 : vector<16xf32>
          %add3A_468 = arith.constant 1.000000e+00 : f32
          %add3A_469 = vector.broadcast %add3A_468 : f32 to vector<16xf32>
          %add3A_470 = arith.addf %add3A_469, %exp3A_467 : vector<16xf32>
          %div3A_471 = arith.divf %add3A_465, %add3A_470 : vector<16xf32>
          %swap3A_472 = arith.index_cast %scan3A_291 : i32 to index
          %swap3A_473 = arith.constant 80 : index
          %swap3A_474 = tpu.vector_load %arg11[%swap3A_472, %swap3A_473] {strides = array<i32>} : memref<64x128xf32, #tpu.memory_space<vmem>>, vector<1x16xf32>,
          %swap3A_475 = vector.shape_cast %swap3A_474 : vector<1x16xf32> to vector<16xf32>
          %swap3A_476 = vector.shape_cast %div3A_471 : vector<16xf32> to vector<1x16xf32>
          tpu.vector_store %arg11[%swap3A_472, %swap3A_473], %swap3A_476 {strides = array<i32>} : memref<64x128xf32, #tpu.memory_space<vmem>>, vector<1x16xf32>,
          %add3A_477 = arith.constant 0 : i32
          %add3A_478 = arith.addi %add3A_477, %scan3A_291 : i32
          %get3A_479 = arith.index_cast %add3A_478 : i32 to index
          %get3A_480 = arith.constant 96 : index
          %get3A_481 = tpu.vector_load %arg10[%get3A_479, %get3A_480] {strides = array<i32>} : memref<256x128xf32, #tpu.memory_space<vmem>>, vector<1x16xf32>,
          %get3A_482 = vector.shape_cast %get3A_481 : vector<1x16xf32> to vector<16xf32>
          %add3A_483 = arith.constant 64 : i32
          %add3A_484 = arith.addi %add3A_483, %scan3A_291 : i32
          %get3A_485 = arith.index_cast %add3A_484 : i32 to index
          %get3A_486 = arith.constant 96 : index
          %get3A_487 = tpu.vector_load %arg10[%get3A_485, %get3A_486] {strides = array<i32>} : memref<256x128xf32, #tpu.memory_space<vmem>>, vector<1x16xf32>,
          %get3A_488 = vector.shape_cast %get3A_487 : vector<1x16xf32> to vector<16xf32>
          %add3A_489 = arith.addf %get3A_482, %get3A_488 : vector<16xf32>
          %add3A_490 = arith.constant 0 : i32
          %add3A_491 = arith.addi %add3A_490, %scan3A_291 : i32
          %get3A_492 = arith.index_cast %add3A_491 : i32 to index
          %get3A_493 = arith.constant 96 : index
          %get3A_494 = tpu.vector_load %arg12[%get3A_492, %get3A_493] {strides = array<i32>} : memref<128x128xf32, #tpu.memory_space<vmem>>, vector<1x16xf32>,
          %get3A_495 = vector.shape_cast %get3A_494 : vector<1x16xf32> to vector<16xf32>
          %add3A_496 = arith.addf %add3A_489, %get3A_495 : vector<16xf32>
          %mul3A_497 = arith.mulf %add3A_496, %get3A_20 : vector<16xf32>
          %exp3A_498 = math.exp %mul3A_497 : vector<16xf32>
          %add3A_499 = arith.constant 1.000000e+00 : f32
          %add3A_500 = vector.broadcast %add3A_499 : f32 to vector<16xf32>
          %add3A_501 = arith.addf %add3A_500, %exp3A_498 : vector<16xf32>
          %div3A_502 = arith.divf %add3A_496, %add3A_501 : vector<16xf32>
          %swap3A_503 = arith.index_cast %scan3A_291 : i32 to index
          %swap3A_504 = arith.constant 96 : index
          %swap3A_505 = tpu.vector_load %arg11[%swap3A_503, %swap3A_504] {strides = array<i32>} : memref<64x128xf32, #tpu.memory_space<vmem>>, vector<1x16xf32>,
          %swap3A_506 = vector.shape_cast %swap3A_505 : vector<1x16xf32> to vector<16xf32>
          %swap3A_507 = vector.shape_cast %div3A_502 : vector<16xf32> to vector<1x16xf32>
          tpu.vector_store %arg11[%swap3A_503, %swap3A_504], %swap3A_507 {strides = array<i32>} : memref<64x128xf32, #tpu.memory_space<vmem>>, vector<1x16xf32>,
          %add3A_508 = arith.constant 0 : i32
          %add3A_509 = arith.addi %add3A_508, %scan3A_291 : i32
          %get3A_510 = arith.index_cast %add3A_509 : i32 to index
          %get3A_511 = arith.constant 112 : index
          %get3A_512 = tpu.vector_load %arg10[%get3A_510, %get3A_511] {strides = array<i32>} : memref<256x128xf32, #tpu.memory_space<vmem>>, vector<1x16xf32>,
          %get3A_513 = vector.shape_cast %get3A_512 : vector<1x16xf32> to vector<16xf32>
          %add3A_514 = arith.constant 64 : i32
          %add3A_515 = arith.addi %add3A_514, %scan3A_291 : i32
          %get3A_516 = arith.index_cast %add3A_515 : i32 to index
          %get3A_517 = arith.constant 112 : index
          %get3A_518 = tpu.vector_load %arg10[%get3A_516, %get3A_517] {strides = array<i32>} : memref<256x128xf32, #tpu.memory_space<vmem>>, vector<1x16xf32>,
          %get3A_519 = vector.shape_cast %get3A_518 : vector<1x16xf32> to vector<16xf32>
          %add3A_520 = arith.addf %get3A_513, %get3A_519 : vector<16xf32>
          %add3A_521 = arith.constant 0 : i32
          %add3A_522 = arith.addi %add3A_521, %scan3A_291 : i32
          %get3A_523 = arith.index_cast %add3A_522 : i32 to index
          %get3A_524 = arith.constant 112 : index
          %get3A_525 = tpu.vector_load %arg12[%get3A_523, %get3A_524] {strides = array<i32>} : memref<128x128xf32, #tpu.memory_space<vmem>>, vector<1x16xf32>,
          %get3A_526 = vector.shape_cast %get3A_525 : vector<1x16xf32> to vector<16xf32>
          %add3A_527 = arith.addf %add3A_520, %get3A_526 : vector<16xf32>
          %mul3A_528 = arith.mulf %add3A_527, %get3A_23 : vector<16xf32>
          %exp3A_529 = math.exp %mul3A_528 : vector<16xf32>
          %add3A_530 = arith.constant 1.000000e+00 : f32
          %add3A_531 = vector.broadcast %add3A_530 : f32 to vector<16xf32>
          %add3A_532 = arith.addf %add3A_531, %exp3A_529 : vector<16xf32>
          %div3A_533 = arith.divf %add3A_527, %add3A_532 : vector<16xf32>
          %swap3A_534 = arith.index_cast %scan3A_291 : i32 to index
          %swap3A_535 = arith.constant 112 : index
          %swap3A_536 = tpu.vector_load %arg11[%swap3A_534, %swap3A_535] {strides = array<i32>} : memref<64x128xf32, #tpu.memory_space<vmem>>, vector<1x16xf32>,
          %swap3A_537 = vector.shape_cast %swap3A_536 : vector<1x16xf32> to vector<16xf32>
          %swap3A_538 = vector.shape_cast %div3A_533 : vector<16xf32> to vector<1x16xf32>
          tpu.vector_store %arg11[%swap3A_534, %swap3A_535], %swap3A_538 {strides = array<i32>} : memref<64x128xf32, #tpu.memory_space<vmem>>, vector<1x16xf32>,
          %scan3A_539 = arith.constant 0 : i32
          scf.yield %scan3A_539 : i32
        }
        %scan3A_284 = arith.constant 64 : i32
        %dma_start3A = arith.constant 0 : i32
        %dma_start3A_285 = arith.constant 0 : i32
        %dma_start3A_286 = tpu.memref_slice %arg9[%dma_start3A, %dma_start3A_285] : memref<2x64xi32, #tpu.memory_space<vmem>> -> memref<1x64xi32, #tpu.memory_space<vmem>>
        %dma_start3A_287 = tpu.memref_squeeze %dma_start3A_286 : memref<1x64xi32, #tpu.memory_space<vmem>> -> memref<64xi32, #tpu.memory_space<vmem>>
        %dma_start3A_288 = arith.constant 0 : i32
        %dma_start3A_289 = arith.constant 0 : i32
        %dma_start3A_290 = tpu.memref_slice %arg14[%dma_start3A_288, %dma_start3A_289] : memref<5008x128xf32, #tpu.memory_space<vmem_shared>> -> memref<5008x128xf32, #tpu.memory_space<vmem_shared>>
        tpu.enqueue_indirect_dma source(%arg11 : memref<64x128xf32, #tpu.memory_space<vmem>>) target(%dma_start3A_290 : memref<5008x128xf32, #tpu.memory_space<vmem_shared>>) offsets(%dma_start3A_287 : memref<64xi32, #tpu.memory_space<vmem>>) semaphore(%arg19 : memref<!tpu.dma_semaphore, #tpu.memory_space<semaphore_mem>>) {add = true}
      } else {
      }
      %or3A_247 = arith.ori %and3A_206, %or3A_213 : i1
      scf.yield %and3A_240, %or3A_247 : i1, i1
    }
    %while3A_130 = arith.constant 1 : i32
    %while3A_131:2 = scf.for %while3A_184 = %while3A_127 to %while3A_123 step %while3A_130 iter_args(%while3A_185 = %while3A_129#0, %while3A_186 = %while3A_129#1) -> (i1, i1)  : i32 {
      %mul3A_187 = arith.constant 2 : i32
      %mul3A_188 = arith.muli %mul3A_187, %while3A_184 : i32
      %sub3A_189 = arith.constant 1 : i32
      %sub3A_190 = arith.subi %add3A_90, %sub3A_189 : i32
      %min3A = arith.minsi %mul3A_188, %sub3A_190 : i32
      %mul3A_191 = arith.constant 16 : i32
      %mul3A_192 = arith.muli %min3A, %mul3A_191 : i32
      %add3A_193 = arith.addi %arg1, %mul3A_192 : i32
      %mul3A_194 = arith.constant 64 : i32
      %mul3A_195 = arith.muli %add3A_193, %mul3A_194 : i32
      "tpu.region"() ({
        %run_scoped3A = tpu.sem_alloc : memref<!tpu.dma_semaphore, #tpu.memory_space<semaphore_mem>>
        %dma_start3A = arith.constant 64 : i32
        %dma_start3A_248 = tpu.memref_slice %arg8[%dma_start3A] : memref<256xi32, #tpu.memory_space<vmem>> -> memref<64xi32, #tpu.memory_space<vmem>>
        %dma_start3A_249 = tpu.memref_slice %arg5[%mul3A_195] : memref<320000xi32, #tpu.memory_space<hbm>> -> memref<64xi32, #tpu.memory_space<hbm>>
        %dma_start3A_250 = arith.constant 64 : i32
        %dma_start3A_251 = tpu.memref_slice %arg8[%dma_start3A_250] : memref<256xi32, #tpu.memory_space<vmem>> -> memref<64xi32, #tpu.memory_space<vmem>>
        %dma_start3A_252 = tpu.memref_slice %arg5[%mul3A_195] : memref<320000xi32, #tpu.memory_space<hbm>> -> memref<64xi32, #tpu.memory_space<hbm>>
        tpu.enqueue_dma source(%dma_start3A_252 : memref<64xi32, #tpu.memory_space<hbm>>) target(%dma_start3A_251 : memref<64xi32, #tpu.memory_space<vmem>>) target_semaphore(%run_scoped3A : memref<!tpu.dma_semaphore, #tpu.memory_space<semaphore_mem>>)
        %dma_wait3A = arith.constant 64 : i32
        %dma_wait3A_253 = tpu.memref_slice %arg8[%dma_wait3A] : memref<256xi32, #tpu.memory_space<vmem>> -> memref<64xi32, #tpu.memory_space<vmem>>
        %dma_wait3A_254 = tpu.memref_slice %arg5[%mul3A_195] : memref<320000xi32, #tpu.memory_space<hbm>> -> memref<64xi32, #tpu.memory_space<hbm>>
        %dma_wait3A_255 = arith.constant 64 : i32
        %dma_wait3A_256 = tpu.memref_slice %arg8[%dma_wait3A_255] : memref<256xi32, #tpu.memory_space<vmem>> -> memref<64xi32, #tpu.memory_space<vmem>>
        %dma_wait3A_257 = tpu.memref_slice %arg5[%mul3A_195] : memref<320000xi32, #tpu.memory_space<hbm>> -> memref<64xi32, #tpu.memory_space<hbm>>
        tpu.wait_dma2 semaphore(%run_scoped3A : memref<!tpu.dma_semaphore, #tpu.memory_space<semaphore_mem>>) src(%dma_wait3A_257 : memref<64xi32, #tpu.memory_space<hbm>>) dst(%dma_wait3A_256 : memref<64xi32, #tpu.memory_space<vmem>>)
        tpu.yield
      }) : () -> ()
      %get3A_196 = arith.constant 64 : index
      %get3A_197 = tpu.vector_load %arg8[%get3A_196] {strides = array<i32>} : memref<256xi32, #tpu.memory_space<vmem>>, vector<16xi32>,
      %get3A_198 = vector.shape_cast %get3A_197 : vector<16xi32> to vector<16xi32>
      %slice3A = vector.extract_strided_slice %get3A_198 {offsets = [0], sizes = [1], strides = [1]} : vector<16xi32> to vector<1xi32>
      %squeeze3A = vector.extract %slice3A[0] : i32 from vector<1xi32>
      %get3A_199 = arith.constant 112 : index
      %get3A_200 = tpu.vector_load %arg8[%get3A_199] {strides = array<i32>} : memref<256xi32, #tpu.memory_space<vmem>>, vector<16xi32>,
      %get3A_201 = vector.shape_cast %get3A_200 : vector<16xi32> to vector<16xi32>
      %slice3A_202 = vector.extract_strided_slice %get3A_201 {offsets = [15], sizes = [1], strides = [1]} : vector<16xi32> to vector<1xi32>
      %squeeze3A_203 = vector.extract %slice3A_202[0] : i32 from vector<1xi32>
      %lt3A = arith.cmpi slt, %mul3A_188, %add3A_90 : i32
      %ge3A = arith.cmpi sge, %squeeze3A_203, %mul3A_0 : i32
      %and3A_204 = arith.andi %lt3A, %ge3A : i1
      %lt3A_205 = arith.cmpi slt, %squeeze3A, %add3A_92 : i32
      %and3A_206 = arith.andi %and3A_204, %lt3A_205 : i1
      %convert_element_type3A_207 = arith.extui %and3A_206 : i1 to i32
      %cond3A_208 = arith.constant 0 : i32
      %cond3A_209 = arith.cmpi ne, %convert_element_type3A_207, %cond3A_208 : i32
      scf.if %cond3A_209 {
        "tpu.region"() ({
          %run_scoped3A = tpu.sem_alloc : memref<!tpu.dma_semaphore, #tpu.memory_space<semaphore_mem>>
          %dma_start3A_384 = arith.constant 0 : i32
          %dma_start3A_385 = tpu.memref_slice %arg8[%dma_start3A_384] : memref<256xi32, #tpu.memory_space<vmem>> -> memref<64xi32, #tpu.memory_space<vmem>>
          %dma_start3A_386 = tpu.memref_slice %arg4[%mul3A_195] : memref<320000xi32, #tpu.memory_space<hbm>> -> memref<64xi32, #tpu.memory_space<hbm>>
          %dma_start3A_387 = arith.constant 0 : i32
          %dma_start3A_388 = tpu.memref_slice %arg8[%dma_start3A_387] : memref<256xi32, #tpu.memory_space<vmem>> -> memref<64xi32, #tpu.memory_space<vmem>>
          %dma_start3A_389 = tpu.memref_slice %arg4[%mul3A_195] : memref<320000xi32, #tpu.memory_space<hbm>> -> memref<64xi32, #tpu.memory_space<hbm>>
          tpu.enqueue_dma source(%dma_start3A_389 : memref<64xi32, #tpu.memory_space<hbm>>) target(%dma_start3A_388 : memref<64xi32, #tpu.memory_space<vmem>>) target_semaphore(%run_scoped3A : memref<!tpu.dma_semaphore, #tpu.memory_space<semaphore_mem>>)
          %dma_wait3A = arith.constant 0 : i32
          %dma_wait3A_390 = tpu.memref_slice %arg8[%dma_wait3A] : memref<256xi32, #tpu.memory_space<vmem>> -> memref<64xi32, #tpu.memory_space<vmem>>
          %dma_wait3A_391 = tpu.memref_slice %arg4[%mul3A_195] : memref<320000xi32, #tpu.memory_space<hbm>> -> memref<64xi32, #tpu.memory_space<hbm>>
          %dma_wait3A_392 = arith.constant 0 : i32
          %dma_wait3A_393 = tpu.memref_slice %arg8[%dma_wait3A_392] : memref<256xi32, #tpu.memory_space<vmem>> -> memref<64xi32, #tpu.memory_space<vmem>>
          %dma_wait3A_394 = tpu.memref_slice %arg4[%mul3A_195] : memref<320000xi32, #tpu.memory_space<hbm>> -> memref<64xi32, #tpu.memory_space<hbm>>
          tpu.wait_dma2 semaphore(%run_scoped3A : memref<!tpu.dma_semaphore, #tpu.memory_space<semaphore_mem>>) src(%dma_wait3A_394 : memref<64xi32, #tpu.memory_space<hbm>>) dst(%dma_wait3A_393 : memref<64xi32, #tpu.memory_space<vmem>>)
          tpu.yield
        }) : () -> ()
        %get3A_248 = arith.constant 64 : index
        %get3A_249 = tpu.vector_load %arg8[%get3A_248] {strides = array<i32>} : memref<256xi32, #tpu.memory_space<vmem>>, vector<16xi32>,
        %get3A_250 = vector.shape_cast %get3A_249 : vector<16xi32> to vector<16xi32>
        %sub3A_251 = vector.broadcast %mul3A_0 : i32 to vector<16xi32>
        %sub3A_252 = arith.subi %get3A_250, %sub3A_251 : vector<16xi32>
        %lt3A_253 = arith.constant 0 : i32
        %lt3A_254 = vector.broadcast %lt3A_253 : i32 to vector<16xi32>
        %lt3A_255 = arith.cmpi slt, %sub3A_252, %lt3A_254 : vector<16xi32>
        %ge3A_256 = arith.constant 5000 : i32
        %ge3A_257 = vector.broadcast %ge3A_256 : i32 to vector<16xi32>
        %ge3A_258 = arith.cmpi sge, %sub3A_252, %ge3A_257 : vector<16xi32>
        %or3A_259 = arith.ori %lt3A_255, %ge3A_258 : vector<16xi1>
        %jit3A_260 = arith.constant 5000 : i32
        %broadcast_in_dim3A_261 = vector.broadcast %jit3A_260 : i32 to vector<16xi32>
        %select_n3A_262 = arith.select %or3A_259, %broadcast_in_dim3A_261, %sub3A_252 : vector<16xi1>, vector<16xi32>
        %swap3A = arith.constant 0 : i32
        %swap3A_263 = arith.index_cast %swap3A : i32 to index
        %swap3A_264 = arith.constant 0 : index
        %swap3A_265 = tpu.vector_load %arg9[%swap3A_263, %swap3A_264] {strides = array<i32>} : memref<2x64xi32, #tpu.memory_space<vmem>>, vector<1x16xi32>,
        %swap3A_266 = vector.shape_cast %swap3A_265 : vector<1x16xi32> to vector<16xi32>
        %swap3A_267 = vector.shape_cast %select_n3A_262 : vector<16xi32> to vector<1x16xi32>
        tpu.vector_store %arg9[%swap3A_263, %swap3A_264], %swap3A_267 {strides = array<i32>} : memref<2x64xi32, #tpu.memory_space<vmem>>, vector<1x16xi32>,
        %add3A_268 = arith.constant 10000 : i32
        %add3A_269 = vector.broadcast %add3A_268 : i32 to vector<16xi32>
        %add3A_270 = arith.addi %get3A_250, %add3A_269 : vector<16xi32>
        %swap3A_271 = arith.constant 64 : index
        %swap3A_272 = tpu.vector_load %arg8[%swap3A_271] {strides = array<i32>} : memref<256xi32, #tpu.memory_space<vmem>>, vector<16xi32>,
        %swap3A_273 = vector.shape_cast %swap3A_272 : vector<16xi32> to vector<16xi32>
        %swap3A_274 = vector.shape_cast %add3A_270 : vector<16xi32> to vector<16xi32>
        tpu.vector_store %arg8[%swap3A_271], %swap3A_274 {strides = array<i32>} : memref<256xi32, #tpu.memory_space<vmem>>, vector<16xi32>,
        %get3A_275 = arith.constant 80 : index
        %get3A_276 = tpu.vector_load %arg8[%get3A_275] {strides = array<i32>} : memref<256xi32, #tpu.memory_space<vmem>>, vector<16xi32>,
        %get3A_277 = vector.shape_cast %get3A_276 : vector<16xi32> to vector<16xi32>
        %sub3A_278 = vector.broadcast %mul3A_0 : i32 to vector<16xi32>
        %sub3A_279 = arith.subi %get3A_277, %sub3A_278 : vector<16xi32>
        %lt3A_280 = arith.constant 0 : i32
        %lt3A_281 = vector.broadcast %lt3A_280 : i32 to vector<16xi32>
        %lt3A_282 = arith.cmpi slt, %sub3A_279, %lt3A_281 : vector<16xi32>
        %ge3A_283 = arith.constant 5000 : i32
        %ge3A_284 = vector.broadcast %ge3A_283 : i32 to vector<16xi32>
        %ge3A_285 = arith.cmpi sge, %sub3A_279, %ge3A_284 : vector<16xi32>
        %or3A_286 = arith.ori %lt3A_282, %ge3A_285 : vector<16xi1>
        %jit3A_287 = arith.constant 5000 : i32
        %broadcast_in_dim3A_288 = vector.broadcast %jit3A_287 : i32 to vector<16xi32>
        %select_n3A_289 = arith.select %or3A_286, %broadcast_in_dim3A_288, %sub3A_279 : vector<16xi1>, vector<16xi32>
        %swap3A_290 = arith.constant 0 : i32
        %swap3A_291 = arith.index_cast %swap3A_290 : i32 to index
        %swap3A_292 = arith.constant 16 : index
        %swap3A_293 = tpu.vector_load %arg9[%swap3A_291, %swap3A_292] {strides = array<i32>} : memref<2x64xi32, #tpu.memory_space<vmem>>, vector<1x16xi32>,
        %swap3A_294 = vector.shape_cast %swap3A_293 : vector<1x16xi32> to vector<16xi32>
        %swap3A_295 = vector.shape_cast %select_n3A_289 : vector<16xi32> to vector<1x16xi32>
        tpu.vector_store %arg9[%swap3A_291, %swap3A_292], %swap3A_295 {strides = array<i32>} : memref<2x64xi32, #tpu.memory_space<vmem>>, vector<1x16xi32>,
        %add3A_296 = arith.constant 10000 : i32
        %add3A_297 = vector.broadcast %add3A_296 : i32 to vector<16xi32>
        %add3A_298 = arith.addi %get3A_277, %add3A_297 : vector<16xi32>
        %swap3A_299 = arith.constant 80 : index
        %swap3A_300 = tpu.vector_load %arg8[%swap3A_299] {strides = array<i32>} : memref<256xi32, #tpu.memory_space<vmem>>, vector<16xi32>,
        %swap3A_301 = vector.shape_cast %swap3A_300 : vector<16xi32> to vector<16xi32>
        %swap3A_302 = vector.shape_cast %add3A_298 : vector<16xi32> to vector<16xi32>
        tpu.vector_store %arg8[%swap3A_299], %swap3A_302 {strides = array<i32>} : memref<256xi32, #tpu.memory_space<vmem>>, vector<16xi32>,
        %get3A_303 = arith.constant 96 : index
        %get3A_304 = tpu.vector_load %arg8[%get3A_303] {strides = array<i32>} : memref<256xi32, #tpu.memory_space<vmem>>, vector<16xi32>,
        %get3A_305 = vector.shape_cast %get3A_304 : vector<16xi32> to vector<16xi32>
        %sub3A_306 = vector.broadcast %mul3A_0 : i32 to vector<16xi32>
        %sub3A_307 = arith.subi %get3A_305, %sub3A_306 : vector<16xi32>
        %lt3A_308 = arith.constant 0 : i32
        %lt3A_309 = vector.broadcast %lt3A_308 : i32 to vector<16xi32>
        %lt3A_310 = arith.cmpi slt, %sub3A_307, %lt3A_309 : vector<16xi32>
        %ge3A_311 = arith.constant 5000 : i32
        %ge3A_312 = vector.broadcast %ge3A_311 : i32 to vector<16xi32>
        %ge3A_313 = arith.cmpi sge, %sub3A_307, %ge3A_312 : vector<16xi32>
        %or3A_314 = arith.ori %lt3A_310, %ge3A_313 : vector<16xi1>
        %jit3A_315 = arith.constant 5000 : i32
        %broadcast_in_dim3A_316 = vector.broadcast %jit3A_315 : i32 to vector<16xi32>
        %select_n3A_317 = arith.select %or3A_314, %broadcast_in_dim3A_316, %sub3A_307 : vector<16xi1>, vector<16xi32>
        %swap3A_318 = arith.constant 0 : i32
        %swap3A_319 = arith.index_cast %swap3A_318 : i32 to index
        %swap3A_320 = arith.constant 32 : index
        %swap3A_321 = tpu.vector_load %arg9[%swap3A_319, %swap3A_320] {strides = array<i32>} : memref<2x64xi32, #tpu.memory_space<vmem>>, vector<1x16xi32>,
        %swap3A_322 = vector.shape_cast %swap3A_321 : vector<1x16xi32> to vector<16xi32>
        %swap3A_323 = vector.shape_cast %select_n3A_317 : vector<16xi32> to vector<1x16xi32>
        tpu.vector_store %arg9[%swap3A_319, %swap3A_320], %swap3A_323 {strides = array<i32>} : memref<2x64xi32, #tpu.memory_space<vmem>>, vector<1x16xi32>,
        %add3A_324 = arith.constant 10000 : i32
        %add3A_325 = vector.broadcast %add3A_324 : i32 to vector<16xi32>
        %add3A_326 = arith.addi %get3A_305, %add3A_325 : vector<16xi32>
        %swap3A_327 = arith.constant 96 : index
        %swap3A_328 = tpu.vector_load %arg8[%swap3A_327] {strides = array<i32>} : memref<256xi32, #tpu.memory_space<vmem>>, vector<16xi32>,
        %swap3A_329 = vector.shape_cast %swap3A_328 : vector<16xi32> to vector<16xi32>
        %swap3A_330 = vector.shape_cast %add3A_326 : vector<16xi32> to vector<16xi32>
        tpu.vector_store %arg8[%swap3A_327], %swap3A_330 {strides = array<i32>} : memref<256xi32, #tpu.memory_space<vmem>>, vector<16xi32>,
        %get3A_331 = arith.constant 112 : index
        %get3A_332 = tpu.vector_load %arg8[%get3A_331] {strides = array<i32>} : memref<256xi32, #tpu.memory_space<vmem>>, vector<16xi32>,
        %get3A_333 = vector.shape_cast %get3A_332 : vector<16xi32> to vector<16xi32>
        %sub3A_334 = vector.broadcast %mul3A_0 : i32 to vector<16xi32>
        %sub3A_335 = arith.subi %get3A_333, %sub3A_334 : vector<16xi32>
        %lt3A_336 = arith.constant 0 : i32
        %lt3A_337 = vector.broadcast %lt3A_336 : i32 to vector<16xi32>
        %lt3A_338 = arith.cmpi slt, %sub3A_335, %lt3A_337 : vector<16xi32>
        %ge3A_339 = arith.constant 5000 : i32
        %ge3A_340 = vector.broadcast %ge3A_339 : i32 to vector<16xi32>
        %ge3A_341 = arith.cmpi sge, %sub3A_335, %ge3A_340 : vector<16xi32>
        %or3A_342 = arith.ori %lt3A_338, %ge3A_341 : vector<16xi1>
        %jit3A_343 = arith.constant 5000 : i32
        %broadcast_in_dim3A_344 = vector.broadcast %jit3A_343 : i32 to vector<16xi32>
        %select_n3A_345 = arith.select %or3A_342, %broadcast_in_dim3A_344, %sub3A_335 : vector<16xi1>, vector<16xi32>
        %swap3A_346 = arith.constant 0 : i32
        %swap3A_347 = arith.index_cast %swap3A_346 : i32 to index
        %swap3A_348 = arith.constant 48 : index
        %swap3A_349 = tpu.vector_load %arg9[%swap3A_347, %swap3A_348] {strides = array<i32>} : memref<2x64xi32, #tpu.memory_space<vmem>>, vector<1x16xi32>,
        %swap3A_350 = vector.shape_cast %swap3A_349 : vector<1x16xi32> to vector<16xi32>
        %swap3A_351 = vector.shape_cast %select_n3A_345 : vector<16xi32> to vector<1x16xi32>
        tpu.vector_store %arg9[%swap3A_347, %swap3A_348], %swap3A_351 {strides = array<i32>} : memref<2x64xi32, #tpu.memory_space<vmem>>, vector<1x16xi32>,
        %add3A_352 = arith.constant 10000 : i32
        %add3A_353 = vector.broadcast %add3A_352 : i32 to vector<16xi32>
        %add3A_354 = arith.addi %get3A_333, %add3A_353 : vector<16xi32>
        %swap3A_355 = arith.constant 112 : index
        %swap3A_356 = tpu.vector_load %arg8[%swap3A_355] {strides = array<i32>} : memref<256xi32, #tpu.memory_space<vmem>>, vector<16xi32>,
        %swap3A_357 = vector.shape_cast %swap3A_356 : vector<16xi32> to vector<16xi32>
        %swap3A_358 = vector.shape_cast %add3A_354 : vector<16xi32> to vector<16xi32>
        tpu.vector_store %arg8[%swap3A_355], %swap3A_358 {strides = array<i32>} : memref<256xi32, #tpu.memory_space<vmem>>, vector<16xi32>,
        %dma_start3A = arith.constant 0 : i32
        %dma_start3A_359 = arith.constant 0 : i32
        %dma_start3A_360 = tpu.memref_slice %arg10[%dma_start3A, %dma_start3A_359] : memref<256x128xf32, #tpu.memory_space<vmem>> -> memref<64x128xf32, #tpu.memory_space<vmem>>
        %dma_start3A_361 = arith.constant 0 : i32
        %dma_start3A_362 = tpu.memref_slice %arg8[%dma_start3A_361] : memref<256xi32, #tpu.memory_space<vmem>> -> memref<64xi32, #tpu.memory_space<vmem>>
        %dma_start3A_363 = arith.constant 0 : i32
        %dma_start3A_364 = arith.constant 0 : i32
        %dma_start3A_365 = tpu.memref_slice %arg2[%dma_start3A_363, %dma_start3A_364] : memref<20000x128xf32, #tpu.memory_space<hbm>> -> memref<20000x128xf32, #tpu.memory_space<hbm>>
        tpu.enqueue_indirect_dma source(%dma_start3A_365 : memref<20000x128xf32, #tpu.memory_space<hbm>>) target(%dma_start3A_360 : memref<64x128xf32, #tpu.memory_space<vmem>>) offsets(%dma_start3A_362 : memref<64xi32, #tpu.memory_space<vmem>>) semaphore(%arg15 : memref<!tpu.dma_semaphore, #tpu.memory_space<semaphore_mem>>)
        %dma_start3A_366 = arith.constant 64 : i32
        %dma_start3A_367 = arith.constant 0 : i32
        %dma_start3A_368 = tpu.memref_slice %arg10[%dma_start3A_366, %dma_start3A_367] : memref<256x128xf32, #tpu.memory_space<vmem>> -> memref<64x128xf32, #tpu.memory_space<vmem>>
        %dma_start3A_369 = arith.constant 64 : i32
        %dma_start3A_370 = tpu.memref_slice %arg8[%dma_start3A_369] : memref<256xi32, #tpu.memory_space<vmem>> -> memref<64xi32, #tpu.memory_space<vmem>>
        %dma_start3A_371 = arith.constant 0 : i32
        %dma_start3A_372 = arith.constant 0 : i32
        %dma_start3A_373 = tpu.memref_slice %arg2[%dma_start3A_371, %dma_start3A_372] : memref<20000x128xf32, #tpu.memory_space<hbm>> -> memref<20000x128xf32, #tpu.memory_space<hbm>>
        tpu.enqueue_indirect_dma source(%dma_start3A_373 : memref<20000x128xf32, #tpu.memory_space<hbm>>) target(%dma_start3A_368 : memref<64x128xf32, #tpu.memory_space<vmem>>) offsets(%dma_start3A_370 : memref<64xi32, #tpu.memory_space<vmem>>) semaphore(%arg15 : memref<!tpu.dma_semaphore, #tpu.memory_space<semaphore_mem>>)
        %dma_start3A_374 = arith.constant 0 : i32
        %dma_start3A_375 = arith.constant 0 : i32
        %dma_start3A_376 = tpu.memref_slice %arg12[%dma_start3A_374, %dma_start3A_375] : memref<128x128xf32, #tpu.memory_space<vmem>> -> memref<64x128xf32, #tpu.memory_space<vmem>>
        %dma_start3A_377 = arith.constant 0 : i32
        %dma_start3A_378 = tpu.memref_slice %arg3[%mul3A_195, %dma_start3A_377] : memref<320000x128xf32, #tpu.memory_space<hbm>> -> memref<64x128xf32, #tpu.memory_space<hbm>>
        %dma_start3A_379 = arith.constant 0 : i32
        %dma_start3A_380 = arith.constant 0 : i32
        %dma_start3A_381 = tpu.memref_slice %arg12[%dma_start3A_379, %dma_start3A_380] : memref<128x128xf32, #tpu.memory_space<vmem>> -> memref<64x128xf32, #tpu.memory_space<vmem>>
        %dma_start3A_382 = arith.constant 0 : i32
        %dma_start3A_383 = tpu.memref_slice %arg3[%mul3A_195, %dma_start3A_382] : memref<320000x128xf32, #tpu.memory_space<hbm>> -> memref<64x128xf32, #tpu.memory_space<hbm>>
        tpu.enqueue_dma source(%dma_start3A_383 : memref<64x128xf32, #tpu.memory_space<hbm>>) target(%dma_start3A_381 : memref<64x128xf32, #tpu.memory_space<vmem>>) target_semaphore(%arg17 : memref<!tpu.dma_semaphore, #tpu.memory_space<semaphore_mem>>)
      } else {
      }
      %convert_element_type3A_210 = arith.extui %while3A_185 : i1 to i32
      %cond3A_211 = arith.constant 0 : i32
      %cond3A_212 = arith.cmpi ne, %convert_element_type3A_210, %cond3A_211 : i32
      scf.if %cond3A_212 {
        %convert_element_type3A_248 = arith.extui %while3A_186 : i1 to i32
        %cond3A_249 = arith.constant 0 : i32
        %cond3A_250 = arith.cmpi ne, %convert_element_type3A_248, %cond3A_249 : i32
        scf.if %cond3A_250 {
          %dma_wait3A_291 = arith.constant 0 : i32
          %dma_wait3A_292 = arith.constant 0 : i32
          %dma_wait3A_293 = tpu.memref_slice %arg9[%dma_wait3A_291, %dma_wait3A_292] : memref<2x64xi32, #tpu.memory_space<vmem>> -> memref<1x64xi32, #tpu.memory_space<vmem>>
          %dma_wait3A_294 = tpu.memref_squeeze %dma_wait3A_293 : memref<1x64xi32, #tpu.memory_space<vmem>> -> memref<64xi32, #tpu.memory_space<vmem>>
          %dma_wait3A_295 = arith.constant 0 : i32
          %dma_wait3A_296 = arith.constant 0 : i32
          %dma_wait3A_297 = tpu.memref_slice %arg14[%dma_wait3A_295, %dma_wait3A_296] : memref<5008x128xf32, #tpu.memory_space<vmem_shared>> -> memref<5008x128xf32, #tpu.memory_space<vmem_shared>>
          tpu.wait_indirect_dma semaphore(%arg19 : memref<!tpu.dma_semaphore, #tpu.memory_space<semaphore_mem>>) src(%arg11 : memref<64x128xf32, #tpu.memory_space<vmem>>) dst(%dma_wait3A_297 : memref<5008x128xf32, #tpu.memory_space<vmem_shared>>)
        } else {
        }
        %dma_wait3A = arith.constant 128 : i32
        %dma_wait3A_251 = arith.constant 0 : i32
        %dma_wait3A_252 = tpu.memref_slice %arg10[%dma_wait3A, %dma_wait3A_251] : memref<256x128xf32, #tpu.memory_space<vmem>> -> memref<64x128xf32, #tpu.memory_space<vmem>>
        %dma_wait3A_253 = arith.constant 128 : i32
        %dma_wait3A_254 = tpu.memref_slice %arg8[%dma_wait3A_253] : memref<256xi32, #tpu.memory_space<vmem>> -> memref<64xi32, #tpu.memory_space<vmem>>
        %dma_wait3A_255 = arith.constant 0 : i32
        %dma_wait3A_256 = arith.constant 0 : i32
        %dma_wait3A_257 = tpu.memref_slice %arg2[%dma_wait3A_255, %dma_wait3A_256] : memref<20000x128xf32, #tpu.memory_space<hbm>> -> memref<20000x128xf32, #tpu.memory_space<hbm>>
        tpu.wait_indirect_dma semaphore(%arg16 : memref<!tpu.dma_semaphore, #tpu.memory_space<semaphore_mem>>) src(%dma_wait3A_257 : memref<20000x128xf32, #tpu.memory_space<hbm>>) dst(%dma_wait3A_252 : memref<64x128xf32, #tpu.memory_space<vmem>>)
        %dma_wait3A_258 = arith.constant 192 : i32
        %dma_wait3A_259 = arith.constant 0 : i32
        %dma_wait3A_260 = tpu.memref_slice %arg10[%dma_wait3A_258, %dma_wait3A_259] : memref<256x128xf32, #tpu.memory_space<vmem>> -> memref<64x128xf32, #tpu.memory_space<vmem>>
        %dma_wait3A_261 = arith.constant 192 : i32
        %dma_wait3A_262 = tpu.memref_slice %arg8[%dma_wait3A_261] : memref<256xi32, #tpu.memory_space<vmem>> -> memref<64xi32, #tpu.memory_space<vmem>>
        %dma_wait3A_263 = arith.constant 0 : i32
        %dma_wait3A_264 = arith.constant 0 : i32
        %dma_wait3A_265 = tpu.memref_slice %arg2[%dma_wait3A_263, %dma_wait3A_264] : memref<20000x128xf32, #tpu.memory_space<hbm>> -> memref<20000x128xf32, #tpu.memory_space<hbm>>
        tpu.wait_indirect_dma semaphore(%arg16 : memref<!tpu.dma_semaphore, #tpu.memory_space<semaphore_mem>>) src(%dma_wait3A_265 : memref<20000x128xf32, #tpu.memory_space<hbm>>) dst(%dma_wait3A_260 : memref<64x128xf32, #tpu.memory_space<vmem>>)
        %dma_wait3A_266 = arith.constant 64 : i32
        %dma_wait3A_267 = arith.constant 0 : i32
        %dma_wait3A_268 = tpu.memref_slice %arg12[%dma_wait3A_266, %dma_wait3A_267] : memref<128x128xf32, #tpu.memory_space<vmem>> -> memref<64x128xf32, #tpu.memory_space<vmem>>
        %dma_wait3A_269 = arith.constant 0 : i32
        %dma_wait3A_270 = arith.constant 0 : i32
        %dma_wait3A_271 = tpu.memref_slice %arg3[%dma_wait3A_269, %dma_wait3A_270] : memref<320000x128xf32, #tpu.memory_space<hbm>> -> memref<64x128xf32, #tpu.memory_space<hbm>>
        %dma_wait3A_272 = arith.constant 64 : i32
        %dma_wait3A_273 = arith.constant 0 : i32
        %dma_wait3A_274 = tpu.memref_slice %arg12[%dma_wait3A_272, %dma_wait3A_273] : memref<128x128xf32, #tpu.memory_space<vmem>> -> memref<64x128xf32, #tpu.memory_space<vmem>>
        %dma_wait3A_275 = arith.constant 0 : i32
        %dma_wait3A_276 = arith.constant 0 : i32
        %dma_wait3A_277 = tpu.memref_slice %arg3[%dma_wait3A_275, %dma_wait3A_276] : memref<320000x128xf32, #tpu.memory_space<hbm>> -> memref<64x128xf32, #tpu.memory_space<hbm>>
        tpu.wait_dma2 semaphore(%arg18 : memref<!tpu.dma_semaphore, #tpu.memory_space<semaphore_mem>>) src(%dma_wait3A_277 : memref<64x128xf32, #tpu.memory_space<hbm>>) dst(%dma_wait3A_274 : memref<64x128xf32, #tpu.memory_space<vmem>>)
        %scan3A_278 = arith.constant 0 : i32
        %scan3A_279 = arith.constant 0 : i32
        %scan3A_280 = arith.constant 64 : i32
        %scan3A_281 = arith.addi %scan3A_279, %scan3A_280 : i32
        %scan3A_282 = arith.constant 1 : i32
        %scan3A_283 = scf.for %scan3A_291 = %scan3A_279 to %scan3A_281 step %scan3A_282 iter_args(%scan3A_292 = %scan3A_278) -> (i32)  : i32 {
          %add3A_293 = arith.constant 128 : i32
          %add3A_294 = arith.addi %add3A_293, %scan3A_291 : i32
          %get3A_295 = arith.index_cast %add3A_294 : i32 to index
          %get3A_296 = arith.constant 0 : index
          %get3A_297 = tpu.vector_load %arg10[%get3A_295, %get3A_296] {strides = array<i32>} : memref<256x128xf32, #tpu.memory_space<vmem>>, vector<1x16xf32>,
          %get3A_298 = vector.shape_cast %get3A_297 : vector<1x16xf32> to vector<16xf32>
          %add3A_299 = arith.constant 192 : i32
          %add3A_300 = arith.addi %add3A_299, %scan3A_291 : i32
          %get3A_301 = arith.index_cast %add3A_300 : i32 to index
          %get3A_302 = arith.constant 0 : index
          %get3A_303 = tpu.vector_load %arg10[%get3A_301, %get3A_302] {strides = array<i32>} : memref<256x128xf32, #tpu.memory_space<vmem>>, vector<1x16xf32>,
          %get3A_304 = vector.shape_cast %get3A_303 : vector<1x16xf32> to vector<16xf32>
          %add3A_305 = arith.addf %get3A_298, %get3A_304 : vector<16xf32>
          %add3A_306 = arith.constant 64 : i32
          %add3A_307 = arith.addi %add3A_306, %scan3A_291 : i32
          %get3A_308 = arith.index_cast %add3A_307 : i32 to index
          %get3A_309 = arith.constant 0 : index
          %get3A_310 = tpu.vector_load %arg12[%get3A_308, %get3A_309] {strides = array<i32>} : memref<128x128xf32, #tpu.memory_space<vmem>>, vector<1x16xf32>,
          %get3A_311 = vector.shape_cast %get3A_310 : vector<1x16xf32> to vector<16xf32>
          %add3A_312 = arith.addf %add3A_305, %get3A_311 : vector<16xf32>
          %mul3A_313 = arith.mulf %add3A_312, %get3A_2 : vector<16xf32>
          %exp3A = math.exp %mul3A_313 : vector<16xf32>
          %add3A_314 = arith.constant 1.000000e+00 : f32
          %add3A_315 = vector.broadcast %add3A_314 : f32 to vector<16xf32>
          %add3A_316 = arith.addf %add3A_315, %exp3A : vector<16xf32>
          %div3A_317 = arith.divf %add3A_312, %add3A_316 : vector<16xf32>
          %swap3A = arith.index_cast %scan3A_291 : i32 to index
          %swap3A_318 = arith.constant 0 : index
          %swap3A_319 = tpu.vector_load %arg11[%swap3A, %swap3A_318] {strides = array<i32>} : memref<64x128xf32, #tpu.memory_space<vmem>>, vector<1x16xf32>,
          %swap3A_320 = vector.shape_cast %swap3A_319 : vector<1x16xf32> to vector<16xf32>
          %swap3A_321 = vector.shape_cast %div3A_317 : vector<16xf32> to vector<1x16xf32>
          tpu.vector_store %arg11[%swap3A, %swap3A_318], %swap3A_321 {strides = array<i32>} : memref<64x128xf32, #tpu.memory_space<vmem>>, vector<1x16xf32>,
          %add3A_322 = arith.constant 128 : i32
          %add3A_323 = arith.addi %add3A_322, %scan3A_291 : i32
          %get3A_324 = arith.index_cast %add3A_323 : i32 to index
          %get3A_325 = arith.constant 16 : index
          %get3A_326 = tpu.vector_load %arg10[%get3A_324, %get3A_325] {strides = array<i32>} : memref<256x128xf32, #tpu.memory_space<vmem>>, vector<1x16xf32>,
          %get3A_327 = vector.shape_cast %get3A_326 : vector<1x16xf32> to vector<16xf32>
          %add3A_328 = arith.constant 192 : i32
          %add3A_329 = arith.addi %add3A_328, %scan3A_291 : i32
          %get3A_330 = arith.index_cast %add3A_329 : i32 to index
          %get3A_331 = arith.constant 16 : index
          %get3A_332 = tpu.vector_load %arg10[%get3A_330, %get3A_331] {strides = array<i32>} : memref<256x128xf32, #tpu.memory_space<vmem>>, vector<1x16xf32>,
          %get3A_333 = vector.shape_cast %get3A_332 : vector<1x16xf32> to vector<16xf32>
          %add3A_334 = arith.addf %get3A_327, %get3A_333 : vector<16xf32>
          %add3A_335 = arith.constant 64 : i32
          %add3A_336 = arith.addi %add3A_335, %scan3A_291 : i32
          %get3A_337 = arith.index_cast %add3A_336 : i32 to index
          %get3A_338 = arith.constant 16 : index
          %get3A_339 = tpu.vector_load %arg12[%get3A_337, %get3A_338] {strides = array<i32>} : memref<128x128xf32, #tpu.memory_space<vmem>>, vector<1x16xf32>,
          %get3A_340 = vector.shape_cast %get3A_339 : vector<1x16xf32> to vector<16xf32>
          %add3A_341 = arith.addf %add3A_334, %get3A_340 : vector<16xf32>
          %mul3A_342 = arith.mulf %add3A_341, %get3A_5 : vector<16xf32>
          %exp3A_343 = math.exp %mul3A_342 : vector<16xf32>
          %add3A_344 = arith.constant 1.000000e+00 : f32
          %add3A_345 = vector.broadcast %add3A_344 : f32 to vector<16xf32>
          %add3A_346 = arith.addf %add3A_345, %exp3A_343 : vector<16xf32>
          %div3A_347 = arith.divf %add3A_341, %add3A_346 : vector<16xf32>
          %swap3A_348 = arith.index_cast %scan3A_291 : i32 to index
          %swap3A_349 = arith.constant 16 : index
          %swap3A_350 = tpu.vector_load %arg11[%swap3A_348, %swap3A_349] {strides = array<i32>} : memref<64x128xf32, #tpu.memory_space<vmem>>, vector<1x16xf32>,
          %swap3A_351 = vector.shape_cast %swap3A_350 : vector<1x16xf32> to vector<16xf32>
          %swap3A_352 = vector.shape_cast %div3A_347 : vector<16xf32> to vector<1x16xf32>
          tpu.vector_store %arg11[%swap3A_348, %swap3A_349], %swap3A_352 {strides = array<i32>} : memref<64x128xf32, #tpu.memory_space<vmem>>, vector<1x16xf32>,
          %add3A_353 = arith.constant 128 : i32
          %add3A_354 = arith.addi %add3A_353, %scan3A_291 : i32
          %get3A_355 = arith.index_cast %add3A_354 : i32 to index
          %get3A_356 = arith.constant 32 : index
          %get3A_357 = tpu.vector_load %arg10[%get3A_355, %get3A_356] {strides = array<i32>} : memref<256x128xf32, #tpu.memory_space<vmem>>, vector<1x16xf32>,
          %get3A_358 = vector.shape_cast %get3A_357 : vector<1x16xf32> to vector<16xf32>
          %add3A_359 = arith.constant 192 : i32
          %add3A_360 = arith.addi %add3A_359, %scan3A_291 : i32
          %get3A_361 = arith.index_cast %add3A_360 : i32 to index
          %get3A_362 = arith.constant 32 : index
          %get3A_363 = tpu.vector_load %arg10[%get3A_361, %get3A_362] {strides = array<i32>} : memref<256x128xf32, #tpu.memory_space<vmem>>, vector<1x16xf32>,
          %get3A_364 = vector.shape_cast %get3A_363 : vector<1x16xf32> to vector<16xf32>
          %add3A_365 = arith.addf %get3A_358, %get3A_364 : vector<16xf32>
          %add3A_366 = arith.constant 64 : i32
          %add3A_367 = arith.addi %add3A_366, %scan3A_291 : i32
          %get3A_368 = arith.index_cast %add3A_367 : i32 to index
          %get3A_369 = arith.constant 32 : index
          %get3A_370 = tpu.vector_load %arg12[%get3A_368, %get3A_369] {strides = array<i32>} : memref<128x128xf32, #tpu.memory_space<vmem>>, vector<1x16xf32>,
          %get3A_371 = vector.shape_cast %get3A_370 : vector<1x16xf32> to vector<16xf32>
          %add3A_372 = arith.addf %add3A_365, %get3A_371 : vector<16xf32>
          %mul3A_373 = arith.mulf %add3A_372, %get3A_8 : vector<16xf32>
          %exp3A_374 = math.exp %mul3A_373 : vector<16xf32>
          %add3A_375 = arith.constant 1.000000e+00 : f32
          %add3A_376 = vector.broadcast %add3A_375 : f32 to vector<16xf32>
          %add3A_377 = arith.addf %add3A_376, %exp3A_374 : vector<16xf32>
          %div3A_378 = arith.divf %add3A_372, %add3A_377 : vector<16xf32>
          %swap3A_379 = arith.index_cast %scan3A_291 : i32 to index
          %swap3A_380 = arith.constant 32 : index
          %swap3A_381 = tpu.vector_load %arg11[%swap3A_379, %swap3A_380] {strides = array<i32>} : memref<64x128xf32, #tpu.memory_space<vmem>>, vector<1x16xf32>,
          %swap3A_382 = vector.shape_cast %swap3A_381 : vector<1x16xf32> to vector<16xf32>
          %swap3A_383 = vector.shape_cast %div3A_378 : vector<16xf32> to vector<1x16xf32>
          tpu.vector_store %arg11[%swap3A_379, %swap3A_380], %swap3A_383 {strides = array<i32>} : memref<64x128xf32, #tpu.memory_space<vmem>>, vector<1x16xf32>,
          %add3A_384 = arith.constant 128 : i32
          %add3A_385 = arith.addi %add3A_384, %scan3A_291 : i32
          %get3A_386 = arith.index_cast %add3A_385 : i32 to index
          %get3A_387 = arith.constant 48 : index
          %get3A_388 = tpu.vector_load %arg10[%get3A_386, %get3A_387] {strides = array<i32>} : memref<256x128xf32, #tpu.memory_space<vmem>>, vector<1x16xf32>,
          %get3A_389 = vector.shape_cast %get3A_388 : vector<1x16xf32> to vector<16xf32>
          %add3A_390 = arith.constant 192 : i32
          %add3A_391 = arith.addi %add3A_390, %scan3A_291 : i32
          %get3A_392 = arith.index_cast %add3A_391 : i32 to index
          %get3A_393 = arith.constant 48 : index
          %get3A_394 = tpu.vector_load %arg10[%get3A_392, %get3A_393] {strides = array<i32>} : memref<256x128xf32, #tpu.memory_space<vmem>>, vector<1x16xf32>,
          %get3A_395 = vector.shape_cast %get3A_394 : vector<1x16xf32> to vector<16xf32>
          %add3A_396 = arith.addf %get3A_389, %get3A_395 : vector<16xf32>
          %add3A_397 = arith.constant 64 : i32
          %add3A_398 = arith.addi %add3A_397, %scan3A_291 : i32
          %get3A_399 = arith.index_cast %add3A_398 : i32 to index
          %get3A_400 = arith.constant 48 : index
          %get3A_401 = tpu.vector_load %arg12[%get3A_399, %get3A_400] {strides = array<i32>} : memref<128x128xf32, #tpu.memory_space<vmem>>, vector<1x16xf32>,
          %get3A_402 = vector.shape_cast %get3A_401 : vector<1x16xf32> to vector<16xf32>
          %add3A_403 = arith.addf %add3A_396, %get3A_402 : vector<16xf32>
          %mul3A_404 = arith.mulf %add3A_403, %get3A_11 : vector<16xf32>
          %exp3A_405 = math.exp %mul3A_404 : vector<16xf32>
          %add3A_406 = arith.constant 1.000000e+00 : f32
          %add3A_407 = vector.broadcast %add3A_406 : f32 to vector<16xf32>
          %add3A_408 = arith.addf %add3A_407, %exp3A_405 : vector<16xf32>
          %div3A_409 = arith.divf %add3A_403, %add3A_408 : vector<16xf32>
          %swap3A_410 = arith.index_cast %scan3A_291 : i32 to index
          %swap3A_411 = arith.constant 48 : index
          %swap3A_412 = tpu.vector_load %arg11[%swap3A_410, %swap3A_411] {strides = array<i32>} : memref<64x128xf32, #tpu.memory_space<vmem>>, vector<1x16xf32>,
          %swap3A_413 = vector.shape_cast %swap3A_412 : vector<1x16xf32> to vector<16xf32>
          %swap3A_414 = vector.shape_cast %div3A_409 : vector<16xf32> to vector<1x16xf32>
          tpu.vector_store %arg11[%swap3A_410, %swap3A_411], %swap3A_414 {strides = array<i32>} : memref<64x128xf32, #tpu.memory_space<vmem>>, vector<1x16xf32>,
          %add3A_415 = arith.constant 128 : i32
          %add3A_416 = arith.addi %add3A_415, %scan3A_291 : i32
          %get3A_417 = arith.index_cast %add3A_416 : i32 to index
          %get3A_418 = arith.constant 64 : index
          %get3A_419 = tpu.vector_load %arg10[%get3A_417, %get3A_418] {strides = array<i32>} : memref<256x128xf32, #tpu.memory_space<vmem>>, vector<1x16xf32>,
          %get3A_420 = vector.shape_cast %get3A_419 : vector<1x16xf32> to vector<16xf32>
          %add3A_421 = arith.constant 192 : i32
          %add3A_422 = arith.addi %add3A_421, %scan3A_291 : i32
          %get3A_423 = arith.index_cast %add3A_422 : i32 to index
          %get3A_424 = arith.constant 64 : index
          %get3A_425 = tpu.vector_load %arg10[%get3A_423, %get3A_424] {strides = array<i32>} : memref<256x128xf32, #tpu.memory_space<vmem>>, vector<1x16xf32>,
          %get3A_426 = vector.shape_cast %get3A_425 : vector<1x16xf32> to vector<16xf32>
          %add3A_427 = arith.addf %get3A_420, %get3A_426 : vector<16xf32>
          %add3A_428 = arith.constant 64 : i32
          %add3A_429 = arith.addi %add3A_428, %scan3A_291 : i32
          %get3A_430 = arith.index_cast %add3A_429 : i32 to index
          %get3A_431 = arith.constant 64 : index
          %get3A_432 = tpu.vector_load %arg12[%get3A_430, %get3A_431] {strides = array<i32>} : memref<128x128xf32, #tpu.memory_space<vmem>>, vector<1x16xf32>,
          %get3A_433 = vector.shape_cast %get3A_432 : vector<1x16xf32> to vector<16xf32>
          %add3A_434 = arith.addf %add3A_427, %get3A_433 : vector<16xf32>
          %mul3A_435 = arith.mulf %add3A_434, %get3A_14 : vector<16xf32>
          %exp3A_436 = math.exp %mul3A_435 : vector<16xf32>
          %add3A_437 = arith.constant 1.000000e+00 : f32
          %add3A_438 = vector.broadcast %add3A_437 : f32 to vector<16xf32>
          %add3A_439 = arith.addf %add3A_438, %exp3A_436 : vector<16xf32>
          %div3A_440 = arith.divf %add3A_434, %add3A_439 : vector<16xf32>
          %swap3A_441 = arith.index_cast %scan3A_291 : i32 to index
          %swap3A_442 = arith.constant 64 : index
          %swap3A_443 = tpu.vector_load %arg11[%swap3A_441, %swap3A_442] {strides = array<i32>} : memref<64x128xf32, #tpu.memory_space<vmem>>, vector<1x16xf32>,
          %swap3A_444 = vector.shape_cast %swap3A_443 : vector<1x16xf32> to vector<16xf32>
          %swap3A_445 = vector.shape_cast %div3A_440 : vector<16xf32> to vector<1x16xf32>
          tpu.vector_store %arg11[%swap3A_441, %swap3A_442], %swap3A_445 {strides = array<i32>} : memref<64x128xf32, #tpu.memory_space<vmem>>, vector<1x16xf32>,
          %add3A_446 = arith.constant 128 : i32
          %add3A_447 = arith.addi %add3A_446, %scan3A_291 : i32
          %get3A_448 = arith.index_cast %add3A_447 : i32 to index
          %get3A_449 = arith.constant 80 : index
          %get3A_450 = tpu.vector_load %arg10[%get3A_448, %get3A_449] {strides = array<i32>} : memref<256x128xf32, #tpu.memory_space<vmem>>, vector<1x16xf32>,
          %get3A_451 = vector.shape_cast %get3A_450 : vector<1x16xf32> to vector<16xf32>
          %add3A_452 = arith.constant 192 : i32
          %add3A_453 = arith.addi %add3A_452, %scan3A_291 : i32
          %get3A_454 = arith.index_cast %add3A_453 : i32 to index
          %get3A_455 = arith.constant 80 : index
          %get3A_456 = tpu.vector_load %arg10[%get3A_454, %get3A_455] {strides = array<i32>} : memref<256x128xf32, #tpu.memory_space<vmem>>, vector<1x16xf32>,
          %get3A_457 = vector.shape_cast %get3A_456 : vector<1x16xf32> to vector<16xf32>
          %add3A_458 = arith.addf %get3A_451, %get3A_457 : vector<16xf32>
          %add3A_459 = arith.constant 64 : i32
          %add3A_460 = arith.addi %add3A_459, %scan3A_291 : i32
          %get3A_461 = arith.index_cast %add3A_460 : i32 to index
          %get3A_462 = arith.constant 80 : index
          %get3A_463 = tpu.vector_load %arg12[%get3A_461, %get3A_462] {strides = array<i32>} : memref<128x128xf32, #tpu.memory_space<vmem>>, vector<1x16xf32>,
          %get3A_464 = vector.shape_cast %get3A_463 : vector<1x16xf32> to vector<16xf32>
          %add3A_465 = arith.addf %add3A_458, %get3A_464 : vector<16xf32>
          %mul3A_466 = arith.mulf %add3A_465, %get3A_17 : vector<16xf32>
          %exp3A_467 = math.exp %mul3A_466 : vector<16xf32>
          %add3A_468 = arith.constant 1.000000e+00 : f32
          %add3A_469 = vector.broadcast %add3A_468 : f32 to vector<16xf32>
          %add3A_470 = arith.addf %add3A_469, %exp3A_467 : vector<16xf32>
          %div3A_471 = arith.divf %add3A_465, %add3A_470 : vector<16xf32>
          %swap3A_472 = arith.index_cast %scan3A_291 : i32 to index
          %swap3A_473 = arith.constant 80 : index
          %swap3A_474 = tpu.vector_load %arg11[%swap3A_472, %swap3A_473] {strides = array<i32>} : memref<64x128xf32, #tpu.memory_space<vmem>>, vector<1x16xf32>,
          %swap3A_475 = vector.shape_cast %swap3A_474 : vector<1x16xf32> to vector<16xf32>
          %swap3A_476 = vector.shape_cast %div3A_471 : vector<16xf32> to vector<1x16xf32>
          tpu.vector_store %arg11[%swap3A_472, %swap3A_473], %swap3A_476 {strides = array<i32>} : memref<64x128xf32, #tpu.memory_space<vmem>>, vector<1x16xf32>,
          %add3A_477 = arith.constant 128 : i32
          %add3A_478 = arith.addi %add3A_477, %scan3A_291 : i32
          %get3A_479 = arith.index_cast %add3A_478 : i32 to index
          %get3A_480 = arith.constant 96 : index
          %get3A_481 = tpu.vector_load %arg10[%get3A_479, %get3A_480] {strides = array<i32>} : memref<256x128xf32, #tpu.memory_space<vmem>>, vector<1x16xf32>,
          %get3A_482 = vector.shape_cast %get3A_481 : vector<1x16xf32> to vector<16xf32>
          %add3A_483 = arith.constant 192 : i32
          %add3A_484 = arith.addi %add3A_483, %scan3A_291 : i32
          %get3A_485 = arith.index_cast %add3A_484 : i32 to index
          %get3A_486 = arith.constant 96 : index
          %get3A_487 = tpu.vector_load %arg10[%get3A_485, %get3A_486] {strides = array<i32>} : memref<256x128xf32, #tpu.memory_space<vmem>>, vector<1x16xf32>,
          %get3A_488 = vector.shape_cast %get3A_487 : vector<1x16xf32> to vector<16xf32>
          %add3A_489 = arith.addf %get3A_482, %get3A_488 : vector<16xf32>
          %add3A_490 = arith.constant 64 : i32
          %add3A_491 = arith.addi %add3A_490, %scan3A_291 : i32
          %get3A_492 = arith.index_cast %add3A_491 : i32 to index
          %get3A_493 = arith.constant 96 : index
          %get3A_494 = tpu.vector_load %arg12[%get3A_492, %get3A_493] {strides = array<i32>} : memref<128x128xf32, #tpu.memory_space<vmem>>, vector<1x16xf32>,
          %get3A_495 = vector.shape_cast %get3A_494 : vector<1x16xf32> to vector<16xf32>
          %add3A_496 = arith.addf %add3A_489, %get3A_495 : vector<16xf32>
          %mul3A_497 = arith.mulf %add3A_496, %get3A_20 : vector<16xf32>
          %exp3A_498 = math.exp %mul3A_497 : vector<16xf32>
          %add3A_499 = arith.constant 1.000000e+00 : f32
          %add3A_500 = vector.broadcast %add3A_499 : f32 to vector<16xf32>
          %add3A_501 = arith.addf %add3A_500, %exp3A_498 : vector<16xf32>
          %div3A_502 = arith.divf %add3A_496, %add3A_501 : vector<16xf32>
          %swap3A_503 = arith.index_cast %scan3A_291 : i32 to index
          %swap3A_504 = arith.constant 96 : index
          %swap3A_505 = tpu.vector_load %arg11[%swap3A_503, %swap3A_504] {strides = array<i32>} : memref<64x128xf32, #tpu.memory_space<vmem>>, vector<1x16xf32>,
          %swap3A_506 = vector.shape_cast %swap3A_505 : vector<1x16xf32> to vector<16xf32>
          %swap3A_507 = vector.shape_cast %div3A_502 : vector<16xf32> to vector<1x16xf32>
          tpu.vector_store %arg11[%swap3A_503, %swap3A_504], %swap3A_507 {strides = array<i32>} : memref<64x128xf32, #tpu.memory_space<vmem>>, vector<1x16xf32>,
          %add3A_508 = arith.constant 128 : i32
          %add3A_509 = arith.addi %add3A_508, %scan3A_291 : i32
          %get3A_510 = arith.index_cast %add3A_509 : i32 to index
          %get3A_511 = arith.constant 112 : index
          %get3A_512 = tpu.vector_load %arg10[%get3A_510, %get3A_511] {strides = array<i32>} : memref<256x128xf32, #tpu.memory_space<vmem>>, vector<1x16xf32>,
          %get3A_513 = vector.shape_cast %get3A_512 : vector<1x16xf32> to vector<16xf32>
          %add3A_514 = arith.constant 192 : i32
          %add3A_515 = arith.addi %add3A_514, %scan3A_291 : i32
          %get3A_516 = arith.index_cast %add3A_515 : i32 to index
          %get3A_517 = arith.constant 112 : index
          %get3A_518 = tpu.vector_load %arg10[%get3A_516, %get3A_517] {strides = array<i32>} : memref<256x128xf32, #tpu.memory_space<vmem>>, vector<1x16xf32>,
          %get3A_519 = vector.shape_cast %get3A_518 : vector<1x16xf32> to vector<16xf32>
          %add3A_520 = arith.addf %get3A_513, %get3A_519 : vector<16xf32>
          %add3A_521 = arith.constant 64 : i32
          %add3A_522 = arith.addi %add3A_521, %scan3A_291 : i32
          %get3A_523 = arith.index_cast %add3A_522 : i32 to index
          %get3A_524 = arith.constant 112 : index
          %get3A_525 = tpu.vector_load %arg12[%get3A_523, %get3A_524] {strides = array<i32>} : memref<128x128xf32, #tpu.memory_space<vmem>>, vector<1x16xf32>,
          %get3A_526 = vector.shape_cast %get3A_525 : vector<1x16xf32> to vector<16xf32>
          %add3A_527 = arith.addf %add3A_520, %get3A_526 : vector<16xf32>
          %mul3A_528 = arith.mulf %add3A_527, %get3A_23 : vector<16xf32>
          %exp3A_529 = math.exp %mul3A_528 : vector<16xf32>
          %add3A_530 = arith.constant 1.000000e+00 : f32
          %add3A_531 = vector.broadcast %add3A_530 : f32 to vector<16xf32>
          %add3A_532 = arith.addf %add3A_531, %exp3A_529 : vector<16xf32>
          %div3A_533 = arith.divf %add3A_527, %add3A_532 : vector<16xf32>
          %swap3A_534 = arith.index_cast %scan3A_291 : i32 to index
          %swap3A_535 = arith.constant 112 : index
          %swap3A_536 = tpu.vector_load %arg11[%swap3A_534, %swap3A_535] {strides = array<i32>} : memref<64x128xf32, #tpu.memory_space<vmem>>, vector<1x16xf32>,
          %swap3A_537 = vector.shape_cast %swap3A_536 : vector<1x16xf32> to vector<16xf32>
          %swap3A_538 = vector.shape_cast %div3A_533 : vector<16xf32> to vector<1x16xf32>
          tpu.vector_store %arg11[%swap3A_534, %swap3A_535], %swap3A_538 {strides = array<i32>} : memref<64x128xf32, #tpu.memory_space<vmem>>, vector<1x16xf32>,
          %scan3A_539 = arith.constant 0 : i32
          scf.yield %scan3A_539 : i32
        }
        %scan3A_284 = arith.constant 64 : i32
        %dma_start3A = arith.constant 1 : i32
        %dma_start3A_285 = arith.constant 0 : i32
        %dma_start3A_286 = tpu.memref_slice %arg9[%dma_start3A, %dma_start3A_285] : memref<2x64xi32, #tpu.memory_space<vmem>> -> memref<1x64xi32, #tpu.memory_space<vmem>>
        %dma_start3A_287 = tpu.memref_squeeze %dma_start3A_286 : memref<1x64xi32, #tpu.memory_space<vmem>> -> memref<64xi32, #tpu.memory_space<vmem>>
        %dma_start3A_288 = arith.constant 0 : i32
        %dma_start3A_289 = arith.constant 0 : i32
        %dma_start3A_290 = tpu.memref_slice %arg14[%dma_start3A_288, %dma_start3A_289] : memref<5008x128xf32, #tpu.memory_space<vmem_shared>> -> memref<5008x128xf32, #tpu.memory_space<vmem_shared>>
        tpu.enqueue_indirect_dma source(%arg11 : memref<64x128xf32, #tpu.memory_space<vmem>>) target(%dma_start3A_290 : memref<5008x128xf32, #tpu.memory_space<vmem_shared>>) offsets(%dma_start3A_287 : memref<64xi32, #tpu.memory_space<vmem>>) semaphore(%arg19 : memref<!tpu.dma_semaphore, #tpu.memory_space<semaphore_mem>>) {add = true}
      } else {
      }
      %or3A_213 = arith.ori %while3A_185, %while3A_186 : i1
      %mul3A_214 = arith.constant 2 : i32
      %mul3A_215 = arith.muli %mul3A_214, %while3A_184 : i32
      %add3A_216 = arith.constant 1 : i32
      %add3A_217 = arith.addi %mul3A_215, %add3A_216 : i32
      %sub3A_218 = arith.constant 1 : i32
      %sub3A_219 = arith.subi %add3A_90, %sub3A_218 : i32
      %min3A_220 = arith.minsi %add3A_217, %sub3A_219 : i32
      %mul3A_221 = arith.constant 16 : i32
      %mul3A_222 = arith.muli %min3A_220, %mul3A_221 : i32
      %add3A_223 = arith.addi %arg1, %mul3A_222 : i32
      %mul3A_224 = arith.constant 64 : i32
      %mul3A_225 = arith.muli %add3A_223, %mul3A_224 : i32
      "tpu.region"() ({
        %run_scoped3A = tpu.sem_alloc : memref<!tpu.dma_semaphore, #tpu.memory_space<semaphore_mem>>
        %dma_start3A = arith.constant 192 : i32
        %dma_start3A_248 = tpu.memref_slice %arg8[%dma_start3A] : memref<256xi32, #tpu.memory_space<vmem>> -> memref<64xi32, #tpu.memory_space<vmem>>
        %dma_start3A_249 = tpu.memref_slice %arg5[%mul3A_225] : memref<320000xi32, #tpu.memory_space<hbm>> -> memref<64xi32, #tpu.memory_space<hbm>>
        %dma_start3A_250 = arith.constant 192 : i32
        %dma_start3A_251 = tpu.memref_slice %arg8[%dma_start3A_250] : memref<256xi32, #tpu.memory_space<vmem>> -> memref<64xi32, #tpu.memory_space<vmem>>
        %dma_start3A_252 = tpu.memref_slice %arg5[%mul3A_225] : memref<320000xi32, #tpu.memory_space<hbm>> -> memref<64xi32, #tpu.memory_space<hbm>>
        tpu.enqueue_dma source(%dma_start3A_252 : memref<64xi32, #tpu.memory_space<hbm>>) target(%dma_start3A_251 : memref<64xi32, #tpu.memory_space<vmem>>) target_semaphore(%run_scoped3A : memref<!tpu.dma_semaphore, #tpu.memory_space<semaphore_mem>>)
        %dma_wait3A = arith.constant 192 : i32
        %dma_wait3A_253 = tpu.memref_slice %arg8[%dma_wait3A] : memref<256xi32, #tpu.memory_space<vmem>> -> memref<64xi32, #tpu.memory_space<vmem>>
        %dma_wait3A_254 = tpu.memref_slice %arg5[%mul3A_225] : memref<320000xi32, #tpu.memory_space<hbm>> -> memref<64xi32, #tpu.memory_space<hbm>>
        %dma_wait3A_255 = arith.constant 192 : i32
        %dma_wait3A_256 = tpu.memref_slice %arg8[%dma_wait3A_255] : memref<256xi32, #tpu.memory_space<vmem>> -> memref<64xi32, #tpu.memory_space<vmem>>
        %dma_wait3A_257 = tpu.memref_slice %arg5[%mul3A_225] : memref<320000xi32, #tpu.memory_space<hbm>> -> memref<64xi32, #tpu.memory_space<hbm>>
        tpu.wait_dma2 semaphore(%run_scoped3A : memref<!tpu.dma_semaphore, #tpu.memory_space<semaphore_mem>>) src(%dma_wait3A_257 : memref<64xi32, #tpu.memory_space<hbm>>) dst(%dma_wait3A_256 : memref<64xi32, #tpu.memory_space<vmem>>)
        tpu.yield
      }) : () -> ()
      %get3A_226 = arith.constant 192 : index
      %get3A_227 = tpu.vector_load %arg8[%get3A_226] {strides = array<i32>} : memref<256xi32, #tpu.memory_space<vmem>>, vector<16xi32>,
      %get3A_228 = vector.shape_cast %get3A_227 : vector<16xi32> to vector<16xi32>
      %slice3A_229 = vector.extract_strided_slice %get3A_228 {offsets = [0], sizes = [1], strides = [1]} : vector<16xi32> to vector<1xi32>
      %squeeze3A_230 = vector.extract %slice3A_229[0] : i32 from vector<1xi32>
      %get3A_231 = arith.constant 240 : index
      %get3A_232 = tpu.vector_load %arg8[%get3A_231] {strides = array<i32>} : memref<256xi32, #tpu.memory_space<vmem>>, vector<16xi32>,
      %get3A_233 = vector.shape_cast %get3A_232 : vector<16xi32> to vector<16xi32>
      %slice3A_234 = vector.extract_strided_slice %get3A_233 {offsets = [15], sizes = [1], strides = [1]} : vector<16xi32> to vector<1xi32>
      %squeeze3A_235 = vector.extract %slice3A_234[0] : i32 from vector<1xi32>
      %lt3A_236 = arith.cmpi slt, %add3A_217, %add3A_90 : i32
      %ge3A_237 = arith.cmpi sge, %squeeze3A_235, %mul3A_0 : i32
      %and3A_238 = arith.andi %lt3A_236, %ge3A_237 : i1
      %lt3A_239 = arith.cmpi slt, %squeeze3A_230, %add3A_92 : i32
      %and3A_240 = arith.andi %and3A_238, %lt3A_239 : i1
      %convert_element_type3A_241 = arith.extui %and3A_240 : i1 to i32
      %cond3A_242 = arith.constant 0 : i32
      %cond3A_243 = arith.cmpi ne, %convert_element_type3A_241, %cond3A_242 : i32
      scf.if %cond3A_243 {
        "tpu.region"() ({
          %run_scoped3A = tpu.sem_alloc : memref<!tpu.dma_semaphore, #tpu.memory_space<semaphore_mem>>
          %dma_start3A_384 = arith.constant 128 : i32
          %dma_start3A_385 = tpu.memref_slice %arg8[%dma_start3A_384] : memref<256xi32, #tpu.memory_space<vmem>> -> memref<64xi32, #tpu.memory_space<vmem>>
          %dma_start3A_386 = tpu.memref_slice %arg4[%mul3A_225] : memref<320000xi32, #tpu.memory_space<hbm>> -> memref<64xi32, #tpu.memory_space<hbm>>
          %dma_start3A_387 = arith.constant 128 : i32
          %dma_start3A_388 = tpu.memref_slice %arg8[%dma_start3A_387] : memref<256xi32, #tpu.memory_space<vmem>> -> memref<64xi32, #tpu.memory_space<vmem>>
          %dma_start3A_389 = tpu.memref_slice %arg4[%mul3A_225] : memref<320000xi32, #tpu.memory_space<hbm>> -> memref<64xi32, #tpu.memory_space<hbm>>
          tpu.enqueue_dma source(%dma_start3A_389 : memref<64xi32, #tpu.memory_space<hbm>>) target(%dma_start3A_388 : memref<64xi32, #tpu.memory_space<vmem>>) target_semaphore(%run_scoped3A : memref<!tpu.dma_semaphore, #tpu.memory_space<semaphore_mem>>)
          %dma_wait3A = arith.constant 128 : i32
          %dma_wait3A_390 = tpu.memref_slice %arg8[%dma_wait3A] : memref<256xi32, #tpu.memory_space<vmem>> -> memref<64xi32, #tpu.memory_space<vmem>>
          %dma_wait3A_391 = tpu.memref_slice %arg4[%mul3A_225] : memref<320000xi32, #tpu.memory_space<hbm>> -> memref<64xi32, #tpu.memory_space<hbm>>
          %dma_wait3A_392 = arith.constant 128 : i32
          %dma_wait3A_393 = tpu.memref_slice %arg8[%dma_wait3A_392] : memref<256xi32, #tpu.memory_space<vmem>> -> memref<64xi32, #tpu.memory_space<vmem>>
          %dma_wait3A_394 = tpu.memref_slice %arg4[%mul3A_225] : memref<320000xi32, #tpu.memory_space<hbm>> -> memref<64xi32, #tpu.memory_space<hbm>>
          tpu.wait_dma2 semaphore(%run_scoped3A : memref<!tpu.dma_semaphore, #tpu.memory_space<semaphore_mem>>) src(%dma_wait3A_394 : memref<64xi32, #tpu.memory_space<hbm>>) dst(%dma_wait3A_393 : memref<64xi32, #tpu.memory_space<vmem>>)
          tpu.yield
        }) : () -> ()
        %get3A_248 = arith.constant 192 : index
        %get3A_249 = tpu.vector_load %arg8[%get3A_248] {strides = array<i32>} : memref<256xi32, #tpu.memory_space<vmem>>, vector<16xi32>,
        %get3A_250 = vector.shape_cast %get3A_249 : vector<16xi32> to vector<16xi32>
        %sub3A_251 = vector.broadcast %mul3A_0 : i32 to vector<16xi32>
        %sub3A_252 = arith.subi %get3A_250, %sub3A_251 : vector<16xi32>
        %lt3A_253 = arith.constant 0 : i32
        %lt3A_254 = vector.broadcast %lt3A_253 : i32 to vector<16xi32>
        %lt3A_255 = arith.cmpi slt, %sub3A_252, %lt3A_254 : vector<16xi32>
        %ge3A_256 = arith.constant 5000 : i32
        %ge3A_257 = vector.broadcast %ge3A_256 : i32 to vector<16xi32>
        %ge3A_258 = arith.cmpi sge, %sub3A_252, %ge3A_257 : vector<16xi32>
        %or3A_259 = arith.ori %lt3A_255, %ge3A_258 : vector<16xi1>
        %jit3A_260 = arith.constant 5000 : i32
        %broadcast_in_dim3A_261 = vector.broadcast %jit3A_260 : i32 to vector<16xi32>
        %select_n3A_262 = arith.select %or3A_259, %broadcast_in_dim3A_261, %sub3A_252 : vector<16xi1>, vector<16xi32>
        %swap3A = arith.constant 1 : i32
        %swap3A_263 = arith.index_cast %swap3A : i32 to index
        %swap3A_264 = arith.constant 0 : index
        %swap3A_265 = tpu.vector_load %arg9[%swap3A_263, %swap3A_264] {strides = array<i32>} : memref<2x64xi32, #tpu.memory_space<vmem>>, vector<1x16xi32>,
        %swap3A_266 = vector.shape_cast %swap3A_265 : vector<1x16xi32> to vector<16xi32>
        %swap3A_267 = vector.shape_cast %select_n3A_262 : vector<16xi32> to vector<1x16xi32>
        tpu.vector_store %arg9[%swap3A_263, %swap3A_264], %swap3A_267 {strides = array<i32>} : memref<2x64xi32, #tpu.memory_space<vmem>>, vector<1x16xi32>,
        %add3A_268 = arith.constant 10000 : i32
        %add3A_269 = vector.broadcast %add3A_268 : i32 to vector<16xi32>
        %add3A_270 = arith.addi %get3A_250, %add3A_269 : vector<16xi32>
        %swap3A_271 = arith.constant 192 : index
        %swap3A_272 = tpu.vector_load %arg8[%swap3A_271] {strides = array<i32>} : memref<256xi32, #tpu.memory_space<vmem>>, vector<16xi32>,
        %swap3A_273 = vector.shape_cast %swap3A_272 : vector<16xi32> to vector<16xi32>
        %swap3A_274 = vector.shape_cast %add3A_270 : vector<16xi32> to vector<16xi32>
        tpu.vector_store %arg8[%swap3A_271], %swap3A_274 {strides = array<i32>} : memref<256xi32, #tpu.memory_space<vmem>>, vector<16xi32>,
        %get3A_275 = arith.constant 208 : index
        %get3A_276 = tpu.vector_load %arg8[%get3A_275] {strides = array<i32>} : memref<256xi32, #tpu.memory_space<vmem>>, vector<16xi32>,
        %get3A_277 = vector.shape_cast %get3A_276 : vector<16xi32> to vector<16xi32>
        %sub3A_278 = vector.broadcast %mul3A_0 : i32 to vector<16xi32>
        %sub3A_279 = arith.subi %get3A_277, %sub3A_278 : vector<16xi32>
        %lt3A_280 = arith.constant 0 : i32
        %lt3A_281 = vector.broadcast %lt3A_280 : i32 to vector<16xi32>
        %lt3A_282 = arith.cmpi slt, %sub3A_279, %lt3A_281 : vector<16xi32>
        %ge3A_283 = arith.constant 5000 : i32
        %ge3A_284 = vector.broadcast %ge3A_283 : i32 to vector<16xi32>
        %ge3A_285 = arith.cmpi sge, %sub3A_279, %ge3A_284 : vector<16xi32>
        %or3A_286 = arith.ori %lt3A_282, %ge3A_285 : vector<16xi1>
        %jit3A_287 = arith.constant 5000 : i32
        %broadcast_in_dim3A_288 = vector.broadcast %jit3A_287 : i32 to vector<16xi32>
        %select_n3A_289 = arith.select %or3A_286, %broadcast_in_dim3A_288, %sub3A_279 : vector<16xi1>, vector<16xi32>
        %swap3A_290 = arith.constant 1 : i32
        %swap3A_291 = arith.index_cast %swap3A_290 : i32 to index
        %swap3A_292 = arith.constant 16 : index
        %swap3A_293 = tpu.vector_load %arg9[%swap3A_291, %swap3A_292] {strides = array<i32>} : memref<2x64xi32, #tpu.memory_space<vmem>>, vector<1x16xi32>,
        %swap3A_294 = vector.shape_cast %swap3A_293 : vector<1x16xi32> to vector<16xi32>
        %swap3A_295 = vector.shape_cast %select_n3A_289 : vector<16xi32> to vector<1x16xi32>
        tpu.vector_store %arg9[%swap3A_291, %swap3A_292], %swap3A_295 {strides = array<i32>} : memref<2x64xi32, #tpu.memory_space<vmem>>, vector<1x16xi32>,
        %add3A_296 = arith.constant 10000 : i32
        %add3A_297 = vector.broadcast %add3A_296 : i32 to vector<16xi32>
        %add3A_298 = arith.addi %get3A_277, %add3A_297 : vector<16xi32>
        %swap3A_299 = arith.constant 208 : index
        %swap3A_300 = tpu.vector_load %arg8[%swap3A_299] {strides = array<i32>} : memref<256xi32, #tpu.memory_space<vmem>>, vector<16xi32>,
        %swap3A_301 = vector.shape_cast %swap3A_300 : vector<16xi32> to vector<16xi32>
        %swap3A_302 = vector.shape_cast %add3A_298 : vector<16xi32> to vector<16xi32>
        tpu.vector_store %arg8[%swap3A_299], %swap3A_302 {strides = array<i32>} : memref<256xi32, #tpu.memory_space<vmem>>, vector<16xi32>,
        %get3A_303 = arith.constant 224 : index
        %get3A_304 = tpu.vector_load %arg8[%get3A_303] {strides = array<i32>} : memref<256xi32, #tpu.memory_space<vmem>>, vector<16xi32>,
        %get3A_305 = vector.shape_cast %get3A_304 : vector<16xi32> to vector<16xi32>
        %sub3A_306 = vector.broadcast %mul3A_0 : i32 to vector<16xi32>
        %sub3A_307 = arith.subi %get3A_305, %sub3A_306 : vector<16xi32>
        %lt3A_308 = arith.constant 0 : i32
        %lt3A_309 = vector.broadcast %lt3A_308 : i32 to vector<16xi32>
        %lt3A_310 = arith.cmpi slt, %sub3A_307, %lt3A_309 : vector<16xi32>
        %ge3A_311 = arith.constant 5000 : i32
        %ge3A_312 = vector.broadcast %ge3A_311 : i32 to vector<16xi32>
        %ge3A_313 = arith.cmpi sge, %sub3A_307, %ge3A_312 : vector<16xi32>
        %or3A_314 = arith.ori %lt3A_310, %ge3A_313 : vector<16xi1>
        %jit3A_315 = arith.constant 5000 : i32
        %broadcast_in_dim3A_316 = vector.broadcast %jit3A_315 : i32 to vector<16xi32>
        %select_n3A_317 = arith.select %or3A_314, %broadcast_in_dim3A_316, %sub3A_307 : vector<16xi1>, vector<16xi32>
        %swap3A_318 = arith.constant 1 : i32
        %swap3A_319 = arith.index_cast %swap3A_318 : i32 to index
        %swap3A_320 = arith.constant 32 : index
        %swap3A_321 = tpu.vector_load %arg9[%swap3A_319, %swap3A_320] {strides = array<i32>} : memref<2x64xi32, #tpu.memory_space<vmem>>, vector<1x16xi32>,
        %swap3A_322 = vector.shape_cast %swap3A_321 : vector<1x16xi32> to vector<16xi32>
        %swap3A_323 = vector.shape_cast %select_n3A_317 : vector<16xi32> to vector<1x16xi32>
        tpu.vector_store %arg9[%swap3A_319, %swap3A_320], %swap3A_323 {strides = array<i32>} : memref<2x64xi32, #tpu.memory_space<vmem>>, vector<1x16xi32>,
        %add3A_324 = arith.constant 10000 : i32
        %add3A_325 = vector.broadcast %add3A_324 : i32 to vector<16xi32>
        %add3A_326 = arith.addi %get3A_305, %add3A_325 : vector<16xi32>
        %swap3A_327 = arith.constant 224 : index
        %swap3A_328 = tpu.vector_load %arg8[%swap3A_327] {strides = array<i32>} : memref<256xi32, #tpu.memory_space<vmem>>, vector<16xi32>,
        %swap3A_329 = vector.shape_cast %swap3A_328 : vector<16xi32> to vector<16xi32>
        %swap3A_330 = vector.shape_cast %add3A_326 : vector<16xi32> to vector<16xi32>
        tpu.vector_store %arg8[%swap3A_327], %swap3A_330 {strides = array<i32>} : memref<256xi32, #tpu.memory_space<vmem>>, vector<16xi32>,
        %get3A_331 = arith.constant 240 : index
        %get3A_332 = tpu.vector_load %arg8[%get3A_331] {strides = array<i32>} : memref<256xi32, #tpu.memory_space<vmem>>, vector<16xi32>,
        %get3A_333 = vector.shape_cast %get3A_332 : vector<16xi32> to vector<16xi32>
        %sub3A_334 = vector.broadcast %mul3A_0 : i32 to vector<16xi32>
        %sub3A_335 = arith.subi %get3A_333, %sub3A_334 : vector<16xi32>
        %lt3A_336 = arith.constant 0 : i32
        %lt3A_337 = vector.broadcast %lt3A_336 : i32 to vector<16xi32>
        %lt3A_338 = arith.cmpi slt, %sub3A_335, %lt3A_337 : vector<16xi32>
        %ge3A_339 = arith.constant 5000 : i32
        %ge3A_340 = vector.broadcast %ge3A_339 : i32 to vector<16xi32>
        %ge3A_341 = arith.cmpi sge, %sub3A_335, %ge3A_340 : vector<16xi32>
        %or3A_342 = arith.ori %lt3A_338, %ge3A_341 : vector<16xi1>
        %jit3A_343 = arith.constant 5000 : i32
        %broadcast_in_dim3A_344 = vector.broadcast %jit3A_343 : i32 to vector<16xi32>
        %select_n3A_345 = arith.select %or3A_342, %broadcast_in_dim3A_344, %sub3A_335 : vector<16xi1>, vector<16xi32>
        %swap3A_346 = arith.constant 1 : i32
        %swap3A_347 = arith.index_cast %swap3A_346 : i32 to index
        %swap3A_348 = arith.constant 48 : index
        %swap3A_349 = tpu.vector_load %arg9[%swap3A_347, %swap3A_348] {strides = array<i32>} : memref<2x64xi32, #tpu.memory_space<vmem>>, vector<1x16xi32>,
        %swap3A_350 = vector.shape_cast %swap3A_349 : vector<1x16xi32> to vector<16xi32>
        %swap3A_351 = vector.shape_cast %select_n3A_345 : vector<16xi32> to vector<1x16xi32>
        tpu.vector_store %arg9[%swap3A_347, %swap3A_348], %swap3A_351 {strides = array<i32>} : memref<2x64xi32, #tpu.memory_space<vmem>>, vector<1x16xi32>,
        %add3A_352 = arith.constant 10000 : i32
        %add3A_353 = vector.broadcast %add3A_352 : i32 to vector<16xi32>
        %add3A_354 = arith.addi %get3A_333, %add3A_353 : vector<16xi32>
        %swap3A_355 = arith.constant 240 : index
        %swap3A_356 = tpu.vector_load %arg8[%swap3A_355] {strides = array<i32>} : memref<256xi32, #tpu.memory_space<vmem>>, vector<16xi32>,
        %swap3A_357 = vector.shape_cast %swap3A_356 : vector<16xi32> to vector<16xi32>
        %swap3A_358 = vector.shape_cast %add3A_354 : vector<16xi32> to vector<16xi32>
        tpu.vector_store %arg8[%swap3A_355], %swap3A_358 {strides = array<i32>} : memref<256xi32, #tpu.memory_space<vmem>>, vector<16xi32>,
        %dma_start3A = arith.constant 128 : i32
        %dma_start3A_359 = arith.constant 0 : i32
        %dma_start3A_360 = tpu.memref_slice %arg10[%dma_start3A, %dma_start3A_359] : memref<256x128xf32, #tpu.memory_space<vmem>> -> memref<64x128xf32, #tpu.memory_space<vmem>>
        %dma_start3A_361 = arith.constant 128 : i32
        %dma_start3A_362 = tpu.memref_slice %arg8[%dma_start3A_361] : memref<256xi32, #tpu.memory_space<vmem>> -> memref<64xi32, #tpu.memory_space<vmem>>
        %dma_start3A_363 = arith.constant 0 : i32
        %dma_start3A_364 = arith.constant 0 : i32
        %dma_start3A_365 = tpu.memref_slice %arg2[%dma_start3A_363, %dma_start3A_364] : memref<20000x128xf32, #tpu.memory_space<hbm>> -> memref<20000x128xf32, #tpu.memory_space<hbm>>
        tpu.enqueue_indirect_dma source(%dma_start3A_365 : memref<20000x128xf32, #tpu.memory_space<hbm>>) target(%dma_start3A_360 : memref<64x128xf32, #tpu.memory_space<vmem>>) offsets(%dma_start3A_362 : memref<64xi32, #tpu.memory_space<vmem>>) semaphore(%arg16 : memref<!tpu.dma_semaphore, #tpu.memory_space<semaphore_mem>>)
        %dma_start3A_366 = arith.constant 192 : i32
        %dma_start3A_367 = arith.constant 0 : i32
        %dma_start3A_368 = tpu.memref_slice %arg10[%dma_start3A_366, %dma_start3A_367] : memref<256x128xf32, #tpu.memory_space<vmem>> -> memref<64x128xf32, #tpu.memory_space<vmem>>
        %dma_start3A_369 = arith.constant 192 : i32
        %dma_start3A_370 = tpu.memref_slice %arg8[%dma_start3A_369] : memref<256xi32, #tpu.memory_space<vmem>> -> memref<64xi32, #tpu.memory_space<vmem>>
        %dma_start3A_371 = arith.constant 0 : i32
        %dma_start3A_372 = arith.constant 0 : i32
        %dma_start3A_373 = tpu.memref_slice %arg2[%dma_start3A_371, %dma_start3A_372] : memref<20000x128xf32, #tpu.memory_space<hbm>> -> memref<20000x128xf32, #tpu.memory_space<hbm>>
        tpu.enqueue_indirect_dma source(%dma_start3A_373 : memref<20000x128xf32, #tpu.memory_space<hbm>>) target(%dma_start3A_368 : memref<64x128xf32, #tpu.memory_space<vmem>>) offsets(%dma_start3A_370 : memref<64xi32, #tpu.memory_space<vmem>>) semaphore(%arg16 : memref<!tpu.dma_semaphore, #tpu.memory_space<semaphore_mem>>)
        %dma_start3A_374 = arith.constant 64 : i32
        %dma_start3A_375 = arith.constant 0 : i32
        %dma_start3A_376 = tpu.memref_slice %arg12[%dma_start3A_374, %dma_start3A_375] : memref<128x128xf32, #tpu.memory_space<vmem>> -> memref<64x128xf32, #tpu.memory_space<vmem>>
        %dma_start3A_377 = arith.constant 0 : i32
        %dma_start3A_378 = tpu.memref_slice %arg3[%mul3A_225, %dma_start3A_377] : memref<320000x128xf32, #tpu.memory_space<hbm>> -> memref<64x128xf32, #tpu.memory_space<hbm>>
        %dma_start3A_379 = arith.constant 64 : i32
        %dma_start3A_380 = arith.constant 0 : i32
        %dma_start3A_381 = tpu.memref_slice %arg12[%dma_start3A_379, %dma_start3A_380] : memref<128x128xf32, #tpu.memory_space<vmem>> -> memref<64x128xf32, #tpu.memory_space<vmem>>
        %dma_start3A_382 = arith.constant 0 : i32
        %dma_start3A_383 = tpu.memref_slice %arg3[%mul3A_225, %dma_start3A_382] : memref<320000x128xf32, #tpu.memory_space<hbm>> -> memref<64x128xf32, #tpu.memory_space<hbm>>
        tpu.enqueue_dma source(%dma_start3A_383 : memref<64x128xf32, #tpu.memory_space<hbm>>) target(%dma_start3A_381 : memref<64x128xf32, #tpu.memory_space<vmem>>) target_semaphore(%arg18 : memref<!tpu.dma_semaphore, #tpu.memory_space<semaphore_mem>>)
      } else {
      }
      %convert_element_type3A_244 = arith.extui %and3A_206 : i1 to i32
      %cond3A_245 = arith.constant 0 : i32
      %cond3A_246 = arith.cmpi ne, %convert_element_type3A_244, %cond3A_245 : i32
      scf.if %cond3A_246 {
        %convert_element_type3A_248 = arith.extui %or3A_213 : i1 to i32
        %cond3A_249 = arith.constant 0 : i32
        %cond3A_250 = arith.cmpi ne, %convert_element_type3A_248, %cond3A_249 : i32
        scf.if %cond3A_250 {
          %dma_wait3A_291 = arith.constant 1 : i32
          %dma_wait3A_292 = arith.constant 0 : i32
          %dma_wait3A_293 = tpu.memref_slice %arg9[%dma_wait3A_291, %dma_wait3A_292] : memref<2x64xi32, #tpu.memory_space<vmem>> -> memref<1x64xi32, #tpu.memory_space<vmem>>
          %dma_wait3A_294 = tpu.memref_squeeze %dma_wait3A_293 : memref<1x64xi32, #tpu.memory_space<vmem>> -> memref<64xi32, #tpu.memory_space<vmem>>
          %dma_wait3A_295 = arith.constant 0 : i32
          %dma_wait3A_296 = arith.constant 0 : i32
          %dma_wait3A_297 = tpu.memref_slice %arg14[%dma_wait3A_295, %dma_wait3A_296] : memref<5008x128xf32, #tpu.memory_space<vmem_shared>> -> memref<5008x128xf32, #tpu.memory_space<vmem_shared>>
          tpu.wait_indirect_dma semaphore(%arg19 : memref<!tpu.dma_semaphore, #tpu.memory_space<semaphore_mem>>) src(%arg11 : memref<64x128xf32, #tpu.memory_space<vmem>>) dst(%dma_wait3A_297 : memref<5008x128xf32, #tpu.memory_space<vmem_shared>>)
        } else {
        }
        %dma_wait3A = arith.constant 0 : i32
        %dma_wait3A_251 = arith.constant 0 : i32
        %dma_wait3A_252 = tpu.memref_slice %arg10[%dma_wait3A, %dma_wait3A_251] : memref<256x128xf32, #tpu.memory_space<vmem>> -> memref<64x128xf32, #tpu.memory_space<vmem>>
        %dma_wait3A_253 = arith.constant 0 : i32
        %dma_wait3A_254 = tpu.memref_slice %arg8[%dma_wait3A_253] : memref<256xi32, #tpu.memory_space<vmem>> -> memref<64xi32, #tpu.memory_space<vmem>>
        %dma_wait3A_255 = arith.constant 0 : i32
        %dma_wait3A_256 = arith.constant 0 : i32
        %dma_wait3A_257 = tpu.memref_slice %arg2[%dma_wait3A_255, %dma_wait3A_256] : memref<20000x128xf32, #tpu.memory_space<hbm>> -> memref<20000x128xf32, #tpu.memory_space<hbm>>
        tpu.wait_indirect_dma semaphore(%arg15 : memref<!tpu.dma_semaphore, #tpu.memory_space<semaphore_mem>>) src(%dma_wait3A_257 : memref<20000x128xf32, #tpu.memory_space<hbm>>) dst(%dma_wait3A_252 : memref<64x128xf32, #tpu.memory_space<vmem>>)
        %dma_wait3A_258 = arith.constant 64 : i32
        %dma_wait3A_259 = arith.constant 0 : i32
        %dma_wait3A_260 = tpu.memref_slice %arg10[%dma_wait3A_258, %dma_wait3A_259] : memref<256x128xf32, #tpu.memory_space<vmem>> -> memref<64x128xf32, #tpu.memory_space<vmem>>
        %dma_wait3A_261 = arith.constant 64 : i32
        %dma_wait3A_262 = tpu.memref_slice %arg8[%dma_wait3A_261] : memref<256xi32, #tpu.memory_space<vmem>> -> memref<64xi32, #tpu.memory_space<vmem>>
        %dma_wait3A_263 = arith.constant 0 : i32
        %dma_wait3A_264 = arith.constant 0 : i32
        %dma_wait3A_265 = tpu.memref_slice %arg2[%dma_wait3A_263, %dma_wait3A_264] : memref<20000x128xf32, #tpu.memory_space<hbm>> -> memref<20000x128xf32, #tpu.memory_space<hbm>>
        tpu.wait_indirect_dma semaphore(%arg15 : memref<!tpu.dma_semaphore, #tpu.memory_space<semaphore_mem>>) src(%dma_wait3A_265 : memref<20000x128xf32, #tpu.memory_space<hbm>>) dst(%dma_wait3A_260 : memref<64x128xf32, #tpu.memory_space<vmem>>)
        %dma_wait3A_266 = arith.constant 0 : i32
        %dma_wait3A_267 = arith.constant 0 : i32
        %dma_wait3A_268 = tpu.memref_slice %arg12[%dma_wait3A_266, %dma_wait3A_267] : memref<128x128xf32, #tpu.memory_space<vmem>> -> memref<64x128xf32, #tpu.memory_space<vmem>>
        %dma_wait3A_269 = arith.constant 0 : i32
        %dma_wait3A_270 = arith.constant 0 : i32
        %dma_wait3A_271 = tpu.memref_slice %arg3[%dma_wait3A_269, %dma_wait3A_270] : memref<320000x128xf32, #tpu.memory_space<hbm>> -> memref<64x128xf32, #tpu.memory_space<hbm>>
        %dma_wait3A_272 = arith.constant 0 : i32
        %dma_wait3A_273 = arith.constant 0 : i32
        %dma_wait3A_274 = tpu.memref_slice %arg12[%dma_wait3A_272, %dma_wait3A_273] : memref<128x128xf32, #tpu.memory_space<vmem>> -> memref<64x128xf32, #tpu.memory_space<vmem>>
        %dma_wait3A_275 = arith.constant 0 : i32
        %dma_wait3A_276 = arith.constant 0 : i32
        %dma_wait3A_277 = tpu.memref_slice %arg3[%dma_wait3A_275, %dma_wait3A_276] : memref<320000x128xf32, #tpu.memory_space<hbm>> -> memref<64x128xf32, #tpu.memory_space<hbm>>
        tpu.wait_dma2 semaphore(%arg17 : memref<!tpu.dma_semaphore, #tpu.memory_space<semaphore_mem>>) src(%dma_wait3A_277 : memref<64x128xf32, #tpu.memory_space<hbm>>) dst(%dma_wait3A_274 : memref<64x128xf32, #tpu.memory_space<vmem>>)
        %scan3A_278 = arith.constant 0 : i32
        %scan3A_279 = arith.constant 0 : i32
        %scan3A_280 = arith.constant 64 : i32
        %scan3A_281 = arith.addi %scan3A_279, %scan3A_280 : i32
        %scan3A_282 = arith.constant 1 : i32
        %scan3A_283 = scf.for %scan3A_291 = %scan3A_279 to %scan3A_281 step %scan3A_282 iter_args(%scan3A_292 = %scan3A_278) -> (i32)  : i32 {
          %add3A_293 = arith.constant 0 : i32
          %add3A_294 = arith.addi %add3A_293, %scan3A_291 : i32
          %get3A_295 = arith.index_cast %add3A_294 : i32 to index
          %get3A_296 = arith.constant 0 : index
          %get3A_297 = tpu.vector_load %arg10[%get3A_295, %get3A_296] {strides = array<i32>} : memref<256x128xf32, #tpu.memory_space<vmem>>, vector<1x16xf32>,
          %get3A_298 = vector.shape_cast %get3A_297 : vector<1x16xf32> to vector<16xf32>
          %add3A_299 = arith.constant 64 : i32
          %add3A_300 = arith.addi %add3A_299, %scan3A_291 : i32
          %get3A_301 = arith.index_cast %add3A_300 : i32 to index
          %get3A_302 = arith.constant 0 : index
          %get3A_303 = tpu.vector_load %arg10[%get3A_301, %get3A_302] {strides = array<i32>} : memref<256x128xf32, #tpu.memory_space<vmem>>, vector<1x16xf32>,
          %get3A_304 = vector.shape_cast %get3A_303 : vector<1x16xf32> to vector<16xf32>
          %add3A_305 = arith.addf %get3A_298, %get3A_304 : vector<16xf32>
          %add3A_306 = arith.constant 0 : i32
          %add3A_307 = arith.addi %add3A_306, %scan3A_291 : i32
          %get3A_308 = arith.index_cast %add3A_307 : i32 to index
          %get3A_309 = arith.constant 0 : index
          %get3A_310 = tpu.vector_load %arg12[%get3A_308, %get3A_309] {strides = array<i32>} : memref<128x128xf32, #tpu.memory_space<vmem>>, vector<1x16xf32>,
          %get3A_311 = vector.shape_cast %get3A_310 : vector<1x16xf32> to vector<16xf32>
          %add3A_312 = arith.addf %add3A_305, %get3A_311 : vector<16xf32>
          %mul3A_313 = arith.mulf %add3A_312, %get3A_2 : vector<16xf32>
          %exp3A = math.exp %mul3A_313 : vector<16xf32>
          %add3A_314 = arith.constant 1.000000e+00 : f32
          %add3A_315 = vector.broadcast %add3A_314 : f32 to vector<16xf32>
          %add3A_316 = arith.addf %add3A_315, %exp3A : vector<16xf32>
          %div3A_317 = arith.divf %add3A_312, %add3A_316 : vector<16xf32>
          %swap3A = arith.index_cast %scan3A_291 : i32 to index
          %swap3A_318 = arith.constant 0 : index
          %swap3A_319 = tpu.vector_load %arg11[%swap3A, %swap3A_318] {strides = array<i32>} : memref<64x128xf32, #tpu.memory_space<vmem>>, vector<1x16xf32>,
          %swap3A_320 = vector.shape_cast %swap3A_319 : vector<1x16xf32> to vector<16xf32>
          %swap3A_321 = vector.shape_cast %div3A_317 : vector<16xf32> to vector<1x16xf32>
          tpu.vector_store %arg11[%swap3A, %swap3A_318], %swap3A_321 {strides = array<i32>} : memref<64x128xf32, #tpu.memory_space<vmem>>, vector<1x16xf32>,
          %add3A_322 = arith.constant 0 : i32
          %add3A_323 = arith.addi %add3A_322, %scan3A_291 : i32
          %get3A_324 = arith.index_cast %add3A_323 : i32 to index
          %get3A_325 = arith.constant 16 : index
          %get3A_326 = tpu.vector_load %arg10[%get3A_324, %get3A_325] {strides = array<i32>} : memref<256x128xf32, #tpu.memory_space<vmem>>, vector<1x16xf32>,
          %get3A_327 = vector.shape_cast %get3A_326 : vector<1x16xf32> to vector<16xf32>
          %add3A_328 = arith.constant 64 : i32
          %add3A_329 = arith.addi %add3A_328, %scan3A_291 : i32
          %get3A_330 = arith.index_cast %add3A_329 : i32 to index
          %get3A_331 = arith.constant 16 : index
          %get3A_332 = tpu.vector_load %arg10[%get3A_330, %get3A_331] {strides = array<i32>} : memref<256x128xf32, #tpu.memory_space<vmem>>, vector<1x16xf32>,
          %get3A_333 = vector.shape_cast %get3A_332 : vector<1x16xf32> to vector<16xf32>
          %add3A_334 = arith.addf %get3A_327, %get3A_333 : vector<16xf32>
          %add3A_335 = arith.constant 0 : i32
          %add3A_336 = arith.addi %add3A_335, %scan3A_291 : i32
          %get3A_337 = arith.index_cast %add3A_336 : i32 to index
          %get3A_338 = arith.constant 16 : index
          %get3A_339 = tpu.vector_load %arg12[%get3A_337, %get3A_338] {strides = array<i32>} : memref<128x128xf32, #tpu.memory_space<vmem>>, vector<1x16xf32>,
          %get3A_340 = vector.shape_cast %get3A_339 : vector<1x16xf32> to vector<16xf32>
          %add3A_341 = arith.addf %add3A_334, %get3A_340 : vector<16xf32>
          %mul3A_342 = arith.mulf %add3A_341, %get3A_5 : vector<16xf32>
          %exp3A_343 = math.exp %mul3A_342 : vector<16xf32>
          %add3A_344 = arith.constant 1.000000e+00 : f32
          %add3A_345 = vector.broadcast %add3A_344 : f32 to vector<16xf32>
          %add3A_346 = arith.addf %add3A_345, %exp3A_343 : vector<16xf32>
          %div3A_347 = arith.divf %add3A_341, %add3A_346 : vector<16xf32>
          %swap3A_348 = arith.index_cast %scan3A_291 : i32 to index
          %swap3A_349 = arith.constant 16 : index
          %swap3A_350 = tpu.vector_load %arg11[%swap3A_348, %swap3A_349] {strides = array<i32>} : memref<64x128xf32, #tpu.memory_space<vmem>>, vector<1x16xf32>,
          %swap3A_351 = vector.shape_cast %swap3A_350 : vector<1x16xf32> to vector<16xf32>
          %swap3A_352 = vector.shape_cast %div3A_347 : vector<16xf32> to vector<1x16xf32>
          tpu.vector_store %arg11[%swap3A_348, %swap3A_349], %swap3A_352 {strides = array<i32>} : memref<64x128xf32, #tpu.memory_space<vmem>>, vector<1x16xf32>,
          %add3A_353 = arith.constant 0 : i32
          %add3A_354 = arith.addi %add3A_353, %scan3A_291 : i32
          %get3A_355 = arith.index_cast %add3A_354 : i32 to index
          %get3A_356 = arith.constant 32 : index
          %get3A_357 = tpu.vector_load %arg10[%get3A_355, %get3A_356] {strides = array<i32>} : memref<256x128xf32, #tpu.memory_space<vmem>>, vector<1x16xf32>,
          %get3A_358 = vector.shape_cast %get3A_357 : vector<1x16xf32> to vector<16xf32>
          %add3A_359 = arith.constant 64 : i32
          %add3A_360 = arith.addi %add3A_359, %scan3A_291 : i32
          %get3A_361 = arith.index_cast %add3A_360 : i32 to index
          %get3A_362 = arith.constant 32 : index
          %get3A_363 = tpu.vector_load %arg10[%get3A_361, %get3A_362] {strides = array<i32>} : memref<256x128xf32, #tpu.memory_space<vmem>>, vector<1x16xf32>,
          %get3A_364 = vector.shape_cast %get3A_363 : vector<1x16xf32> to vector<16xf32>
          %add3A_365 = arith.addf %get3A_358, %get3A_364 : vector<16xf32>
          %add3A_366 = arith.constant 0 : i32
          %add3A_367 = arith.addi %add3A_366, %scan3A_291 : i32
          %get3A_368 = arith.index_cast %add3A_367 : i32 to index
          %get3A_369 = arith.constant 32 : index
          %get3A_370 = tpu.vector_load %arg12[%get3A_368, %get3A_369] {strides = array<i32>} : memref<128x128xf32, #tpu.memory_space<vmem>>, vector<1x16xf32>,
          %get3A_371 = vector.shape_cast %get3A_370 : vector<1x16xf32> to vector<16xf32>
          %add3A_372 = arith.addf %add3A_365, %get3A_371 : vector<16xf32>
          %mul3A_373 = arith.mulf %add3A_372, %get3A_8 : vector<16xf32>
          %exp3A_374 = math.exp %mul3A_373 : vector<16xf32>
          %add3A_375 = arith.constant 1.000000e+00 : f32
          %add3A_376 = vector.broadcast %add3A_375 : f32 to vector<16xf32>
          %add3A_377 = arith.addf %add3A_376, %exp3A_374 : vector<16xf32>
          %div3A_378 = arith.divf %add3A_372, %add3A_377 : vector<16xf32>
          %swap3A_379 = arith.index_cast %scan3A_291 : i32 to index
          %swap3A_380 = arith.constant 32 : index
          %swap3A_381 = tpu.vector_load %arg11[%swap3A_379, %swap3A_380] {strides = array<i32>} : memref<64x128xf32, #tpu.memory_space<vmem>>, vector<1x16xf32>,
          %swap3A_382 = vector.shape_cast %swap3A_381 : vector<1x16xf32> to vector<16xf32>
          %swap3A_383 = vector.shape_cast %div3A_378 : vector<16xf32> to vector<1x16xf32>
          tpu.vector_store %arg11[%swap3A_379, %swap3A_380], %swap3A_383 {strides = array<i32>} : memref<64x128xf32, #tpu.memory_space<vmem>>, vector<1x16xf32>,
          %add3A_384 = arith.constant 0 : i32
          %add3A_385 = arith.addi %add3A_384, %scan3A_291 : i32
          %get3A_386 = arith.index_cast %add3A_385 : i32 to index
          %get3A_387 = arith.constant 48 : index
          %get3A_388 = tpu.vector_load %arg10[%get3A_386, %get3A_387] {strides = array<i32>} : memref<256x128xf32, #tpu.memory_space<vmem>>, vector<1x16xf32>,
          %get3A_389 = vector.shape_cast %get3A_388 : vector<1x16xf32> to vector<16xf32>
          %add3A_390 = arith.constant 64 : i32
          %add3A_391 = arith.addi %add3A_390, %scan3A_291 : i32
          %get3A_392 = arith.index_cast %add3A_391 : i32 to index
          %get3A_393 = arith.constant 48 : index
          %get3A_394 = tpu.vector_load %arg10[%get3A_392, %get3A_393] {strides = array<i32>} : memref<256x128xf32, #tpu.memory_space<vmem>>, vector<1x16xf32>,
          %get3A_395 = vector.shape_cast %get3A_394 : vector<1x16xf32> to vector<16xf32>
          %add3A_396 = arith.addf %get3A_389, %get3A_395 : vector<16xf32>
          %add3A_397 = arith.constant 0 : i32
          %add3A_398 = arith.addi %add3A_397, %scan3A_291 : i32
          %get3A_399 = arith.index_cast %add3A_398 : i32 to index
          %get3A_400 = arith.constant 48 : index
          %get3A_401 = tpu.vector_load %arg12[%get3A_399, %get3A_400] {strides = array<i32>} : memref<128x128xf32, #tpu.memory_space<vmem>>, vector<1x16xf32>,
          %get3A_402 = vector.shape_cast %get3A_401 : vector<1x16xf32> to vector<16xf32>
          %add3A_403 = arith.addf %add3A_396, %get3A_402 : vector<16xf32>
          %mul3A_404 = arith.mulf %add3A_403, %get3A_11 : vector<16xf32>
          %exp3A_405 = math.exp %mul3A_404 : vector<16xf32>
          %add3A_406 = arith.constant 1.000000e+00 : f32
          %add3A_407 = vector.broadcast %add3A_406 : f32 to vector<16xf32>
          %add3A_408 = arith.addf %add3A_407, %exp3A_405 : vector<16xf32>
          %div3A_409 = arith.divf %add3A_403, %add3A_408 : vector<16xf32>
          %swap3A_410 = arith.index_cast %scan3A_291 : i32 to index
          %swap3A_411 = arith.constant 48 : index
          %swap3A_412 = tpu.vector_load %arg11[%swap3A_410, %swap3A_411] {strides = array<i32>} : memref<64x128xf32, #tpu.memory_space<vmem>>, vector<1x16xf32>,
          %swap3A_413 = vector.shape_cast %swap3A_412 : vector<1x16xf32> to vector<16xf32>
          %swap3A_414 = vector.shape_cast %div3A_409 : vector<16xf32> to vector<1x16xf32>
          tpu.vector_store %arg11[%swap3A_410, %swap3A_411], %swap3A_414 {strides = array<i32>} : memref<64x128xf32, #tpu.memory_space<vmem>>, vector<1x16xf32>,
          %add3A_415 = arith.constant 0 : i32
          %add3A_416 = arith.addi %add3A_415, %scan3A_291 : i32
          %get3A_417 = arith.index_cast %add3A_416 : i32 to index
          %get3A_418 = arith.constant 64 : index
          %get3A_419 = tpu.vector_load %arg10[%get3A_417, %get3A_418] {strides = array<i32>} : memref<256x128xf32, #tpu.memory_space<vmem>>, vector<1x16xf32>,
          %get3A_420 = vector.shape_cast %get3A_419 : vector<1x16xf32> to vector<16xf32>
          %add3A_421 = arith.constant 64 : i32
          %add3A_422 = arith.addi %add3A_421, %scan3A_291 : i32
          %get3A_423 = arith.index_cast %add3A_422 : i32 to index
          %get3A_424 = arith.constant 64 : index
          %get3A_425 = tpu.vector_load %arg10[%get3A_423, %get3A_424] {strides = array<i32>} : memref<256x128xf32, #tpu.memory_space<vmem>>, vector<1x16xf32>,
          %get3A_426 = vector.shape_cast %get3A_425 : vector<1x16xf32> to vector<16xf32>
          %add3A_427 = arith.addf %get3A_420, %get3A_426 : vector<16xf32>
          %add3A_428 = arith.constant 0 : i32
          %add3A_429 = arith.addi %add3A_428, %scan3A_291 : i32
          %get3A_430 = arith.index_cast %add3A_429 : i32 to index
          %get3A_431 = arith.constant 64 : index
          %get3A_432 = tpu.vector_load %arg12[%get3A_430, %get3A_431] {strides = array<i32>} : memref<128x128xf32, #tpu.memory_space<vmem>>, vector<1x16xf32>,
          %get3A_433 = vector.shape_cast %get3A_432 : vector<1x16xf32> to vector<16xf32>
          %add3A_434 = arith.addf %add3A_427, %get3A_433 : vector<16xf32>
          %mul3A_435 = arith.mulf %add3A_434, %get3A_14 : vector<16xf32>
          %exp3A_436 = math.exp %mul3A_435 : vector<16xf32>
          %add3A_437 = arith.constant 1.000000e+00 : f32
          %add3A_438 = vector.broadcast %add3A_437 : f32 to vector<16xf32>
          %add3A_439 = arith.addf %add3A_438, %exp3A_436 : vector<16xf32>
          %div3A_440 = arith.divf %add3A_434, %add3A_439 : vector<16xf32>
          %swap3A_441 = arith.index_cast %scan3A_291 : i32 to index
          %swap3A_442 = arith.constant 64 : index
          %swap3A_443 = tpu.vector_load %arg11[%swap3A_441, %swap3A_442] {strides = array<i32>} : memref<64x128xf32, #tpu.memory_space<vmem>>, vector<1x16xf32>,
          %swap3A_444 = vector.shape_cast %swap3A_443 : vector<1x16xf32> to vector<16xf32>
          %swap3A_445 = vector.shape_cast %div3A_440 : vector<16xf32> to vector<1x16xf32>
          tpu.vector_store %arg11[%swap3A_441, %swap3A_442], %swap3A_445 {strides = array<i32>} : memref<64x128xf32, #tpu.memory_space<vmem>>, vector<1x16xf32>,
          %add3A_446 = arith.constant 0 : i32
          %add3A_447 = arith.addi %add3A_446, %scan3A_291 : i32
          %get3A_448 = arith.index_cast %add3A_447 : i32 to index
          %get3A_449 = arith.constant 80 : index
          %get3A_450 = tpu.vector_load %arg10[%get3A_448, %get3A_449] {strides = array<i32>} : memref<256x128xf32, #tpu.memory_space<vmem>>, vector<1x16xf32>,
          %get3A_451 = vector.shape_cast %get3A_450 : vector<1x16xf32> to vector<16xf32>
          %add3A_452 = arith.constant 64 : i32
          %add3A_453 = arith.addi %add3A_452, %scan3A_291 : i32
          %get3A_454 = arith.index_cast %add3A_453 : i32 to index
          %get3A_455 = arith.constant 80 : index
          %get3A_456 = tpu.vector_load %arg10[%get3A_454, %get3A_455] {strides = array<i32>} : memref<256x128xf32, #tpu.memory_space<vmem>>, vector<1x16xf32>,
          %get3A_457 = vector.shape_cast %get3A_456 : vector<1x16xf32> to vector<16xf32>
          %add3A_458 = arith.addf %get3A_451, %get3A_457 : vector<16xf32>
          %add3A_459 = arith.constant 0 : i32
          %add3A_460 = arith.addi %add3A_459, %scan3A_291 : i32
          %get3A_461 = arith.index_cast %add3A_460 : i32 to index
          %get3A_462 = arith.constant 80 : index
          %get3A_463 = tpu.vector_load %arg12[%get3A_461, %get3A_462] {strides = array<i32>} : memref<128x128xf32, #tpu.memory_space<vmem>>, vector<1x16xf32>,
          %get3A_464 = vector.shape_cast %get3A_463 : vector<1x16xf32> to vector<16xf32>
          %add3A_465 = arith.addf %add3A_458, %get3A_464 : vector<16xf32>
          %mul3A_466 = arith.mulf %add3A_465, %get3A_17 : vector<16xf32>
          %exp3A_467 = math.exp %mul3A_466 : vector<16xf32>
          %add3A_468 = arith.constant 1.000000e+00 : f32
          %add3A_469 = vector.broadcast %add3A_468 : f32 to vector<16xf32>
          %add3A_470 = arith.addf %add3A_469, %exp3A_467 : vector<16xf32>
          %div3A_471 = arith.divf %add3A_465, %add3A_470 : vector<16xf32>
          %swap3A_472 = arith.index_cast %scan3A_291 : i32 to index
          %swap3A_473 = arith.constant 80 : index
          %swap3A_474 = tpu.vector_load %arg11[%swap3A_472, %swap3A_473] {strides = array<i32>} : memref<64x128xf32, #tpu.memory_space<vmem>>, vector<1x16xf32>,
          %swap3A_475 = vector.shape_cast %swap3A_474 : vector<1x16xf32> to vector<16xf32>
          %swap3A_476 = vector.shape_cast %div3A_471 : vector<16xf32> to vector<1x16xf32>
          tpu.vector_store %arg11[%swap3A_472, %swap3A_473], %swap3A_476 {strides = array<i32>} : memref<64x128xf32, #tpu.memory_space<vmem>>, vector<1x16xf32>,
          %add3A_477 = arith.constant 0 : i32
          %add3A_478 = arith.addi %add3A_477, %scan3A_291 : i32
          %get3A_479 = arith.index_cast %add3A_478 : i32 to index
          %get3A_480 = arith.constant 96 : index
          %get3A_481 = tpu.vector_load %arg10[%get3A_479, %get3A_480] {strides = array<i32>} : memref<256x128xf32, #tpu.memory_space<vmem>>, vector<1x16xf32>,
          %get3A_482 = vector.shape_cast %get3A_481 : vector<1x16xf32> to vector<16xf32>
          %add3A_483 = arith.constant 64 : i32
          %add3A_484 = arith.addi %add3A_483, %scan3A_291 : i32
          %get3A_485 = arith.index_cast %add3A_484 : i32 to index
          %get3A_486 = arith.constant 96 : index
          %get3A_487 = tpu.vector_load %arg10[%get3A_485, %get3A_486] {strides = array<i32>} : memref<256x128xf32, #tpu.memory_space<vmem>>, vector<1x16xf32>,
          %get3A_488 = vector.shape_cast %get3A_487 : vector<1x16xf32> to vector<16xf32>
          %add3A_489 = arith.addf %get3A_482, %get3A_488 : vector<16xf32>
          %add3A_490 = arith.constant 0 : i32
          %add3A_491 = arith.addi %add3A_490, %scan3A_291 : i32
          %get3A_492 = arith.index_cast %add3A_491 : i32 to index
          %get3A_493 = arith.constant 96 : index
          %get3A_494 = tpu.vector_load %arg12[%get3A_492, %get3A_493] {strides = array<i32>} : memref<128x128xf32, #tpu.memory_space<vmem>>, vector<1x16xf32>,
          %get3A_495 = vector.shape_cast %get3A_494 : vector<1x16xf32> to vector<16xf32>
          %add3A_496 = arith.addf %add3A_489, %get3A_495 : vector<16xf32>
          %mul3A_497 = arith.mulf %add3A_496, %get3A_20 : vector<16xf32>
          %exp3A_498 = math.exp %mul3A_497 : vector<16xf32>
          %add3A_499 = arith.constant 1.000000e+00 : f32
          %add3A_500 = vector.broadcast %add3A_499 : f32 to vector<16xf32>
          %add3A_501 = arith.addf %add3A_500, %exp3A_498 : vector<16xf32>
          %div3A_502 = arith.divf %add3A_496, %add3A_501 : vector<16xf32>
          %swap3A_503 = arith.index_cast %scan3A_291 : i32 to index
          %swap3A_504 = arith.constant 96 : index
          %swap3A_505 = tpu.vector_load %arg11[%swap3A_503, %swap3A_504] {strides = array<i32>} : memref<64x128xf32, #tpu.memory_space<vmem>>, vector<1x16xf32>,
          %swap3A_506 = vector.shape_cast %swap3A_505 : vector<1x16xf32> to vector<16xf32>
          %swap3A_507 = vector.shape_cast %div3A_502 : vector<16xf32> to vector<1x16xf32>
          tpu.vector_store %arg11[%swap3A_503, %swap3A_504], %swap3A_507 {strides = array<i32>} : memref<64x128xf32, #tpu.memory_space<vmem>>, vector<1x16xf32>,
          %add3A_508 = arith.constant 0 : i32
          %add3A_509 = arith.addi %add3A_508, %scan3A_291 : i32
          %get3A_510 = arith.index_cast %add3A_509 : i32 to index
          %get3A_511 = arith.constant 112 : index
          %get3A_512 = tpu.vector_load %arg10[%get3A_510, %get3A_511] {strides = array<i32>} : memref<256x128xf32, #tpu.memory_space<vmem>>, vector<1x16xf32>,
          %get3A_513 = vector.shape_cast %get3A_512 : vector<1x16xf32> to vector<16xf32>
          %add3A_514 = arith.constant 64 : i32
          %add3A_515 = arith.addi %add3A_514, %scan3A_291 : i32
          %get3A_516 = arith.index_cast %add3A_515 : i32 to index
          %get3A_517 = arith.constant 112 : index
          %get3A_518 = tpu.vector_load %arg10[%get3A_516, %get3A_517] {strides = array<i32>} : memref<256x128xf32, #tpu.memory_space<vmem>>, vector<1x16xf32>,
          %get3A_519 = vector.shape_cast %get3A_518 : vector<1x16xf32> to vector<16xf32>
          %add3A_520 = arith.addf %get3A_513, %get3A_519 : vector<16xf32>
          %add3A_521 = arith.constant 0 : i32
          %add3A_522 = arith.addi %add3A_521, %scan3A_291 : i32
          %get3A_523 = arith.index_cast %add3A_522 : i32 to index
          %get3A_524 = arith.constant 112 : index
          %get3A_525 = tpu.vector_load %arg12[%get3A_523, %get3A_524] {strides = array<i32>} : memref<128x128xf32, #tpu.memory_space<vmem>>, vector<1x16xf32>,
          %get3A_526 = vector.shape_cast %get3A_525 : vector<1x16xf32> to vector<16xf32>
          %add3A_527 = arith.addf %add3A_520, %get3A_526 : vector<16xf32>
          %mul3A_528 = arith.mulf %add3A_527, %get3A_23 : vector<16xf32>
          %exp3A_529 = math.exp %mul3A_528 : vector<16xf32>
          %add3A_530 = arith.constant 1.000000e+00 : f32
          %add3A_531 = vector.broadcast %add3A_530 : f32 to vector<16xf32>
          %add3A_532 = arith.addf %add3A_531, %exp3A_529 : vector<16xf32>
          %div3A_533 = arith.divf %add3A_527, %add3A_532 : vector<16xf32>
          %swap3A_534 = arith.index_cast %scan3A_291 : i32 to index
          %swap3A_535 = arith.constant 112 : index
          %swap3A_536 = tpu.vector_load %arg11[%swap3A_534, %swap3A_535] {strides = array<i32>} : memref<64x128xf32, #tpu.memory_space<vmem>>, vector<1x16xf32>,
          %swap3A_537 = vector.shape_cast %swap3A_536 : vector<1x16xf32> to vector<16xf32>
          %swap3A_538 = vector.shape_cast %div3A_533 : vector<16xf32> to vector<1x16xf32>
          tpu.vector_store %arg11[%swap3A_534, %swap3A_535], %swap3A_538 {strides = array<i32>} : memref<64x128xf32, #tpu.memory_space<vmem>>, vector<1x16xf32>,
          %scan3A_539 = arith.constant 0 : i32
          scf.yield %scan3A_539 : i32
        }
        %scan3A_284 = arith.constant 64 : i32
        %dma_start3A = arith.constant 0 : i32
        %dma_start3A_285 = arith.constant 0 : i32
        %dma_start3A_286 = tpu.memref_slice %arg9[%dma_start3A, %dma_start3A_285] : memref<2x64xi32, #tpu.memory_space<vmem>> -> memref<1x64xi32, #tpu.memory_space<vmem>>
        %dma_start3A_287 = tpu.memref_squeeze %dma_start3A_286 : memref<1x64xi32, #tpu.memory_space<vmem>> -> memref<64xi32, #tpu.memory_space<vmem>>
        %dma_start3A_288 = arith.constant 0 : i32
        %dma_start3A_289 = arith.constant 0 : i32
        %dma_start3A_290 = tpu.memref_slice %arg14[%dma_start3A_288, %dma_start3A_289] : memref<5008x128xf32, #tpu.memory_space<vmem_shared>> -> memref<5008x128xf32, #tpu.memory_space<vmem_shared>>
        tpu.enqueue_indirect_dma source(%arg11 : memref<64x128xf32, #tpu.memory_space<vmem>>) target(%dma_start3A_290 : memref<5008x128xf32, #tpu.memory_space<vmem_shared>>) offsets(%dma_start3A_287 : memref<64xi32, #tpu.memory_space<vmem>>) semaphore(%arg19 : memref<!tpu.dma_semaphore, #tpu.memory_space<semaphore_mem>>) {add = true}
      } else {
      }
      %or3A_247 = arith.ori %and3A_206, %or3A_213 : i1
      scf.yield %and3A_240, %or3A_247 : i1, i1
    }
    %convert_element_type3A_132 = arith.extui %while3A_131#0 : i1 to i32
    %cond3A_133 = arith.constant 0 : i32
    %cond3A_134 = arith.cmpi ne, %convert_element_type3A_132, %cond3A_133 : i32
    scf.if %cond3A_134 {
      %convert_element_type3A_184 = arith.extui %while3A_131#1 : i1 to i32
      %cond3A_185 = arith.constant 0 : i32
      %cond3A_186 = arith.cmpi ne, %convert_element_type3A_184, %cond3A_185 : i32
      scf.if %cond3A_186 {
        %dma_wait3A_227 = arith.constant 0 : i32
        %dma_wait3A_228 = arith.constant 0 : i32
        %dma_wait3A_229 = tpu.memref_slice %arg9[%dma_wait3A_227, %dma_wait3A_228] : memref<2x64xi32, #tpu.memory_space<vmem>> -> memref<1x64xi32, #tpu.memory_space<vmem>>
        %dma_wait3A_230 = tpu.memref_squeeze %dma_wait3A_229 : memref<1x64xi32, #tpu.memory_space<vmem>> -> memref<64xi32, #tpu.memory_space<vmem>>
        %dma_wait3A_231 = arith.constant 0 : i32
        %dma_wait3A_232 = arith.constant 0 : i32
        %dma_wait3A_233 = tpu.memref_slice %arg14[%dma_wait3A_231, %dma_wait3A_232] : memref<5008x128xf32, #tpu.memory_space<vmem_shared>> -> memref<5008x128xf32, #tpu.memory_space<vmem_shared>>
        tpu.wait_indirect_dma semaphore(%arg19 : memref<!tpu.dma_semaphore, #tpu.memory_space<semaphore_mem>>) src(%arg11 : memref<64x128xf32, #tpu.memory_space<vmem>>) dst(%dma_wait3A_233 : memref<5008x128xf32, #tpu.memory_space<vmem_shared>>)
      } else {
      }
      %dma_wait3A = arith.constant 128 : i32
      %dma_wait3A_187 = arith.constant 0 : i32
      %dma_wait3A_188 = tpu.memref_slice %arg10[%dma_wait3A, %dma_wait3A_187] : memref<256x128xf32, #tpu.memory_space<vmem>> -> memref<64x128xf32, #tpu.memory_space<vmem>>
      %dma_wait3A_189 = arith.constant 128 : i32
      %dma_wait3A_190 = tpu.memref_slice %arg8[%dma_wait3A_189] : memref<256xi32, #tpu.memory_space<vmem>> -> memref<64xi32, #tpu.memory_space<vmem>>
      %dma_wait3A_191 = arith.constant 0 : i32
      %dma_wait3A_192 = arith.constant 0 : i32
      %dma_wait3A_193 = tpu.memref_slice %arg2[%dma_wait3A_191, %dma_wait3A_192] : memref<20000x128xf32, #tpu.memory_space<hbm>> -> memref<20000x128xf32, #tpu.memory_space<hbm>>
      tpu.wait_indirect_dma semaphore(%arg16 : memref<!tpu.dma_semaphore, #tpu.memory_space<semaphore_mem>>) src(%dma_wait3A_193 : memref<20000x128xf32, #tpu.memory_space<hbm>>) dst(%dma_wait3A_188 : memref<64x128xf32, #tpu.memory_space<vmem>>)
      %dma_wait3A_194 = arith.constant 192 : i32
      %dma_wait3A_195 = arith.constant 0 : i32
      %dma_wait3A_196 = tpu.memref_slice %arg10[%dma_wait3A_194, %dma_wait3A_195] : memref<256x128xf32, #tpu.memory_space<vmem>> -> memref<64x128xf32, #tpu.memory_space<vmem>>
      %dma_wait3A_197 = arith.constant 192 : i32
      %dma_wait3A_198 = tpu.memref_slice %arg8[%dma_wait3A_197] : memref<256xi32, #tpu.memory_space<vmem>> -> memref<64xi32, #tpu.memory_space<vmem>>
      %dma_wait3A_199 = arith.constant 0 : i32
      %dma_wait3A_200 = arith.constant 0 : i32
      %dma_wait3A_201 = tpu.memref_slice %arg2[%dma_wait3A_199, %dma_wait3A_200] : memref<20000x128xf32, #tpu.memory_space<hbm>> -> memref<20000x128xf32, #tpu.memory_space<hbm>>
      tpu.wait_indirect_dma semaphore(%arg16 : memref<!tpu.dma_semaphore, #tpu.memory_space<semaphore_mem>>) src(%dma_wait3A_201 : memref<20000x128xf32, #tpu.memory_space<hbm>>) dst(%dma_wait3A_196 : memref<64x128xf32, #tpu.memory_space<vmem>>)
      %dma_wait3A_202 = arith.constant 64 : i32
      %dma_wait3A_203 = arith.constant 0 : i32
      %dma_wait3A_204 = tpu.memref_slice %arg12[%dma_wait3A_202, %dma_wait3A_203] : memref<128x128xf32, #tpu.memory_space<vmem>> -> memref<64x128xf32, #tpu.memory_space<vmem>>
      %dma_wait3A_205 = arith.constant 0 : i32
      %dma_wait3A_206 = arith.constant 0 : i32
      %dma_wait3A_207 = tpu.memref_slice %arg3[%dma_wait3A_205, %dma_wait3A_206] : memref<320000x128xf32, #tpu.memory_space<hbm>> -> memref<64x128xf32, #tpu.memory_space<hbm>>
      %dma_wait3A_208 = arith.constant 64 : i32
      %dma_wait3A_209 = arith.constant 0 : i32
      %dma_wait3A_210 = tpu.memref_slice %arg12[%dma_wait3A_208, %dma_wait3A_209] : memref<128x128xf32, #tpu.memory_space<vmem>> -> memref<64x128xf32, #tpu.memory_space<vmem>>
      %dma_wait3A_211 = arith.constant 0 : i32
      %dma_wait3A_212 = arith.constant 0 : i32
      %dma_wait3A_213 = tpu.memref_slice %arg3[%dma_wait3A_211, %dma_wait3A_212] : memref<320000x128xf32, #tpu.memory_space<hbm>> -> memref<64x128xf32, #tpu.memory_space<hbm>>
      tpu.wait_dma2 semaphore(%arg18 : memref<!tpu.dma_semaphore, #tpu.memory_space<semaphore_mem>>) src(%dma_wait3A_213 : memref<64x128xf32, #tpu.memory_space<hbm>>) dst(%dma_wait3A_210 : memref<64x128xf32, #tpu.memory_space<vmem>>)
      %scan3A_214 = arith.constant 0 : i32
      %scan3A_215 = arith.constant 0 : i32
      %scan3A_216 = arith.constant 64 : i32
      %scan3A_217 = arith.addi %scan3A_215, %scan3A_216 : i32
      %scan3A_218 = arith.constant 1 : i32
      %scan3A_219 = scf.for %scan3A_227 = %scan3A_215 to %scan3A_217 step %scan3A_218 iter_args(%scan3A_228 = %scan3A_214) -> (i32)  : i32 {
        %add3A_229 = arith.constant 128 : i32
        %add3A_230 = arith.addi %add3A_229, %scan3A_227 : i32
        %get3A_231 = arith.index_cast %add3A_230 : i32 to index
        %get3A_232 = arith.constant 0 : index
        %get3A_233 = tpu.vector_load %arg10[%get3A_231, %get3A_232] {strides = array<i32>} : memref<256x128xf32, #tpu.memory_space<vmem>>, vector<1x16xf32>,
        %get3A_234 = vector.shape_cast %get3A_233 : vector<1x16xf32> to vector<16xf32>
        %add3A_235 = arith.constant 192 : i32
        %add3A_236 = arith.addi %add3A_235, %scan3A_227 : i32
        %get3A_237 = arith.index_cast %add3A_236 : i32 to index
        %get3A_238 = arith.constant 0 : index
        %get3A_239 = tpu.vector_load %arg10[%get3A_237, %get3A_238] {strides = array<i32>} : memref<256x128xf32, #tpu.memory_space<vmem>>, vector<1x16xf32>,
        %get3A_240 = vector.shape_cast %get3A_239 : vector<1x16xf32> to vector<16xf32>
        %add3A_241 = arith.addf %get3A_234, %get3A_240 : vector<16xf32>
        %add3A_242 = arith.constant 64 : i32
        %add3A_243 = arith.addi %add3A_242, %scan3A_227 : i32
        %get3A_244 = arith.index_cast %add3A_243 : i32 to index
        %get3A_245 = arith.constant 0 : index
        %get3A_246 = tpu.vector_load %arg12[%get3A_244, %get3A_245] {strides = array<i32>} : memref<128x128xf32, #tpu.memory_space<vmem>>, vector<1x16xf32>,
        %get3A_247 = vector.shape_cast %get3A_246 : vector<1x16xf32> to vector<16xf32>
        %add3A_248 = arith.addf %add3A_241, %get3A_247 : vector<16xf32>
        %mul3A_249 = arith.mulf %add3A_248, %get3A_2 : vector<16xf32>
        %exp3A = math.exp %mul3A_249 : vector<16xf32>
        %add3A_250 = arith.constant 1.000000e+00 : f32
        %add3A_251 = vector.broadcast %add3A_250 : f32 to vector<16xf32>
        %add3A_252 = arith.addf %add3A_251, %exp3A : vector<16xf32>
        %div3A_253 = arith.divf %add3A_248, %add3A_252 : vector<16xf32>
        %swap3A = arith.index_cast %scan3A_227 : i32 to index
        %swap3A_254 = arith.constant 0 : index
        %swap3A_255 = tpu.vector_load %arg11[%swap3A, %swap3A_254] {strides = array<i32>} : memref<64x128xf32, #tpu.memory_space<vmem>>, vector<1x16xf32>,
        %swap3A_256 = vector.shape_cast %swap3A_255 : vector<1x16xf32> to vector<16xf32>
        %swap3A_257 = vector.shape_cast %div3A_253 : vector<16xf32> to vector<1x16xf32>
        tpu.vector_store %arg11[%swap3A, %swap3A_254], %swap3A_257 {strides = array<i32>} : memref<64x128xf32, #tpu.memory_space<vmem>>, vector<1x16xf32>,
        %add3A_258 = arith.constant 128 : i32
        %add3A_259 = arith.addi %add3A_258, %scan3A_227 : i32
        %get3A_260 = arith.index_cast %add3A_259 : i32 to index
        %get3A_261 = arith.constant 16 : index
        %get3A_262 = tpu.vector_load %arg10[%get3A_260, %get3A_261] {strides = array<i32>} : memref<256x128xf32, #tpu.memory_space<vmem>>, vector<1x16xf32>,
        %get3A_263 = vector.shape_cast %get3A_262 : vector<1x16xf32> to vector<16xf32>
        %add3A_264 = arith.constant 192 : i32
        %add3A_265 = arith.addi %add3A_264, %scan3A_227 : i32
        %get3A_266 = arith.index_cast %add3A_265 : i32 to index
        %get3A_267 = arith.constant 16 : index
        %get3A_268 = tpu.vector_load %arg10[%get3A_266, %get3A_267] {strides = array<i32>} : memref<256x128xf32, #tpu.memory_space<vmem>>, vector<1x16xf32>,
        %get3A_269 = vector.shape_cast %get3A_268 : vector<1x16xf32> to vector<16xf32>
        %add3A_270 = arith.addf %get3A_263, %get3A_269 : vector<16xf32>
        %add3A_271 = arith.constant 64 : i32
        %add3A_272 = arith.addi %add3A_271, %scan3A_227 : i32
        %get3A_273 = arith.index_cast %add3A_272 : i32 to index
        %get3A_274 = arith.constant 16 : index
        %get3A_275 = tpu.vector_load %arg12[%get3A_273, %get3A_274] {strides = array<i32>} : memref<128x128xf32, #tpu.memory_space<vmem>>, vector<1x16xf32>,
        %get3A_276 = vector.shape_cast %get3A_275 : vector<1x16xf32> to vector<16xf32>
        %add3A_277 = arith.addf %add3A_270, %get3A_276 : vector<16xf32>
        %mul3A_278 = arith.mulf %add3A_277, %get3A_5 : vector<16xf32>
        %exp3A_279 = math.exp %mul3A_278 : vector<16xf32>
        %add3A_280 = arith.constant 1.000000e+00 : f32
        %add3A_281 = vector.broadcast %add3A_280 : f32 to vector<16xf32>
        %add3A_282 = arith.addf %add3A_281, %exp3A_279 : vector<16xf32>
        %div3A_283 = arith.divf %add3A_277, %add3A_282 : vector<16xf32>
        %swap3A_284 = arith.index_cast %scan3A_227 : i32 to index
        %swap3A_285 = arith.constant 16 : index
        %swap3A_286 = tpu.vector_load %arg11[%swap3A_284, %swap3A_285] {strides = array<i32>} : memref<64x128xf32, #tpu.memory_space<vmem>>, vector<1x16xf32>,
        %swap3A_287 = vector.shape_cast %swap3A_286 : vector<1x16xf32> to vector<16xf32>
        %swap3A_288 = vector.shape_cast %div3A_283 : vector<16xf32> to vector<1x16xf32>
        tpu.vector_store %arg11[%swap3A_284, %swap3A_285], %swap3A_288 {strides = array<i32>} : memref<64x128xf32, #tpu.memory_space<vmem>>, vector<1x16xf32>,
        %add3A_289 = arith.constant 128 : i32
        %add3A_290 = arith.addi %add3A_289, %scan3A_227 : i32
        %get3A_291 = arith.index_cast %add3A_290 : i32 to index
        %get3A_292 = arith.constant 32 : index
        %get3A_293 = tpu.vector_load %arg10[%get3A_291, %get3A_292] {strides = array<i32>} : memref<256x128xf32, #tpu.memory_space<vmem>>, vector<1x16xf32>,
        %get3A_294 = vector.shape_cast %get3A_293 : vector<1x16xf32> to vector<16xf32>
        %add3A_295 = arith.constant 192 : i32
        %add3A_296 = arith.addi %add3A_295, %scan3A_227 : i32
        %get3A_297 = arith.index_cast %add3A_296 : i32 to index
        %get3A_298 = arith.constant 32 : index
        %get3A_299 = tpu.vector_load %arg10[%get3A_297, %get3A_298] {strides = array<i32>} : memref<256x128xf32, #tpu.memory_space<vmem>>, vector<1x16xf32>,
        %get3A_300 = vector.shape_cast %get3A_299 : vector<1x16xf32> to vector<16xf32>
        %add3A_301 = arith.addf %get3A_294, %get3A_300 : vector<16xf32>
        %add3A_302 = arith.constant 64 : i32
        %add3A_303 = arith.addi %add3A_302, %scan3A_227 : i32
        %get3A_304 = arith.index_cast %add3A_303 : i32 to index
        %get3A_305 = arith.constant 32 : index
        %get3A_306 = tpu.vector_load %arg12[%get3A_304, %get3A_305] {strides = array<i32>} : memref<128x128xf32, #tpu.memory_space<vmem>>, vector<1x16xf32>,
        %get3A_307 = vector.shape_cast %get3A_306 : vector<1x16xf32> to vector<16xf32>
        %add3A_308 = arith.addf %add3A_301, %get3A_307 : vector<16xf32>
        %mul3A_309 = arith.mulf %add3A_308, %get3A_8 : vector<16xf32>
        %exp3A_310 = math.exp %mul3A_309 : vector<16xf32>
        %add3A_311 = arith.constant 1.000000e+00 : f32
        %add3A_312 = vector.broadcast %add3A_311 : f32 to vector<16xf32>
        %add3A_313 = arith.addf %add3A_312, %exp3A_310 : vector<16xf32>
        %div3A_314 = arith.divf %add3A_308, %add3A_313 : vector<16xf32>
        %swap3A_315 = arith.index_cast %scan3A_227 : i32 to index
        %swap3A_316 = arith.constant 32 : index
        %swap3A_317 = tpu.vector_load %arg11[%swap3A_315, %swap3A_316] {strides = array<i32>} : memref<64x128xf32, #tpu.memory_space<vmem>>, vector<1x16xf32>,
        %swap3A_318 = vector.shape_cast %swap3A_317 : vector<1x16xf32> to vector<16xf32>
        %swap3A_319 = vector.shape_cast %div3A_314 : vector<16xf32> to vector<1x16xf32>
        tpu.vector_store %arg11[%swap3A_315, %swap3A_316], %swap3A_319 {strides = array<i32>} : memref<64x128xf32, #tpu.memory_space<vmem>>, vector<1x16xf32>,
        %add3A_320 = arith.constant 128 : i32
        %add3A_321 = arith.addi %add3A_320, %scan3A_227 : i32
        %get3A_322 = arith.index_cast %add3A_321 : i32 to index
        %get3A_323 = arith.constant 48 : index
        %get3A_324 = tpu.vector_load %arg10[%get3A_322, %get3A_323] {strides = array<i32>} : memref<256x128xf32, #tpu.memory_space<vmem>>, vector<1x16xf32>,
        %get3A_325 = vector.shape_cast %get3A_324 : vector<1x16xf32> to vector<16xf32>
        %add3A_326 = arith.constant 192 : i32
        %add3A_327 = arith.addi %add3A_326, %scan3A_227 : i32
        %get3A_328 = arith.index_cast %add3A_327 : i32 to index
        %get3A_329 = arith.constant 48 : index
        %get3A_330 = tpu.vector_load %arg10[%get3A_328, %get3A_329] {strides = array<i32>} : memref<256x128xf32, #tpu.memory_space<vmem>>, vector<1x16xf32>,
        %get3A_331 = vector.shape_cast %get3A_330 : vector<1x16xf32> to vector<16xf32>
        %add3A_332 = arith.addf %get3A_325, %get3A_331 : vector<16xf32>
        %add3A_333 = arith.constant 64 : i32
        %add3A_334 = arith.addi %add3A_333, %scan3A_227 : i32
        %get3A_335 = arith.index_cast %add3A_334 : i32 to index
        %get3A_336 = arith.constant 48 : index
        %get3A_337 = tpu.vector_load %arg12[%get3A_335, %get3A_336] {strides = array<i32>} : memref<128x128xf32, #tpu.memory_space<vmem>>, vector<1x16xf32>,
        %get3A_338 = vector.shape_cast %get3A_337 : vector<1x16xf32> to vector<16xf32>
        %add3A_339 = arith.addf %add3A_332, %get3A_338 : vector<16xf32>
        %mul3A_340 = arith.mulf %add3A_339, %get3A_11 : vector<16xf32>
        %exp3A_341 = math.exp %mul3A_340 : vector<16xf32>
        %add3A_342 = arith.constant 1.000000e+00 : f32
        %add3A_343 = vector.broadcast %add3A_342 : f32 to vector<16xf32>
        %add3A_344 = arith.addf %add3A_343, %exp3A_341 : vector<16xf32>
        %div3A_345 = arith.divf %add3A_339, %add3A_344 : vector<16xf32>
        %swap3A_346 = arith.index_cast %scan3A_227 : i32 to index
        %swap3A_347 = arith.constant 48 : index
        %swap3A_348 = tpu.vector_load %arg11[%swap3A_346, %swap3A_347] {strides = array<i32>} : memref<64x128xf32, #tpu.memory_space<vmem>>, vector<1x16xf32>,
        %swap3A_349 = vector.shape_cast %swap3A_348 : vector<1x16xf32> to vector<16xf32>
        %swap3A_350 = vector.shape_cast %div3A_345 : vector<16xf32> to vector<1x16xf32>
        tpu.vector_store %arg11[%swap3A_346, %swap3A_347], %swap3A_350 {strides = array<i32>} : memref<64x128xf32, #tpu.memory_space<vmem>>, vector<1x16xf32>,
        %add3A_351 = arith.constant 128 : i32
        %add3A_352 = arith.addi %add3A_351, %scan3A_227 : i32
        %get3A_353 = arith.index_cast %add3A_352 : i32 to index
        %get3A_354 = arith.constant 64 : index
        %get3A_355 = tpu.vector_load %arg10[%get3A_353, %get3A_354] {strides = array<i32>} : memref<256x128xf32, #tpu.memory_space<vmem>>, vector<1x16xf32>,
        %get3A_356 = vector.shape_cast %get3A_355 : vector<1x16xf32> to vector<16xf32>
        %add3A_357 = arith.constant 192 : i32
        %add3A_358 = arith.addi %add3A_357, %scan3A_227 : i32
        %get3A_359 = arith.index_cast %add3A_358 : i32 to index
        %get3A_360 = arith.constant 64 : index
        %get3A_361 = tpu.vector_load %arg10[%get3A_359, %get3A_360] {strides = array<i32>} : memref<256x128xf32, #tpu.memory_space<vmem>>, vector<1x16xf32>,
        %get3A_362 = vector.shape_cast %get3A_361 : vector<1x16xf32> to vector<16xf32>
        %add3A_363 = arith.addf %get3A_356, %get3A_362 : vector<16xf32>
        %add3A_364 = arith.constant 64 : i32
        %add3A_365 = arith.addi %add3A_364, %scan3A_227 : i32
        %get3A_366 = arith.index_cast %add3A_365 : i32 to index
        %get3A_367 = arith.constant 64 : index
        %get3A_368 = tpu.vector_load %arg12[%get3A_366, %get3A_367] {strides = array<i32>} : memref<128x128xf32, #tpu.memory_space<vmem>>, vector<1x16xf32>,
        %get3A_369 = vector.shape_cast %get3A_368 : vector<1x16xf32> to vector<16xf32>
        %add3A_370 = arith.addf %add3A_363, %get3A_369 : vector<16xf32>
        %mul3A_371 = arith.mulf %add3A_370, %get3A_14 : vector<16xf32>
        %exp3A_372 = math.exp %mul3A_371 : vector<16xf32>
        %add3A_373 = arith.constant 1.000000e+00 : f32
        %add3A_374 = vector.broadcast %add3A_373 : f32 to vector<16xf32>
        %add3A_375 = arith.addf %add3A_374, %exp3A_372 : vector<16xf32>
        %div3A_376 = arith.divf %add3A_370, %add3A_375 : vector<16xf32>
        %swap3A_377 = arith.index_cast %scan3A_227 : i32 to index
        %swap3A_378 = arith.constant 64 : index
        %swap3A_379 = tpu.vector_load %arg11[%swap3A_377, %swap3A_378] {strides = array<i32>} : memref<64x128xf32, #tpu.memory_space<vmem>>, vector<1x16xf32>,
        %swap3A_380 = vector.shape_cast %swap3A_379 : vector<1x16xf32> to vector<16xf32>
        %swap3A_381 = vector.shape_cast %div3A_376 : vector<16xf32> to vector<1x16xf32>
        tpu.vector_store %arg11[%swap3A_377, %swap3A_378], %swap3A_381 {strides = array<i32>} : memref<64x128xf32, #tpu.memory_space<vmem>>, vector<1x16xf32>,
        %add3A_382 = arith.constant 128 : i32
        %add3A_383 = arith.addi %add3A_382, %scan3A_227 : i32
        %get3A_384 = arith.index_cast %add3A_383 : i32 to index
        %get3A_385 = arith.constant 80 : index
        %get3A_386 = tpu.vector_load %arg10[%get3A_384, %get3A_385] {strides = array<i32>} : memref<256x128xf32, #tpu.memory_space<vmem>>, vector<1x16xf32>,
        %get3A_387 = vector.shape_cast %get3A_386 : vector<1x16xf32> to vector<16xf32>
        %add3A_388 = arith.constant 192 : i32
        %add3A_389 = arith.addi %add3A_388, %scan3A_227 : i32
        %get3A_390 = arith.index_cast %add3A_389 : i32 to index
        %get3A_391 = arith.constant 80 : index
        %get3A_392 = tpu.vector_load %arg10[%get3A_390, %get3A_391] {strides = array<i32>} : memref<256x128xf32, #tpu.memory_space<vmem>>, vector<1x16xf32>,
        %get3A_393 = vector.shape_cast %get3A_392 : vector<1x16xf32> to vector<16xf32>
        %add3A_394 = arith.addf %get3A_387, %get3A_393 : vector<16xf32>
        %add3A_395 = arith.constant 64 : i32
        %add3A_396 = arith.addi %add3A_395, %scan3A_227 : i32
        %get3A_397 = arith.index_cast %add3A_396 : i32 to index
        %get3A_398 = arith.constant 80 : index
        %get3A_399 = tpu.vector_load %arg12[%get3A_397, %get3A_398] {strides = array<i32>} : memref<128x128xf32, #tpu.memory_space<vmem>>, vector<1x16xf32>,
        %get3A_400 = vector.shape_cast %get3A_399 : vector<1x16xf32> to vector<16xf32>
        %add3A_401 = arith.addf %add3A_394, %get3A_400 : vector<16xf32>
        %mul3A_402 = arith.mulf %add3A_401, %get3A_17 : vector<16xf32>
        %exp3A_403 = math.exp %mul3A_402 : vector<16xf32>
        %add3A_404 = arith.constant 1.000000e+00 : f32
        %add3A_405 = vector.broadcast %add3A_404 : f32 to vector<16xf32>
        %add3A_406 = arith.addf %add3A_405, %exp3A_403 : vector<16xf32>
        %div3A_407 = arith.divf %add3A_401, %add3A_406 : vector<16xf32>
        %swap3A_408 = arith.index_cast %scan3A_227 : i32 to index
        %swap3A_409 = arith.constant 80 : index
        %swap3A_410 = tpu.vector_load %arg11[%swap3A_408, %swap3A_409] {strides = array<i32>} : memref<64x128xf32, #tpu.memory_space<vmem>>, vector<1x16xf32>,
        %swap3A_411 = vector.shape_cast %swap3A_410 : vector<1x16xf32> to vector<16xf32>
        %swap3A_412 = vector.shape_cast %div3A_407 : vector<16xf32> to vector<1x16xf32>
        tpu.vector_store %arg11[%swap3A_408, %swap3A_409], %swap3A_412 {strides = array<i32>} : memref<64x128xf32, #tpu.memory_space<vmem>>, vector<1x16xf32>,
        %add3A_413 = arith.constant 128 : i32
        %add3A_414 = arith.addi %add3A_413, %scan3A_227 : i32
        %get3A_415 = arith.index_cast %add3A_414 : i32 to index
        %get3A_416 = arith.constant 96 : index
        %get3A_417 = tpu.vector_load %arg10[%get3A_415, %get3A_416] {strides = array<i32>} : memref<256x128xf32, #tpu.memory_space<vmem>>, vector<1x16xf32>,
        %get3A_418 = vector.shape_cast %get3A_417 : vector<1x16xf32> to vector<16xf32>
        %add3A_419 = arith.constant 192 : i32
        %add3A_420 = arith.addi %add3A_419, %scan3A_227 : i32
        %get3A_421 = arith.index_cast %add3A_420 : i32 to index
        %get3A_422 = arith.constant 96 : index
        %get3A_423 = tpu.vector_load %arg10[%get3A_421, %get3A_422] {strides = array<i32>} : memref<256x128xf32, #tpu.memory_space<vmem>>, vector<1x16xf32>,
        %get3A_424 = vector.shape_cast %get3A_423 : vector<1x16xf32> to vector<16xf32>
        %add3A_425 = arith.addf %get3A_418, %get3A_424 : vector<16xf32>
        %add3A_426 = arith.constant 64 : i32
        %add3A_427 = arith.addi %add3A_426, %scan3A_227 : i32
        %get3A_428 = arith.index_cast %add3A_427 : i32 to index
        %get3A_429 = arith.constant 96 : index
        %get3A_430 = tpu.vector_load %arg12[%get3A_428, %get3A_429] {strides = array<i32>} : memref<128x128xf32, #tpu.memory_space<vmem>>, vector<1x16xf32>,
        %get3A_431 = vector.shape_cast %get3A_430 : vector<1x16xf32> to vector<16xf32>
        %add3A_432 = arith.addf %add3A_425, %get3A_431 : vector<16xf32>
        %mul3A_433 = arith.mulf %add3A_432, %get3A_20 : vector<16xf32>
        %exp3A_434 = math.exp %mul3A_433 : vector<16xf32>
        %add3A_435 = arith.constant 1.000000e+00 : f32
        %add3A_436 = vector.broadcast %add3A_435 : f32 to vector<16xf32>
        %add3A_437 = arith.addf %add3A_436, %exp3A_434 : vector<16xf32>
        %div3A_438 = arith.divf %add3A_432, %add3A_437 : vector<16xf32>
        %swap3A_439 = arith.index_cast %scan3A_227 : i32 to index
        %swap3A_440 = arith.constant 96 : index
        %swap3A_441 = tpu.vector_load %arg11[%swap3A_439, %swap3A_440] {strides = array<i32>} : memref<64x128xf32, #tpu.memory_space<vmem>>, vector<1x16xf32>,
        %swap3A_442 = vector.shape_cast %swap3A_441 : vector<1x16xf32> to vector<16xf32>
        %swap3A_443 = vector.shape_cast %div3A_438 : vector<16xf32> to vector<1x16xf32>
        tpu.vector_store %arg11[%swap3A_439, %swap3A_440], %swap3A_443 {strides = array<i32>} : memref<64x128xf32, #tpu.memory_space<vmem>>, vector<1x16xf32>,
        %add3A_444 = arith.constant 128 : i32
        %add3A_445 = arith.addi %add3A_444, %scan3A_227 : i32
        %get3A_446 = arith.index_cast %add3A_445 : i32 to index
        %get3A_447 = arith.constant 112 : index
        %get3A_448 = tpu.vector_load %arg10[%get3A_446, %get3A_447] {strides = array<i32>} : memref<256x128xf32, #tpu.memory_space<vmem>>, vector<1x16xf32>,
        %get3A_449 = vector.shape_cast %get3A_448 : vector<1x16xf32> to vector<16xf32>
        %add3A_450 = arith.constant 192 : i32
        %add3A_451 = arith.addi %add3A_450, %scan3A_227 : i32
        %get3A_452 = arith.index_cast %add3A_451 : i32 to index
        %get3A_453 = arith.constant 112 : index
        %get3A_454 = tpu.vector_load %arg10[%get3A_452, %get3A_453] {strides = array<i32>} : memref<256x128xf32, #tpu.memory_space<vmem>>, vector<1x16xf32>,
        %get3A_455 = vector.shape_cast %get3A_454 : vector<1x16xf32> to vector<16xf32>
        %add3A_456 = arith.addf %get3A_449, %get3A_455 : vector<16xf32>
        %add3A_457 = arith.constant 64 : i32
        %add3A_458 = arith.addi %add3A_457, %scan3A_227 : i32
        %get3A_459 = arith.index_cast %add3A_458 : i32 to index
        %get3A_460 = arith.constant 112 : index
        %get3A_461 = tpu.vector_load %arg12[%get3A_459, %get3A_460] {strides = array<i32>} : memref<128x128xf32, #tpu.memory_space<vmem>>, vector<1x16xf32>,
        %get3A_462 = vector.shape_cast %get3A_461 : vector<1x16xf32> to vector<16xf32>
        %add3A_463 = arith.addf %add3A_456, %get3A_462 : vector<16xf32>
        %mul3A_464 = arith.mulf %add3A_463, %get3A_23 : vector<16xf32>
        %exp3A_465 = math.exp %mul3A_464 : vector<16xf32>
        %add3A_466 = arith.constant 1.000000e+00 : f32
        %add3A_467 = vector.broadcast %add3A_466 : f32 to vector<16xf32>
        %add3A_468 = arith.addf %add3A_467, %exp3A_465 : vector<16xf32>
        %div3A_469 = arith.divf %add3A_463, %add3A_468 : vector<16xf32>
        %swap3A_470 = arith.index_cast %scan3A_227 : i32 to index
        %swap3A_471 = arith.constant 112 : index
        %swap3A_472 = tpu.vector_load %arg11[%swap3A_470, %swap3A_471] {strides = array<i32>} : memref<64x128xf32, #tpu.memory_space<vmem>>, vector<1x16xf32>,
        %swap3A_473 = vector.shape_cast %swap3A_472 : vector<1x16xf32> to vector<16xf32>
        %swap3A_474 = vector.shape_cast %div3A_469 : vector<16xf32> to vector<1x16xf32>
        tpu.vector_store %arg11[%swap3A_470, %swap3A_471], %swap3A_474 {strides = array<i32>} : memref<64x128xf32, #tpu.memory_space<vmem>>, vector<1x16xf32>,
        %scan3A_475 = arith.constant 0 : i32
        scf.yield %scan3A_475 : i32
      }
      %scan3A_220 = arith.constant 64 : i32
      %dma_start3A = arith.constant 1 : i32
      %dma_start3A_221 = arith.constant 0 : i32
      %dma_start3A_222 = tpu.memref_slice %arg9[%dma_start3A, %dma_start3A_221] : memref<2x64xi32, #tpu.memory_space<vmem>> -> memref<1x64xi32, #tpu.memory_space<vmem>>
      %dma_start3A_223 = tpu.memref_squeeze %dma_start3A_222 : memref<1x64xi32, #tpu.memory_space<vmem>> -> memref<64xi32, #tpu.memory_space<vmem>>
      %dma_start3A_224 = arith.constant 0 : i32
      %dma_start3A_225 = arith.constant 0 : i32
      %dma_start3A_226 = tpu.memref_slice %arg14[%dma_start3A_224, %dma_start3A_225] : memref<5008x128xf32, #tpu.memory_space<vmem_shared>> -> memref<5008x128xf32, #tpu.memory_space<vmem_shared>>
      tpu.enqueue_indirect_dma source(%arg11 : memref<64x128xf32, #tpu.memory_space<vmem>>) target(%dma_start3A_226 : memref<5008x128xf32, #tpu.memory_space<vmem_shared>>) offsets(%dma_start3A_223 : memref<64xi32, #tpu.memory_space<vmem>>) semaphore(%arg19 : memref<!tpu.dma_semaphore, #tpu.memory_space<semaphore_mem>>) {add = true}
    } else {
    }
    %or3A = arith.ori %while3A_131#0, %while3A_131#1 : i1
    %convert_element_type3A_135 = arith.extui %or3A : i1 to i32
    %cond3A_136 = arith.constant 0 : i32
    %cond3A_137 = arith.cmpi ne, %convert_element_type3A_135, %cond3A_136 : i32
    scf.if %cond3A_137 {
      %dma_wait3A = arith.constant 0 : i32
      %dma_wait3A_184 = arith.constant 0 : i32
      %dma_wait3A_185 = tpu.memref_slice %arg9[%dma_wait3A, %dma_wait3A_184] : memref<2x64xi32, #tpu.memory_space<vmem>> -> memref<1x64xi32, #tpu.memory_space<vmem>>
      %dma_wait3A_186 = tpu.memref_squeeze %dma_wait3A_185 : memref<1x64xi32, #tpu.memory_space<vmem>> -> memref<64xi32, #tpu.memory_space<vmem>>
      %dma_wait3A_187 = arith.constant 0 : i32
      %dma_wait3A_188 = arith.constant 0 : i32
      %dma_wait3A_189 = tpu.memref_slice %arg14[%dma_wait3A_187, %dma_wait3A_188] : memref<5008x128xf32, #tpu.memory_space<vmem_shared>> -> memref<5008x128xf32, #tpu.memory_space<vmem_shared>>
      tpu.wait_indirect_dma semaphore(%arg19 : memref<!tpu.dma_semaphore, #tpu.memory_space<semaphore_mem>>) src(%arg11 : memref<64x128xf32, #tpu.memory_space<vmem>>) dst(%dma_wait3A_189 : memref<5008x128xf32, #tpu.memory_space<vmem_shared>>)
    } else {
    }
    %barrier3A_138 = arith.constant 0 : index
    tpu.barrier barrier_id(%barrier3A_138)
    %sub3A_139 = arith.constant 77 : i32
    %sub3A_140 = arith.subi %sub3A_139, %arg1 : i32
    %jit3A_141 = arith.constant 16 : i32
    %div3A_142 = arith.divsi %sub3A_140, %jit3A_141 : i32
    %sign3A_143 = arith.constant 0 : i32
    %sign3A_144 = arith.cmpi sgt, %sub3A_140, %sign3A_143 : i32
    %sign3A_145 = arith.extui %sign3A_144 : i1 to i32
    %sign3A_146 = arith.constant 0 : i32
    %sign3A_147 = arith.cmpi slt, %sub3A_140, %sign3A_146 : i32
    %sign3A_148 = arith.extui %sign3A_147 : i1 to i32
    %sign3A_149 = arith.subi %sign3A_145, %sign3A_148 : i32
    %sign3A_150 = arith.constant 0 : i32
    %sign3A_151 = arith.cmpi sgt, %jit3A_141, %sign3A_150 : i32
    %sign3A_152 = arith.extui %sign3A_151 : i1 to i32
    %sign3A_153 = arith.constant 0 : i32
    %sign3A_154 = arith.cmpi slt, %jit3A_141, %sign3A_153 : i32
    %sign3A_155 = arith.extui %sign3A_154 : i1 to i32
    %sign3A_156 = arith.subi %sign3A_152, %sign3A_155 : i32
    %ne3A_157 = arith.cmpi ne, %sign3A_149, %sign3A_156 : i32
    %rem3A_158 = arith.remsi %sub3A_140, %jit3A_141 : i32
    %ne3A_159 = arith.constant 0 : i32
    %ne3A_160 = arith.cmpi ne, %rem3A_158, %ne3A_159 : i32
    %and3A_161 = arith.andi %ne3A_157, %ne3A_160 : i1
    %sub3A_162 = arith.constant 1 : i32
    %sub3A_163 = arith.subi %div3A_142, %sub3A_162 : i32
    %select_n3A_164 = arith.select %and3A_161, %sub3A_163, %div3A_142 : i32
    %add3A_165 = arith.constant 1 : i32
    %add3A_166 = arith.addi %select_n3A_164, %add3A_165 : i32
    %while3A_167 = arith.constant 0 : i32
    %while3A_168 = arith.constant 0 : i32
    %while3A_169 = arith.subi %add3A_166, %while3A_167 : i32
    %while3A_170 = arith.addi %while3A_167, %while3A_169 : i32
    %while3A_171 = arith.constant 1 : i32
    %while3A_172 = arith.divsi %while3A_169, %while3A_171 : i32
    %while3A_173 = arith.muli %while3A_172, %while3A_171 : i32
    %while3A_174 = arith.addi %while3A_167, %while3A_173 : i32
    %while3A_175 = arith.constant 1 : i32
    %while3A_176 = scf.for %while3A_184 = %while3A_167 to %while3A_174 step %while3A_175 iter_args(%while3A_185 = %while3A_168) -> (i32)  : i32 {
      %mul3A_186 = arith.constant 16 : i32
      %mul3A_187 = arith.muli %while3A_184, %mul3A_186 : i32
      %add3A_188 = arith.addi %arg1, %mul3A_187 : i32
      %mul3A_189 = arith.constant 64 : i32
      %mul3A_190 = arith.muli %add3A_188, %mul3A_189 : i32
      "tpu.region"() ({
        %run_scoped3A = tpu.sem_alloc : memref<!tpu.dma_semaphore, #tpu.memory_space<semaphore_mem>>
        %dma_start3A = arith.constant 0 : i32
        %dma_start3A_193 = tpu.memref_slice %arg14[%mul3A_190, %dma_start3A] : memref<5008x128xf32, #tpu.memory_space<vmem_shared>> -> memref<64x128xf32, #tpu.memory_space<vmem_shared>>
        %dma_start3A_194 = arith.constant 0 : i32
        %dma_start3A_195 = tpu.memref_slice %arg14[%mul3A_190, %dma_start3A_194] : memref<5008x128xf32, #tpu.memory_space<vmem_shared>> -> memref<64x128xf32, #tpu.memory_space<vmem_shared>>
        tpu.enqueue_dma source(%dma_start3A_195 : memref<64x128xf32, #tpu.memory_space<vmem_shared>>) target(%arg11 : memref<64x128xf32, #tpu.memory_space<vmem>>) target_semaphore(%run_scoped3A : memref<!tpu.dma_semaphore, #tpu.memory_space<semaphore_mem>>)
        %dma_wait3A = arith.constant 0 : i32
        %dma_wait3A_196 = tpu.memref_slice %arg14[%mul3A_190, %dma_wait3A] : memref<5008x128xf32, #tpu.memory_space<vmem_shared>> -> memref<64x128xf32, #tpu.memory_space<vmem_shared>>
        %dma_wait3A_197 = arith.constant 0 : i32
        %dma_wait3A_198 = tpu.memref_slice %arg14[%mul3A_190, %dma_wait3A_197] : memref<5008x128xf32, #tpu.memory_space<vmem_shared>> -> memref<64x128xf32, #tpu.memory_space<vmem_shared>>
        tpu.wait_dma2 semaphore(%run_scoped3A : memref<!tpu.dma_semaphore, #tpu.memory_space<semaphore_mem>>) src(%dma_wait3A_198 : memref<64x128xf32, #tpu.memory_space<vmem_shared>>) dst(%arg11 : memref<64x128xf32, #tpu.memory_space<vmem>>)
        tpu.yield
      }) : () -> ()
      %add3A_191 = arith.addi %mul3A_0, %mul3A_190 : i32
      "tpu.region"() ({
        %run_scoped3A = tpu.sem_alloc : memref<!tpu.dma_semaphore, #tpu.memory_space<semaphore_mem>>
        %dma_start3A = arith.constant 0 : i32
        %dma_start3A_193 = tpu.memref_slice %arg7[%add3A_191, %dma_start3A] : memref<10000x128xf32, #tpu.memory_space<hbm>> -> memref<64x128xf32, #tpu.memory_space<hbm>>
        %dma_start3A_194 = arith.constant 0 : i32
        %dma_start3A_195 = tpu.memref_slice %arg7[%add3A_191, %dma_start3A_194] : memref<10000x128xf32, #tpu.memory_space<hbm>> -> memref<64x128xf32, #tpu.memory_space<hbm>>
        tpu.enqueue_dma source(%arg11 : memref<64x128xf32, #tpu.memory_space<vmem>>) target(%dma_start3A_195 : memref<64x128xf32, #tpu.memory_space<hbm>>) target_semaphore(%run_scoped3A : memref<!tpu.dma_semaphore, #tpu.memory_space<semaphore_mem>>)
        %dma_wait3A = arith.constant 0 : i32
        %dma_wait3A_196 = tpu.memref_slice %arg7[%add3A_191, %dma_wait3A] : memref<10000x128xf32, #tpu.memory_space<hbm>> -> memref<64x128xf32, #tpu.memory_space<hbm>>
        %dma_wait3A_197 = arith.constant 0 : i32
        %dma_wait3A_198 = tpu.memref_slice %arg7[%add3A_191, %dma_wait3A_197] : memref<10000x128xf32, #tpu.memory_space<hbm>> -> memref<64x128xf32, #tpu.memory_space<hbm>>
        tpu.wait_dma2 semaphore(%run_scoped3A : memref<!tpu.dma_semaphore, #tpu.memory_space<semaphore_mem>>) src(%arg11 : memref<64x128xf32, #tpu.memory_space<vmem>>) dst(%dma_wait3A_198 : memref<64x128xf32, #tpu.memory_space<hbm>>)
        tpu.yield
      }) : () -> ()
      %while3A_192 = arith.constant 0 : i32
      scf.yield %while3A_192 : i32
    }
    %while3A_177 = arith.constant 1 : i32
    %while3A_178 = scf.for %while3A_184 = %while3A_174 to %while3A_170 step %while3A_177 iter_args(%while3A_185 = %while3A_176) -> (i32)  : i32 {
      %mul3A_186 = arith.constant 16 : i32
      %mul3A_187 = arith.muli %while3A_184, %mul3A_186 : i32
      %add3A_188 = arith.addi %arg1, %mul3A_187 : i32
      %mul3A_189 = arith.constant 64 : i32
      %mul3A_190 = arith.muli %add3A_188, %mul3A_189 : i32
      "tpu.region"() ({
        %run_scoped3A = tpu.sem_alloc : memref<!tpu.dma_semaphore, #tpu.memory_space<semaphore_mem>>
        %dma_start3A = arith.constant 0 : i32
        %dma_start3A_193 = tpu.memref_slice %arg14[%mul3A_190, %dma_start3A] : memref<5008x128xf32, #tpu.memory_space<vmem_shared>> -> memref<64x128xf32, #tpu.memory_space<vmem_shared>>
        %dma_start3A_194 = arith.constant 0 : i32
        %dma_start3A_195 = tpu.memref_slice %arg14[%mul3A_190, %dma_start3A_194] : memref<5008x128xf32, #tpu.memory_space<vmem_shared>> -> memref<64x128xf32, #tpu.memory_space<vmem_shared>>
        tpu.enqueue_dma source(%dma_start3A_195 : memref<64x128xf32, #tpu.memory_space<vmem_shared>>) target(%arg11 : memref<64x128xf32, #tpu.memory_space<vmem>>) target_semaphore(%run_scoped3A : memref<!tpu.dma_semaphore, #tpu.memory_space<semaphore_mem>>)
        %dma_wait3A = arith.constant 0 : i32
        %dma_wait3A_196 = tpu.memref_slice %arg14[%mul3A_190, %dma_wait3A] : memref<5008x128xf32, #tpu.memory_space<vmem_shared>> -> memref<64x128xf32, #tpu.memory_space<vmem_shared>>
        %dma_wait3A_197 = arith.constant 0 : i32
        %dma_wait3A_198 = tpu.memref_slice %arg14[%mul3A_190, %dma_wait3A_197] : memref<5008x128xf32, #tpu.memory_space<vmem_shared>> -> memref<64x128xf32, #tpu.memory_space<vmem_shared>>
        tpu.wait_dma2 semaphore(%run_scoped3A : memref<!tpu.dma_semaphore, #tpu.memory_space<semaphore_mem>>) src(%dma_wait3A_198 : memref<64x128xf32, #tpu.memory_space<vmem_shared>>) dst(%arg11 : memref<64x128xf32, #tpu.memory_space<vmem>>)
        tpu.yield
      }) : () -> ()
      %add3A_191 = arith.addi %mul3A_0, %mul3A_190 : i32
      "tpu.region"() ({
        %run_scoped3A = tpu.sem_alloc : memref<!tpu.dma_semaphore, #tpu.memory_space<semaphore_mem>>
        %dma_start3A = arith.constant 0 : i32
        %dma_start3A_193 = tpu.memref_slice %arg7[%add3A_191, %dma_start3A] : memref<10000x128xf32, #tpu.memory_space<hbm>> -> memref<64x128xf32, #tpu.memory_space<hbm>>
        %dma_start3A_194 = arith.constant 0 : i32
        %dma_start3A_195 = tpu.memref_slice %arg7[%add3A_191, %dma_start3A_194] : memref<10000x128xf32, #tpu.memory_space<hbm>> -> memref<64x128xf32, #tpu.memory_space<hbm>>
        tpu.enqueue_dma source(%arg11 : memref<64x128xf32, #tpu.memory_space<vmem>>) target(%dma_start3A_195 : memref<64x128xf32, #tpu.memory_space<hbm>>) target_semaphore(%run_scoped3A : memref<!tpu.dma_semaphore, #tpu.memory_space<semaphore_mem>>)
        %dma_wait3A = arith.constant 0 : i32
        %dma_wait3A_196 = tpu.memref_slice %arg7[%add3A_191, %dma_wait3A] : memref<10000x128xf32, #tpu.memory_space<hbm>> -> memref<64x128xf32, #tpu.memory_space<hbm>>
        %dma_wait3A_197 = arith.constant 0 : i32
        %dma_wait3A_198 = tpu.memref_slice %arg7[%add3A_191, %dma_wait3A_197] : memref<10000x128xf32, #tpu.memory_space<hbm>> -> memref<64x128xf32, #tpu.memory_space<hbm>>
        tpu.wait_dma2 semaphore(%run_scoped3A : memref<!tpu.dma_semaphore, #tpu.memory_space<semaphore_mem>>) src(%arg11 : memref<64x128xf32, #tpu.memory_space<vmem>>) dst(%dma_wait3A_198 : memref<64x128xf32, #tpu.memory_space<hbm>>)
        tpu.yield
      }) : () -> ()
      %while3A_192 = arith.constant 0 : i32
      scf.yield %while3A_192 : i32
    }
    %eq3A_179 = arith.constant 0 : i32
    %eq3A_180 = arith.cmpi eq, %arg1, %eq3A_179 : i32
    %convert_element_type3A_181 = arith.extui %eq3A_180 : i1 to i32
    %cond3A_182 = arith.constant 0 : i32
    %cond3A_183 = arith.cmpi ne, %convert_element_type3A_181, %cond3A_182 : i32
    scf.if %cond3A_183 {
      "tpu.region"() ({
        %run_scoped3A = tpu.sem_alloc : memref<!tpu.dma_semaphore, #tpu.memory_space<semaphore_mem>>
        %dma_start3A = arith.constant 0 : i32
        %dma_start3A_186 = arith.constant 0 : i32
        %dma_start3A_187 = tpu.memref_slice %arg11[%dma_start3A, %dma_start3A_186] : memref<64x128xf32, #tpu.memory_space<vmem>> -> memref<8x128xf32, #tpu.memory_space<vmem>>
        %dma_start3A_188 = arith.constant 4992 : i32
        %dma_start3A_189 = arith.constant 0 : i32
        %dma_start3A_190 = tpu.memref_slice %arg14[%dma_start3A_188, %dma_start3A_189] : memref<5008x128xf32, #tpu.memory_space<vmem_shared>> -> memref<8x128xf32, #tpu.memory_space<vmem_shared>>
        %dma_start3A_191 = arith.constant 0 : i32
        %dma_start3A_192 = arith.constant 0 : i32
        %dma_start3A_193 = tpu.memref_slice %arg11[%dma_start3A_191, %dma_start3A_192] : memref<64x128xf32, #tpu.memory_space<vmem>> -> memref<8x128xf32, #tpu.memory_space<vmem>>
        %dma_start3A_194 = arith.constant 4992 : i32
        %dma_start3A_195 = arith.constant 0 : i32
        %dma_start3A_196 = tpu.memref_slice %arg14[%dma_start3A_194, %dma_start3A_195] : memref<5008x128xf32, #tpu.memory_space<vmem_shared>> -> memref<8x128xf32, #tpu.memory_space<vmem_shared>>
        tpu.enqueue_dma source(%dma_start3A_196 : memref<8x128xf32, #tpu.memory_space<vmem_shared>>) target(%dma_start3A_193 : memref<8x128xf32, #tpu.memory_space<vmem>>) target_semaphore(%run_scoped3A : memref<!tpu.dma_semaphore, #tpu.memory_space<semaphore_mem>>)
        %dma_wait3A = arith.constant 0 : i32
        %dma_wait3A_197 = arith.constant 0 : i32
        %dma_wait3A_198 = tpu.memref_slice %arg11[%dma_wait3A, %dma_wait3A_197] : memref<64x128xf32, #tpu.memory_space<vmem>> -> memref<8x128xf32, #tpu.memory_space<vmem>>
        %dma_wait3A_199 = arith.constant 4992 : i32
        %dma_wait3A_200 = arith.constant 0 : i32
        %dma_wait3A_201 = tpu.memref_slice %arg14[%dma_wait3A_199, %dma_wait3A_200] : memref<5008x128xf32, #tpu.memory_space<vmem_shared>> -> memref<8x128xf32, #tpu.memory_space<vmem_shared>>
        %dma_wait3A_202 = arith.constant 0 : i32
        %dma_wait3A_203 = arith.constant 0 : i32
        %dma_wait3A_204 = tpu.memref_slice %arg11[%dma_wait3A_202, %dma_wait3A_203] : memref<64x128xf32, #tpu.memory_space<vmem>> -> memref<8x128xf32, #tpu.memory_space<vmem>>
        %dma_wait3A_205 = arith.constant 4992 : i32
        %dma_wait3A_206 = arith.constant 0 : i32
        %dma_wait3A_207 = tpu.memref_slice %arg14[%dma_wait3A_205, %dma_wait3A_206] : memref<5008x128xf32, #tpu.memory_space<vmem_shared>> -> memref<8x128xf32, #tpu.memory_space<vmem_shared>>
        tpu.wait_dma2 semaphore(%run_scoped3A : memref<!tpu.dma_semaphore, #tpu.memory_space<semaphore_mem>>) src(%dma_wait3A_207 : memref<8x128xf32, #tpu.memory_space<vmem_shared>>) dst(%dma_wait3A_204 : memref<8x128xf32, #tpu.memory_space<vmem>>)
        tpu.yield
      }) : () -> ()
      %add3A_184 = arith.constant 4992 : i32
      %add3A_185 = arith.addi %mul3A_0, %add3A_184 : i32
      "tpu.region"() ({
        %run_scoped3A = tpu.sem_alloc : memref<!tpu.dma_semaphore, #tpu.memory_space<semaphore_mem>>
        %dma_start3A = arith.constant 0 : i32
        %dma_start3A_186 = arith.constant 0 : i32
        %dma_start3A_187 = tpu.memref_slice %arg11[%dma_start3A, %dma_start3A_186] : memref<64x128xf32, #tpu.memory_space<vmem>> -> memref<8x128xf32, #tpu.memory_space<vmem>>
        %dma_start3A_188 = arith.constant 0 : i32
        %dma_start3A_189 = tpu.memref_slice %arg7[%add3A_185, %dma_start3A_188] : memref<10000x128xf32, #tpu.memory_space<hbm>> -> memref<8x128xf32, #tpu.memory_space<hbm>>
        %dma_start3A_190 = arith.constant 0 : i32
        %dma_start3A_191 = tpu.memref_slice %arg7[%add3A_185, %dma_start3A_190] : memref<10000x128xf32, #tpu.memory_space<hbm>> -> memref<8x128xf32, #tpu.memory_space<hbm>>
        %dma_start3A_192 = arith.constant 0 : i32
        %dma_start3A_193 = arith.constant 0 : i32
        %dma_start3A_194 = tpu.memref_slice %arg11[%dma_start3A_192, %dma_start3A_193] : memref<64x128xf32, #tpu.memory_space<vmem>> -> memref<8x128xf32, #tpu.memory_space<vmem>>
        tpu.enqueue_dma source(%dma_start3A_194 : memref<8x128xf32, #tpu.memory_space<vmem>>) target(%dma_start3A_191 : memref<8x128xf32, #tpu.memory_space<hbm>>) target_semaphore(%run_scoped3A : memref<!tpu.dma_semaphore, #tpu.memory_space<semaphore_mem>>)
        %dma_wait3A = arith.constant 0 : i32
        %dma_wait3A_195 = arith.constant 0 : i32
        %dma_wait3A_196 = tpu.memref_slice %arg11[%dma_wait3A, %dma_wait3A_195] : memref<64x128xf32, #tpu.memory_space<vmem>> -> memref<8x128xf32, #tpu.memory_space<vmem>>
        %dma_wait3A_197 = arith.constant 0 : i32
        %dma_wait3A_198 = tpu.memref_slice %arg7[%add3A_185, %dma_wait3A_197] : memref<10000x128xf32, #tpu.memory_space<hbm>> -> memref<8x128xf32, #tpu.memory_space<hbm>>
        %dma_wait3A_199 = arith.constant 0 : i32
        %dma_wait3A_200 = tpu.memref_slice %arg7[%add3A_185, %dma_wait3A_199] : memref<10000x128xf32, #tpu.memory_space<hbm>> -> memref<8x128xf32, #tpu.memory_space<hbm>>
        %dma_wait3A_201 = arith.constant 0 : i32
        %dma_wait3A_202 = arith.constant 0 : i32
        %dma_wait3A_203 = tpu.memref_slice %arg11[%dma_wait3A_201, %dma_wait3A_202] : memref<64x128xf32, #tpu.memory_space<vmem>> -> memref<8x128xf32, #tpu.memory_space<vmem>>
        tpu.wait_dma2 semaphore(%run_scoped3A : memref<!tpu.dma_semaphore, #tpu.memory_space<semaphore_mem>>) src(%dma_wait3A_203 : memref<8x128xf32, #tpu.memory_space<vmem>>) dst(%dma_wait3A_200 : memref<8x128xf32, #tpu.memory_space<hbm>>)
        tpu.yield
      }) : () -> ()
    } else {
    }
    return
  }
}

module attributes {stable_mosaic.version = 14 : i64} {
  func.func @_edge_prep_body(%arg0: i32, %arg1: memref<4000x16xf32, #tpu.memory_space<vmem>>, %arg2: memref<16x128xf32, #tpu.memory_space<vmem>>, %arg3: memref<4000x128xf32, #tpu.memory_space<vmem>>) attributes {dimension_semantics = [#tpu.dimension_semantics<arbitrary>], iteration_bounds = array<i64: 80>, scalar_prefetch = 0 : i64, scratch_operands = 0 : i64, tpu.core_type = #tpu.core_type<tc>, window_params = [{transform_indices = @transform_0, window_bounds = array<i64: 4000, 16>}, {pipeline_mode = #tpu.pipeline_mode<synchronous>, transform_indices = @transform_1, window_bounds = array<i64: 16, 128>}, {transform_indices = @transform_2, window_bounds = array<i64: 4000, 128>}]} {
    %get3A = arith.constant 0 : index
    %get3A_0 = arith.constant 0 : index
    %get3A_1 = vector.load %arg1[%get3A, %get3A_0] : memref<4000x16xf32, #tpu.memory_space<vmem>>, vector<4000x16xf32>
    %get3A_2 = arith.constant 0 : index
    %get3A_3 = arith.constant 0 : index
    %get3A_4 = vector.load %arg2[%get3A_2, %get3A_3] : memref<16x128xf32, #tpu.memory_space<vmem>>, vector<16x128xf32>
    %dot_general3A = arith.constant dense<0.000000e+00> : vector<4000x128xf32>
    %dot_general3A_5 = tpu.matmul %get3A_1, %get3A_4, %dot_general3A {dimension_numbers = #tpu.dot_dimension_numbers<[1], [0], [0], [1], [0, 0, 1, 1], [], []>, transpose_lhs_hint = false} : vector<4000x16xf32>, vector<16x128xf32>, vector<4000x128xf32> -> vector<4000x128xf32>
    %swap3A = arith.constant 0 : index
    %swap3A_6 = arith.constant 0 : index
    %swap3A_7 = vector.load %arg3[%swap3A, %swap3A_6] : memref<4000x128xf32, #tpu.memory_space<vmem>>, vector<4000x128xf32>
    tpu.vector_store %arg3[%swap3A, %swap3A_6], %dot_general3A_5 {strides = array<i32>} : memref<4000x128xf32, #tpu.memory_space<vmem>>, vector<4000x128xf32>,
    return
  }
  func.func @transform_0(%arg0: i32) -> (i32, i32) {
    %c0_i32 = arith.constant 0 : i32
    %c0_i32_0 = arith.constant 0 : i32
    return %arg0, %c0_i32 : i32, i32
  }
  func.func @transform_1(%arg0: i32) -> (i32, i32) {
    %c0_i32 = arith.constant 0 : i32
    %c0_i32_0 = arith.constant 0 : i32
    %c0_i32_1 = arith.constant 0 : i32
    return %c0_i32, %c0_i32_0 : i32, i32
  }
  func.func @transform_2(%arg0: i32) -> (i32, i32) {
    %c0_i32 = arith.constant 0 : i32
    %c0_i32_0 = arith.constant 0 : i32
    return %arg0, %c0_i32 : i32, i32
  }
}

module attributes {stable_mosaic.version = 14 : i64} {
  func.func @_node_prep_body(%arg0: i32, %arg1: memref<400x128xf32, #tpu.memory_space<vmem>>, %arg2: memref<128x128xf32, #tpu.memory_space<vmem>>, %arg3: memref<128x128xf32, #tpu.memory_space<vmem>>, %arg4: memref<1x128xf32, #tpu.memory_space<vmem>>, %arg5: memref<2x400x128xf32, #tpu.memory_space<vmem>>) attributes {dimension_semantics = [#tpu.dimension_semantics<arbitrary>], iteration_bounds = array<i64: 25>, scalar_prefetch = 0 : i64, scratch_operands = 0 : i64, tpu.core_type = #tpu.core_type<tc>, window_params = [{transform_indices = @transform_0, window_bounds = array<i64: 400, 128>}, {pipeline_mode = #tpu.pipeline_mode<synchronous>, transform_indices = @transform_1, window_bounds = array<i64: 128, 128>}, {pipeline_mode = #tpu.pipeline_mode<synchronous>, transform_indices = @transform_2, window_bounds = array<i64: 128, 128>}, {pipeline_mode = #tpu.pipeline_mode<synchronous>, transform_indices = @transform_3, window_bounds = array<i64: 1, 128>}, {transform_indices = @transform_4, window_bounds = array<i64: 2, 400, 128>}]} {
    %get3A = arith.constant 0 : index
    %get3A_0 = arith.constant 0 : index
    %get3A_1 = vector.load %arg1[%get3A, %get3A_0] : memref<400x128xf32, #tpu.memory_space<vmem>>, vector<400x128xf32>
    %get3A_2 = arith.constant 0 : index
    %get3A_3 = arith.constant 0 : index
    %get3A_4 = vector.load %arg2[%get3A_2, %get3A_3] : memref<128x128xf32, #tpu.memory_space<vmem>>, vector<128x128xf32>
    %dot_general3A = arith.constant dense<0.000000e+00> : vector<400x128xf32>
    %dot_general3A_5 = tpu.matmul %get3A_1, %get3A_4, %dot_general3A {dimension_numbers = #tpu.dot_dimension_numbers<[1], [0], [0], [1], [0, 0, 1, 1], [], []>, transpose_lhs_hint = false} : vector<400x128xf32>, vector<128x128xf32>, vector<400x128xf32> -> vector<400x128xf32>
    %swap3A = arith.constant 0 : index
    %swap3A_6 = arith.constant 0 : index
    %swap3A_7 = arith.constant 0 : index
    %swap3A_8 = vector.load %arg5[%swap3A, %swap3A_6, %swap3A_7] : memref<2x400x128xf32, #tpu.memory_space<vmem>>, vector<1x400x128xf32>
    %swap3A_9 = vector.shape_cast %swap3A_8 : vector<1x400x128xf32> to vector<400x128xf32>
    %swap3A_10 = vector.shape_cast %dot_general3A_5 : vector<400x128xf32> to vector<1x400x128xf32>
    tpu.vector_store %arg5[%swap3A, %swap3A_6, %swap3A_7], %swap3A_10 {strides = array<i32>} : memref<2x400x128xf32, #tpu.memory_space<vmem>>, vector<1x400x128xf32>,
    %get3A_11 = arith.constant 0 : index
    %get3A_12 = arith.constant 0 : index
    %get3A_13 = vector.load %arg3[%get3A_11, %get3A_12] : memref<128x128xf32, #tpu.memory_space<vmem>>, vector<128x128xf32>
    %dot_general3A_14 = arith.constant dense<0.000000e+00> : vector<400x128xf32>
    %dot_general3A_15 = tpu.matmul %get3A_1, %get3A_13, %dot_general3A_14 {dimension_numbers = #tpu.dot_dimension_numbers<[1], [0], [0], [1], [0, 0, 1, 1], [], []>, transpose_lhs_hint = false} : vector<400x128xf32>, vector<128x128xf32>, vector<400x128xf32> -> vector<400x128xf32>
    %get3A_16 = arith.constant 0 : index
    %get3A_17 = arith.constant 0 : index
    %get3A_18 = vector.load %arg4[%get3A_16, %get3A_17] : memref<1x128xf32, #tpu.memory_space<vmem>>, vector<1x128xf32>
    %add3A = vector.broadcast %get3A_18 : vector<1x128xf32> to vector<400x128xf32>
    %add3A_19 = arith.addf %dot_general3A_15, %add3A : vector<400x128xf32>
    %swap3A_20 = arith.constant 1 : index
    %swap3A_21 = arith.constant 0 : index
    %swap3A_22 = arith.constant 0 : index
    %swap3A_23 = vector.load %arg5[%swap3A_20, %swap3A_21, %swap3A_22] : memref<2x400x128xf32, #tpu.memory_space<vmem>>, vector<1x400x128xf32>
    %swap3A_24 = vector.shape_cast %swap3A_23 : vector<1x400x128xf32> to vector<400x128xf32>
    %swap3A_25 = vector.shape_cast %add3A_19 : vector<400x128xf32> to vector<1x400x128xf32>
    tpu.vector_store %arg5[%swap3A_20, %swap3A_21, %swap3A_22], %swap3A_25 {strides = array<i32>} : memref<2x400x128xf32, #tpu.memory_space<vmem>>, vector<1x400x128xf32>,
    return
  }
  func.func @transform_0(%arg0: i32) -> (i32, i32) {
    %c0_i32 = arith.constant 0 : i32
    %c0_i32_0 = arith.constant 0 : i32
    return %arg0, %c0_i32 : i32, i32
  }
  func.func @transform_1(%arg0: i32) -> (i32, i32) {
    %c0_i32 = arith.constant 0 : i32
    %c0_i32_0 = arith.constant 0 : i32
    %c0_i32_1 = arith.constant 0 : i32
    return %c0_i32, %c0_i32_0 : i32, i32
  }
  func.func @transform_2(%arg0: i32) -> (i32, i32) {
    %c0_i32 = arith.constant 0 : i32
    %c0_i32_0 = arith.constant 0 : i32
    %c0_i32_1 = arith.constant 0 : i32
    return %c0_i32, %c0_i32_0 : i32, i32
  }
  func.func @transform_3(%arg0: i32) -> (i32, i32) {
    %c0_i32 = arith.constant 0 : i32
    %c0_i32_0 = arith.constant 0 : i32
    %c0_i32_1 = arith.constant 0 : i32
    return %c0_i32, %c0_i32_0 : i32, i32
  }
  func.func @transform_4(%arg0: i32) -> (i32, i32, i32) {
    %c0_i32 = arith.constant 0 : i32
    %c0_i32_0 = arith.constant 0 : i32
    %c0_i32_1 = arith.constant 0 : i32
    return %c0_i32, %arg0, %c0_i32_0 : i32, i32, i32
  }
}

module attributes {stable_mosaic.version = 14 : i64} {
  func.func @_finish_body(%arg0: i32, %arg1: memref<400x128xf32, #tpu.memory_space<vmem>>, %arg2: memref<400x128xf32, #tpu.memory_space<vmem>>, %arg3: memref<400x128xf32, #tpu.memory_space<vmem>>, %arg4: memref<1x128xf32, #tpu.memory_space<vmem>>, %arg5: memref<128x128xf32, #tpu.memory_space<vmem>>, %arg6: memref<1x128xf32, #tpu.memory_space<vmem>>, %arg7: memref<128x128xf32, #tpu.memory_space<vmem>>, %arg8: memref<128x128xf32, #tpu.memory_space<vmem>>, %arg9: memref<1x128xf32, #tpu.memory_space<vmem>>, %arg10: memref<1x128xf32, #tpu.memory_space<vmem>>, %arg11: memref<128x128xf32, #tpu.memory_space<vmem>>, %arg12: memref<1x128xf32, #tpu.memory_space<vmem>>, %arg13: memref<128x128xf32, #tpu.memory_space<vmem>>, %arg14: memref<128x128xf32, #tpu.memory_space<vmem>>, %arg15: memref<128x128xf32, #tpu.memory_space<vmem>>, %arg16: memref<1x128xf32, #tpu.memory_space<vmem>>, %arg17: memref<1x128xf32, #tpu.memory_space<vmem>>, %arg18: memref<128x128xf32, #tpu.memory_space<vmem>>, %arg19: memref<1x128xf32, #tpu.memory_space<vmem>>, %arg20: memref<400x128xf32, #tpu.memory_space<vmem>>, %arg21: memref<1x128xf32, #tpu.memory_space<vmem>>, %arg22: memref<8x128xf32, #tpu.memory_space<vmem>>, %arg23: memref<8x128xf32, #tpu.memory_space<vmem>>) attributes {dimension_semantics = [#tpu.dimension_semantics<arbitrary>], iteration_bounds = array<i64: 25>, scalar_prefetch = 0 : i64, scratch_operands = 2 : i64, tpu.core_type = #tpu.core_type<tc>, window_params = [{transform_indices = @transform_0, window_bounds = array<i64: 400, 128>}, {transform_indices = @transform_1, window_bounds = array<i64: 400, 128>}, {transform_indices = @transform_2, window_bounds = array<i64: 400, 128>}, {pipeline_mode = #tpu.pipeline_mode<synchronous>, transform_indices = @transform_3, window_bounds = array<i64: 1, 128>}, {pipeline_mode = #tpu.pipeline_mode<synchronous>, transform_indices = @transform_4, window_bounds = array<i64: 128, 128>}, {pipeline_mode = #tpu.pipeline_mode<synchronous>, transform_indices = @transform_5, window_bounds = array<i64: 1, 128>}, {pipeline_mode = #tpu.pipeline_mode<synchronous>, transform_indices = @transform_6, window_bounds = array<i64: 128, 128>}, {pipeline_mode = #tpu.pipeline_mode<synchronous>, transform_indices = @transform_7, window_bounds = array<i64: 128, 128>}, {pipeline_mode = #tpu.pipeline_mode<synchronous>, transform_indices = @transform_8, window_bounds = array<i64: 1, 128>}, {pipeline_mode = #tpu.pipeline_mode<synchronous>, transform_indices = @transform_9, window_bounds = array<i64: 1, 128>}, {pipeline_mode = #tpu.pipeline_mode<synchronous>, transform_indices = @transform_10, window_bounds = array<i64: 128, 128>}, {pipeline_mode = #tpu.pipeline_mode<synchronous>, transform_indices = @transform_11, window_bounds = array<i64: 1, 128>}, {pipeline_mode = #tpu.pipeline_mode<synchronous>, transform_indices = @transform_12, window_bounds = array<i64: 128, 128>}, {pipeline_mode = #tpu.pipeline_mode<synchronous>, transform_indices = @transform_13, window_bounds = array<i64: 128, 128>}, {pipeline_mode = #tpu.pipeline_mode<synchronous>, transform_indices = @transform_14, window_bounds = array<i64: 128, 128>}, {pipeline_mode = #tpu.pipeline_mode<synchronous>, transform_indices = @transform_15, window_bounds = array<i64: 1, 128>}, {pipeline_mode = #tpu.pipeline_mode<synchronous>, transform_indices = @transform_16, window_bounds = array<i64: 1, 128>}, {pipeline_mode = #tpu.pipeline_mode<synchronous>, transform_indices = @transform_17, window_bounds = array<i64: 128, 128>}, {pipeline_mode = #tpu.pipeline_mode<synchronous>, transform_indices = @transform_18, window_bounds = array<i64: 1, 128>}, {transform_indices = @transform_19, window_bounds = array<i64: 400, 128>}, {pipeline_mode = #tpu.pipeline_mode<synchronous>, transform_indices = @transform_20, window_bounds = array<i64: 1, 128>}]} {
    %get3A = arith.constant 0 : index
    %get3A_0 = arith.constant 0 : index
    %get3A_1 = vector.load %arg1[%get3A, %get3A_0] : memref<400x128xf32, #tpu.memory_space<vmem>>, vector<400x128xf32>
    %get3A_2 = arith.constant 0 : index
    %get3A_3 = arith.constant 0 : index
    %get3A_4 = vector.load %arg2[%get3A_2, %get3A_3] : memref<400x128xf32, #tpu.memory_space<vmem>>, vector<400x128xf32>
    %slice3A = vector.extract_strided_slice %get3A_4 {offsets = [0, 0], sizes = [400, 1], strides = [1, 1]} : vector<400x128xf32> to vector<400x1xf32>
    %max3A = arith.constant 1.000000e+00 : f32
    %max3A_5 = vector.broadcast %max3A : f32 to vector<400x1xf32>
    %max3A_6 = arith.maximumf %slice3A, %max3A_5 : vector<400x1xf32>
    %div3A = vector.broadcast %max3A_6 : vector<400x1xf32> to vector<400x128xf32>
    %div3A_7 = arith.divf %get3A_1, %div3A : vector<400x128xf32>
    %gt3A = arith.constant 0.000000e+00 : f32
    %gt3A_8 = vector.broadcast %gt3A : f32 to vector<400x1xf32>
    %gt3A_9 = arith.cmpf ogt, %slice3A, %gt3A_8 : vector<400x1xf32>
    %convert_element_type3A = arith.extui %gt3A_9 : vector<400x1xi1> to vector<400x1xi32>
    %convert_element_type3A_10 = arith.sitofp %convert_element_type3A : vector<400x1xi32> to vector<400x1xf32>
    %get3A_11 = arith.constant 0 : index
    %get3A_12 = arith.constant 0 : index
    %get3A_13 = vector.load %arg5[%get3A_11, %get3A_12] : memref<128x128xf32, #tpu.memory_space<vmem>>, vector<128x128xf32>
    %dot_general3A = arith.constant dense<0.000000e+00> : vector<400x128xf32>
    %dot_general3A_14 = tpu.matmul %div3A_7, %get3A_13, %dot_general3A {dimension_numbers = #tpu.dot_dimension_numbers<[1], [0], [0], [1], [0, 0, 1, 1], [], []>, transpose_lhs_hint = false} : vector<400x128xf32>, vector<128x128xf32>, vector<400x128xf32> -> vector<400x128xf32>
    %get3A_15 = arith.constant 0 : index
    %get3A_16 = arith.constant 0 : index
    %get3A_17 = vector.load %arg6[%get3A_15, %get3A_16] : memref<1x128xf32, #tpu.memory_space<vmem>>, vector<1x128xf32>
    %mul3A = vector.broadcast %convert_element_type3A_10 : vector<400x1xf32> to vector<400x128xf32>
    %mul3A_18 = vector.broadcast %get3A_17 : vector<1x128xf32> to vector<400x128xf32>
    %mul3A_19 = arith.mulf %mul3A, %mul3A_18 : vector<400x128xf32>
    %add3A = arith.addf %dot_general3A_14, %mul3A_19 : vector<400x128xf32>
    %get3A_20 = arith.constant 0 : index
    %get3A_21 = arith.constant 0 : index
    %get3A_22 = vector.load %arg3[%get3A_20, %get3A_21] : memref<400x128xf32, #tpu.memory_space<vmem>>, vector<400x128xf32>
    %get3A_23 = arith.constant 0 : index
    %get3A_24 = arith.constant 0 : index
    %get3A_25 = vector.load %arg7[%get3A_23, %get3A_24] : memref<128x128xf32, #tpu.memory_space<vmem>>, vector<128x128xf32>
    %dot_general3A_26 = arith.constant dense<0.000000e+00> : vector<400x128xf32>
    %dot_general3A_27 = tpu.matmul %get3A_22, %get3A_25, %dot_general3A_26 {dimension_numbers = #tpu.dot_dimension_numbers<[1], [0], [0], [1], [0, 0, 1, 1], [], []>, transpose_lhs_hint = false} : vector<400x128xf32>, vector<128x128xf32>, vector<400x128xf32> -> vector<400x128xf32>
    %get3A_28 = arith.constant 0 : index
    %get3A_29 = arith.constant 0 : index
    %get3A_30 = vector.load %arg8[%get3A_28, %get3A_29] : memref<128x128xf32, #tpu.memory_space<vmem>>, vector<128x128xf32>
    %dot_general3A_31 = arith.constant dense<0.000000e+00> : vector<400x128xf32>
    %dot_general3A_32 = tpu.matmul %add3A, %get3A_30, %dot_general3A_31 {dimension_numbers = #tpu.dot_dimension_numbers<[1], [0], [0], [1], [0, 0, 1, 1], [], []>, transpose_lhs_hint = false} : vector<400x128xf32>, vector<128x128xf32>, vector<400x128xf32> -> vector<400x128xf32>
    %add3A_33 = arith.addf %dot_general3A_27, %dot_general3A_32 : vector<400x128xf32>
    %get3A_34 = arith.constant 0 : index
    %get3A_35 = arith.constant 0 : index
    %get3A_36 = vector.load %arg9[%get3A_34, %get3A_35] : memref<1x128xf32, #tpu.memory_space<vmem>>, vector<1x128xf32>
    %add3A_37 = vector.broadcast %get3A_36 : vector<1x128xf32> to vector<400x128xf32>
    %add3A_38 = arith.addf %add3A_33, %add3A_37 : vector<400x128xf32>
    %get3A_39 = arith.constant 0 : index
    %get3A_40 = arith.constant 0 : index
    %get3A_41 = vector.load %arg10[%get3A_39, %get3A_40] : memref<1x128xf32, #tpu.memory_space<vmem>>, vector<1x128xf32>
    %mul3A_42 = vector.broadcast %get3A_41 : vector<1x128xf32> to vector<400x128xf32>
    %mul3A_43 = arith.mulf %add3A_38, %mul3A_42 : vector<400x128xf32>
    %exp3A = math.exp %mul3A_43 : vector<400x128xf32>
    %add3A_44 = arith.constant 1.000000e+00 : f32
    %add3A_45 = vector.broadcast %add3A_44 : f32 to vector<400x128xf32>
    %add3A_46 = arith.addf %add3A_45, %exp3A : vector<400x128xf32>
    %div3A_47 = arith.divf %add3A_38, %add3A_46 : vector<400x128xf32>
    %get3A_48 = arith.constant 0 : index
    %get3A_49 = arith.constant 0 : index
    %get3A_50 = vector.load %arg11[%get3A_48, %get3A_49] : memref<128x128xf32, #tpu.memory_space<vmem>>, vector<128x128xf32>
    %dot_general3A_51 = arith.constant dense<0.000000e+00> : vector<400x128xf32>
    %dot_general3A_52 = tpu.matmul %div3A_47, %get3A_50, %dot_general3A_51 {dimension_numbers = #tpu.dot_dimension_numbers<[1], [0], [0], [1], [0, 0, 1, 1], [], []>, transpose_lhs_hint = false} : vector<400x128xf32>, vector<128x128xf32>, vector<400x128xf32> -> vector<400x128xf32>
    %add3A_53 = arith.addf %get3A_22, %dot_general3A_52 : vector<400x128xf32>
    %get3A_54 = arith.constant 0 : index
    %get3A_55 = arith.constant 0 : index
    %get3A_56 = vector.load %arg12[%get3A_54, %get3A_55] : memref<1x128xf32, #tpu.memory_space<vmem>>, vector<1x128xf32>
    %add3A_57 = vector.broadcast %get3A_56 : vector<1x128xf32> to vector<400x128xf32>
    %add3A_58 = arith.addf %add3A_53, %add3A_57 : vector<400x128xf32>
    %swap3A = arith.constant 0 : index
    %swap3A_59 = arith.constant 0 : index
    %swap3A_60 = vector.load %arg20[%swap3A, %swap3A_59] : memref<400x128xf32, #tpu.memory_space<vmem>>, vector<400x128xf32>
    tpu.vector_store %arg20[%swap3A, %swap3A_59], %add3A_58 {strides = array<i32>} : memref<400x128xf32, #tpu.memory_space<vmem>>, vector<400x128xf32>,
    %eq3A = arith.constant 0 : i32
    %eq3A_61 = arith.cmpi eq, %arg0, %eq3A : i32
    %convert_element_type3A_62 = arith.extui %eq3A_61 : i1 to i32
    %cond3A = arith.constant 0 : i32
    %cond3A_63 = arith.cmpi ne, %convert_element_type3A_62, %cond3A : i32
    scf.if %cond3A_63 {
      %broadcast_in_dim3A_87 = arith.constant 0.000000e+00 : f32
      %broadcast_in_dim3A_88 = vector.broadcast %broadcast_in_dim3A_87 : f32 to vector<1x128xf32>
      %swap3A_89 = arith.constant 0 : index
      %swap3A_90 = arith.constant 0 : index
      %swap3A_91 = vector.load %arg22[%swap3A_89, %swap3A_90] : memref<8x128xf32, #tpu.memory_space<vmem>>, vector<1x128xf32>
      tpu.vector_store %arg22[%swap3A_89, %swap3A_90], %broadcast_in_dim3A_88 {strides = array<i32>} : memref<8x128xf32, #tpu.memory_space<vmem>>, vector<1x128xf32>,
      %broadcast_in_dim3A_92 = arith.constant 0.000000e+00 : f32
      %broadcast_in_dim3A_93 = vector.broadcast %broadcast_in_dim3A_92 : f32 to vector<1x128xf32>
      %swap3A_94 = arith.constant 0 : index
      %swap3A_95 = arith.constant 0 : index
      %swap3A_96 = vector.load %arg23[%swap3A_94, %swap3A_95] : memref<8x128xf32, #tpu.memory_space<vmem>>, vector<1x128xf32>
      tpu.vector_store %arg23[%swap3A_94, %swap3A_95], %broadcast_in_dim3A_93 {strides = array<i32>} : memref<8x128xf32, #tpu.memory_space<vmem>>, vector<1x128xf32>,
    } else {
    }
    %get3A_64 = arith.constant 0 : index
    %get3A_65 = arith.constant 0 : index
    %get3A_66 = vector.load %arg22[%get3A_64, %get3A_65] : memref<8x128xf32, #tpu.memory_space<vmem>>, vector<1x128xf32>
    %reduce_sum3A = arith.constant dense<0.000000e+00> : vector<128xf32>
    %reduce_sum3A_67 = vector.multi_reduction <add>, %add3A_58, %reduce_sum3A [0] : vector<400x128xf32> to vector<128xf32>
    %broadcast_in_dim3A = vector.shape_cast %reduce_sum3A_67 : vector<128xf32> to vector<1x128xf32>
    %add3A_68 = arith.addf %get3A_66, %broadcast_in_dim3A : vector<1x128xf32>
    %swap3A_69 = arith.constant 0 : index
    %swap3A_70 = arith.constant 0 : index
    %swap3A_71 = vector.load %arg22[%swap3A_69, %swap3A_70] : memref<8x128xf32, #tpu.memory_space<vmem>>, vector<1x128xf32>
    tpu.vector_store %arg22[%swap3A_69, %swap3A_70], %add3A_68 {strides = array<i32>} : memref<8x128xf32, #tpu.memory_space<vmem>>, vector<1x128xf32>,
    %get3A_72 = arith.constant 0 : index
    %get3A_73 = arith.constant 0 : index
    %get3A_74 = vector.load %arg23[%get3A_72, %get3A_73] : memref<8x128xf32, #tpu.memory_space<vmem>>, vector<1x128xf32>
    %reduce_sum3A_75 = arith.constant dense<0.000000e+00> : vector<128xf32>
    %reduce_sum3A_76 = vector.multi_reduction <add>, %get3A_1, %reduce_sum3A_75 [0] : vector<400x128xf32> to vector<128xf32>
    %broadcast_in_dim3A_77 = vector.shape_cast %reduce_sum3A_76 : vector<128xf32> to vector<1x128xf32>
    %add3A_78 = arith.addf %get3A_74, %broadcast_in_dim3A_77 : vector<1x128xf32>
    %swap3A_79 = arith.constant 0 : index
    %swap3A_80 = arith.constant 0 : index
    %swap3A_81 = vector.load %arg23[%swap3A_79, %swap3A_80] : memref<8x128xf32, #tpu.memory_space<vmem>>, vector<1x128xf32>
    tpu.vector_store %arg23[%swap3A_79, %swap3A_80], %add3A_78 {strides = array<i32>} : memref<8x128xf32, #tpu.memory_space<vmem>>, vector<1x128xf32>,
    %eq3A_82 = arith.constant 24 : i32
    %eq3A_83 = arith.cmpi eq, %arg0, %eq3A_82 : i32
    %convert_element_type3A_84 = arith.extui %eq3A_83 : i1 to i32
    %cond3A_85 = arith.constant 0 : i32
    %cond3A_86 = arith.cmpi ne, %convert_element_type3A_84, %cond3A_85 : i32
    scf.if %cond3A_86 {
      %get3A_87 = arith.constant 0 : index
      %get3A_88 = arith.constant 0 : index
      %get3A_89 = vector.load %arg22[%get3A_87, %get3A_88] : memref<8x128xf32, #tpu.memory_space<vmem>>, vector<1x128xf32>
      %mul3A_90 = arith.constant 9.99999974E-5 : f32
      %mul3A_91 = vector.broadcast %mul3A_90 : f32 to vector<1x128xf32>
      %mul3A_92 = arith.mulf %get3A_89, %mul3A_91 : vector<1x128xf32>
      %get3A_93 = arith.constant 0 : index
      %get3A_94 = arith.constant 0 : index
      %get3A_95 = vector.load %arg23[%get3A_93, %get3A_94] : memref<8x128xf32, #tpu.memory_space<vmem>>, vector<1x128xf32>
      %mul3A_96 = arith.constant 3.125000e-06 : f32
      %mul3A_97 = vector.broadcast %mul3A_96 : f32 to vector<1x128xf32>
      %mul3A_98 = arith.mulf %get3A_95, %mul3A_97 : vector<1x128xf32>
      %get3A_99 = arith.constant 0 : index
      %get3A_100 = arith.constant 0 : index
      %get3A_101 = vector.load %arg5[%get3A_99, %get3A_100] : memref<128x128xf32, #tpu.memory_space<vmem>>, vector<128x128xf32>
      %dot_general3A_102 = arith.constant dense<0.000000e+00> : vector<1x128xf32>
      %dot_general3A_103 = tpu.matmul %mul3A_98, %get3A_101, %dot_general3A_102 {dimension_numbers = #tpu.dot_dimension_numbers<[1], [0], [0], [1], [0, 0, 1, 1], [], []>, transpose_lhs_hint = false} : vector<1x128xf32>, vector<128x128xf32>, vector<1x128xf32> -> vector<1x128xf32>
      %get3A_104 = arith.constant 0 : index
      %get3A_105 = arith.constant 0 : index
      %get3A_106 = vector.load %arg6[%get3A_104, %get3A_105] : memref<1x128xf32, #tpu.memory_space<vmem>>, vector<1x128xf32>
      %add3A_107 = arith.addf %dot_general3A_103, %get3A_106 : vector<1x128xf32>
      %get3A_108 = arith.constant 0 : index
      %get3A_109 = arith.constant 0 : index
      %get3A_110 = vector.load %arg4[%get3A_108, %get3A_109] : memref<1x128xf32, #tpu.memory_space<vmem>>, vector<1x128xf32>
      %get3A_111 = arith.constant 0 : index
      %get3A_112 = arith.constant 0 : index
      %get3A_113 = vector.load %arg13[%get3A_111, %get3A_112] : memref<128x128xf32, #tpu.memory_space<vmem>>, vector<128x128xf32>
      %dot_general3A_114 = arith.constant dense<0.000000e+00> : vector<1x128xf32>
      %dot_general3A_115 = tpu.matmul %get3A_110, %get3A_113, %dot_general3A_114 {dimension_numbers = #tpu.dot_dimension_numbers<[1], [0], [0], [1], [0, 0, 1, 1], [], []>, transpose_lhs_hint = false} : vector<1x128xf32>, vector<128x128xf32>, vector<1x128xf32> -> vector<1x128xf32>
      %get3A_116 = arith.constant 0 : index
      %get3A_117 = arith.constant 0 : index
      %get3A_118 = vector.load %arg14[%get3A_116, %get3A_117] : memref<128x128xf32, #tpu.memory_space<vmem>>, vector<128x128xf32>
      %dot_general3A_119 = arith.constant dense<0.000000e+00> : vector<1x128xf32>
      %dot_general3A_120 = tpu.matmul %mul3A_92, %get3A_118, %dot_general3A_119 {dimension_numbers = #tpu.dot_dimension_numbers<[1], [0], [0], [1], [0, 0, 1, 1], [], []>, transpose_lhs_hint = false} : vector<1x128xf32>, vector<128x128xf32>, vector<1x128xf32> -> vector<1x128xf32>
      %add3A_121 = arith.addf %dot_general3A_115, %dot_general3A_120 : vector<1x128xf32>
      %get3A_122 = arith.constant 0 : index
      %get3A_123 = arith.constant 0 : index
      %get3A_124 = vector.load %arg15[%get3A_122, %get3A_123] : memref<128x128xf32, #tpu.memory_space<vmem>>, vector<128x128xf32>
      %dot_general3A_125 = arith.constant dense<0.000000e+00> : vector<1x128xf32>
      %dot_general3A_126 = tpu.matmul %add3A_107, %get3A_124, %dot_general3A_125 {dimension_numbers = #tpu.dot_dimension_numbers<[1], [0], [0], [1], [0, 0, 1, 1], [], []>, transpose_lhs_hint = false} : vector<1x128xf32>, vector<128x128xf32>, vector<1x128xf32> -> vector<1x128xf32>
      %add3A_127 = arith.addf %add3A_121, %dot_general3A_126 : vector<1x128xf32>
      %get3A_128 = arith.constant 0 : index
      %get3A_129 = arith.constant 0 : index
      %get3A_130 = vector.load %arg16[%get3A_128, %get3A_129] : memref<1x128xf32, #tpu.memory_space<vmem>>, vector<1x128xf32>
      %add3A_131 = arith.addf %add3A_127, %get3A_130 : vector<1x128xf32>
      %get3A_132 = arith.constant 0 : index
      %get3A_133 = arith.constant 0 : index
      %get3A_134 = vector.load %arg17[%get3A_132, %get3A_133] : memref<1x128xf32, #tpu.memory_space<vmem>>, vector<1x128xf32>
      %mul3A_135 = arith.mulf %add3A_131, %get3A_134 : vector<1x128xf32>
      %exp3A_136 = math.exp %mul3A_135 : vector<1x128xf32>
      %add3A_137 = arith.constant 1.000000e+00 : f32
      %add3A_138 = vector.broadcast %add3A_137 : f32 to vector<1x128xf32>
      %add3A_139 = arith.addf %add3A_138, %exp3A_136 : vector<1x128xf32>
      %div3A_140 = arith.divf %add3A_131, %add3A_139 : vector<1x128xf32>
      %get3A_141 = arith.constant 0 : index
      %get3A_142 = arith.constant 0 : index
      %get3A_143 = vector.load %arg18[%get3A_141, %get3A_142] : memref<128x128xf32, #tpu.memory_space<vmem>>, vector<128x128xf32>
      %dot_general3A_144 = arith.constant dense<0.000000e+00> : vector<1x128xf32>
      %dot_general3A_145 = tpu.matmul %div3A_140, %get3A_143, %dot_general3A_144 {dimension_numbers = #tpu.dot_dimension_numbers<[1], [0], [0], [1], [0, 0, 1, 1], [], []>, transpose_lhs_hint = false} : vector<1x128xf32>, vector<128x128xf32>, vector<1x128xf32> -> vector<1x128xf32>
      %add3A_146 = arith.addf %get3A_110, %dot_general3A_145 : vector<1x128xf32>
      %get3A_147 = arith.constant 0 : index
      %get3A_148 = arith.constant 0 : index
      %get3A_149 = vector.load %arg19[%get3A_147, %get3A_148] : memref<1x128xf32, #tpu.memory_space<vmem>>, vector<1x128xf32>
      %add3A_150 = arith.addf %add3A_146, %get3A_149 : vector<1x128xf32>
      %swap3A_151 = arith.constant 0 : index
      %swap3A_152 = arith.constant 0 : index
      %swap3A_153 = vector.load %arg21[%swap3A_151, %swap3A_152] : memref<1x128xf32, #tpu.memory_space<vmem>>, vector<1x128xf32>
      tpu.vector_store %arg21[%swap3A_151, %swap3A_152], %add3A_150 {strides = array<i32>} : memref<1x128xf32, #tpu.memory_space<vmem>>, vector<1x128xf32>,
    } else {
    }
    return
  }
  func.func @transform_0(%arg0: i32) -> (i32, i32) {
    %c0_i32 = arith.constant 0 : i32
    %c0_i32_0 = arith.constant 0 : i32
    return %arg0, %c0_i32 : i32, i32
  }
  func.func @transform_1(%arg0: i32) -> (i32, i32) {
    %c0_i32 = arith.constant 0 : i32
    %c0_i32_0 = arith.constant 0 : i32
    return %arg0, %c0_i32 : i32, i32
  }
  func.func @transform_2(%arg0: i32) -> (i32, i32) {
    %c0_i32 = arith.constant 0 : i32
    %c0_i32_0 = arith.constant 0 : i32
    return %arg0, %c0_i32 : i32, i32
  }
  func.func @transform_3(%arg0: i32) -> (i32, i32) {
    %c0_i32 = arith.constant 0 : i32
    %c0_i32_0 = arith.constant 0 : i32
    %c0_i32_1 = arith.constant 0 : i32
    return %c0_i32, %c0_i32_0 : i32, i32
  }
  func.func @transform_4(%arg0: i32) -> (i32, i32) {
    %c0_i32 = arith.constant 0 : i32
    %c0_i32_0 = arith.constant 0 : i32
    %c0_i32_1 = arith.constant 0 : i32
    return %c0_i32, %c0_i32_0 : i32, i32
  }
  func.func @transform_5(%arg0: i32) -> (i32, i32) {
    %c0_i32 = arith.constant 0 : i32
    %c0_i32_0 = arith.constant 0 : i32
    %c0_i32_1 = arith.constant 0 : i32
    return %c0_i32, %c0_i32_0 : i32, i32
  }
  func.func @transform_6(%arg0: i32) -> (i32, i32) {
    %c0_i32 = arith.constant 0 : i32
    %c0_i32_0 = arith.constant 0 : i32
    %c0_i32_1 = arith.constant 0 : i32
    return %c0_i32, %c0_i32_0 : i32, i32
  }
  func.func @transform_7(%arg0: i32) -> (i32, i32) {
    %c0_i32 = arith.constant 0 : i32
    %c0_i32_0 = arith.constant 0 : i32
    %c0_i32_1 = arith.constant 0 : i32
    return %c0_i32, %c0_i32_0 : i32, i32
  }
  func.func @transform_8(%arg0: i32) -> (i32, i32) {
    %c0_i32 = arith.constant 0 : i32
    %c0_i32_0 = arith.constant 0 : i32
    %c0_i32_1 = arith.constant 0 : i32
    return %c0_i32, %c0_i32_0 : i32, i32
  }
  func.func @transform_9(%arg0: i32) -> (i32, i32) {
    %c0_i32 = arith.constant 0 : i32
    %c0_i32_0 = arith.constant 0 : i32
    %c0_i32_1 = arith.constant 0 : i32
    return %c0_i32, %c0_i32_0 : i32, i32
  }
  func.func @transform_10(%arg0: i32) -> (i32, i32) {
    %c0_i32 = arith.constant 0 : i32
    %c0_i32_0 = arith.constant 0 : i32
    %c0_i32_1 = arith.constant 0 : i32
    return %c0_i32, %c0_i32_0 : i32, i32
  }
  func.func @transform_11(%arg0: i32) -> (i32, i32) {
    %c0_i32 = arith.constant 0 : i32
    %c0_i32_0 = arith.constant 0 : i32
    %c0_i32_1 = arith.constant 0 : i32
    return %c0_i32, %c0_i32_0 : i32, i32
  }
  func.func @transform_12(%arg0: i32) -> (i32, i32) {
    %c0_i32 = arith.constant 0 : i32
    %c0_i32_0 = arith.constant 0 : i32
    %c0_i32_1 = arith.constant 0 : i32
    return %c0_i32, %c0_i32_0 : i32, i32
  }
  func.func @transform_13(%arg0: i32) -> (i32, i32) {
    %c0_i32 = arith.constant 0 : i32
    %c0_i32_0 = arith.constant 0 : i32
    %c0_i32_1 = arith.constant 0 : i32
    return %c0_i32, %c0_i32_0 : i32, i32
  }
  func.func @transform_14(%arg0: i32) -> (i32, i32) {
    %c0_i32 = arith.constant 0 : i32
    %c0_i32_0 = arith.constant 0 : i32
    %c0_i32_1 = arith.constant 0 : i32
    return %c0_i32, %c0_i32_0 : i32, i32
  }
  func.func @transform_15(%arg0: i32) -> (i32, i32) {
    %c0_i32 = arith.constant 0 : i32
    %c0_i32_0 = arith.constant 0 : i32
    %c0_i32_1 = arith.constant 0 : i32
    return %c0_i32, %c0_i32_0 : i32, i32
  }
  func.func @transform_16(%arg0: i32) -> (i32, i32) {
    %c0_i32 = arith.constant 0 : i32
    %c0_i32_0 = arith.constant 0 : i32
    %c0_i32_1 = arith.constant 0 : i32
    return %c0_i32, %c0_i32_0 : i32, i32
  }
  func.func @transform_17(%arg0: i32) -> (i32, i32) {
    %c0_i32 = arith.constant 0 : i32
    %c0_i32_0 = arith.constant 0 : i32
    %c0_i32_1 = arith.constant 0 : i32
    return %c0_i32, %c0_i32_0 : i32, i32
  }
  func.func @transform_18(%arg0: i32) -> (i32, i32) {
    %c0_i32 = arith.constant 0 : i32
    %c0_i32_0 = arith.constant 0 : i32
    %c0_i32_1 = arith.constant 0 : i32
    return %c0_i32, %c0_i32_0 : i32, i32
  }
  func.func @transform_19(%arg0: i32) -> (i32, i32) {
    %c0_i32 = arith.constant 0 : i32
    %c0_i32_0 = arith.constant 0 : i32
    return %arg0, %c0_i32 : i32, i32
  }
  func.func @transform_20(%arg0: i32) -> (i32, i32) {
    %c0_i32 = arith.constant 0 : i32
    %c0_i32_0 = arith.constant 0 : i32
    %c0_i32_1 = arith.constant 0 : i32
    return %c0_i32, %c0_i32_0 : i32, i32
  }
}

</mosaic_0001>

<sc_bundles>
// kernel: kernel.10.cloned.1.call-start
scs
__scs_entry_jumppad:
0x0: {  	(pc) =	sbr.rel $0x88, $3  }
0x1: {  	(tag) =	ssettag $0x0;
	lr =	simm.s32 $0x1  }
0x2: {  	[smem:$0x3F8D] =	sst lr;
	_ =	strace $0xD0000000  }
0x3: {  	_ = 	snop  }
0x4: {  	_ = 	snop  }
0x5: {  	_ = 	snop  }
0x6: {  	_ = 	snop  }
0x7: {  	_ = 	snop  }
__scs_overlays_trampoline_lowered:
0x8: {  	[smem:$0x3F9C] =	sst s0  }
0x9: {  	[smem:$0x3F9D] =	sst s1  }
0xa: {  	[smem:$0x3F9E] =	sst s2  }
0xb: {  	[smem:$0x3F9F] =	sst s3  }
0xc: {  	[smem:$0x3FA0] =	sst s4  }
0xd: {  	[smem:$0x3FA1] =	sst s5  }
0xe: {  	[smem:$0x3FA2] =	sst s6  }
0xf: {  	[smem:$0x3FA3] =	sst s7  }
0x10: {  	[smem:$0x3FA4] =	sst s8  }
0x11: {  	[smem:$0x3FA5] =	sst s9;
	s0 =	simm.s32 @!p0 $0x0  }
0x12: {  	s1 =	sld [smem:$0x3F8B];
	s0 =	simm.s32 @p0 $0x1  }
0x13: {  	[smem:$0x3FA6] =	sst s0;
	s0 =	simm.s32 @!p1 $0x0  }
0x14: {  	s2 =	sld [smem:$0x3F8A];
	s0 =	simm.s32 @p1 $0x1  }
0x15: {  	[smem:$0x3FA7] =	sst s0;
	s0 =	simm.s32 @!p2 $0x0  }
0x16: {  	s3 =	sld [smem:$0x3FDB];
	s0 =	simm.s32 @p2 $0x1  }
0x17: {  	s4 =	simm.s32 $0x1BF5;
	[smem:$0x3FA9] =	sst s0  }
0x18: {  	s0 =	sld [smem:$0x3F8C];
	_ =	swait.ge [sflag:s4], $0x0  }
0x19: {  	s7 =	sld [smem:$0x3F8D]  }
0x1a: {  	s8 =	sadd.s32 $0xFFFFE003, lr  }
0x1b: {  	s9 =	sadd.s32 $0xFFFFFEF7, lr;
	s5 =	simm.s32 $0xFFFFFFFF;
	p2 =	slt.u32 s8, $0xFFFFF086  }
0x1c: {  	p1 =	slt.u32 s9, $0xF7A;
	s5 =	simm.s32 @!p2 $0x0  }
0x1d: {  	s5 =	simm.s32 @p1 $0x1;
	p0 =	seq.s32 s7, s2  }
0x1e: {  	s7 =	smul.u32 @!p0 $0xF7A, s2;
	p2 =	seq.s32 @!p0 s5, $0x0  }
0x1f: {  	s9 =	smul.u32 $0xF7A, s1;
	s8 =	simm.s32 @!p0 $0x1BF5;
	p2 =	por !p2, p0  }
0x20: {  	[sflag:s8] =	ssyncset.s32 @!p0 $0xFFFFF086;
	s6 =	sadd.s32 @!p0 s3, s7;
	s7 =	simm.s32 @!p0 $0x108  }
0x21: {  	s3 =	sadd.s32 s3, s9;
	s6 =	sadd.s32 @!p0 $0x88, s6;
	s7 =	simm.s32 @p2 $0x1082  }
0x22: {  	[simem:s7], [sflag:s8] =	dma.local @!p0 [hbm:s6], $0xF7A  }
0x23: {  	s9 =	sor.u32 $0xD0000000, s2;
	s6 =	simm.s32 $0x108;
	_ =	swait.ge @!p0 [sflag:s8], $0x0  }
0x24: {  	s3 =	sadd.s32 $0x88, s3;
	s6 =	simm.s32 @!p1 $0x1082;
	[sflag:s4] =	ssyncset.s32 $0xFFFFF086  }
0x25: {  	[simem:s6], [sflag:s4] =	dma.local [hbm:s3], $0xF7A  }
0x26: {  	[smem:$0x3F8D] =	sst s1;
	(tag) =	ssettag s2;
	_ =	strace s9  }
0x27: {  	s1 =	sld [smem:$0x3F9D]  }
0x28: {  	s2 =	sld [smem:$0x3F9E]  }
0x29: {  	s4 =	sld [smem:$0x3FA0]  }
0x2a: {  	p0 =	seq.s32 s5, $0x0;
	s5 =	sld [smem:$0x3FA1]  }
0x2b: {  	s6 =	sld [smem:$0x3FA2]  }
0x2c: {  	s7 =	sld [smem:$0x3FA3]  }
0x2d: {  	s3 =	simm.s32 $0x108;
	s8 =	sld [smem:$0x3FA4]  }
0x2e: {  	s3 =	simm.s32 @!p0 $0x1082;
	s9 =	sld [smem:$0x3FA5]  }
0x2f: {  	lr =	sadd.s32 s0, s3;
	s0 =	sld [smem:$0x3F9C]  }
0x30: {  	s3 =	sld [smem:$0x3F9F]  }
0x31: {  	[smem:$0x3FA8] =	sst s10  }
0x32: {  	s10 =	sld [smem:$0x3FA6];
	_ =	sdelay $0x3  }
0x33: {  	p0 =	seq.s32 s10, $0x1;
	s10 =	sld [smem:$0x3FA8];
	_ =	sdelay $0x3  }
0x34: {  	[smem:$0x3FA8] =	sst s10  }
0x35: {  	s10 =	sld [smem:$0x3FA7];
	_ =	sdelay $0x3  }
0x36: {  	p1 =	seq.s32 s10, $0x1;
	s10 =	sld [smem:$0x3FA8];
	_ =	sdelay $0x3  }
0x37: {  	[smem:$0x3FA8] =	sst s10  }
0x38: {  	s10 =	sld [smem:$0x3FA9]  }
0x39: {  	_ = 	snop;
	(pc) =	sbr.ind lr, $3  }
0x3a: {  	_ = 	snop  }
0x3b: {  	_ = 	snop  }
0x3c: {  	p2 =	seq.s32 s10, $0x1;
	s10 =	sld [smem:$0x3FA8]  }
0x3d: {  	_ =	shalt  }
0x3e: {  	_ =	shalt  }
0x3f: {  	_ =	shalt  }
0x40: {  	_ =	shalt  }
0x41: {  	_ =	shalt  }
0x42: {  	_ =	shalt  }
0x43: {  	_ =	shalt  }
0x44: {  	_ =	shalt  }
0x45: {  	_ =	shalt  }
0x46: {  	_ =	shalt  }
0x47: {  	_ =	shalt  }
0x48: {  	_ =	shalt  }
0x49: {  	_ =	shalt  }
0x4a: {  	_ =	shalt  }
0x4b: {  	_ =	shalt  }
0x4c: {  	_ =	shalt  }
0x4d: {  	_ =	shalt  }
0x4e: {  	_ =	shalt  }
0x4f: {  	_ =	shalt  }
0x50: {  	_ =	shalt  }
0x51: {  	_ =	shalt  }
0x52: {  	_ =	shalt  }
0x53: {  	_ =	shalt  }
0x54: {  	_ =	shalt  }
0x55: {  	_ =	shalt  }
0x56: {  	_ =	shalt  }
0x57: {  	_ =	shalt  }
0x58: {  	_ =	shalt  }
0x59: {  	_ =	shalt  }
0x5a: {  	_ =	shalt  }
0x5b: {  	_ =	shalt  }
0x5c: {  	_ =	shalt  }
0x5d: {  	_ =	shalt  }
0x5e: {  	_ =	shalt  }
0x5f: {  	_ =	shalt  }
0x60: {  	_ =	shalt  }
0x61: {  	_ =	shalt  }
0x62: {  	_ =	shalt  }
0x63: {  	_ =	shalt  }
0x64: {  	_ =	shalt  }
0x65: {  	_ =	shalt  }
0x66: {  	_ =	shalt  }
0x67: {  	_ =	shalt  }
0x68: {  	_ =	shalt  }
0x69: {  	_ =	shalt  }
0x6a: {  	_ =	shalt  }
0x6b: {  	_ =	shalt  }
0x6c: {  	_ =	shalt  }
0x6d: {  	_ =	shalt  }
0x6e: {  	_ =	shalt  }
0x6f: {  	_ =	shalt  }
0x70: {  	_ =	shalt  }
0x71: {  	_ =	shalt  }
0x72: {  	_ =	shalt  }
0x73: {  	_ =	shalt  }
0x74: {  	_ =	shalt  }
0x75: {  	_ =	shalt  }
0x76: {  	_ =	shalt  }
0x77: {  	_ =	shalt  }
0x78: {  	_ =	shalt  }
0x79: {  	_ =	shalt  }
0x7a: {  	_ =	shalt  }
0x7b: {  	_ =	shalt  }
0x7c: {  	_ =	shalt  }
0x7d: {  	_ =	shalt  }
0x7e: {  	_ =	shalt  }
0x7f: {  	_ =	shalt  }
0x80: {  	_ =	shalt  }
0x81: {  	_ =	shalt  }
0x82: {  	_ =	shalt  }
0x83: {  	_ =	shalt  }
0x84: {  	_ =	shalt  }
0x85: {  	_ =	shalt  }
0x86: {  	_ =	shalt  }
0x87: {  	_ =	shalt  }
.Lfunc_end0:
.L_simem_size_0:
called_computation.1_lowered:
.L_overlay_start_0:
0x88: {  	s2 =	sld [smem:$0x3FD9]  }
0x89: {  	s3 =	sld [smem:$0x3FFE];
	_ =	sdelay $0x1  }
0x8a: {  	s1 =	srdreg.scid  }
0x8b: {  	s0 =	sand.u32 $0x1, s1  }
0x8c: {  	s16 =	sshll.u32 s0, $0xA;
	s2 =	sadd.s32 s3, s2  }
0x8d: {  	s2 =	sadd.s32 s2, s16  }
0x8e: {  	[smem:$0x3FB4] =	sst s2  }
0x8f: {  	_ = 	snop  }
0x90: {  	s17 =	sld [smem:$0x3FD0];
	_ =	sdelay $0x2  }
0x91: {  	s4 =	simm.s32 $0xB;
	s5 =	simm.s32 $0x10;
	s2 =	sld [smem:$0x3FC6]  }
0x92: {  	[smem:s5], [sflag:s4] =	dma.local [hbm:s17], $0x1  }
0x93: {  	_ =	swait.eq [sflag:s4], $0x1  }
0x94: {  	[sflag:s4] =	ssyncset.done $0x0  }
0x95: {  	[sflag:s4] =	ssyncadd.s32 $0xFFFFFFFF  }
0x96: {  	s18 =	sld [smem:$0x10];
	(tm) =	ssettm $0x1  }
0x97: {  	s19 =	sld [smem:$0x3FFB];
	_ =	sdelay $0x3  }
0x98: {  	_ =	strace s19  }
0x99: {  	s3 =	sld [smem:$0x3FFC];
	_ =	sdelay $0x3  }
0x9a: {  	_ =	strace s3  }
0x9b: {  	s3 =	sld [smem:$0x3FFD];
	_ =	sdelay $0x3  }
0x9c: {  	_ =	strace s3  }
0x9d: {  	_ =	strace $0x8FFFFFFF  }
0x9e: {  	s20 =	sld [smem:$0x3FDB];
	_ =	sdelay $0x1  }
0x9f: {  	s21 =	simm.s32 $_scs_section_size  }
0xa0: {  	s6 =	simm.s32 $_size__tile_overlayer_lowered;
	s7 =	simm.s32 $_tile_overlayer_lowered  }
0xa1: {  	s8 =	simm.s32 $0x1BFF;
	s22 =	sshll.u32 s7, $0x1;
	s5 =	sadd.s32 s21, s20  }
0xa2: {  	s23 =	simm.s32 $0x0;
	s6 =	sshll.u32 s6, $0x1;
	s7 =	sadd.s32 s22, s5  }
0xa3: {  	[timem:s23], [sflag:s8] =	dma.local [hbm:s7], s6  }
0xa4: {  	_ =	swait.ge [sflag:s8], s6  }
0xa5: {  	s6 =	ssub.s32 $0x0, s6;
	[sflag:s8] =	ssyncset.done $0x0  }
0xa6: {  	[sflag:s8] =	ssyncadd.s32 s6;
	_ =	sdelay $0x1  }
0xa7: {  	s24 =	simm.s32 $0x1B8B  }
0xa8: {  	_ =	swait.ge [sflag:s24], $0x1  }
0xa9: {  	[sflag:s24] =	ssyncset.done $0x0  }
0xaa: {  	[sflag:s24] =	ssyncadd.s32 $0xFFFFFFFF  }
0xab: {  	s6 =	sld [smem:$0x0]  }
0xac: {  	s7 =	sand.u32 $0xFFFFFFFE, s1  }
0xad: {  	p0 =	sne.s32 s1, s7  }
0xae: {  	s7 =	sshll.u32 @p0 s7, $0xE  }
0xaf: {  	s7 =	sadd.s32 @p0 $0x11B8D, s7;
	s8 =	sshll.u32 @p0 s6, $0x11  }
0xb0: {  	s7 =	sor.u32 @p0 s8, s7  }
0xb1: {  	[sflag:s7] =	ssyncadd.remote.s32 @p0 $0x1;
	_ =	sdelay $0x1  }
0xb2: {  	s7 =	simm.s32 @p0 $0x1B8D  }
0xb3: {  	_ =	swait.eq @p0 [sflag:s7], $0x1  }
0xb4: {  	[sflag:s7] =	ssyncadd.s32 @p0 $0xFFFFFFFF  }
0xb5: {  	s8 =	sshll.u32 @!p0 s1, $0xE  }
0xb6: {  	s8 =	sor.u32 @!p0 $0x4000, s8;
	s7 =	simm.s32 @!p0 $0x1B8D  }
0xb7: {  	s6 =	sshll.u32 @!p0 s6, $0x11;
	s8 =	sadd.s32 @!p0 $0x11B8D, s8;
	_ =	swait.eq @!p0 [sflag:s7], $0x1  }
0xb8: {  	s6 =	sor.u32 @!p0 s6, s8;
	[sflag:s7] =	ssyncadd.s32 @!p0 $0xFFFFFFFF  }
0xb9: {  	s25 =	simm.s32 $0x1B8E;
	[sflag:s6] =	ssyncadd.remote.s32 @!p0 $0x1  }
0xba: {  	s26 =	simm.s32 $execute0_lowered;
	[smem:$0x3FD2] =	sst s25  }
0xbb: {  	s6 =	sshll.u32 s26, $0x1;
	_ =	strace $0x80000049;
	[dreg:$0x1] =	wrdreg $0xFFFFFFFF  }
0xbc: {  	s28 =	simm.s32 $_size_execute0_lowered;
	s5 =	sadd.s32 s5, s6;
	[dreg:$0x0] =	wrdreg $0x0  }
0xbd: {  	s6 =	sshll.u32 s28, $0x1;
	[dreg:$0x2] =	wrdreg s5  }
0xbe: {  	[dreg:$0x3] =	wrdreg s6  }
0xbf: {  	[dreg:$0x4] =	wrdreg $0xC0  }
0xc0: {  	_ =	task [dreg:s23], $0x5FFFF  }
0xc1: {  	[dreg:$0x1] =	wrdreg $0xFFFFFFFF  }
0xc2: {  	[dreg:$0x0] =	wrdreg $0x60  }
0xc3: {  	[dreg:$0x2] =	wrdreg s2  }
0xc4: {  	[dreg:$0x3] =	wrdreg s18  }
0xc5: {  	[dreg:$0x4] =	wrdreg $0x81000  }
0xc6: {  	[dreg:$0x5] =	wrdreg $0xA  }
0xc7: {  	_ =	task.clear_ibuf [dreg:s23], $0x6FFFF;
	_ =	strace $0x90000049  }
0xc8: {  	s29 =	simm.s32 $0xA;
	_ =	strace $0x8000004B  }
0xc9: {  	_ =	swait.ge [sflag:s29], $0x1  }
0xca: {  	[sflag:s29] =	ssyncadd.s32 $0xFFFFFFFF  }
0xcb: {  	_ =	strace $0x9000004B  }
0xcc: {  	_ =	sfence  }
0xcd: {  	s30 =	sld [smem:$0x0];
	_ =	sdelay $0x2  }
0xce: {  	s31 =	sshll.u32 s1, $0xD;
	s1 =	sshrl.u32 s1, $0x2  }
0xcf: {  	s4 =	sand.u32 $0x4000, s31;
	s1 =	sadd.s32 s1, s30  }
0xd0: {  	s0 =	sor.u32 s4, s0;
	s1 =	sshll.u32 s1, $0x11  }
0xd1: {  	s0 =	sor.u32 s1, s0  }
0xd2: {  	s0 =	sadd.s32 $0x8F2B, s0  }
0xd3: {  	[sflag:s0] =	ssyncadd.remote.s32 $0x1  }
0xd4: {  	_ =	sfence.sel $0xFFFF  }
0xd5: {  	[dreg:$0x0] =	wrdreg $0xFFFFFFFF;
	(pc) =	sbr.abs _section_cstart, $3  }
0xd6: {  	[dreg:$0x1] =	wrdreg $0xFFFFFFFF  }
0xd7: {  	_ =	task.clear_ibuf [dreg:s23], $0x2FFFF;
	_ =	strace $0x9FFFFFFF  }
0xd8: {  	(tm) =	ssettm $0x7FFFFFFF  }
0xd9: {  	_ =	shalt  }
tec
execute0_lowered:
.L_overlay_start_1:
0x0: {  	(tag) =	ssettag $0x1  }
0x1: {  	s11 =	rddreg [dreg:$0x0]  }
0x2: {  	s12 =	rddreg [dreg:$0x1]  }
0x3: {  	s0 =	srdreg.scid;
	s1 =	rddreg [dreg:$0x2]  }
0x4: {  	s2 =	simm.s32 $0x0;
	s9 =	sand.u32 $0x1, s0;
	s0 =	rddreg [dreg:$0x3]  }
0x5: {  	s15 =	stileid.u32;
	s16 =	simm.s32 $0x0;
	[smem:$0x7FF] =	sst s2  }
0x6: {  	s26 =	ssub.s32 $0x26, s15;
	s5 =	sshll.u32 s15, $0xE;
	s7 =	ssub.s32 $0x9C3, s15  }
0x7: {  	s30 =	sshll.u32 s15, $0x4;
	s31 =	sshll.u32 s15, $0xB;
	p0 =	sne.s32 s15, $0x0  }
0x8: {  	s15 =	simm.s32 $0x2;
	s3 =	ssub.s32 $0x2, s9;
	_ =	strace $0x8000004A  }
0x9: {  	s6 =	smul.u32 $0x9C400, s9;
	s10 =	sshrl.u32 s26, $0x4;
	s14 =	sshrl.u32 s7, $0x4  }
0xa: {  	s29 =	smul.u32 $0x13880, s9;
	s11 =	sadd.s32 s30, s11;
	s4 =	sshrl.u32 s3, $0x1  }
0xb: {  	s8 =	ssub.s32 s3, s4;
	s3 =	smul.u32 $0x1388, s9;
	s4 =	sadd.s32 s5, s1  }
0xc: {  	s5 =	sadd.s32 $0x9C000, s1;
	s13 =	sshrl.u32 s6, $0x3;
	s9 =	sadd.s32 $0x1, s10  }
0xd: {  	s10 =	sadd.s32 $0x1, s14;
	s14 =	simm.s32 $0x1;
	s28 =	sadd.s32 s12, s13  }
0xe: {  	s8 =	smax.u32 s8, $0x1;
	s12 =	sadd.s32 s29, s12;
	s13 =	simm.s32 $0x4100  }
0xf: {  	v1 =	vimm.f32 $1.000000000e+00;
	v2 =	vimm.f32 $0.0e+00;
	s6 =	sadd.s32 $0x1388, s3;
	s7 =	sadd.s32 $0x13800, s28;
	s12 =	sadd.s32 s31, s12;
	v0 =	vmov s3  }
.LBB2_1:
0x10: {  	s17 =	simm.s32 $0x0;
	s18 =	simm.s32 $0x200  }
.LBB2_2:
0x11: {  	p1 =	sne.s32 s18, $0xFE00;
	[tilespmem:s17+$0x4170] =	vst v2  }
0x12: {  	[tilespmem:s17+$0x100] =	vst v1  }
0x13: {  	[tilespmem:s17+$0x4100] =	vst v2  }
0x14: {  	[tilespmem:s17+$0x110] =	vst v1  }
0x15: {  	[tilespmem:s17+$0x4110] =	vst v2  }
0x16: {  	[tilespmem:s17+$0x120] =	vst v1  }
0x17: {  	[tilespmem:s17+$0x4120] =	vst v2  }
0x18: {  	[tilespmem:s17+$0x130] =	vst v1  }
0x19: {  	[tilespmem:s17+$0x4130] =	vst v2  }
0x1a: {  	[tilespmem:s17+$0x140] =	vst v1  }
0x1b: {  	[tilespmem:s17+$0x4140] =	vst v2  }
.Ltmp0:
0x1c: {  	[tilespmem:s17+$0x150] =	vst v1;
	(pc) =	sbr.rel @p1 .LBB2_2-.Ltmp0, $4  }
0x1d: {  	[tilespmem:s17+$0x4150] =	vst v2  }
0x1e: {  	[tilespmem:s17+$0x160] =	vst v1  }
0x1f: {  	[tilespmem:s17+$0x4160] =	vst v2  }
0x20: {  	[tilespmem:s17+$0x170] =	vst v1;
	s17 =	sshra.s32 s18, $0x2;
	s18 =	sadd.s32 $0x200, s18  }
0x21: {  	[tilespmem:s17+$0x4170] =	vst v2  }
0x22: {  	[tilespmem:s17+$0x100] =	vst v1  }
0x23: {  	[tilespmem:s17+$0x4100] =	vst v2  }
0x24: {  	[tilespmem:s17+$0x110] =	vst v1  }
0x25: {  	[tilespmem:s17+$0x4110] =	vst v2  }
0x26: {  	[tilespmem:s17+$0x120] =	vst v1  }
0x27: {  	[tilespmem:s17+$0x4120] =	vst v2  }
0x28: {  	[tilespmem:s17+$0x130] =	vst v1  }
0x29: {  	[tilespmem:s17+$0x4130] =	vst v2  }
0x2a: {  	[tilespmem:s17+$0x140] =	vst v1  }
0x2b: {  	[tilespmem:s17+$0x4140] =	vst v2  }
0x2c: {  	[tilespmem:s17+$0x150] =	vst v1  }
0x2d: {  	[tilespmem:s17+$0x4150] =	vst v2  }
0x2e: {  	[tilespmem:s17+$0x160] =	vst v1;
	p1 =	sne.s32 s9, $0x1  }
.Ltmp1:
0x2f: {  	[tilespmem:s17+$0x4160] =	vst v2;
	(pc) =	sbr.rel @!p1 .LBB2_5-.Ltmp1, $4  }
0x30: {  	[tilespmem:s17+$0x170] =	vst v1  }
0x31: {  	[spmem:s4] =	stream.linear.scatter [tilespmem:s13], [sflag:$0x1], $0x4000, $0x38;
	[tilespmem:$0x11D80] =	vst v63  }
0x32: {  	_ =	swait.ge [sflag:s14], $0x4000  }
0x33: {  	s17 =	sadd.s32 $0xFFFFFFFF, s9;
	s18 =	smov.u32 s4;
	[sflag:s14] =	ssyncset.done $0x0  }
.LBB2_4:
0x34: {  	p2 =	sne.s32 s17, $0x1;
	[sflag:s14] =	ssyncadd.s32 $0xFFFFC000;
	s18 =	sadd.s32 $0x40000, s18  }
.Ltmp2:
0x35: {  	s17 =	sadd.s32 $0xFFFFFFFF, s17;
	(pc) =	sbr.rel @p2 .LBB2_4-.Ltmp2, $4  }
0x36: {  	_ = 	snop  }
0x37: {  	[spmem:s18] =	stream.linear.scatter [tilespmem:s13], [sflag:$0x1], $0x4000, $0x38;
	[tilespmem:$0x11D80] =	vst v63  }
0x38: {  	_ =	swait.ge [sflag:s14], $0x4000  }
0x39: {  	[sflag:s14] =	ssyncset.done $0x0  }
.LBB2_5:
0x3a: {  	[sflag:s14] =	ssyncadd.s32 $0xFFFFC000;
	s17 =	simm.s32 @!p0 $0x4100  }
0x3b: {  	[spmem:s5] =	stream.linear.scatter @!p0 [tilespmem:s17], [sflag:$0x1], $0x800, $0x38;
	[tilespmem:$0x11D80] =	vst v63  }
0x3c: {  	s17 =	simm.s32 @!p0 $0x1  }
0x3d: {  	_ =	swait.ge @!p0 [sflag:s17], $0x800  }
0x3e: {  	[sflag:s17] =	ssyncset.done @!p0 $0x0  }
0x3f: {  	[sflag:s17] =	ssyncadd.s32 @!p0 $0xFFFFF800  }
0x40: {  	[bflag:$0x0] =	sbarrier.arrive $0xFFFF  }
0x41: {  	[tilespmem:s2], [sflag:$0x2] =	stream.linear.gather [hbm4b:s11+s2], $0x80, $0x38;
	[tilespmem:$0x11D80] =	vst v63  }
0x42: {  	_ =	swait.ge [sflag:s15], $0x80  }
0x43: {  	[sflag:s15] =	ssyncset.done $0x0  }
0x44: {  	[sflag:s15] =	ssyncadd.s32 $0xFFFFFF80  }
0x45: {  	s17 =	sadd.s32 $0xFFFFFFFF, s10;
	v3 =	vld [tilespmem:$0x0]  }
0x46: {  	p2 =	sne.s32 s17, $0x0;
	v4 =	vld [tilespmem:$0x70]  }
.Ltmp3:
0x47: {  	_ = 	snop;
	(pc) =	sbr.rel @!p2 .LBB2_7-.Ltmp3, $3  }
0x48: {  	_ =	sdelay $0x1  }
0x49: {  	(v2sf) =	vpush v3, $0x0  }
0x4a: {  	s18 =	smov.u32 s11;
	(v2sf) =	vpush v4, $0xF  }
.LBB2_6:
0x4b: {  	s17 =	sadd.s32 $0xFFFFFFFF, s17;
	s18 =	sadd.s32 $0x100, s18  }
0x4c: {  	p2 =	sne.s32 s17, $0x0;
	_ =	sdelay $0xb  }
0x4d: {  	s19 =	spop (v2sf)  }
0x4e: {  	p3 =	sge.s32 s19, s6;
	s19 =	spop (v2sf)  }
0x4f: {  	p4 =	slt.s32 @!p3 s19, s3  }
0x50: {  	p3 =	por p4, p3  }
0x51: {  	v3 =	vsub.s32 @!p3 v3, v0;
	v4 =	vld @!p3 [tilespmem:$0x50]  }
0x52: {  	v3 =	vmin.u32 @!p3 v3, $0x1388;
	v5 =	vld @!p3 [tilespmem:$0x70]  }
0x53: {  	[tilespmem:$0x80] =	vst @!p3 v3;
	v3 =	vld @!p3 [tilespmem:$0x40]  }
0x54: {  	v6 =	vld @!p3 [tilespmem:$0x60]  }
0x55: {  	v7 =	vld @!p3 [tilespmem:$0x30]  }
0x56: {  	v8 =	vld @!p3 [tilespmem:$0x20];
	v4 =	vsub.s32 @!p3 v4, v0  }
0x57: {  	v9 =	vld @!p3 [tilespmem:$0x10];
	v4 =	vmin.u32 @!p3 v4, $0x1388;
	v5 =	vsub.s32 @!p3 v5, v0  }
0x58: {  	v3 =	vsub.s32 @!p3 v3, v0;
	[tilespmem:$0xD0] =	vst @!p3 v4;
	v4 =	vmin.u32 @!p3 v5, $0x1388  }
0x59: {  	v3 =	vmin.u32 @!p3 v3, $0x1388;
	v5 =	vsub.s32 @!p3 v6, v0;
	[tilespmem:$0xF0] =	vst @!p3 v4  }
0x5a: {  	v4 =	vsub.s32 @!p3 v7, v0;
	[tilespmem:$0xC0] =	vst @!p3 v3;
	v3 =	vmin.u32 @!p3 v5, $0x1388  }
0x5b: {  	v5 =	vsub.s32 @!p3 v8, v0;
	v4 =	vmin.u32 @!p3 v4, $0x1388;
	[tilespmem:$0xE0] =	vst @!p3 v3  }
0x5c: {  	v3 =	vsub.s32 @!p3 v9, v0;
	v5 =	vmin.u32 @!p3 v5, $0x1388;
	[tilespmem:$0xB0] =	vst @!p3 v4  }
0x5d: {  	v3 =	vmin.u32 @!p3 v3, $0x1388;
	[tilespmem:$0xA0] =	vst @!p3 v5  }
0x5e: {  	s19 =	simm.s32 @!p3 $0x80;
	s20 =	simm.s32 @!p3 $0x100;
	s21 =	simm.s32 @!p3 $0x1;
	[tilespmem:$0x90] =	vst @!p3 v3  }
0x5f: {  	[spmem:s1] =	stream.indirect.scatter.add.f32 @!p3 [tilespmem:s20], [sflag:$0x1], $0x80, s19, s19, $0xb8;
	[tilespmem:$0x11D80] =	vst v63  }
0x60: {  	_ =	swait.ge @!p3 [sflag:s21], $0x4000  }
0x61: {  	[sflag:s21] =	ssyncset.done @!p3 $0x0  }
0x62: {  	[sflag:s21] =	ssyncadd.s32 @!p3 $0xFFFFC000  }
0x63: {  	[tilespmem:s2], [sflag:$0x2] =	stream.linear.gather [hbm4b:s18+s2], $0x80, $0x38;
	[tilespmem:$0x11D80] =	vst v63  }
0x64: {  	_ =	swait.ge [sflag:s15], $0x80  }
0x65: {  	[sflag:s15] =	ssyncset.done $0x0  }
0x66: {  	[sflag:s15] =	ssyncadd.s32 $0xFFFFFF80  }
0x67: {  	v3 =	vld [tilespmem:$0x0]  }
0x68: {  	v4 =	vld [tilespmem:$0x70]  }
.Ltmp4:
0x69: {  	(pc) =	sbr.rel @p2 .LBB2_6-.Ltmp4, $3  }
0x6a: {  	_ =	sdelay $0x1  }
0x6b: {  	(v2sf) =	vpush v3, $0x0  }
0x6c: {  	(v2sf) =	vpush v4, $0xF  }
.LBB2_7:
0x6d: {  	_ =	sdelay $0xc  }
0x6e: {  	s17 =	spop (v2sf)  }
0x6f: {  	p2 =	sge.s32 s17, s6;
	s17 =	spop (v2sf)  }
0x70: {  	p3 =	slt.s32 @!p2 s17, s3  }
0x71: {  	p2 =	por p3, p2  }
0x72: {  	v4 =	vld @!p2 [tilespmem:$0x50]  }
0x73: {  	v5 =	vld @!p2 [tilespmem:$0x70]  }
0x74: {  	v6 =	vld @!p2 [tilespmem:$0x40];
	v3 =	vsub.s32 @!p2 v3, v0  }
0x75: {  	v7 =	vld @!p2 [tilespmem:$0x60];
	v3 =	vmin.u32 @!p2 v3, $0x1388  }
0x76: {  	[tilespmem:$0x80] =	vst @!p2 v3;
	v3 =	vld @!p2 [tilespmem:$0x10]  }
0x77: {  	v8 =	vld @!p2 [tilespmem:$0x30];
	v4 =	vsub.s32 @!p2 v4, v0  }
0x78: {  	v9 =	vld @!p2 [tilespmem:$0x20];
	v5 =	vsub.s32 @!p2 v5, v0;
	v4 =	vmin.u32 @!p2 v4, $0x1388  }
0x79: {  	v6 =	vsub.s32 @!p2 v6, v0;
	[tilespmem:$0xD0] =	vst @!p2 v4;
	v4 =	vmin.u32 @!p2 v5, $0x1388  }
0x7a: {  	v5 =	vmin.u32 @!p2 v6, $0x1388;
	v6 =	vsub.s32 @!p2 v7, v0;
	[tilespmem:$0xF0] =	vst @!p2 v4  }
0x7b: {  	v3 =	vsub.s32 @!p2 v3, v0;
	[tilespmem:$0xC0] =	vst @!p2 v5;
	v5 =	vmin.u32 @!p2 v6, $0x1388  }
0x7c: {  	v4 =	vsub.s32 @!p2 v8, v0;
	v3 =	vmin.u32 @!p2 v3, $0x1388;
	[tilespmem:$0xE0] =	vst @!p2 v5  }
0x7d: {  	v6 =	vsub.s32 @!p2 v9, v0;
	v4 =	vmin.u32 @!p2 v4, $0x1388;
	[tilespmem:$0x90] =	vst @!p2 v3  }
0x7e: {  	v5 =	vmin.u32 @!p2 v6, $0x1388;
	[tilespmem:$0xB0] =	vst @!p2 v4  }
0x7f: {  	s17 =	simm.s32 @!p2 $0x80;
	s18 =	simm.s32 @!p2 $0x100;
	s19 =	simm.s32 @!p2 $0x1;
	[tilespmem:$0xA0] =	vst @!p2 v5  }
0x80: {  	[spmem:s1] =	stream.indirect.scatter.add.f32 @!p2 [tilespmem:s18], [sflag:$0x1], $0x80, s17, s17, $0xb8;
	[tilespmem:$0x11D80] =	vst v63  }
0x81: {  	_ =	swait.ge @!p2 [sflag:s19], $0x4000  }
0x82: {  	[sflag:s19] =	ssyncset.done @!p2 $0x0  }
0x83: {  	[sflag:s19] =	ssyncadd.s32 @!p2 $0xFFFFC000  }
0x84: {  	[bflag:$0x0] =	sbarrier.arrive $0xFFFF  }
0x85: {  	[tilespmem:s13], [sflag:$0x1] =	stream.linear.gather [spmem:s4], $0x4000, $0x38;
	[tilespmem:$0x11D80] =	vst v63  }
0x86: {  	_ =	swait.ge [sflag:s14], $0x4000  }
.Ltmp5:
0x87: {  	[sflag:s14] =	ssyncset.done $0x0;
	(pc) =	sbr.rel @!p1 .LBB2_9-.Ltmp5, $4  }
0x88: {  	[sflag:s14] =	ssyncadd.s32 $0xFFFFC000  }
0x89: {  	[hbm4b:s12+s2] =	stream.linear.scatter [tilespmem:s13], [sflag:$0x1], $0x4000, $0x38;
	[tilespmem:$0x11D80] =	vst v63  }
0x8a: {  	s17 =	sadd.s32 $0xFFFFFFFF, s9;
	_ =	swait.ge [sflag:s14], $0x4000  }
0x8b: {  	s18 =	smov.u32 s12;
	s19 =	smov.u32 s4;
	[sflag:s14] =	ssyncset.done $0x0  }
.LBB2_8:
0x8c: {  	[sflag:s14] =	ssyncadd.s32 $0xFFFFC000;
	s18 =	sadd.s32 $0x8000, s18;
	s19 =	sadd.s32 $0x40000, s19  }
0x8d: {  	[tilespmem:s13], [sflag:$0x1] =	stream.linear.gather [spmem:s19], $0x4000, $0x38;
	[tilespmem:$0x11D80] =	vst v63  }
0x8e: {  	p1 =	sne.s32 s17, $0x1;
	s17 =	sadd.s32 $0xFFFFFFFF, s17;
	_ =	swait.ge [sflag:s14], $0x4000  }
.Ltmp6:
0x8f: {  	[sflag:s14] =	ssyncset.done $0x0;
	(pc) =	sbr.rel @p1 .LBB2_8-.Ltmp6, $4  }
0x90: {  	[sflag:s14] =	ssyncadd.s32 $0xFFFFC000  }
0x91: {  	[hbm4b:s18+s2] =	stream.linear.scatter [tilespmem:s13], [sflag:$0x1], $0x4000, $0x38;
	[tilespmem:$0x11D80] =	vst v63  }
0x92: {  	_ =	swait.ge [sflag:s14], $0x4000  }
0x93: {  	[sflag:s14] =	ssyncset.done $0x0  }
.LBB2_9:
0x94: {  	[sflag:s14] =	ssyncadd.s32 $0xFFFFC000;
	s17 =	simm.s32 @!p0 $0x4100;
	s18 =	simm.s32 @!p0 $0x1  }
0x95: {  	[tilespmem:s17], [sflag:$0x1] =	stream.linear.gather @!p0 [spmem:s5], $0x400, $0x38;
	[tilespmem:$0x11D80] =	vst v63  }
0x96: {  	s16 =	sadd.s32 $0x1, s16;
	_ =	swait.ge @!p0 [sflag:s18], $0x400  }
0x97: {  	p1 =	sne.s32 s16, s8;
	[sflag:s18] =	ssyncset.done @!p0 $0x0  }
.Ltmp7:
0x98: {  	s19 =	simm.s32 @!p0 $0x0;
	[sflag:s18] =	ssyncadd.s32 @!p0 $0xFFFFFC00;
	(pc) =	sbr.rel @p1 .LBB2_1-.Ltmp7, $4  }
0x99: {  	[hbm4b:s7+s19] =	stream.linear.scatter @!p0 [tilespmem:s17], [sflag:$0x1], $0x400, $0x38;
	[tilespmem:$0x11D80] =	vst v63  }
0x9a: {  	_ =	swait.ge @!p0 [sflag:s18], $0x400  }
0x9b: {  	[sflag:s18] =	ssyncset.done @!p0 $0x0  }
0x9c: {  	[sflag:s18] =	ssyncadd.s32 @!p0 $0xFFFFFC00  }
0x9d: {  	_ =	sfence.sel $0x180000  }
0x9e: {  	[bflag:$0x0] =	sbarrier.arrive $0xFFFF  }
0x9f: {  	_ =	strace $0x9000004A  }
0xa0: {  	s0 =	sadd.s32 @!p0 $0x100000, s0;
	[bflag:$0x2] =	sbarrier.arrive $0xFFFF  }
0xa1: {  	[sflag:s0] =	ssyncadd.tile.s32 @!p0 $0x1;
	_ =	shalt  }
.Lfunc_end2:
_tile_overlayer_lowered:
.L_overlay_start_2:
0xa2: {  	(tag) =	ssettag $0x2  }
0xa3: {  	s0 =	rddreg [dreg:$0x0];
	s2 =	stileid.u32  }
0xa4: {  	s1 =	rddreg [dreg:$0x1];
	p0 =	sne.s32 s2, $0x0  }
0xa5: {  	s3 =	rddreg [dreg:$0x2];
	[bflag:$0x3] =	sbarrier.arrive $0xFFFF;
	s2 =	simm.s32 @!p0 $0x1C01  }
0xa6: {  	[timem:s3], [sflag:s2] =	dma.local @!p0 [hbm:s0], s1  }
0xa7: {  	s0 =	simm.s32 @!p0 $0x1  }
0xa8: {  	_ =	swait.ge @!p0 [sflag:s0], s1  }
0xa9: {  	s1 =	ssub.s32 @!p0 $0x0, s1;
	[sflag:s0] =	ssyncset.done @!p0 $0x0  }
0xaa: {  	[sflag:s0] =	ssyncadd.s32 @!p0 s1  }
0xab: {  	[bflag:$0x3] =	sbarrier.arrive $0xFFFF  }
0xac: {  	_ =	shalt  }

// kernel: kernel.7.cloned.1.call-start
scs
__scs_entry_jumppad:
0x0: {  	(pc) =	sbr.rel $0x88, $3  }
0x1: {  	(tag) =	ssettag $0x0;
	lr =	simm.s32 $0x1  }
0x2: {  	[smem:$0x3F8D] =	sst lr;
	_ =	strace $0xD0000000  }
0x3: {  	_ = 	snop  }
0x4: {  	_ = 	snop  }
0x5: {  	_ = 	snop  }
0x6: {  	_ = 	snop  }
0x7: {  	_ = 	snop  }
__scs_overlays_trampoline_lowered:
0x8: {  	[smem:$0x3F9C] =	sst s0  }
0x9: {  	[smem:$0x3F9D] =	sst s1  }
0xa: {  	[smem:$0x3F9E] =	sst s2  }
0xb: {  	[smem:$0x3F9F] =	sst s3  }
0xc: {  	[smem:$0x3FA0] =	sst s4  }
0xd: {  	[smem:$0x3FA1] =	sst s5  }
0xe: {  	[smem:$0x3FA2] =	sst s6  }
0xf: {  	[smem:$0x3FA3] =	sst s7  }
0x10: {  	[smem:$0x3FA4] =	sst s8  }
0x11: {  	[smem:$0x3FA5] =	sst s9;
	s0 =	simm.s32 @!p0 $0x0  }
0x12: {  	s1 =	sld [smem:$0x3F8B];
	s0 =	simm.s32 @p0 $0x1  }
0x13: {  	[smem:$0x3FA6] =	sst s0;
	s0 =	simm.s32 @!p1 $0x0  }
0x14: {  	s2 =	sld [smem:$0x3F8A];
	s0 =	simm.s32 @p1 $0x1  }
0x15: {  	[smem:$0x3FA7] =	sst s0;
	s0 =	simm.s32 @!p2 $0x0  }
0x16: {  	s3 =	sld [smem:$0x3FDB];
	s0 =	simm.s32 @p2 $0x1  }
0x17: {  	s4 =	simm.s32 $0x1BF5;
	[smem:$0x3FA9] =	sst s0  }
0x18: {  	s0 =	sld [smem:$0x3F8C];
	_ =	swait.ge [sflag:s4], $0x0  }
0x19: {  	s7 =	sld [smem:$0x3F8D]  }
0x1a: {  	s8 =	sadd.s32 $0xFFFFE003, lr  }
0x1b: {  	s9 =	sadd.s32 $0xFFFFFEF7, lr;
	s5 =	simm.s32 $0xFFFFFFFF;
	p2 =	slt.u32 s8, $0xFFFFF086  }
0x1c: {  	p1 =	slt.u32 s9, $0xF7A;
	s5 =	simm.s32 @!p2 $0x0  }
0x1d: {  	s5 =	simm.s32 @p1 $0x1;
	p0 =	seq.s32 s7, s2  }
0x1e: {  	s7 =	smul.u32 @!p0 $0xF7A, s2;
	p2 =	seq.s32 @!p0 s5, $0x0  }
0x1f: {  	s9 =	smul.u32 $0xF7A, s1;
	s8 =	simm.s32 @!p0 $0x1BF5;
	p2 =	por !p2, p0  }
0x20: {  	[sflag:s8] =	ssyncset.s32 @!p0 $0xFFFFF086;
	s6 =	sadd.s32 @!p0 s3, s7;
	s7 =	simm.s32 @!p0 $0x108  }
0x21: {  	s3 =	sadd.s32 s3, s9;
	s6 =	sadd.s32 @!p0 $0x88, s6;
	s7 =	simm.s32 @p2 $0x1082  }
0x22: {  	[simem:s7], [sflag:s8] =	dma.local @!p0 [hbm:s6], $0xF7A  }
0x23: {  	s9 =	sor.u32 $0xD0000000, s2;
	s6 =	simm.s32 $0x108;
	_ =	swait.ge @!p0 [sflag:s8], $0x0  }
0x24: {  	s3 =	sadd.s32 $0x88, s3;
	s6 =	simm.s32 @!p1 $0x1082;
	[sflag:s4] =	ssyncset.s32 $0xFFFFF086  }
0x25: {  	[simem:s6], [sflag:s4] =	dma.local [hbm:s3], $0xF7A  }
0x26: {  	[smem:$0x3F8D] =	sst s1;
	(tag) =	ssettag s2;
	_ =	strace s9  }
0x27: {  	s1 =	sld [smem:$0x3F9D]  }
0x28: {  	s2 =	sld [smem:$0x3F9E]  }
0x29: {  	s4 =	sld [smem:$0x3FA0]  }
0x2a: {  	p0 =	seq.s32 s5, $0x0;
	s5 =	sld [smem:$0x3FA1]  }
0x2b: {  	s6 =	sld [smem:$0x3FA2]  }
0x2c: {  	s7 =	sld [smem:$0x3FA3]  }
0x2d: {  	s3 =	simm.s32 $0x108;
	s8 =	sld [smem:$0x3FA4]  }
0x2e: {  	s3 =	simm.s32 @!p0 $0x1082;
	s9 =	sld [smem:$0x3FA5]  }
0x2f: {  	lr =	sadd.s32 s0, s3;
	s0 =	sld [smem:$0x3F9C]  }
0x30: {  	s3 =	sld [smem:$0x3F9F]  }
0x31: {  	[smem:$0x3FA8] =	sst s10  }
0x32: {  	s10 =	sld [smem:$0x3FA6];
	_ =	sdelay $0x3  }
0x33: {  	p0 =	seq.s32 s10, $0x1;
	s10 =	sld [smem:$0x3FA8];
	_ =	sdelay $0x3  }
0x34: {  	[smem:$0x3FA8] =	sst s10  }
0x35: {  	s10 =	sld [smem:$0x3FA7];
	_ =	sdelay $0x3  }
0x36: {  	p1 =	seq.s32 s10, $0x1;
	s10 =	sld [smem:$0x3FA8];
	_ =	sdelay $0x3  }
0x37: {  	[smem:$0x3FA8] =	sst s10  }
0x38: {  	s10 =	sld [smem:$0x3FA9]  }
0x39: {  	_ = 	snop;
	(pc) =	sbr.ind lr, $3  }
0x3a: {  	_ = 	snop  }
0x3b: {  	_ = 	snop  }
0x3c: {  	p2 =	seq.s32 s10, $0x1;
	s10 =	sld [smem:$0x3FA8]  }
0x3d: {  	_ =	shalt  }
0x3e: {  	_ =	shalt  }
0x3f: {  	_ =	shalt  }
0x40: {  	_ =	shalt  }
0x41: {  	_ =	shalt  }
0x42: {  	_ =	shalt  }
0x43: {  	_ =	shalt  }
0x44: {  	_ =	shalt  }
0x45: {  	_ =	shalt  }
0x46: {  	_ =	shalt  }
0x47: {  	_ =	shalt  }
0x48: {  	_ =	shalt  }
0x49: {  	_ =	shalt  }
0x4a: {  	_ =	shalt  }
0x4b: {  	_ =	shalt  }
0x4c: {  	_ =	shalt  }
0x4d: {  	_ =	shalt  }
0x4e: {  	_ =	shalt  }
0x4f: {  	_ =	shalt  }
0x50: {  	_ =	shalt  }
0x51: {  	_ =	shalt  }
0x52: {  	_ =	shalt  }
0x53: {  	_ =	shalt  }
0x54: {  	_ =	shalt  }
0x55: {  	_ =	shalt  }
0x56: {  	_ =	shalt  }
0x57: {  	_ =	shalt  }
0x58: {  	_ =	shalt  }
0x59: {  	_ =	shalt  }
0x5a: {  	_ =	shalt  }
0x5b: {  	_ =	shalt  }
0x5c: {  	_ =	shalt  }
0x5d: {  	_ =	shalt  }
0x5e: {  	_ =	shalt  }
0x5f: {  	_ =	shalt  }
0x60: {  	_ =	shalt  }
0x61: {  	_ =	shalt  }
0x62: {  	_ =	shalt  }
0x63: {  	_ =	shalt  }
0x64: {  	_ =	shalt  }
0x65: {  	_ =	shalt  }
0x66: {  	_ =	shalt  }
0x67: {  	_ =	shalt  }
0x68: {  	_ =	shalt  }
0x69: {  	_ =	shalt  }
0x6a: {  	_ =	shalt  }
0x6b: {  	_ =	shalt  }
0x6c: {  	_ =	shalt  }
0x6d: {  	_ =	shalt  }
0x6e: {  	_ =	shalt  }
0x6f: {  	_ =	shalt  }
0x70: {  	_ =	shalt  }
0x71: {  	_ =	shalt  }
0x72: {  	_ =	shalt  }
0x73: {  	_ =	shalt  }
0x74: {  	_ =	shalt  }
0x75: {  	_ =	shalt  }
0x76: {  	_ =	shalt  }
0x77: {  	_ =	shalt  }
0x78: {  	_ =	shalt  }
0x79: {  	_ =	shalt  }
0x7a: {  	_ =	shalt  }
0x7b: {  	_ =	shalt  }
0x7c: {  	_ =	shalt  }
0x7d: {  	_ =	shalt  }
0x7e: {  	_ =	shalt  }
0x7f: {  	_ =	shalt  }
0x80: {  	_ =	shalt  }
0x81: {  	_ =	shalt  }
0x82: {  	_ =	shalt  }
0x83: {  	_ =	shalt  }
0x84: {  	_ =	shalt  }
0x85: {  	_ =	shalt  }
0x86: {  	_ =	shalt  }
0x87: {  	_ =	shalt  }
.Lfunc_end0:
.L_simem_size_0:
called_computation_lowered:
.L_overlay_start_0:
0x88: {  	s2 =	sld [smem:$0x3FD9]  }
0x89: {  	s3 =	sld [smem:$0x3FFE];
	_ =	sdelay $0x1  }
0x8a: {  	s1 =	srdreg.scid  }
0x8b: {  	s0 =	sand.u32 $0x1, s1  }
0x8c: {  	s14 =	sshll.u32 s0, $0xA;
	s2 =	sadd.s32 s3, s2  }
0x8d: {  	s2 =	sadd.s32 s2, s14  }
0x8e: {  	[smem:$0x3FB4] =	sst s2  }
0x8f: {  	_ = 	snop  }
0x90: {  	s2 =	sld [smem:$0x3FD0];
	_ =	sdelay $0x1  }
0x91: {  	s15 =	sld [smem:$0x3FC7]  }
0x92: {  	s5 =	simm.s32 $0xB;
	s6 =	simm.s32 $0x10;
	s4 =	sld [smem:$0x3FC6]  }
0x93: {  	[smem:s6], [sflag:s5] =	dma.local [hbm:s2], $0x1  }
0x94: {  	_ =	swait.eq [sflag:s5], $0x1  }
0x95: {  	[sflag:s5] =	ssyncset.done $0x0  }
0x96: {  	s16 =	sld [smem:$0x11];
	[sflag:s5] =	ssyncadd.s32 $0xFFFFFFFF  }
0x97: {  	s17 =	sld [smem:$0x12];
	(tm) =	ssettm $0x1  }
0x98: {  	s18 =	sld [smem:$0x3FFB];
	_ =	sdelay $0x3  }
0x99: {  	_ =	strace s18  }
0x9a: {  	s6 =	sld [smem:$0x3FFC];
	_ =	sdelay $0x3  }
0x9b: {  	_ =	strace s6  }
0x9c: {  	s6 =	sld [smem:$0x3FFD];
	_ =	sdelay $0x3  }
0x9d: {  	_ =	strace s6  }
0x9e: {  	_ =	strace $0x8FFFFFFF  }
0x9f: {  	s19 =	sld [smem:$0x3FDB];
	_ =	sdelay $0x1  }
0xa0: {  	s7 =	simm.s32 $_scs_section_size  }
0xa1: {  	s8 =	simm.s32 $_size__tile_overlayer_lowered;
	s9 =	simm.s32 $_tile_overlayer_lowered  }
0xa2: {  	s22 =	simm.s32 $0x1BFF;
	s21 =	sshll.u32 s9, $0x1;
	s6 =	sadd.s32 s7, s19  }
0xa3: {  	s10 =	simm.s32 $0x0;
	s20 =	sshll.u32 s8, $0x1;
	s8 =	sadd.s32 s21, s6  }
0xa4: {  	[timem:s10], [sflag:s22] =	dma.local [hbm:s8], s20  }
0xa5: {  	_ =	swait.ge [sflag:s22], s20  }
0xa6: {  	s7 =	ssub.s32 $0x0, s20;
	[sflag:s22] =	ssyncset.done $0x0  }
0xa7: {  	[sflag:s22] =	ssyncadd.s32 s7;
	_ =	sdelay $0x1  }
0xa8: {  	s23 =	simm.s32 $0x1B8B  }
0xa9: {  	_ =	swait.ge [sflag:s23], $0x1  }
0xaa: {  	[sflag:s23] =	ssyncset.done $0x0  }
0xab: {  	s25 =	simm.s32 $0x1B8E;
	s24 =	sld [smem:$0x3FFE];
	[sflag:s23] =	ssyncadd.s32 $0xFFFFFFFF  }
0xac: {  	s26 =	simm.s32 $execute0_lowered;
	[smem:$0x3FD2] =	sst s25  }
0xad: {  	s8 =	sshll.u32 s26, $0x1;
	_ =	strace $0x80000046;
	[dreg:$0x1] =	wrdreg $0xFFFFFFFF  }
0xae: {  	s28 =	simm.s32 $_size_execute0_lowered;
	s6 =	sadd.s32 s6, s8;
	[dreg:$0x0] =	wrdreg $0x0  }
0xaf: {  	s8 =	sshll.u32 s28, $0x1;
	[dreg:$0x2] =	wrdreg s6  }
0xb0: {  	[dreg:$0x3] =	wrdreg s8  }
0xb1: {  	[dreg:$0x4] =	wrdreg $0xC0  }
0xb2: {  	_ =	task [dreg:s10], $0x5FFFF  }
0xb3: {  	[dreg:$0x1] =	wrdreg $0xFFFFFFFF  }
0xb4: {  	[dreg:$0x0] =	wrdreg $0x60  }
0xb5: {  	[dreg:$0x2] =	wrdreg s16  }
0xb6: {  	[dreg:$0x3] =	wrdreg s24  }
0xb7: {  	[dreg:$0x4] =	wrdreg s15  }
0xb8: {  	[dreg:$0x5] =	wrdreg s4  }
0xb9: {  	[dreg:$0x6] =	wrdreg s17  }
0xba: {  	[dreg:$0x7] =	wrdreg $0xE2800  }
0xbb: {  	[dreg:$0x8] =	wrdreg $0x9  }
0xbc: {  	_ =	task.clear_ibuf [dreg:s10], $0x9FFFF;
	_ =	strace $0x90000046  }
0xbd: {  	s29 =	simm.s32 $0x9;
	_ =	strace $0x80000048  }
0xbe: {  	_ =	swait.ge [sflag:s29], $0x1  }
0xbf: {  	[sflag:s29] =	ssyncadd.s32 $0xFFFFFFFF  }
0xc0: {  	_ =	strace $0x90000048  }
0xc1: {  	_ =	sfence  }
0xc2: {  	s30 =	sld [smem:$0x0];
	_ =	sdelay $0x2  }
0xc3: {  	s31 =	sshll.u32 s1, $0xD;
	s1 =	sshrl.u32 s1, $0x2  }
0xc4: {  	s3 =	sand.u32 $0x4000, s31;
	s1 =	sadd.s32 s1, s30  }
0xc5: {  	s0 =	sor.u32 s3, s0;
	s1 =	sshll.u32 s1, $0x11  }
0xc6: {  	s0 =	sor.u32 s1, s0  }
0xc7: {  	s0 =	sadd.s32 $0x8F2B, s0  }
0xc8: {  	[sflag:s0] =	ssyncadd.remote.s32 $0x1  }
0xc9: {  	_ =	sfence.sel $0xFFFF  }
0xca: {  	[dreg:$0x0] =	wrdreg $0xFFFFFFFF;
	(pc) =	sbr.abs _section_cstart, $3  }
0xcb: {  	[dreg:$0x1] =	wrdreg $0xFFFFFFFF  }
0xcc: {  	_ =	task.clear_ibuf [dreg:s10], $0x2FFFF;
	_ =	strace $0x9FFFFFFF  }
0xcd: {  	(tm) =	ssettm $0x7FFFFFFF  }
tec
execute0_lowered:
.L_overlay_start_1:
0x0: {  	(tag) =	ssettag $0x1  }
0x1: {  	s0 =	rddreg [dreg:$0x0]  }
0x2: {  	s1 =	rddreg [dreg:$0x1]  }
0x3: {  	s2 =	rddreg [dreg:$0x2]  }
0x4: {  	s3 =	rddreg [dreg:$0x3]  }
0x5: {  	s5 =	rddreg [dreg:$0x5];
	s6 =	simm.s32 $0x0  }
0x6: {  	s4 =	srdreg.scid;
	s10 =	stileid.u32;
	s19 =	simm.s32 $0x6  }
0x7: {  	s20 =	simm.s32 $0x8200;
	s21 =	simm.s32 $0x40;
	s22 =	simm.s32 $0x2  }
0x8: {  	s23 =	simm.s32 $0x4;
	s24 =	simm.s32 $0x180;
	s28 =	simm.s32 $0x3  }
0x9: {  	s29 =	simm.s32 $0x100;
	s31 =	simm.s32 $0x0;
	[smem:$0x7FF] =	sst s6  }
0xa: {  	s4 =	sand.u32 $0x1, s4;
	s7 =	sadd.s32 $0x4E5E00, s1;
	s1 =	sadd.s32 $0x3E00, s1  }
0xb: {  	s25 =	ssub.s32 $0x4D, s10;
	s11 =	sshll.u32 s10, $0xD;
	s26 =	ssub.s32 $0x1387, s10  }
0xc: {  	s18 =	sadd.s32 $0x9C000, s5;
	s30 =	sshll.u32 s10, $0xA;
	p0 =	sne.s32 s10, $0x0  }
0xd: {  	_ =	strace $0x80000047;
	s8 =	ssub.s32 $0x2, s4;
	s12 =	smul.u32 $0x9C400, s4  }
0xe: {  	s15 =	sshrl.u32 s25, $0x4;
	s25 =	simm.s32 $0xC0;
	s9 =	sshrl.u32 s8, $0x1  }
0xf: {  	s14 =	ssub.s32 s8, s9;
	s8 =	smul.u32 $0x1388, s4;
	s9 =	sadd.s32 s11, s5  }
0x10: {  	s11 =	sshrl.u32 s26, $0x4;
	s13 =	sshrl.u32 s12, $0x3;
	s4 =	smul.u32 $0x13880, s4  }
0x11: {  	s26 =	simm.s32 $0x1;
	s16 =	sadd.s32 s1, s13;
	s14 =	smax.u32 s14, $0x1  }
0x12: {  	s16 =	sadd.s32 $0x13800, s16;
	[dreg:$0x8] =	wrdreg s14;
	s1 =	sadd.s32 s4, s1  }
0x13: {  	s13 =	sshll.u32 s10, $0x6;
	[dreg:$0x7] =	wrdreg s16;
	s1 =	sadd.s32 s30, s1  }
0x14: {  	v1 =	vimm.f32 $0.0e+00;
	s12 =	sadd.s32 $0x1388, s8;
	v0 =	vmov s8;
	s16 =	sadd.s32 $0x1, s15;
	[dreg:$0x9] =	wrdreg s1  }
.LBB2_1:
0x15: {  	s1 =	rddreg [dreg:$0x4];
	s4 =	simm.s32 $0xE200  }
0x16: {  	[tilespmem:s4], [sflag:$0x6] =	stream.linear.gather [hbm4b:s1+s6], $0x80, $0x38;
	[tilespmem:$0x17F00] =	vst v63  }
0x17: {  	_ =	swait.ge [sflag:s19], $0x80  }
0x18: {  	[sflag:s19] =	ssyncset.done $0x0  }
0x19: {  	[sflag:s19] =	ssyncadd.s32 $0xFFFFFF80  }
0x1a: {  	v8 =	vld [tilespmem:$0xE200]  }
0x1b: {  	v7 =	vld [tilespmem:$0xE210]  }
0x1c: {  	v6 =	vld [tilespmem:$0xE220]  }
0x1d: {  	v5 =	vld [tilespmem:$0xE230]  }
0x1e: {  	v4 =	vld [tilespmem:$0xE240]  }
0x1f: {  	v3 =	vld [tilespmem:$0xE250]  }
0x20: {  	v2 =	vld [tilespmem:$0xE260]  }
0x21: {  	s1 =	simm.s32 $0x0;
	s4 =	simm.s32 $0x200;
	v9 =	vld [tilespmem:$0xE270]  }
.LBB2_2:
0x22: {  	p1 =	sne.s32 s4, $0x7E00;
	[tilespmem:s1+$0x8270] =	vst v1  }
0x23: {  	[tilespmem:s1+$0x8200] =	vst v1  }
0x24: {  	[tilespmem:s1+$0x8210] =	vst v1  }
.Ltmp0:
0x25: {  	[tilespmem:s1+$0x8220] =	vst v1;
	(pc) =	sbr.rel @p1 .LBB2_2-.Ltmp0, $4  }
0x26: {  	[tilespmem:s1+$0x8230] =	vst v1  }
0x27: {  	[tilespmem:s1+$0x8240] =	vst v1  }
0x28: {  	[tilespmem:s1+$0x8250] =	vst v1  }
0x29: {  	[tilespmem:s1+$0x8260] =	vst v1;
	s1 =	sshra.s32 s4, $0x2;
	s4 =	sadd.s32 $0x200, s4  }
0x2a: {  	[tilespmem:s1+$0x8270] =	vst v1  }
0x2b: {  	[tilespmem:s1+$0x8200] =	vst v1  }
0x2c: {  	[tilespmem:s1+$0x8210] =	vst v1  }
0x2d: {  	[tilespmem:s1+$0x8220] =	vst v1  }
0x2e: {  	[tilespmem:s1+$0x8230] =	vst v1  }
0x2f: {  	[tilespmem:s1+$0x8240] =	vst v1;
	p1 =	sne.s32 s16, $0x1  }
.Ltmp1:
0x30: {  	[tilespmem:s1+$0x8250] =	vst v1;
	(pc) =	sbr.rel @!p1 .LBB2_5-.Ltmp1, $4  }
0x31: {  	[tilespmem:s1+$0x8260] =	vst v1  }
0x32: {  	[spmem:s9] =	stream.linear.scatter [tilespmem:s20], [sflag:$0x6], $0x2000, $0x38;
	[tilespmem:$0x17F00] =	vst v63  }
0x33: {  	_ =	swait.ge [sflag:s19], $0x2000  }
0x34: {  	s1 =	sadd.s32 $0xFFFFFFFF, s16;
	s4 =	smov.u32 s9;
	[sflag:s19] =	ssyncset.done $0x0  }
.LBB2_4:
0x35: {  	p2 =	sne.s32 s1, $0x1;
	[sflag:s19] =	ssyncadd.s32 $0xFFFFE000;
	s4 =	sadd.s32 $0x20000, s4  }
.Ltmp2:
0x36: {  	s1 =	sadd.s32 $0xFFFFFFFF, s1;
	(pc) =	sbr.rel @p2 .LBB2_4-.Ltmp2, $4  }
0x37: {  	_ = 	snop  }
0x38: {  	[spmem:s4] =	stream.linear.scatter [tilespmem:s20], [sflag:$0x6], $0x2000, $0x38;
	[tilespmem:$0x17F00] =	vst v63  }
0x39: {  	_ =	swait.ge [sflag:s19], $0x2000  }
0x3a: {  	[sflag:s19] =	ssyncset.done $0x0  }
.LBB2_5:
0x3b: {  	[sflag:s19] =	ssyncadd.s32 $0xFFFFE000;
	s1 =	simm.s32 @!p0 $0x8200  }
0x3c: {  	[spmem:s18] =	stream.linear.scatter @!p0 [tilespmem:s1], [sflag:$0x6], $0x800, $0x38;
	[tilespmem:$0x17F00] =	vst v63  }
0x3d: {  	s1 =	simm.s32 @!p0 $0x6  }
.Ltmp3:
0x3e: {  	_ =	swait.ge @!p0 [sflag:s1], $0x800;
	(pc) =	sbr.rel .LBB2_6-.Ltmp3, $4  }
0x3f: {  	[sflag:s1] =	ssyncset.done @!p0 $0x0  }
0x40: {  	[sflag:s1] =	ssyncadd.s32 @!p0 $0xFFFFF800  }
0x41: {  	s17 =	smov.u32 s18;
	[bflag:$0x0] =	sbarrier.arrive $0xFFFF  }
0x42: {  	p4 =	por $0x0, $0x0;
	p2 =	por $0x0, $0x0;
	s1 =	simm.s32 $0x0  }
.LBB2_14:
0x43: {  	s1 =	sadd.s32 $0x1, s1  }
0x44: {  	p5 =	sne.s32 s1, $0x9D  }
.Ltmp4:
0x45: {  	_ = 	snop;
	(pc) =	sbr.rel @!p5 .LBB2_15-.Ltmp4, $2  }
0x46: {  	_ =	sdelay $0x2  }
0x47: {  	p4 =	por p4, p3  }
.LBB2_6:
0x48: {  	s4 =	sshll.u32 s1, $0x1  }
0x49: {  	s10 =	smin.u32 s4, s11  }
0x4a: {  	s10 =	sshll.u32 s10, $0xA  }
0x4b: {  	s10 =	sor.u32 s13, s10  }
0x4c: {  	s14 =	sshrl.u32 s10, $0x3  }
0x4d: {  	s15 =	sadd.s32 s3, s14  }
0x4e: {  	[tilespmem:s21], [sflag:$0x6] =	stream.linear.gather [hbm4b:s15+s6], $0x40, $0x38;
	[tilespmem:$0x17F00] =	vst v63  }
0x4f: {  	_ =	swait.ge [sflag:s19], $0x40  }
0x50: {  	[sflag:s19] =	ssyncset.done $0x0  }
0x51: {  	[sflag:s19] =	ssyncadd.s32 $0xFFFFFFC0  }
0x52: {  	v10 =	vld [tilespmem:$0x40]  }
0x53: {  	v11 =	vld [tilespmem:$0x70];
	_ =	sdelay $0x3  }
0x54: {  	(v2sf) =	vpush v10, $0x0  }
0x55: {  	(v2sf) =	vpush v11, $0xF;
	_ =	sdelay $0xd  }
0x56: {  	s30 =	spop (v2sf)  }
0x57: {  	s18 =	spop (v2sf)  }
0x58: {  	p3 =	sle.u32 s4, s11;
	p5 =	sge.s32 s18, s8  }
0x59: {  	p3 =	por !p3, !p5  }
0x5a: {  	p6 =	slt.s32 s30, s12;
	p3 =	por !p3, !p3  }
0x5b: {  	p3 =	por !p6, !p3  }
0x5c: {  	p3 =	por !p3, !p3  }
0x5d: {  	s14 =	sadd.s32 @p3 s2, s14;
	s15 =	simm.s32 @p3 $0x0  }
0x5e: {  	[tilespmem:s15], [sflag:$0x6] =	stream.linear.gather @p3 [hbm4b:s14+s15], $0x40, $0x38;
	[tilespmem:$0x17F00] =	vst v63  }
0x5f: {  	s14 =	simm.s32 @p3 $0x6  }
0x60: {  	_ =	swait.ge @p3 [sflag:s14], $0x40  }
0x61: {  	[sflag:s14] =	ssyncset.done @p3 $0x0  }
0x62: {  	[sflag:s14] =	ssyncadd.s32 @p3 $0xFFFFFFC0  }
0x63: {  	v10 =	vld @p3 [tilespmem:$0x40];
	_ =	sdelay $0x1  }
0x64: {  	v11 =	vld @p3 [tilespmem:$0x50];
	_ =	sdelay $0x1  }
0x65: {  	v12 =	vld @p3 [tilespmem:$0x60]  }
0x66: {  	v13 =	vsub.s32 @p3 v10, v0  }
0x67: {  	v14 =	vld @p3 [tilespmem:$0x70];
	v13 =	vmin.u32 @p3 v13, $0x1388  }
0x68: {  	v10 =	vadd.s32 @p3 $0x2710, v10;
	[tilespmem:$0x100] =	vst @p3 v13;
	v13 =	vsub.s32 @p3 v11, v0  }
0x69: {  	[tilespmem:$0x40] =	vst @p3 v10;
	v10 =	vmin.u32 @p3 v13, $0x1388  }
0x6a: {  	[tilespmem:$0x110] =	vst @p3 v10;
	v10 =	vadd.s32 @p3 $0x2710, v11;
	v11 =	vsub.s32 @p3 v12, v0  }
0x6b: {  	[tilespmem:$0x50] =	vst @p3 v10;
	v10 =	vmin.u32 @p3 v11, $0x1388  }
0x6c: {  	v11 =	vsub.s32 @p3 v14, v0;
	[tilespmem:$0x120] =	vst @p3 v10;
	v10 =	vadd.s32 @p3 $0x2710, v12  }
0x6d: {  	[tilespmem:$0x60] =	vst @p3 v10;
	v10 =	vmin.u32 @p3 v11, $0x1388  }
0x6e: {  	[tilespmem:$0x130] =	vst @p3 v10;
	v10 =	vadd.s32 @p3 $0x2710, v14  }
0x6f: {  	s18 =	simm.s32 @p3 $0x200;
	s14 =	simm.s32 @p3 $0x40;
	[tilespmem:$0x70] =	vst @p3 v10  }
0x70: {  	[tilespmem:s18], [sflag:$0x1] =	stream.indirect.gather @p3 [hbm4b:s0+s14], $0x80, s15, s14, $0xb8;
	[tilespmem:$0x17F00] =	vst v63  }
.Ltmp5:
0x71: {  	_ = 	snop;
	(pc) =	sbr.rel @!p2 .LBB2_10-.Ltmp5, $4  }
0x72: {  	s10 =	sshll.u32 @p3 s10, $0x4;
	s18 =	simm.s32 @p3 $0x2200  }
0x73: {  	[tilespmem:s18], [sflag:$0x1] =	stream.indirect.gather @p3 [hbm4b:s0+s14], $0x80, s14, s14, $0xb8;
	[tilespmem:$0x17F00] =	vst v63  }
0x74: {  	s10 =	sadd.s32 @p3 s7, s10;
	s14 =	simm.s32 @p3 $0xA200  }
0x75: {  	[tilespmem:s14], [sflag:$0x3] =	stream.linear.gather @p3 [hbm4b:s10+s15], $0x2000, $0x38;
	[tilespmem:$0x17F00] =	vst v63  }
0x76: {  	s10 =	simm.s32 @p4 $0x5  }
0x77: {  	_ =	swait.ge @p4 [sflag:s10], $0x2000  }
0x78: {  	[sflag:s10] =	ssyncset.done @p4 $0x0  }
0x79: {  	[sflag:s10] =	ssyncadd.s32 @p4 $0xFFFFE000  }
0x7a: {  	_ =	swait.ge [sflag:s22], $0x2000  }
0x7b: {  	[sflag:s22] =	ssyncset.done $0x0  }
0x7c: {  	[sflag:s22] =	ssyncadd.s32 $0xFFFFE000  }
0x7d: {  	_ =	swait.ge [sflag:s22], $0x2000  }
0x7e: {  	[sflag:s22] =	ssyncset.done $0x0  }
0x7f: {  	[sflag:s22] =	ssyncadd.s32 $0xFFFFE000  }
0x80: {  	_ =	swait.ge [sflag:s23], $0x2000  }
0x81: {  	[sflag:s23] =	ssyncset.done $0x0  }
0x82: {  	s15 =	simm.s32 $0x0;
	[sflag:s23] =	ssyncadd.s32 $0xFFFFE000  }
0x83: {  	v10 =	vld [tilespmem:s15+$0x4270]  }
0x84: {  	v11 =	vld [tilespmem:s15+$0x6270]  }
0x85: {  	v12 =	vld [tilespmem:s15+$0x4200]  }
0x86: {  	v13 =	vld [tilespmem:s15+$0xC270]  }
0x87: {  	v14 =	vld [tilespmem:s15+$0x6200]  }
0x88: {  	v15 =	vld [tilespmem:s15+$0x4210]  }
0x89: {  	v16 =	vld [tilespmem:s15+$0x6210];
	v10 =	vadd.f32 v11, v10  }
0x8a: {  	v17 =	vld [tilespmem:s15+$0x6220]  }
0x8b: {  	v18 =	vld [tilespmem:s15+$0x6230];
	v10 =	vadd.f32 v13, v10  }
0x8c: {  	v20 =	vld [tilespmem:s15+$0x4240]  }
0x8d: {  	v21 =	vld [tilespmem:s15+$0x6240];
	v19 =	vmul.f32 v10, v9  }
0x8e: {  	v23 =	vld [tilespmem:s15+$0x4250]  }
0x8f: {  	v24 =	vld [tilespmem:s15+$0x6250];
	v19 =	vmul.f32 $1.442695020e+00, v19  }
0x90: {  	v25 =	vld [tilespmem:s15+$0x6260]  }
0x91: {  	v22 =	vld [tilespmem:s15+$0xC200];
	(erf) = vpow2.f32 v19  }
0x92: {  	v26 =	vld [tilespmem:s15+$0xC210]  }
0x93: {  	v27 =	vld [tilespmem:s15+$0xC220]  }
0x94: {  	v28 =	vld [tilespmem:s15+$0xC230]  }
0x95: {  	v29 =	vld [tilespmem:s15+$0xC240]  }
0x96: {  	v30 =	vld [tilespmem:s15+$0xC250]  }
0x97: {  	s18 =	simm.s32 $0x80;
	v31 =	vld [tilespmem:s15+$0xC260]  }
0x98: {  	v33 =	vld [tilespmem:s18+$0x4270]  }
0x99: {  	v34 =	vld [tilespmem:s18+$0x6270]  }
0x9a: {  	v35 =	vld [tilespmem:s18+$0x4200];
	v32 =	vpop (erf)  }
0x9b: {  	v11 =	vld [tilespmem:s15+$0x4220];
	v32 =	vadd.f32 $1.000000000e+00, v32  }
0x9c: {  	v13 =	vld [tilespmem:s15+$0x4230]  }
0x9d: {  	v50 =	vld [tilespmem:s18+$0xC270];
	v12 =	vadd.f32 v14, v12;
	(erf) = vrcp.f32 v32  }
0x9e: {  	v51 =	vld [tilespmem:s18+$0x6230];
	v14 =	vadd.f32 v16, v15  }
0x9f: {  	v37 =	vld [tilespmem:s18+$0x4240];
	v15 =	vadd.f32 v21, v20;
	v20 =	vadd.f32 v22, v12  }
0xa0: {  	v38 =	vld [tilespmem:s18+$0x6240];
	v26 =	vadd.f32 v26, v14;
	v11 =	vadd.f32 v17, v11  }
0xa1: {  	v53 =	vld [tilespmem:s18+$0x4250];
	v14 =	vmul.f32 v20, v8;
	v13 =	vadd.f32 v18, v13  }
0xa2: {  	v16 =	vld [tilespmem:s18+$0x6200];
	v22 =	vadd.f32 v27, v11;
	v27 =	vmul.f32 v26, v7  }
0xa3: {  	v12 =	vld [tilespmem:s18+$0x6210];
	v14 =	vmul.f32 $1.442695020e+00, v14;
	v21 =	vadd.f32 v28, v13;
	v13 =	vadd.f32 v29, v15  }
0xa4: {  	v33 =	vadd.f32 v34, v33;
	v19 =	vld [tilespmem:s15+$0x4260];
	v28 =	vmul.f32 v22, v6;
	v27 =	vmul.f32 $1.442695020e+00, v27  }
0xa5: {  	v17 =	vld [tilespmem:s18+$0x4210];
	v15 =	vmul.f32 v21, v5;
	v36 =	vmul.f32 v13, v4  }
0xa6: {  	v11 =	vld [tilespmem:s18+$0x4220];
	v28 =	vmul.f32 $1.442695020e+00, v28;
	v32 =	vadd.f32 v50, v33;
	(erf) = vpow2.f32 v14;
	v52 =	vpop (erf)  }
0xa7: {  	v18 =	vld [tilespmem:s18+$0x6220];
	v15 =	vmul.f32 $1.442695020e+00, v15;
	v10 =	vmul.f32 v52, v10  }
0xa8: {  	v23 =	vadd.f32 v24, v23;
	v29 =	vld [tilespmem:s18+$0x4230];
	(erf) = vpow2.f32 v27;
	v14 =	vmul.f32 v32, v9  }
0xa9: {  	v24 =	vmul.f32 $1.442695020e+00, v36;
	v27 =	vld [tilespmem:s18+$0x6250];
	(erf) = vpow2.f32 v28;
	[tilespmem:s15+$0x8270] =	vst v10;
	v10 =	vadd.f32 v25, v19  }
0xaa: {  	(erf) = vpow2.f32 v15;
	v19 =	vmul.f32 $1.442695020e+00, v14;
	v14 =	vadd.f32 v30, v23  }
0xab: {  	(erf) = vpow2.f32 v24;
	v15 =	vadd.f32 v31, v10  }
0xac: {  	v25 =	vld [tilespmem:s18+$0x4260];
	(erf) = vpow2.f32 v19;
	v19 =	vmul.f32 v14, v3  }
0xad: {  	v23 =	vld [tilespmem:s18+$0x6260];
	v28 =	vmul.f32 v15, v2  }
0xae: {  	v24 =	vld [tilespmem:s18+$0xC210];
	v19 =	vmul.f32 $1.442695020e+00, v19  }
0xaf: {  	v54 =	vpop (erf);
	v30 =	vld [tilespmem:s18+$0xC220];
	v28 =	vmul.f32 $1.442695020e+00, v28  }
0xb0: {  	v39 =	vld [tilespmem:s18+$0xC240];
	(erf) = vpow2.f32 v19;
	v19 =	vadd.f32 $1.000000000e+00, v54  }
0xb1: {  	v40 =	vld [tilespmem:s18+$0xC250]  }
0xb2: {  	v37 =	vadd.f32 v38, v37;
	v55 =	vpop (erf);
	v41 =	vld [tilespmem:s18+$0xC260]  }
0xb3: {  	v12 =	vadd.f32 v12, v17;
	v56 =	vadd.f32 $1.000000000e+00, v55;
	v10 =	vld [tilespmem:s18+$0xC200];
	(erf) = vpow2.f32 v28;
	v28 =	vpop (erf)  }
0xb4: {  	s14 =	simm.s32 $0x100;
	v11 =	vadd.f32 v18, v11;
	v31 =	vld [tilespmem:s18+$0xC230];
	(erf) = vrcp.f32 v19;
	v19 =	vpop (erf);
	v17 =	vadd.f32 $1.000000000e+00, v28  }
0xb5: {  	v16 =	vadd.f32 v16, v35;
	v29 =	vadd.f32 v51, v29;
	v57 =	vld [tilespmem:s14+$0x4270];
	(erf) = vrcp.f32 v56;
	v28 =	vpop (erf)  }
0xb6: {  	v42 =	vld [tilespmem:s14+$0x6270];
	v18 =	vadd.f32 $1.000000000e+00, v19;
	v19 =	vpop (erf);
	(erf) = vrcp.f32 v17;
	v17 =	vadd.f32 v30, v11  }
0xb7: {  	v35 =	vld [tilespmem:s14+$0x4200];
	v11 =	vadd.f32 v39, v37;
	v58 =	vadd.f32 $1.000000000e+00, v19  }
0xb8: {  	v43 =	vld [tilespmem:s14+$0xC270];
	v19 =	vadd.f32 v10, v16;
	(erf) = vrcp.f32 v18;
	v18 =	vadd.f32 v24, v12  }
0xb9: {  	v59 =	vld [tilespmem:s14+$0x6200];
	v16 =	vadd.f32 v31, v29;
	v31 =	vmul.f32 v17, v6;
	v48 =	vmul.f32 v11, v4  }
0xba: {  	v60 =	vld [tilespmem:s14+$0x4220];
	v10 =	vadd.f32 v27, v53;
	(erf) = vrcp.f32 v58;
	v12 =	vmul.f32 v19, v8  }
0xbb: {  	v63 =	vld [tilespmem:s14+$0x6220];
	v23 =	vadd.f32 v23, v25;
	v29 =	vpop (erf);
	v30 =	vmul.f32 v18, v7;
	v62 =	vmul.f32 v16, v5  }
0xbc: {  	v45 =	vld [tilespmem:s14+$0x4230];
	v10 =	vadd.f32 v40, v10;
	v25 =	vpop (erf);
	v40 =	vmul.f32 $1.442695020e+00, v48;
	v61 =	vmul.f32 $1.442695020e+00, v12  }
0xbd: {  	v51 =	vld [tilespmem:s14+$0x4240];
	v30 =	vmul.f32 $1.442695020e+00, v30;
	v12 =	vadd.f32 v41, v23;
	v23 =	vmul.f32 $1.442695020e+00, v31;
	v44 =	vpop (erf)  }
0xbe: {  	v36 =	vadd.f32 v42, v57;
	v24 =	vld [tilespmem:s14+$0x4210];
	v20 =	vmul.f32 v44, v20;
	(erf) = vpow2.f32 v61  }
0xbf: {  	v27 =	vld [tilespmem:s14+$0x6210];
	v49 =	vmul.f32 v10, v3;
	v37 =	vmul.f32 $1.442695020e+00, v62;
	v50 =	vpop (erf)  }
0xc0: {  	v31 =	vld [tilespmem:s14+$0x6230];
	(erf) = vpow2.f32 v30;
	v26 =	vmul.f32 v50, v26;
	[tilespmem:s15+$0x8200] =	vst v20;
	v20 =	vadd.f32 v43, v36  }
0xc1: {  	v52 =	vmul.f32 v12, v2;
	v46 =	vpop (erf);
	(erf) = vpow2.f32 v23;
	v30 =	vld [tilespmem:s14+$0x6240]  }
0xc2: {  	v53 =	vpop (erf);
	v54 =	vld [tilespmem:s14+$0x4250];
	[tilespmem:s15+$0x8210] =	vst v26;
	v26 =	vmul.f32 $1.442695020e+00, v49;
	v55 =	vmul.f32 v20, v9  }
0xc3: {  	v22 =	vmul.f32 v46, v22;
	v23 =	vpop (erf);
	(erf) = vpow2.f32 v37  }
0xc4: {  	v23 =	vmul.f32 v23, v32;
	v32 =	vmul.f32 $1.442695020e+00, v55  }
0xc5: {  	v21 =	vmul.f32 v53, v21;
	(erf) = vpow2.f32 v40  }
0xc6: {  	v56 =	vld [tilespmem:s14+$0x6250];
	[tilespmem:s18+$0x8270] =	vst v23;
	v23 =	vmul.f32 $1.442695020e+00, v52;
	(erf) = vpow2.f32 v32  }
0xc7: {  	v57 =	vld [tilespmem:s14+$0x4260];
	[tilespmem:s15+$0x8220] =	vst v22;
	v22 =	vadd.f32 $1.000000000e+00, v28;
	(erf) = vpow2.f32 v26;
	v28 =	vadd.f32 $1.000000000e+00, v25;
	v25 =	vpop (erf)  }
0xc8: {  	v26 =	vadd.f32 $1.000000000e+00, v29;
	v58 =	vld [tilespmem:s14+$0x6260];
	(erf) = vpow2.f32 v23;
	[tilespmem:s15+$0x8230] =	vst v21;
	v29 =	vadd.f32 $1.000000000e+00, v25  }
0xc9: {  	v24 =	vadd.f32 v27, v24;
	v21 =	vadd.f32 v59, v35;
	v27 =	vpop (erf);
	v23 =	vld [tilespmem:s14+$0xC200];
	(erf) = vrcp.f32 v22  }
0xca: {  	v25 =	vadd.f32 v31, v45;
	v59 =	vld [tilespmem:s14+$0xC210];
	v31 =	vadd.f32 $1.000000000e+00, v27;
	(erf) = vrcp.f32 v26  }
0xcb: {  	v22 =	vadd.f32 v63, v60;
	v60 =	vld [tilespmem:s14+$0xC220];
	v61 =	vpop (erf);
	(erf) = vrcp.f32 v28  }
0xcc: {  	v27 =	vadd.f32 v30, v51;
	v26 =	vld [tilespmem:s14+$0xC230];
	v30 =	vadd.f32 $1.000000000e+00, v61;
	(erf) = vrcp.f32 v29;
	v29 =	vpop (erf)  }
0xcd: {  	v34 =	vld [tilespmem:s14+$0xC240];
	v28 =	vadd.f32 v56, v54;
	v62 =	vadd.f32 $1.000000000e+00, v29;
	(erf) = vrcp.f32 v31  }
0xce: {  	v32 =	vld [tilespmem:s14+$0xC250];
	v29 =	vadd.f32 v58, v57;
	v31 =	vpop (erf);
	v23 =	vadd.f32 v23, v21;
	(erf) = vrcp.f32 v30  }
0xcf: {  	s30 =	simm.s32 $0x180;
	v21 =	vadd.f32 v59, v24;
	v30 =	vld [tilespmem:s14+$0xC260];
	v24 =	vadd.f32 $1.000000000e+00, v31;
	v63 =	vpop (erf);
	(erf) = vrcp.f32 v62  }
0xd0: {  	s10 =	simm.s32 $0x800;
	v31 =	vld [tilespmem:s30+$0x4270];
	v22 =	vadd.f32 v60, v22;
	v35 =	vmul.f32 v23, v8;
	v36 =	vadd.f32 $1.000000000e+00, v63;
	v33 =	vpop (erf)  }
.LBB2_8:
0xd1: {  	p5 =	sne.s32 s10, $0x7E00;
	v37 =	vld [tilespmem:s30+$0x6270];
	v38 =	vmul.f32 v21, v7;
	v25 =	vadd.f32 v26, v25;
	v26 =	vadd.f32 $1.000000000e+00, v33;
	v33 =	vpop (erf)  }
0xd2: {  	v39 =	vld [tilespmem:s30+$0x4200];
	v40 =	vmul.f32 v22, v6;
	v27 =	vadd.f32 v34, v27;
	(erf) = vrcp.f32 v36;
	v34 =	vpop (erf)  }
0xd3: {  	v35 =	vmul.f32 $1.442695020e+00, v35;
	v36 =	vld [tilespmem:s30+$0xC270];
	v41 =	vmul.f32 v25, v5;
	v28 =	vadd.f32 v32, v28;
	v32 =	vpop (erf)  }
0xd4: {  	v38 =	vmul.f32 $1.442695020e+00, v38;
	v42 =	vld [tilespmem:s30+$0x6200];
	v43 =	vmul.f32 v27, v4;
	v29 =	vadd.f32 v30, v29;
	v30 =	vpop (erf)  }
0xd5: {  	v33 =	vadd.f32 $1.000000000e+00, v33;
	v40 =	vmul.f32 $1.442695020e+00, v40;
	v44 =	vld [tilespmem:s30+$0x4210];
	v45 =	vmul.f32 v28, v3;
	v46 =	vpop (erf)  }
0xd6: {  	v47 =	vld [tilespmem:s30+$0x6210];
	v31 =	vadd.f32 v37, v31;
	v37 =	vmul.f32 $1.442695020e+00, v41;
	v41 =	vmul.f32 v29, v2;
	v48 =	vpop (erf)  }
0xd7: {  	v43 =	vmul.f32 $1.442695020e+00, v43;
	v49 =	vld [tilespmem:s30+$0x4220];
	v45 =	vmul.f32 $1.442695020e+00, v45;
	v50 =	vpop (erf)  }
0xd8: {  	v51 =	vld [tilespmem:s30+$0x6220];
	v31 =	vadd.f32 v36, v31;
	v36 =	vmul.f32 $1.442695020e+00, v41;
	(erf) = vpow2.f32 v35;
	v35 =	vpop (erf)  }
0xd9: {  	v39 =	vadd.f32 v42, v39;
	v41 =	vld [tilespmem:s30+$0x4230];
	(erf) = vpow2.f32 v38;
	v38 =	vmul.f32 v46, v19;
	v19 =	vmovc v23  }
0xda: {  	v23 =	vld [tilespmem:s30+$0x6230];
	v42 =	vmul.f32 v31, v9;
	(erf) = vpow2.f32 v40  }
0xdb: {  	v40 =	vadd.f32 v47, v44;
	v44 =	vld [tilespmem:s30+$0x4240];
	(erf) = vpow2.f32 v37;
	v37 =	vpop (erf);
	[tilespmem:s18+$0x8200] =	vst v38;
	v38 =	vmul.f32 v48, v18  }
0xdc: {  	v18 =	vmovc v21;
	v46 =	vld [tilespmem:s30+$0x6240];
	v42 =	vmul.f32 $1.442695020e+00, v42;
	v37 =	vmul.f32 v37, v20;
	v20 =	vmov v31  }
0xdd: {  	v31 =	vmul.f32 v50, v17;
	v17 =	vmovc v22;
	v47 =	vadd.f32 v51, v49;
	v21 =	vld [tilespmem:s30+$0x4250];
	(erf) = vpow2.f32 v43;
	[tilespmem:s18+$0x8210] =	vst v38  }
0xde: {  	v35 =	vmul.f32 v35, v16;
	v16 =	vmov v25;
	v22 =	vld [tilespmem:s30+$0x6250];
	(erf) = vpow2.f32 v42;
	[tilespmem:s14+$0x8270] =	vst v37  }
0xdf: {  	v25 =	vadd.f32 v23, v41;
	v23 =	vld [tilespmem:s30+$0x4260];
	(erf) = vpow2.f32 v45;
	[tilespmem:s18+$0x8220] =	vst v31;
	v31 =	vmul.f32 v34, v13;
	v13 =	vmovc v11  }
0xe0: {  	v32 =	vmul.f32 v32, v14;
	v14 =	vmovc v10;
	v10 =	vmovc v28;
	v11 =	vmov v27;
	v37 =	vld [tilespmem:s30+$0x6260];
	(erf) = vpow2.f32 v36;
	[tilespmem:s18+$0x8230] =	vst v35  }
0xe1: {  	v38 =	vmul.f32 v30, v15;
	v35 =	vld [tilespmem:s30+$0xC200];
	v27 =	vadd.f32 v46, v44;
	v28 =	vpop (erf);
	(erf) = vrcp.f32 v24;
	[tilespmem:s15+$0x8240] =	vst v31  }
0xe2: {  	v15 =	vmov v12;
	v30 =	vld [tilespmem:s30+$0xC210];
	v31 =	vadd.f32 $1.000000000e+00, v28;
	v34 =	vpop (erf);
	(erf) = vrcp.f32 v26;
	[tilespmem:s15+$0x8250] =	vst v32  }
0xe3: {  	v36 =	vld [tilespmem:s30+$0xC220];
	v28 =	vadd.f32 v22, v21;
	v21 =	vadd.f32 $1.000000000e+00, v34;
	v12 =	vpop (erf);
	(erf) = vrcp.f32 v33;
	[tilespmem:s15+$0x8260] =	vst v38;
	s15 =	smov.u32 s18;
	s18 =	smov.u32 s14;
	s14 =	smov.u32 s30  }
.Ltmp6:
0xe4: {  	v26 =	vld [tilespmem:s14+$0xC230];
	v38 =	vadd.f32 $1.000000000e+00, v12;
	(erf) = vrcp.f32 v31;
	v24 =	vpop (erf);
	v12 =	vmov v29;
	(pc) =	sbr.rel @p5 .LBB2_8-.Ltmp6, $4  }
0xe5: {  	v34 =	vld [tilespmem:s14+$0xC240];
	v29 =	vadd.f32 v37, v23;
	v31 =	vadd.f32 $1.000000000e+00, v24;
	(erf) = vrcp.f32 v21  }
0xe6: {  	v23 =	vadd.f32 v35, v39;
	v32 =	vld [tilespmem:s14+$0xC250];
	(erf) = vrcp.f32 v38;
	v22 =	vpop (erf)  }
0xe7: {  	s30 =	sshra.s32 s10, $0x2;
	v21 =	vadd.f32 v30, v40;
	v30 =	vld [tilespmem:s14+$0xC260];
	v33 =	vpop (erf);
	v24 =	vadd.f32 $1.000000000e+00, v22;
	(erf) = vrcp.f32 v31  }
0xe8: {  	s10 =	sadd.s32 $0x200, s10;
	v31 =	vld [tilespmem:s30+$0x4270];
	v35 =	vmul.f32 v23, v8;
	v22 =	vadd.f32 v36, v47;
	v36 =	vadd.f32 $1.000000000e+00, v33;
	v33 =	vpop (erf)  }
0xe9: {  	v37 =	vld [tilespmem:s30+$0x6270]  }
0xea: {  	v38 =	vld [tilespmem:s30+$0x4200]  }
0xeb: {  	v39 =	vld [tilespmem:s30+$0xC270]  }
0xec: {  	v40 =	vpop (erf);
	v41 =	vld [tilespmem:s30+$0x4210]  }
0xed: {  	v43 =	vld [tilespmem:s30+$0x6210];
	v50 =	vmul.f32 v21, v7;
	v26 =	vadd.f32 v26, v25;
	v42 =	vpop (erf)  }
0xee: {  	v45 =	vld [tilespmem:s30+$0x4220];
	(erf) = vrcp.f32 v36;
	v52 =	vmul.f32 v22, v6;
	v44 =	vpop (erf)  }
0xef: {  	v47 =	vld [tilespmem:s30+$0x6220];
	v58 =	vmul.f32 $1.442695020e+00, v35;
	v53 =	vmul.f32 v26, v5;
	v46 =	vpop (erf)  }
0xf0: {  	v49 =	vld [tilespmem:s30+$0x4230];
	v50 =	vmul.f32 $1.442695020e+00, v50;
	v25 =	vadd.f32 v32, v28;
	v62 =	vmul.f32 $1.442695020e+00, v52;
	v48 =	vpop (erf)  }
0xf1: {  	v36 =	vld [tilespmem:s30+$0x6200];
	(erf) = vpow2.f32 v58;
	v57 =	vmul.f32 v48, v19  }
0xf2: {  	v35 =	vld [tilespmem:s30+$0x4240];
	v63 =	vmul.f32 v25, v3;
	v51 =	vpop (erf);
	v19 =	vadd.f32 v34, v27;
	v31 =	vadd.f32 v37, v31  }
0xf3: {  	(erf) = vpow2.f32 v50;
	v48 =	vld [tilespmem:s30+$0x6230];
	v51 =	vmul.f32 v51, v18;
	[tilespmem:s18+$0x8200] =	vst v57  }
0xf4: {  	(erf) = vpow2.f32 v62;
	v59 =	vpop (erf);
	v60 =	vmul.f32 v19, v4;
	v31 =	vadd.f32 v39, v31;
	v55 =	vld [tilespmem:s30+$0x6240]  }
0xf5: {  	v54 =	vpop (erf);
	v17 =	vmul.f32 v59, v17;
	v32 =	vld [tilespmem:s30+$0x4250];
	[tilespmem:s18+$0x8210] =	vst v51;
	v51 =	vmul.f32 $1.442695020e+00, v53  }
0xf6: {  	v16 =	vmul.f32 v54, v16;
	v53 =	vmul.f32 v31, v9  }
0xf7: {  	v18 =	vadd.f32 v30, v29;
	v28 =	vmul.f32 $1.442695020e+00, v60;
	v61 =	vpop (erf);
	(erf) = vpow2.f32 v51  }
0xf8: {  	v20 =	vmul.f32 v61, v20;
	v54 =	vmul.f32 $1.442695020e+00, v53  }
0xf9: {  	v52 =	vmul.f32 v18, v2;
	(erf) = vpow2.f32 v28  }
0xfa: {  	v56 =	vmul.f32 $1.442695020e+00, v63;
	v27 =	vld [tilespmem:s30+$0x6250];
	[tilespmem:s14+$0x8270] =	vst v20;
	(erf) = vpow2.f32 v54  }
0xfb: {  	v13 =	vmul.f32 v42, v13;
	v58 =	vmul.f32 $1.442695020e+00, v52;
	v39 =	vld [tilespmem:s30+$0x4260];
	[tilespmem:s18+$0x8220] =	vst v17  }
0xfc: {  	v14 =	vmul.f32 v44, v14;
	(erf) = vpow2.f32 v56;
	v20 =	vld [tilespmem:s30+$0x6260];
	[tilespmem:s18+$0x8230] =	vst v16  }
0xfd: {  	v15 =	vmul.f32 v46, v15;
	v59 =	vadd.f32 $1.000000000e+00, v33;
	(erf) = vpow2.f32 v58;
	v57 =	vld [tilespmem:s30+$0xC200];
	[tilespmem:s15+$0x8240] =	vst v13  }
0xfe: {  	v62 =	vadd.f32 v36, v38;
	v61 =	vadd.f32 $1.000000000e+00, v40;
	v36 =	vpop (erf);
	(erf) = vrcp.f32 v24;
	v60 =	vld [tilespmem:s30+$0xC210];
	[tilespmem:s15+$0x8250] =	vst v14  }
0xff: {  	v30 =	vadd.f32 $1.000000000e+00, v36;
	v40 =	vpop (erf);
	(erf) = vrcp.f32 v59;
	v37 =	vld [tilespmem:s30+$0xC220];
	[tilespmem:s15+$0x8260] =	vst v15  }
0x100: {  	v63 =	vadd.f32 v43, v41;
	v42 =	vadd.f32 $1.000000000e+00, v40;
	v43 =	vpop (erf);
	(erf) = vrcp.f32 v61;
	v44 =	vld [tilespmem:s30+$0xC230]  }
0x101: {  	v38 =	vadd.f32 v47, v45;
	v34 =	vadd.f32 $1.000000000e+00, v43;
	(erf) = vrcp.f32 v30;
	v45 =	vpop (erf)  }
0x102: {  	v41 =	vadd.f32 v48, v49;
	v30 =	vadd.f32 $1.000000000e+00, v45;
	(erf) = vrcp.f32 v42;
	v46 =	vpop (erf)  }
0x103: {  	v14 =	vadd.f32 v57, v62;
	(erf) = vrcp.f32 v34;
	v16 =	vadd.f32 v60, v63;
	v48 =	vpop (erf)  }
0x104: {  	v47 =	vld [tilespmem:s30+$0xC240];
	(erf) = vrcp.f32 v30;
	v24 =	vadd.f32 v37, v38;
	v28 =	vadd.f32 $1.000000000e+00, v48  }
0x105: {  	v49 =	vld [tilespmem:s30+$0xC250];
	v50 =	vmul.f32 v14, v8;
	v52 =	vmul.f32 v16, v7;
	v13 =	vadd.f32 v44, v41  }
0x106: {  	v51 =	vld [tilespmem:s30+$0xC260];
	v53 =	vmul.f32 v24, v6;
	(erf) = vrcp.f32 v28  }
0x107: {  	v35 =	vadd.f32 v55, v35;
	v54 =	vmul.f32 $1.442695020e+00, v50;
	v56 =	vmul.f32 v13, v5  }
0x108: {  	v27 =	vadd.f32 v27, v32;
	v55 =	vpop (erf);
	v36 =	vmul.f32 $1.442695020e+00, v52;
	v29 =	vmul.f32 $1.442695020e+00, v53  }
0x109: {  	v20 =	vadd.f32 v20, v39;
	v57 =	vpop (erf);
	v17 =	vadd.f32 v47, v35;
	(erf) = vpow2.f32 v54  }
0x10a: {  	v27 =	vadd.f32 v49, v27;
	v28 =	vpop (erf);
	v32 =	vmul.f32 $1.442695020e+00, v56;
	(erf) = vpow2.f32 v36  }
0x10b: {  	v20 =	vadd.f32 v51, v20;
	v35 =	vmul.f32 v17, v4;
	v33 =	vpop (erf);
	(erf) = vpow2.f32 v29  }
0x10c: {  	v58 =	vmul.f32 v27, v3;
	v29 =	vpop (erf);
	(erf) = vpow2.f32 v32  }
0x10d: {  	v60 =	vmul.f32 v20, v2;
	v35 =	vmul.f32 $1.442695020e+00, v35;
	v59 =	vpop (erf)  }
0x10e: {  	v34 =	vmul.f32 $1.442695020e+00, v58;
	v61 =	vpop (erf)  }
0x10f: {  	v36 =	vmul.f32 $1.442695020e+00, v60;
	(erf) = vpow2.f32 v35;
	v62 =	vpop (erf)  }
0x110: {  	v15 =	vadd.f32 $1.000000000e+00, v46;
	(erf) = vpow2.f32 v34;
	v63 =	vpop (erf)  }
0x111: {  	v30 =	vadd.f32 $1.000000000e+00, v55;
	(erf) = vpow2.f32 v36;
	v40 =	vpop (erf)  }
0x112: {  	v41 =	vadd.f32 $1.000000000e+00, v57;
	v42 =	vpop (erf);
	(erf) = vrcp.f32 v15  }
0x113: {  	v43 =	vadd.f32 $1.000000000e+00, v42;
	v44 =	vpop (erf);
	(erf) = vrcp.f32 v30  }
0x114: {  	v45 =	vadd.f32 $1.000000000e+00, v44;
	v46 =	vpop (erf);
	(erf) = vrcp.f32 v41  }
0x115: {  	v23 =	vmul.f32 v59, v23;
	v47 =	vadd.f32 $1.000000000e+00, v46;
	(erf) = vrcp.f32 v43;
	v48 =	vpop (erf)  }
0x116: {  	v49 =	vmul.f32 v61, v21;
	v15 =	vadd.f32 $1.000000000e+00, v48;
	(erf) = vrcp.f32 v45  }
0x117: {  	[tilespmem:s14+$0x8200] =	vst v23;
	v51 =	vmul.f32 v40, v31;
	(erf) = vrcp.f32 v47  }
0x118: {  	v53 =	vmul.f32 v62, v22;
	[tilespmem:s14+$0x8210] =	vst v49;
	v50 =	vpop (erf);
	(erf) = vrcp.f32 v15  }
0x119: {  	v56 =	vmul.f32 v63, v26;
	[tilespmem:s30+$0x8270] =	vst v51;
	v52 =	vpop (erf)  }
0x11a: {  	v11 =	vmul.f32 v28, v11;
	[tilespmem:s14+$0x8220] =	vst v53;
	v55 =	vpop (erf)  }
0x11b: {  	v10 =	vmul.f32 v33, v10;
	[tilespmem:s14+$0x8230] =	vst v56;
	v57 =	vpop (erf)  }
0x11c: {  	[tilespmem:s18+$0x8240] =	vst v11;
	v11 =	vmul.f32 v29, v12;
	v54 =	vadd.f32 $1.000000000e+00, v50;
	v58 =	vpop (erf)  }
0x11d: {  	v23 =	vadd.f32 $1.000000000e+00, v52;
	v60 =	vpop (erf)  }
0x11e: {  	v59 =	vadd.f32 $1.000000000e+00, v55;
	(erf) = vrcp.f32 v54;
	v61 =	vpop (erf)  }
0x11f: {  	[tilespmem:s18+$0x8250] =	vst v10;
	(erf) = vrcp.f32 v23;
	v10 =	vpop (erf);
	v12 =	vmul.f32 v61, v14  }
0x120: {  	[tilespmem:s18+$0x8260] =	vst v11;
	(erf) = vrcp.f32 v59;
	v11 =	vpop (erf);
	v10 =	vmul.f32 v10, v16  }
0x121: {  	v62 =	vpop (erf);
	[tilespmem:s30+$0x8200] =	vst v12;
	v11 =	vmul.f32 v11, v24  }
0x122: {  	[tilespmem:s30+$0x8210] =	vst v10;
	v10 =	vmul.f32 v62, v13  }
0x123: {  	[tilespmem:s30+$0x8220] =	vst v11;
	v11 =	vmul.f32 v57, v19  }
0x124: {  	[tilespmem:s30+$0x8230] =	vst v10;
	v10 =	vmul.f32 v58, v25  }
0x125: {  	[tilespmem:s14+$0x8240] =	vst v11;
	v11 =	vmul.f32 v60, v18;
	_ =	sdelay $0x1  }
0x126: {  	v63 =	vpop (erf)  }
0x127: {  	[tilespmem:s14+$0x8250] =	vst v10;
	v12 =	vmul.f32 v63, v17;
	v10 =	vpop (erf)  }
0x128: {  	[tilespmem:s14+$0x8260] =	vst v11;
	v11 =	vpop (erf);
	v10 =	vmul.f32 v10, v27  }
0x129: {  	[tilespmem:s30+$0x8240] =	vst v12;
	v11 =	vmul.f32 v11, v20  }
0x12a: {  	[tilespmem:s30+$0x8250] =	vst v10  }
0x12b: {  	[tilespmem:s30+$0x8260] =	vst v11  }
0x12c: {  	[spmem:s5] =	stream.indirect.scatter.add.f32 [tilespmem:s20], [sflag:$0x5], $0x80, s24, s21, $0xb8;
	[tilespmem:$0x17F00] =	vst v63  }
.LBB2_10:
0x12d: {  	s10 =	sor.u32 $0x1, s4  }
0x12e: {  	s10 =	smin.u32 s10, s11  }
0x12f: {  	s10 =	sshll.u32 s10, $0xA  }
0x130: {  	s10 =	sor.u32 s13, s10  }
0x131: {  	s14 =	sshrl.u32 s10, $0x3  }
0x132: {  	s15 =	sadd.s32 s3, s14  }
0x133: {  	[tilespmem:s25], [sflag:$0x6] =	stream.linear.gather [hbm4b:s15+s6], $0x40, $0x38;
	[tilespmem:$0x17F00] =	vst v63  }
0x134: {  	_ =	swait.ge [sflag:s19], $0x40  }
0x135: {  	[sflag:s19] =	ssyncset.done $0x0  }
0x136: {  	[sflag:s19] =	ssyncadd.s32 $0xFFFFFFC0  }
0x137: {  	v10 =	vld [tilespmem:$0xC0]  }
0x138: {  	v11 =	vld [tilespmem:$0xF0];
	_ =	sdelay $0x3  }
0x139: {  	(v2sf) =	vpush v10, $0x0  }
0x13a: {  	(v2sf) =	vpush v11, $0xF;
	_ =	sdelay $0xd  }
0x13b: {  	s30 =	spop (v2sf)  }
0x13c: {  	s18 =	spop (v2sf)  }
0x13d: {  	p5 =	slt.u32 s4, s11;
	p6 =	sge.s32 s18, s8  }
0x13e: {  	p5 =	por !p5, !p6  }
0x13f: {  	p6 =	slt.s32 s30, s12;
	p5 =	por !p5, !p5  }
0x140: {  	p6 =	por !p6, !p5  }
0x141: {  	p4 =	por p2, p4;
	p2 =	por !p6, !p6  }
0x142: {  	s4 =	sadd.s32 @p2 s2, s14;
	s14 =	simm.s32 @p2 $0x0;
	s15 =	simm.s32 @p2 $0x80  }
0x143: {  	[tilespmem:s15], [sflag:$0x6] =	stream.linear.gather @p2 [hbm4b:s4+s14], $0x40, $0x38;
	[tilespmem:$0x17F00] =	vst v63  }
0x144: {  	s4 =	simm.s32 @p2 $0x6  }
0x145: {  	_ =	swait.ge @p2 [sflag:s4], $0x40  }
0x146: {  	[sflag:s4] =	ssyncset.done @p2 $0x0  }
0x147: {  	[sflag:s4] =	ssyncadd.s32 @p2 $0xFFFFFFC0  }
0x148: {  	v10 =	vld @p2 [tilespmem:$0xC0];
	_ =	sdelay $0x1  }
0x149: {  	v11 =	vld @p2 [tilespmem:$0xD0];
	_ =	sdelay $0x1  }
0x14a: {  	v12 =	vld @p2 [tilespmem:$0xE0]  }
0x14b: {  	v13 =	vsub.s32 @p2 v10, v0  }
0x14c: {  	v14 =	vld @p2 [tilespmem:$0xF0];
	v13 =	vmin.u32 @p2 v13, $0x1388  }
0x14d: {  	v10 =	vadd.s32 @p2 $0x2710, v10;
	[tilespmem:$0x180] =	vst @p2 v13;
	v13 =	vsub.s32 @p2 v11, v0  }
0x14e: {  	[tilespmem:$0xC0] =	vst @p2 v10;
	v10 =	vmin.u32 @p2 v13, $0x1388  }
0x14f: {  	[tilespmem:$0x190] =	vst @p2 v10;
	v10 =	vadd.s32 @p2 $0x2710, v11;
	v11 =	vsub.s32 @p2 v12, v0  }
0x150: {  	[tilespmem:$0xD0] =	vst @p2 v10;
	v10 =	vmin.u32 @p2 v11, $0x1388  }
0x151: {  	v11 =	vsub.s32 @p2 v14, v0;
	[tilespmem:$0x1A0] =	vst @p2 v10;
	v10 =	vadd.s32 @p2 $0x2710, v12  }
0x152: {  	[tilespmem:$0xE0] =	vst @p2 v10;
	v10 =	vmin.u32 @p2 v11, $0x1388  }
0x153: {  	[tilespmem:$0x1B0] =	vst @p2 v10;
	v10 =	vadd.s32 @p2 $0x2710, v14  }
0x154: {  	s18 =	simm.s32 @p2 $0x4200;
	s4 =	simm.s32 @p2 $0x40;
	[tilespmem:$0xF0] =	vst @p2 v10  }
0x155: {  	[tilespmem:s18], [sflag:$0x2] =	stream.indirect.gather @p2 [hbm4b:s0+s4], $0x80, s15, s4, $0xb8;
	[tilespmem:$0x17F00] =	vst v63  }
.Ltmp7:
0x156: {  	s15 =	simm.s32 @p2 $0xC0;
	s18 =	simm.s32 @p2 $0x6200;
	(pc) =	sbr.rel @!p3 .LBB2_14-.Ltmp7, $4  }
0x157: {  	[tilespmem:s18], [sflag:$0x2] =	stream.indirect.gather @p2 [hbm4b:s0+s4], $0x80, s15, s4, $0xb8;
	[tilespmem:$0x17F00] =	vst v63  }
0x158: {  	s4 =	sshll.u32 @p2 s10, $0x4  }
0x159: {  	s10 =	simm.s32 @p2 $0xC200;
	s4 =	sadd.s32 @p2 s7, s4  }
0x15a: {  	[tilespmem:s10], [sflag:$0x4] =	stream.linear.gather @p2 [hbm4b:s4+s14], $0x2000, $0x38;
	[tilespmem:$0x17F00] =	vst v63  }
0x15b: {  	s4 =	simm.s32 @p4 $0x5  }
0x15c: {  	_ =	swait.ge @p4 [sflag:s4], $0x2000  }
0x15d: {  	[sflag:s4] =	ssyncset.done @p4 $0x0  }
0x15e: {  	[sflag:s4] =	ssyncadd.s32 @p4 $0xFFFFE000  }
0x15f: {  	_ =	swait.ge [sflag:s26], $0x2000  }
0x160: {  	[sflag:s26] =	ssyncset.done $0x0  }
0x161: {  	[sflag:s26] =	ssyncadd.s32 $0xFFFFE000  }
0x162: {  	_ =	swait.ge [sflag:s26], $0x2000  }
0x163: {  	[sflag:s26] =	ssyncset.done $0x0  }
0x164: {  	[sflag:s26] =	ssyncadd.s32 $0xFFFFE000  }
0x165: {  	_ =	swait.ge [sflag:s28], $0x2000  }
0x166: {  	[sflag:s28] =	ssyncset.done $0x0  }
0x167: {  	s15 =	simm.s32 $0x0;
	[sflag:s28] =	ssyncadd.s32 $0xFFFFE000  }
0x168: {  	v10 =	vld [tilespmem:s15+$0x270]  }
0x169: {  	v11 =	vld [tilespmem:s15+$0x2270]  }
0x16a: {  	v12 =	vld [tilespmem:s15+$0x200]  }
0x16b: {  	v13 =	vld [tilespmem:s15+$0xA270]  }
0x16c: {  	v14 =	vld [tilespmem:s15+$0x2200]  }
0x16d: {  	v15 =	vld [tilespmem:s15+$0x210]  }
0x16e: {  	v16 =	vld [tilespmem:s15+$0x2210];
	v10 =	vadd.f32 v11, v10  }
0x16f: {  	v17 =	vld [tilespmem:s15+$0x2220]  }
0x170: {  	v18 =	vld [tilespmem:s15+$0x2230];
	v10 =	vadd.f32 v13, v10  }
0x171: {  	v20 =	vld [tilespmem:s15+$0x240]  }
0x172: {  	v21 =	vld [tilespmem:s15+$0x2240];
	v19 =	vmul.f32 v10, v9  }
0x173: {  	v23 =	vld [tilespmem:s15+$0x250]  }
0x174: {  	v24 =	vld [tilespmem:s15+$0x2250];
	v19 =	vmul.f32 $1.442695020e+00, v19  }
0x175: {  	v25 =	vld [tilespmem:s15+$0x2260]  }
0x176: {  	v22 =	vld [tilespmem:s15+$0xA200];
	(erf) = vpow2.f32 v19  }
0x177: {  	v26 =	vld [tilespmem:s15+$0xA210]  }
0x178: {  	v27 =	vld [tilespmem:s15+$0xA220]  }
0x179: {  	v28 =	vld [tilespmem:s15+$0xA230]  }
0x17a: {  	v29 =	vld [tilespmem:s15+$0xA240]  }
0x17b: {  	v30 =	vld [tilespmem:s15+$0xA250]  }
0x17c: {  	s4 =	simm.s32 $0x80;
	v31 =	vld [tilespmem:s15+$0xA260]  }
0x17d: {  	v33 =	vld [tilespmem:s4+$0x270]  }
0x17e: {  	v34 =	vld [tilespmem:s4+$0x2270]  }
0x17f: {  	v35 =	vld [tilespmem:s4+$0x200];
	v32 =	vpop (erf)  }
0x180: {  	v11 =	vld [tilespmem:s15+$0x220];
	v32 =	vadd.f32 $1.000000000e+00, v32  }
0x181: {  	v13 =	vld [tilespmem:s15+$0x230]  }
0x182: {  	v50 =	vld [tilespmem:s4+$0xA270];
	v12 =	vadd.f32 v14, v12;
	(erf) = vrcp.f32 v32  }
0x183: {  	v51 =	vld [tilespmem:s4+$0x2230];
	v14 =	vadd.f32 v16, v15  }
0x184: {  	v37 =	vld [tilespmem:s4+$0x240];
	v15 =	vadd.f32 v21, v20;
	v20 =	vadd.f32 v22, v12  }
0x185: {  	v38 =	vld [tilespmem:s4+$0x2240];
	v26 =	vadd.f32 v26, v14;
	v11 =	vadd.f32 v17, v11  }
0x186: {  	v53 =	vld [tilespmem:s4+$0x250];
	v14 =	vmul.f32 v20, v8;
	v13 =	vadd.f32 v18, v13  }
0x187: {  	v16 =	vld [tilespmem:s4+$0x2200];
	v22 =	vadd.f32 v27, v11;
	v27 =	vmul.f32 v26, v7  }
0x188: {  	v12 =	vld [tilespmem:s4+$0x2210];
	v14 =	vmul.f32 $1.442695020e+00, v14;
	v21 =	vadd.f32 v28, v13;
	v13 =	vadd.f32 v29, v15  }
0x189: {  	v33 =	vadd.f32 v34, v33;
	v19 =	vld [tilespmem:s15+$0x260];
	v28 =	vmul.f32 v22, v6;
	v27 =	vmul.f32 $1.442695020e+00, v27  }
0x18a: {  	v17 =	vld [tilespmem:s4+$0x210];
	v15 =	vmul.f32 v21, v5;
	v36 =	vmul.f32 v13, v4  }
0x18b: {  	v11 =	vld [tilespmem:s4+$0x220];
	v28 =	vmul.f32 $1.442695020e+00, v28;
	v32 =	vadd.f32 v50, v33;
	(erf) = vpow2.f32 v14;
	v52 =	vpop (erf)  }
0x18c: {  	v18 =	vld [tilespmem:s4+$0x2220];
	v15 =	vmul.f32 $1.442695020e+00, v15;
	v10 =	vmul.f32 v52, v10  }
0x18d: {  	v23 =	vadd.f32 v24, v23;
	v29 =	vld [tilespmem:s4+$0x230];
	(erf) = vpow2.f32 v27;
	v14 =	vmul.f32 v32, v9  }
0x18e: {  	v24 =	vmul.f32 $1.442695020e+00, v36;
	v27 =	vld [tilespmem:s4+$0x2250];
	(erf) = vpow2.f32 v28;
	[tilespmem:s15+$0x8270] =	vst v10;
	v10 =	vadd.f32 v25, v19  }
0x18f: {  	(erf) = vpow2.f32 v15;
	v19 =	vmul.f32 $1.442695020e+00, v14;
	v14 =	vadd.f32 v30, v23  }
0x190: {  	(erf) = vpow2.f32 v24;
	v15 =	vadd.f32 v31, v10  }
0x191: {  	v25 =	vld [tilespmem:s4+$0x260];
	(erf) = vpow2.f32 v19;
	v19 =	vmul.f32 v14, v3  }
0x192: {  	v23 =	vld [tilespmem:s4+$0x2260];
	v28 =	vmul.f32 v15, v2  }
0x193: {  	v24 =	vld [tilespmem:s4+$0xA210];
	v19 =	vmul.f32 $1.442695020e+00, v19  }
0x194: {  	v54 =	vpop (erf);
	v30 =	vld [tilespmem:s4+$0xA220];
	v28 =	vmul.f32 $1.442695020e+00, v28  }
0x195: {  	v39 =	vld [tilespmem:s4+$0xA240];
	(erf) = vpow2.f32 v19;
	v19 =	vadd.f32 $1.000000000e+00, v54  }
0x196: {  	v40 =	vld [tilespmem:s4+$0xA250]  }
0x197: {  	v37 =	vadd.f32 v38, v37;
	v55 =	vpop (erf);
	v41 =	vld [tilespmem:s4+$0xA260]  }
0x198: {  	v12 =	vadd.f32 v12, v17;
	v56 =	vadd.f32 $1.000000000e+00, v55;
	v10 =	vld [tilespmem:s4+$0xA200];
	(erf) = vpow2.f32 v28;
	v28 =	vpop (erf)  }
0x199: {  	s14 =	simm.s32 $0x100;
	v11 =	vadd.f32 v18, v11;
	v31 =	vld [tilespmem:s4+$0xA230];
	(erf) = vrcp.f32 v19;
	v19 =	vpop (erf);
	v17 =	vadd.f32 $1.000000000e+00, v28  }
0x19a: {  	v16 =	vadd.f32 v16, v35;
	v29 =	vadd.f32 v51, v29;
	v57 =	vld [tilespmem:s14+$0x270];
	(erf) = vrcp.f32 v56;
	v28 =	vpop (erf)  }
0x19b: {  	v42 =	vld [tilespmem:s14+$0x2270];
	v18 =	vadd.f32 $1.000000000e+00, v19;
	v19 =	vpop (erf);
	(erf) = vrcp.f32 v17;
	v17 =	vadd.f32 v30, v11  }
0x19c: {  	v35 =	vld [tilespmem:s14+$0x200];
	v11 =	vadd.f32 v39, v37;
	v58 =	vadd.f32 $1.000000000e+00, v19  }
0x19d: {  	v43 =	vld [tilespmem:s14+$0xA270];
	v19 =	vadd.f32 v10, v16;
	(erf) = vrcp.f32 v18;
	v18 =	vadd.f32 v24, v12  }
0x19e: {  	v59 =	vld [tilespmem:s14+$0x2200];
	v16 =	vadd.f32 v31, v29;
	v31 =	vmul.f32 v17, v6;
	v48 =	vmul.f32 v11, v4  }
0x19f: {  	v60 =	vld [tilespmem:s14+$0x220];
	v10 =	vadd.f32 v27, v53;
	(erf) = vrcp.f32 v58;
	v12 =	vmul.f32 v19, v8  }
0x1a0: {  	v63 =	vld [tilespmem:s14+$0x2220];
	v23 =	vadd.f32 v23, v25;
	v29 =	vpop (erf);
	v30 =	vmul.f32 v18, v7;
	v62 =	vmul.f32 v16, v5  }
0x1a1: {  	v45 =	vld [tilespmem:s14+$0x230];
	v10 =	vadd.f32 v40, v10;
	v25 =	vpop (erf);
	v40 =	vmul.f32 $1.442695020e+00, v48;
	v61 =	vmul.f32 $1.442695020e+00, v12  }
0x1a2: {  	v51 =	vld [tilespmem:s14+$0x240];
	v30 =	vmul.f32 $1.442695020e+00, v30;
	v12 =	vadd.f32 v41, v23;
	v23 =	vmul.f32 $1.442695020e+00, v31;
	v44 =	vpop (erf)  }
0x1a3: {  	v36 =	vadd.f32 v42, v57;
	v24 =	vld [tilespmem:s14+$0x210];
	v20 =	vmul.f32 v44, v20;
	(erf) = vpow2.f32 v61  }
0x1a4: {  	v27 =	vld [tilespmem:s14+$0x2210];
	v49 =	vmul.f32 v10, v3;
	v37 =	vmul.f32 $1.442695020e+00, v62;
	v50 =	vpop (erf)  }
0x1a5: {  	v31 =	vld [tilespmem:s14+$0x2230];
	(erf) = vpow2.f32 v30;
	v26 =	vmul.f32 v50, v26;
	[tilespmem:s15+$0x8200] =	vst v20;
	v20 =	vadd.f32 v43, v36  }
0x1a6: {  	v52 =	vmul.f32 v12, v2;
	v46 =	vpop (erf);
	(erf) = vpow2.f32 v23;
	v30 =	vld [tilespmem:s14+$0x2240]  }
0x1a7: {  	v53 =	vpop (erf);
	v54 =	vld [tilespmem:s14+$0x250];
	[tilespmem:s15+$0x8210] =	vst v26;
	v26 =	vmul.f32 $1.442695020e+00, v49;
	v55 =	vmul.f32 v20, v9  }
0x1a8: {  	v22 =	vmul.f32 v46, v22;
	v23 =	vpop (erf);
	(erf) = vpow2.f32 v37  }
0x1a9: {  	v23 =	vmul.f32 v23, v32;
	v32 =	vmul.f32 $1.442695020e+00, v55  }
0x1aa: {  	v21 =	vmul.f32 v53, v21;
	(erf) = vpow2.f32 v40  }
0x1ab: {  	v56 =	vld [tilespmem:s14+$0x2250];
	[tilespmem:s4+$0x8270] =	vst v23;
	v23 =	vmul.f32 $1.442695020e+00, v52;
	(erf) = vpow2.f32 v32  }
0x1ac: {  	v57 =	vld [tilespmem:s14+$0x260];
	[tilespmem:s15+$0x8220] =	vst v22;
	v22 =	vadd.f32 $1.000000000e+00, v28;
	(erf) = vpow2.f32 v26;
	v28 =	vadd.f32 $1.000000000e+00, v25;
	v25 =	vpop (erf)  }
0x1ad: {  	v26 =	vadd.f32 $1.000000000e+00, v29;
	v58 =	vld [tilespmem:s14+$0x2260];
	(erf) = vpow2.f32 v23;
	[tilespmem:s15+$0x8230] =	vst v21;
	v29 =	vadd.f32 $1.000000000e+00, v25  }
0x1ae: {  	v24 =	vadd.f32 v27, v24;
	v21 =	vadd.f32 v59, v35;
	v27 =	vpop (erf);
	v23 =	vld [tilespmem:s14+$0xA200];
	(erf) = vrcp.f32 v22  }
0x1af: {  	v25 =	vadd.f32 v31, v45;
	v59 =	vld [tilespmem:s14+$0xA210];
	v31 =	vadd.f32 $1.000000000e+00, v27;
	(erf) = vrcp.f32 v26  }
0x1b0: {  	v22 =	vadd.f32 v63, v60;
	v60 =	vld [tilespmem:s14+$0xA220];
	v61 =	vpop (erf);
	(erf) = vrcp.f32 v28  }
0x1b1: {  	v27 =	vadd.f32 v30, v51;
	v26 =	vld [tilespmem:s14+$0xA230];
	v30 =	vadd.f32 $1.000000000e+00, v61;
	(erf) = vrcp.f32 v29;
	v29 =	vpop (erf)  }
0x1b2: {  	v34 =	vld [tilespmem:s14+$0xA240];
	v28 =	vadd.f32 v56, v54;
	v62 =	vadd.f32 $1.000000000e+00, v29;
	(erf) = vrcp.f32 v31  }
0x1b3: {  	v32 =	vld [tilespmem:s14+$0xA250];
	v29 =	vadd.f32 v58, v57;
	v31 =	vpop (erf);
	v23 =	vadd.f32 v23, v21;
	(erf) = vrcp.f32 v30  }
0x1b4: {  	s18 =	simm.s32 $0x180;
	v21 =	vadd.f32 v59, v24;
	v30 =	vld [tilespmem:s14+$0xA260];
	v24 =	vadd.f32 $1.000000000e+00, v31;
	v63 =	vpop (erf);
	(erf) = vrcp.f32 v62  }
0x1b5: {  	s10 =	simm.s32 $0x800;
	v31 =	vld [tilespmem:s18+$0x270];
	v22 =	vadd.f32 v60, v22;
	v35 =	vmul.f32 v23, v8;
	v36 =	vadd.f32 $1.000000000e+00, v63;
	v33 =	vpop (erf)  }
.LBB2_12:
0x1b6: {  	p5 =	sne.s32 s10, $0x7E00;
	v37 =	vld [tilespmem:s18+$0x2270];
	v38 =	vmul.f32 v21, v7;
	v25 =	vadd.f32 v26, v25;
	v26 =	vadd.f32 $1.000000000e+00, v33;
	v33 =	vpop (erf)  }
0x1b7: {  	v39 =	vld [tilespmem:s18+$0x200];
	v40 =	vmul.f32 v22, v6;
	v27 =	vadd.f32 v34, v27;
	(erf) = vrcp.f32 v36;
	v34 =	vpop (erf)  }
0x1b8: {  	v35 =	vmul.f32 $1.442695020e+00, v35;
	v36 =	vld [tilespmem:s18+$0xA270];
	v41 =	vmul.f32 v25, v5;
	v28 =	vadd.f32 v32, v28;
	v32 =	vpop (erf)  }
0x1b9: {  	v38 =	vmul.f32 $1.442695020e+00, v38;
	v42 =	vld [tilespmem:s18+$0x2200];
	v43 =	vmul.f32 v27, v4;
	v29 =	vadd.f32 v30, v29;
	v30 =	vpop (erf)  }
0x1ba: {  	v33 =	vadd.f32 $1.000000000e+00, v33;
	v40 =	vmul.f32 $1.442695020e+00, v40;
	v44 =	vld [tilespmem:s18+$0x210];
	v45 =	vmul.f32 v28, v3;
	v46 =	vpop (erf)  }
0x1bb: {  	v47 =	vld [tilespmem:s18+$0x2210];
	v31 =	vadd.f32 v37, v31;
	v37 =	vmul.f32 $1.442695020e+00, v41;
	v41 =	vmul.f32 v29, v2;
	v48 =	vpop (erf)  }
0x1bc: {  	v43 =	vmul.f32 $1.442695020e+00, v43;
	v49 =	vld [tilespmem:s18+$0x220];
	v45 =	vmul.f32 $1.442695020e+00, v45;
	v50 =	vpop (erf)  }
0x1bd: {  	v51 =	vld [tilespmem:s18+$0x2220];
	v31 =	vadd.f32 v36, v31;
	v36 =	vmul.f32 $1.442695020e+00, v41;
	(erf) = vpow2.f32 v35;
	v35 =	vpop (erf)  }
0x1be: {  	v39 =	vadd.f32 v42, v39;
	v41 =	vld [tilespmem:s18+$0x230];
	(erf) = vpow2.f32 v38;
	v38 =	vmul.f32 v46, v19;
	v19 =	vmovc v23  }
0x1bf: {  	v23 =	vld [tilespmem:s18+$0x2230];
	v42 =	vmul.f32 v31, v9;
	(erf) = vpow2.f32 v40  }
0x1c0: {  	v40 =	vadd.f32 v47, v44;
	v44 =	vld [tilespmem:s18+$0x240];
	(erf) = vpow2.f32 v37;
	v37 =	vpop (erf);
	[tilespmem:s4+$0x8200] =	vst v38;
	v38 =	vmul.f32 v48, v18  }
0x1c1: {  	v18 =	vmovc v21;
	v46 =	vld [tilespmem:s18+$0x2240];
	v42 =	vmul.f32 $1.442695020e+00, v42;
	v37 =	vmul.f32 v37, v20;
	v20 =	vmov v31  }
0x1c2: {  	v31 =	vmul.f32 v50, v17;
	v17 =	vmovc v22;
	v47 =	vadd.f32 v51, v49;
	v21 =	vld [tilespmem:s18+$0x250];
	(erf) = vpow2.f32 v43;
	[tilespmem:s4+$0x8210] =	vst v38  }
0x1c3: {  	v35 =	vmul.f32 v35, v16;
	v16 =	vmov v25;
	v22 =	vld [tilespmem:s18+$0x2250];
	(erf) = vpow2.f32 v42;
	[tilespmem:s14+$0x8270] =	vst v37  }
0x1c4: {  	v25 =	vadd.f32 v23, v41;
	v23 =	vld [tilespmem:s18+$0x260];
	(erf) = vpow2.f32 v45;
	[tilespmem:s4+$0x8220] =	vst v31;
	v31 =	vmul.f32 v34, v13;
	v13 =	vmovc v11  }
0x1c5: {  	v32 =	vmul.f32 v32, v14;
	v14 =	vmovc v10;
	v10 =	vmovc v28;
	v11 =	vmov v27;
	v37 =	vld [tilespmem:s18+$0x2260];
	(erf) = vpow2.f32 v36;
	[tilespmem:s4+$0x8230] =	vst v35  }
0x1c6: {  	v38 =	vmul.f32 v30, v15;
	v35 =	vld [tilespmem:s18+$0xA200];
	v27 =	vadd.f32 v46, v44;
	v28 =	vpop (erf);
	(erf) = vrcp.f32 v24;
	[tilespmem:s15+$0x8240] =	vst v31  }
0x1c7: {  	v15 =	vmov v12;
	v30 =	vld [tilespmem:s18+$0xA210];
	v31 =	vadd.f32 $1.000000000e+00, v28;
	v34 =	vpop (erf);
	(erf) = vrcp.f32 v26;
	[tilespmem:s15+$0x8250] =	vst v32  }
0x1c8: {  	v36 =	vld [tilespmem:s18+$0xA220];
	v28 =	vadd.f32 v22, v21;
	v21 =	vadd.f32 $1.000000000e+00, v34;
	v12 =	vpop (erf);
	(erf) = vrcp.f32 v33;
	[tilespmem:s15+$0x8260] =	vst v38;
	s15 =	smov.u32 s4;
	s4 =	smov.u32 s14;
	s14 =	smov.u32 s18  }
.Ltmp8:
0x1c9: {  	v26 =	vld [tilespmem:s14+$0xA230];
	v38 =	vadd.f32 $1.000000000e+00, v12;
	(erf) = vrcp.f32 v31;
	v24 =	vpop (erf);
	v12 =	vmov v29;
	(pc) =	sbr.rel @p5 .LBB2_12-.Ltmp8, $4  }
0x1ca: {  	v34 =	vld [tilespmem:s14+$0xA240];
	v29 =	vadd.f32 v37, v23;
	v31 =	vadd.f32 $1.000000000e+00, v24;
	(erf) = vrcp.f32 v21  }
0x1cb: {  	v23 =	vadd.f32 v35, v39;
	v32 =	vld [tilespmem:s14+$0xA250];
	(erf) = vrcp.f32 v38;
	v22 =	vpop (erf)  }
0x1cc: {  	s18 =	sshra.s32 s10, $0x2;
	v21 =	vadd.f32 v30, v40;
	v30 =	vld [tilespmem:s14+$0xA260];
	v33 =	vpop (erf);
	v24 =	vadd.f32 $1.000000000e+00, v22;
	(erf) = vrcp.f32 v31  }
0x1cd: {  	s10 =	sadd.s32 $0x200, s10;
	v31 =	vld [tilespmem:s18+$0x270];
	v35 =	vmul.f32 v23, v8;
	v22 =	vadd.f32 v36, v47;
	v36 =	vadd.f32 $1.000000000e+00, v33;
	v33 =	vpop (erf)  }
0x1ce: {  	v37 =	vld [tilespmem:s18+$0x2270]  }
0x1cf: {  	v38 =	vld [tilespmem:s18+$0x200]  }
0x1d0: {  	v39 =	vld [tilespmem:s18+$0xA270]  }
0x1d1: {  	v40 =	vpop (erf);
	v41 =	vld [tilespmem:s18+$0x210]  }
0x1d2: {  	v43 =	vld [tilespmem:s18+$0x2210];
	v50 =	vmul.f32 v21, v7;
	v26 =	vadd.f32 v26, v25;
	v42 =	vpop (erf)  }
0x1d3: {  	v45 =	vld [tilespmem:s18+$0x220];
	(erf) = vrcp.f32 v36;
	v52 =	vmul.f32 v22, v6;
	v44 =	vpop (erf)  }
0x1d4: {  	v47 =	vld [tilespmem:s18+$0x2220];
	v58 =	vmul.f32 $1.442695020e+00, v35;
	v53 =	vmul.f32 v26, v5;
	v46 =	vpop (erf)  }
0x1d5: {  	v49 =	vld [tilespmem:s18+$0x230];
	v50 =	vmul.f32 $1.442695020e+00, v50;
	v25 =	vadd.f32 v32, v28;
	v62 =	vmul.f32 $1.442695020e+00, v52;
	v48 =	vpop (erf)  }
0x1d6: {  	v36 =	vld [tilespmem:s18+$0x2200];
	(erf) = vpow2.f32 v58;
	v57 =	vmul.f32 v48, v19  }
0x1d7: {  	v35 =	vld [tilespmem:s18+$0x240];
	v63 =	vmul.f32 v25, v3;
	v51 =	vpop (erf);
	v19 =	vadd.f32 v34, v27;
	v31 =	vadd.f32 v37, v31  }
0x1d8: {  	(erf) = vpow2.f32 v50;
	v48 =	vld [tilespmem:s18+$0x2230];
	v51 =	vmul.f32 v51, v18;
	[tilespmem:s4+$0x8200] =	vst v57  }
0x1d9: {  	(erf) = vpow2.f32 v62;
	v59 =	vpop (erf);
	v60 =	vmul.f32 v19, v4;
	v31 =	vadd.f32 v39, v31;
	v55 =	vld [tilespmem:s18+$0x2240]  }
0x1da: {  	v54 =	vpop (erf);
	v17 =	vmul.f32 v59, v17;
	v32 =	vld [tilespmem:s18+$0x250];
	[tilespmem:s4+$0x8210] =	vst v51;
	v51 =	vmul.f32 $1.442695020e+00, v53  }
0x1db: {  	v16 =	vmul.f32 v54, v16;
	v53 =	vmul.f32 v31, v9  }
0x1dc: {  	v18 =	vadd.f32 v30, v29;
	v28 =	vmul.f32 $1.442695020e+00, v60;
	v61 =	vpop (erf);
	(erf) = vpow2.f32 v51  }
0x1dd: {  	v20 =	vmul.f32 v61, v20;
	v54 =	vmul.f32 $1.442695020e+00, v53  }
0x1de: {  	v52 =	vmul.f32 v18, v2;
	(erf) = vpow2.f32 v28  }
0x1df: {  	v56 =	vmul.f32 $1.442695020e+00, v63;
	v27 =	vld [tilespmem:s18+$0x2250];
	[tilespmem:s14+$0x8270] =	vst v20;
	(erf) = vpow2.f32 v54  }
0x1e0: {  	v13 =	vmul.f32 v42, v13;
	v58 =	vmul.f32 $1.442695020e+00, v52;
	v39 =	vld [tilespmem:s18+$0x260];
	[tilespmem:s4+$0x8220] =	vst v17  }
0x1e1: {  	v14 =	vmul.f32 v44, v14;
	(erf) = vpow2.f32 v56;
	v20 =	vld [tilespmem:s18+$0x2260];
	[tilespmem:s4+$0x8230] =	vst v16  }
0x1e2: {  	v15 =	vmul.f32 v46, v15;
	v59 =	vadd.f32 $1.000000000e+00, v33;
	(erf) = vpow2.f32 v58;
	v57 =	vld [tilespmem:s18+$0xA200];
	[tilespmem:s15+$0x8240] =	vst v13  }
0x1e3: {  	v62 =	vadd.f32 v36, v38;
	v61 =	vadd.f32 $1.000000000e+00, v40;
	v36 =	vpop (erf);
	(erf) = vrcp.f32 v24;
	v60 =	vld [tilespmem:s18+$0xA210];
	[tilespmem:s15+$0x8250] =	vst v14  }
0x1e4: {  	v30 =	vadd.f32 $1.000000000e+00, v36;
	v40 =	vpop (erf);
	(erf) = vrcp.f32 v59;
	v37 =	vld [tilespmem:s18+$0xA220];
	[tilespmem:s15+$0x8260] =	vst v15  }
0x1e5: {  	v63 =	vadd.f32 v43, v41;
	v42 =	vadd.f32 $1.000000000e+00, v40;
	v43 =	vpop (erf);
	(erf) = vrcp.f32 v61;
	v44 =	vld [tilespmem:s18+$0xA230]  }
0x1e6: {  	v38 =	vadd.f32 v47, v45;
	v34 =	vadd.f32 $1.000000000e+00, v43;
	(erf) = vrcp.f32 v30;
	v45 =	vpop (erf)  }
0x1e7: {  	v41 =	vadd.f32 v48, v49;
	v30 =	vadd.f32 $1.000000000e+00, v45;
	(erf) = vrcp.f32 v42;
	v46 =	vpop (erf)  }
0x1e8: {  	v14 =	vadd.f32 v57, v62;
	(erf) = vrcp.f32 v34;
	v16 =	vadd.f32 v60, v63;
	v48 =	vpop (erf)  }
0x1e9: {  	v47 =	vld [tilespmem:s18+$0xA240];
	(erf) = vrcp.f32 v30;
	v24 =	vadd.f32 v37, v38;
	v28 =	vadd.f32 $1.000000000e+00, v48  }
0x1ea: {  	v49 =	vld [tilespmem:s18+$0xA250];
	v50 =	vmul.f32 v14, v8;
	v52 =	vmul.f32 v16, v7;
	v13 =	vadd.f32 v44, v41  }
0x1eb: {  	v51 =	vld [tilespmem:s18+$0xA260];
	v53 =	vmul.f32 v24, v6;
	(erf) = vrcp.f32 v28  }
0x1ec: {  	v35 =	vadd.f32 v55, v35;
	v54 =	vmul.f32 $1.442695020e+00, v50;
	v56 =	vmul.f32 v13, v5  }
0x1ed: {  	v27 =	vadd.f32 v27, v32;
	v55 =	vpop (erf);
	v36 =	vmul.f32 $1.442695020e+00, v52;
	v29 =	vmul.f32 $1.442695020e+00, v53  }
0x1ee: {  	v20 =	vadd.f32 v20, v39;
	v57 =	vpop (erf);
	v17 =	vadd.f32 v47, v35;
	(erf) = vpow2.f32 v54  }
0x1ef: {  	v27 =	vadd.f32 v49, v27;
	v28 =	vpop (erf);
	v32 =	vmul.f32 $1.442695020e+00, v56;
	(erf) = vpow2.f32 v36  }
0x1f0: {  	v20 =	vadd.f32 v51, v20;
	v35 =	vmul.f32 v17, v4;
	v33 =	vpop (erf);
	(erf) = vpow2.f32 v29  }
0x1f1: {  	v58 =	vmul.f32 v27, v3;
	v29 =	vpop (erf);
	(erf) = vpow2.f32 v32  }
0x1f2: {  	v60 =	vmul.f32 v20, v2;
	v35 =	vmul.f32 $1.442695020e+00, v35;
	v59 =	vpop (erf)  }
0x1f3: {  	v34 =	vmul.f32 $1.442695020e+00, v58;
	v61 =	vpop (erf)  }
0x1f4: {  	v36 =	vmul.f32 $1.442695020e+00, v60;
	(erf) = vpow2.f32 v35;
	v62 =	vpop (erf)  }
0x1f5: {  	v15 =	vadd.f32 $1.000000000e+00, v46;
	(erf) = vpow2.f32 v34;
	v63 =	vpop (erf)  }
0x1f6: {  	v30 =	vadd.f32 $1.000000000e+00, v55;
	(erf) = vpow2.f32 v36;
	v40 =	vpop (erf)  }
0x1f7: {  	v41 =	vadd.f32 $1.000000000e+00, v57;
	v42 =	vpop (erf);
	(erf) = vrcp.f32 v15  }
0x1f8: {  	v43 =	vadd.f32 $1.000000000e+00, v42;
	v44 =	vpop (erf);
	(erf) = vrcp.f32 v30  }
0x1f9: {  	v45 =	vadd.f32 $1.000000000e+00, v44;
	v46 =	vpop (erf);
	(erf) = vrcp.f32 v41  }
0x1fa: {  	v23 =	vmul.f32 v59, v23;
	v47 =	vadd.f32 $1.000000000e+00, v46;
	(erf) = vrcp.f32 v43;
	v48 =	vpop (erf)  }
0x1fb: {  	v49 =	vmul.f32 v61, v21;
	v15 =	vadd.f32 $1.000000000e+00, v48;
	(erf) = vrcp.f32 v45  }
0x1fc: {  	[tilespmem:s14+$0x8200] =	vst v23;
	v51 =	vmul.f32 v40, v31;
	(erf) = vrcp.f32 v47  }
0x1fd: {  	v53 =	vmul.f32 v62, v22;
	[tilespmem:s14+$0x8210] =	vst v49;
	v50 =	vpop (erf);
	(erf) = vrcp.f32 v15  }
0x1fe: {  	v56 =	vmul.f32 v63, v26;
	[tilespmem:s18+$0x8270] =	vst v51;
	v52 =	vpop (erf)  }
0x1ff: {  	v11 =	vmul.f32 v28, v11;
	[tilespmem:s14+$0x8220] =	vst v53;
	v55 =	vpop (erf)  }
0x200: {  	v10 =	vmul.f32 v33, v10;
	[tilespmem:s14+$0x8230] =	vst v56;
	v57 =	vpop (erf)  }
0x201: {  	[tilespmem:s4+$0x8240] =	vst v11;
	v11 =	vmul.f32 v29, v12;
	v54 =	vadd.f32 $1.000000000e+00, v50;
	v58 =	vpop (erf)  }
0x202: {  	v23 =	vadd.f32 $1.000000000e+00, v52;
	v60 =	vpop (erf)  }
0x203: {  	v59 =	vadd.f32 $1.000000000e+00, v55;
	(erf) = vrcp.f32 v54;
	v61 =	vpop (erf)  }
0x204: {  	[tilespmem:s4+$0x8250] =	vst v10;
	(erf) = vrcp.f32 v23;
	v10 =	vpop (erf);
	v12 =	vmul.f32 v61, v14  }
0x205: {  	[tilespmem:s4+$0x8260] =	vst v11;
	(erf) = vrcp.f32 v59;
	v11 =	vpop (erf);
	v10 =	vmul.f32 v10, v16  }
0x206: {  	v62 =	vpop (erf);
	[tilespmem:s18+$0x8200] =	vst v12;
	v11 =	vmul.f32 v11, v24  }
0x207: {  	[tilespmem:s18+$0x8210] =	vst v10;
	v10 =	vmul.f32 v62, v13  }
0x208: {  	[tilespmem:s18+$0x8220] =	vst v11;
	v11 =	vmul.f32 v57, v19  }
0x209: {  	[tilespmem:s18+$0x8230] =	vst v10;
	v10 =	vmul.f32 v58, v25  }
0x20a: {  	[tilespmem:s14+$0x8240] =	vst v11;
	v11 =	vmul.f32 v60, v18;
	_ =	sdelay $0x1  }
0x20b: {  	v63 =	vpop (erf)  }
0x20c: {  	[tilespmem:s14+$0x8250] =	vst v10;
	v12 =	vmul.f32 v63, v17;
	v10 =	vpop (erf)  }
.Ltmp9:
0x20d: {  	[tilespmem:s14+$0x8260] =	vst v11;
	v11 =	vpop (erf);
	v10 =	vmul.f32 v10, v27;
	(pc) =	sbr.rel .LBB2_14-.Ltmp9, $4  }
0x20e: {  	[tilespmem:s18+$0x8240] =	vst v12;
	v11 =	vmul.f32 v11, v20  }
0x20f: {  	[tilespmem:s18+$0x8250] =	vst v10  }
0x210: {  	[tilespmem:s18+$0x8260] =	vst v11  }
0x211: {  	[spmem:s5] =	stream.indirect.scatter.add.f32 [tilespmem:s20], [sflag:$0x5], $0x80, s29, s21, $0xb8;
	[tilespmem:$0x17F00] =	vst v63  }
.LBB2_15:
.Ltmp10:
0x212: {  	(pc) =	sbr.rel @!p2 .LBB2_19-.Ltmp10, $1  }
0x213: {  	_ =	sdelay $0x3  }
0x214: {  	s1 =	simm.s32 @p4 $0x5  }
0x215: {  	_ =	swait.ge @p4 [sflag:s1], $0x2000  }
0x216: {  	[sflag:s1] =	ssyncset.done @p4 $0x0  }
0x217: {  	[sflag:s1] =	ssyncadd.s32 @p4 $0xFFFFE000  }
0x218: {  	_ =	swait.ge [sflag:s22], $0x2000  }
0x219: {  	[sflag:s22] =	ssyncset.done $0x0  }
0x21a: {  	[sflag:s22] =	ssyncadd.s32 $0xFFFFE000  }
0x21b: {  	_ =	swait.ge [sflag:s22], $0x2000  }
0x21c: {  	[sflag:s22] =	ssyncset.done $0x0  }
0x21d: {  	[sflag:s22] =	ssyncadd.s32 $0xFFFFE000  }
0x21e: {  	_ =	swait.ge [sflag:s23], $0x2000  }
0x21f: {  	[sflag:s23] =	ssyncset.done $0x0  }
0x220: {  	s14 =	simm.s32 $0x0;
	[sflag:s23] =	ssyncadd.s32 $0xFFFFE000  }
0x221: {  	v10 =	vld [tilespmem:s14+$0x4270]  }
0x222: {  	v11 =	vld [tilespmem:s14+$0x6270]  }
0x223: {  	v12 =	vld [tilespmem:s14+$0x4200]  }
0x224: {  	v13 =	vld [tilespmem:s14+$0xC270]  }
0x225: {  	v14 =	vld [tilespmem:s14+$0x6200]  }
0x226: {  	v15 =	vld [tilespmem:s14+$0x4210]  }
0x227: {  	v16 =	vld [tilespmem:s14+$0x6210];
	v10 =	vadd.f32 v11, v10  }
0x228: {  	v17 =	vld [tilespmem:s14+$0x6220]  }
0x229: {  	v18 =	vld [tilespmem:s14+$0x6230];
	v10 =	vadd.f32 v13, v10  }
0x22a: {  	v20 =	vld [tilespmem:s14+$0x4240]  }
0x22b: {  	v21 =	vld [tilespmem:s14+$0x6240];
	v19 =	vmul.f32 v10, v9  }
0x22c: {  	v23 =	vld [tilespmem:s14+$0x4250]  }
0x22d: {  	v24 =	vld [tilespmem:s14+$0x6250];
	v19 =	vmul.f32 $1.442695020e+00, v19  }
0x22e: {  	v25 =	vld [tilespmem:s14+$0x6260]  }
0x22f: {  	v22 =	vld [tilespmem:s14+$0xC200];
	(erf) = vpow2.f32 v19  }
0x230: {  	v26 =	vld [tilespmem:s14+$0xC210]  }
0x231: {  	v27 =	vld [tilespmem:s14+$0xC220]  }
0x232: {  	v28 =	vld [tilespmem:s14+$0xC230]  }
0x233: {  	v29 =	vld [tilespmem:s14+$0xC240]  }
0x234: {  	v30 =	vld [tilespmem:s14+$0xC250]  }
0x235: {  	s1 =	simm.s32 $0x80;
	v31 =	vld [tilespmem:s14+$0xC260]  }
0x236: {  	v33 =	vld [tilespmem:s1+$0x4270]  }
0x237: {  	v34 =	vld [tilespmem:s1+$0x6270]  }
0x238: {  	v35 =	vld [tilespmem:s1+$0x4200];
	v32 =	vpop (erf)  }
0x239: {  	v11 =	vld [tilespmem:s14+$0x4220];
	v32 =	vadd.f32 $1.000000000e+00, v32  }
0x23a: {  	v13 =	vld [tilespmem:s14+$0x4230]  }
0x23b: {  	v50 =	vld [tilespmem:s1+$0xC270];
	v12 =	vadd.f32 v14, v12;
	(erf) = vrcp.f32 v32  }
0x23c: {  	v51 =	vld [tilespmem:s1+$0x6230];
	v14 =	vadd.f32 v16, v15  }
0x23d: {  	v37 =	vld [tilespmem:s1+$0x4240];
	v15 =	vadd.f32 v21, v20;
	v20 =	vadd.f32 v22, v12  }
0x23e: {  	v38 =	vld [tilespmem:s1+$0x6240];
	v26 =	vadd.f32 v26, v14;
	v11 =	vadd.f32 v17, v11  }
0x23f: {  	v53 =	vld [tilespmem:s1+$0x4250];
	v14 =	vmul.f32 v20, v8;
	v13 =	vadd.f32 v18, v13  }
0x240: {  	v16 =	vld [tilespmem:s1+$0x6200];
	v22 =	vadd.f32 v27, v11;
	v27 =	vmul.f32 v26, v7  }
0x241: {  	v12 =	vld [tilespmem:s1+$0x6210];
	v14 =	vmul.f32 $1.442695020e+00, v14;
	v21 =	vadd.f32 v28, v13;
	v13 =	vadd.f32 v29, v15  }
0x242: {  	v33 =	vadd.f32 v34, v33;
	v19 =	vld [tilespmem:s14+$0x4260];
	v28 =	vmul.f32 v22, v6;
	v27 =	vmul.f32 $1.442695020e+00, v27  }
0x243: {  	v17 =	vld [tilespmem:s1+$0x4210];
	v15 =	vmul.f32 v21, v5;
	v36 =	vmul.f32 v13, v4  }
0x244: {  	v11 =	vld [tilespmem:s1+$0x4220];
	v28 =	vmul.f32 $1.442695020e+00, v28;
	v32 =	vadd.f32 v50, v33;
	(erf) = vpow2.f32 v14;
	v52 =	vpop (erf)  }
0x245: {  	v18 =	vld [tilespmem:s1+$0x6220];
	v15 =	vmul.f32 $1.442695020e+00, v15;
	v10 =	vmul.f32 v52, v10  }
0x246: {  	v23 =	vadd.f32 v24, v23;
	v29 =	vld [tilespmem:s1+$0x4230];
	(erf) = vpow2.f32 v27;
	v14 =	vmul.f32 v32, v9  }
0x247: {  	v24 =	vmul.f32 $1.442695020e+00, v36;
	v27 =	vld [tilespmem:s1+$0x6250];
	(erf) = vpow2.f32 v28;
	[tilespmem:s14+$0x8270] =	vst v10;
	v10 =	vadd.f32 v25, v19  }
0x248: {  	(erf) = vpow2.f32 v15;
	v19 =	vmul.f32 $1.442695020e+00, v14;
	v14 =	vadd.f32 v30, v23  }
0x249: {  	(erf) = vpow2.f32 v24;
	v15 =	vadd.f32 v31, v10  }
0x24a: {  	v25 =	vld [tilespmem:s1+$0x4260];
	(erf) = vpow2.f32 v19;
	v19 =	vmul.f32 v14, v3  }
0x24b: {  	v23 =	vld [tilespmem:s1+$0x6260];
	v28 =	vmul.f32 v15, v2  }
0x24c: {  	v24 =	vld [tilespmem:s1+$0xC210];
	v19 =	vmul.f32 $1.442695020e+00, v19  }
0x24d: {  	v54 =	vpop (erf);
	v30 =	vld [tilespmem:s1+$0xC220];
	v28 =	vmul.f32 $1.442695020e+00, v28  }
0x24e: {  	v39 =	vld [tilespmem:s1+$0xC240];
	(erf) = vpow2.f32 v19;
	v19 =	vadd.f32 $1.000000000e+00, v54  }
0x24f: {  	v40 =	vld [tilespmem:s1+$0xC250]  }
0x250: {  	v37 =	vadd.f32 v38, v37;
	v55 =	vpop (erf);
	v41 =	vld [tilespmem:s1+$0xC260]  }
0x251: {  	v12 =	vadd.f32 v12, v17;
	v56 =	vadd.f32 $1.000000000e+00, v55;
	v10 =	vld [tilespmem:s1+$0xC200];
	(erf) = vpow2.f32 v28;
	v28 =	vpop (erf)  }
0x252: {  	s4 =	simm.s32 $0x100;
	v11 =	vadd.f32 v18, v11;
	v31 =	vld [tilespmem:s1+$0xC230];
	(erf) = vrcp.f32 v19;
	v19 =	vpop (erf);
	v17 =	vadd.f32 $1.000000000e+00, v28  }
0x253: {  	v16 =	vadd.f32 v16, v35;
	v29 =	vadd.f32 v51, v29;
	v57 =	vld [tilespmem:s4+$0x4270];
	(erf) = vrcp.f32 v56;
	v28 =	vpop (erf)  }
0x254: {  	v42 =	vld [tilespmem:s4+$0x6270];
	v18 =	vadd.f32 $1.000000000e+00, v19;
	v19 =	vpop (erf);
	(erf) = vrcp.f32 v17;
	v17 =	vadd.f32 v30, v11  }
0x255: {  	v35 =	vld [tilespmem:s4+$0x4200];
	v11 =	vadd.f32 v39, v37;
	v58 =	vadd.f32 $1.000000000e+00, v19  }
0x256: {  	v43 =	vld [tilespmem:s4+$0xC270];
	v19 =	vadd.f32 v10, v16;
	(erf) = vrcp.f32 v18;
	v18 =	vadd.f32 v24, v12  }
0x257: {  	v59 =	vld [tilespmem:s4+$0x6200];
	v16 =	vadd.f32 v31, v29;
	v31 =	vmul.f32 v17, v6;
	v48 =	vmul.f32 v11, v4  }
0x258: {  	v60 =	vld [tilespmem:s4+$0x4220];
	v10 =	vadd.f32 v27, v53;
	(erf) = vrcp.f32 v58;
	v12 =	vmul.f32 v19, v8  }
0x259: {  	v63 =	vld [tilespmem:s4+$0x6220];
	v23 =	vadd.f32 v23, v25;
	v29 =	vpop (erf);
	v30 =	vmul.f32 v18, v7;
	v62 =	vmul.f32 v16, v5  }
0x25a: {  	v45 =	vld [tilespmem:s4+$0x4230];
	v10 =	vadd.f32 v40, v10;
	v25 =	vpop (erf);
	v40 =	vmul.f32 $1.442695020e+00, v48;
	v61 =	vmul.f32 $1.442695020e+00, v12  }
0x25b: {  	v51 =	vld [tilespmem:s4+$0x4240];
	v30 =	vmul.f32 $1.442695020e+00, v30;
	v12 =	vadd.f32 v41, v23;
	v23 =	vmul.f32 $1.442695020e+00, v31;
	v44 =	vpop (erf)  }
0x25c: {  	v36 =	vadd.f32 v42, v57;
	v24 =	vld [tilespmem:s4+$0x4210];
	v20 =	vmul.f32 v44, v20;
	(erf) = vpow2.f32 v61  }
0x25d: {  	v27 =	vld [tilespmem:s4+$0x6210];
	v49 =	vmul.f32 v10, v3;
	v37 =	vmul.f32 $1.442695020e+00, v62;
	v50 =	vpop (erf)  }
0x25e: {  	v31 =	vld [tilespmem:s4+$0x6230];
	(erf) = vpow2.f32 v30;
	v26 =	vmul.f32 v50, v26;
	[tilespmem:s14+$0x8200] =	vst v20;
	v20 =	vadd.f32 v43, v36  }
0x25f: {  	v52 =	vmul.f32 v12, v2;
	v46 =	vpop (erf);
	(erf) = vpow2.f32 v23;
	v30 =	vld [tilespmem:s4+$0x6240]  }
0x260: {  	v53 =	vpop (erf);
	v54 =	vld [tilespmem:s4+$0x4250];
	[tilespmem:s14+$0x8210] =	vst v26;
	v26 =	vmul.f32 $1.442695020e+00, v49;
	v55 =	vmul.f32 v20, v9  }
0x261: {  	v22 =	vmul.f32 v46, v22;
	v23 =	vpop (erf);
	(erf) = vpow2.f32 v37  }
0x262: {  	v23 =	vmul.f32 v23, v32;
	v32 =	vmul.f32 $1.442695020e+00, v55  }
0x263: {  	v21 =	vmul.f32 v53, v21;
	(erf) = vpow2.f32 v40  }
0x264: {  	v56 =	vld [tilespmem:s4+$0x6250];
	[tilespmem:s1+$0x8270] =	vst v23;
	v23 =	vmul.f32 $1.442695020e+00, v52;
	(erf) = vpow2.f32 v32  }
0x265: {  	v57 =	vld [tilespmem:s4+$0x4260];
	[tilespmem:s14+$0x8220] =	vst v22;
	v22 =	vadd.f32 $1.000000000e+00, v28;
	(erf) = vpow2.f32 v26;
	v28 =	vadd.f32 $1.000000000e+00, v25;
	v25 =	vpop (erf)  }
0x266: {  	v26 =	vadd.f32 $1.000000000e+00, v29;
	v58 =	vld [tilespmem:s4+$0x6260];
	(erf) = vpow2.f32 v23;
	[tilespmem:s14+$0x8230] =	vst v21;
	v29 =	vadd.f32 $1.000000000e+00, v25  }
0x267: {  	v24 =	vadd.f32 v27, v24;
	v21 =	vadd.f32 v59, v35;
	v27 =	vpop (erf);
	v23 =	vld [tilespmem:s4+$0xC200];
	(erf) = vrcp.f32 v22  }
0x268: {  	v25 =	vadd.f32 v31, v45;
	v59 =	vld [tilespmem:s4+$0xC210];
	v31 =	vadd.f32 $1.000000000e+00, v27;
	(erf) = vrcp.f32 v26  }
0x269: {  	v22 =	vadd.f32 v63, v60;
	v60 =	vld [tilespmem:s4+$0xC220];
	v61 =	vpop (erf);
	(erf) = vrcp.f32 v28  }
0x26a: {  	v27 =	vadd.f32 v30, v51;
	v26 =	vld [tilespmem:s4+$0xC230];
	v30 =	vadd.f32 $1.000000000e+00, v61;
	(erf) = vrcp.f32 v29;
	v29 =	vpop (erf)  }
0x26b: {  	v34 =	vld [tilespmem:s4+$0xC240];
	v28 =	vadd.f32 v56, v54;
	v62 =	vadd.f32 $1.000000000e+00, v29;
	(erf) = vrcp.f32 v31  }
0x26c: {  	v32 =	vld [tilespmem:s4+$0xC250];
	v29 =	vadd.f32 v58, v57;
	v31 =	vpop (erf);
	v23 =	vadd.f32 v23, v21;
	(erf) = vrcp.f32 v30  }
0x26d: {  	s15 =	simm.s32 $0x180;
	v21 =	vadd.f32 v59, v24;
	v30 =	vld [tilespmem:s4+$0xC260];
	v24 =	vadd.f32 $1.000000000e+00, v31;
	v63 =	vpop (erf);
	(erf) = vrcp.f32 v62  }
0x26e: {  	s10 =	simm.s32 $0x800;
	s18 =	smov.u32 s17;
	v31 =	vld [tilespmem:s15+$0x4270];
	v22 =	vadd.f32 v60, v22;
	v35 =	vmul.f32 v23, v8;
	v36 =	vadd.f32 $1.000000000e+00, v63;
	v33 =	vpop (erf)  }
.LBB2_17:
0x26f: {  	p2 =	sne.s32 s10, $0x7E00;
	v37 =	vld [tilespmem:s15+$0x6270];
	v38 =	vmul.f32 v21, v7;
	v25 =	vadd.f32 v26, v25;
	v26 =	vadd.f32 $1.000000000e+00, v33;
	v33 =	vpop (erf)  }
0x270: {  	v39 =	vld [tilespmem:s15+$0x4200];
	v40 =	vmul.f32 v22, v6;
	v27 =	vadd.f32 v34, v27;
	(erf) = vrcp.f32 v36;
	v34 =	vpop (erf)  }
0x271: {  	v35 =	vmul.f32 $1.442695020e+00, v35;
	v36 =	vld [tilespmem:s15+$0xC270];
	v41 =	vmul.f32 v25, v5;
	v28 =	vadd.f32 v32, v28;
	v32 =	vpop (erf)  }
0x272: {  	v38 =	vmul.f32 $1.442695020e+00, v38;
	v42 =	vld [tilespmem:s15+$0x6200];
	v43 =	vmul.f32 v27, v4;
	v29 =	vadd.f32 v30, v29;
	v30 =	vpop (erf)  }
0x273: {  	v33 =	vadd.f32 $1.000000000e+00, v33;
	v40 =	vmul.f32 $1.442695020e+00, v40;
	v44 =	vld [tilespmem:s15+$0x4210];
	v45 =	vmul.f32 v28, v3;
	v46 =	vpop (erf)  }
0x274: {  	v47 =	vld [tilespmem:s15+$0x6210];
	v31 =	vadd.f32 v37, v31;
	v37 =	vmul.f32 $1.442695020e+00, v41;
	v41 =	vmul.f32 v29, v2;
	v48 =	vpop (erf)  }
0x275: {  	v43 =	vmul.f32 $1.442695020e+00, v43;
	v49 =	vld [tilespmem:s15+$0x4220];
	v45 =	vmul.f32 $1.442695020e+00, v45;
	v50 =	vpop (erf)  }
0x276: {  	v51 =	vld [tilespmem:s15+$0x6220];
	v31 =	vadd.f32 v36, v31;
	v36 =	vmul.f32 $1.442695020e+00, v41;
	(erf) = vpow2.f32 v35;
	v35 =	vpop (erf)  }
0x277: {  	v39 =	vadd.f32 v42, v39;
	v41 =	vld [tilespmem:s15+$0x4230];
	(erf) = vpow2.f32 v38;
	v38 =	vmul.f32 v46, v19;
	v19 =	vmovc v23  }
0x278: {  	v23 =	vld [tilespmem:s15+$0x6230];
	v42 =	vmul.f32 v31, v9;
	(erf) = vpow2.f32 v40  }
0x279: {  	v40 =	vadd.f32 v47, v44;
	v44 =	vld [tilespmem:s15+$0x4240];
	(erf) = vpow2.f32 v37;
	v37 =	vpop (erf);
	[tilespmem:s1+$0x8200] =	vst v38;
	v38 =	vmul.f32 v48, v18  }
0x27a: {  	v18 =	vmovc v21;
	v46 =	vld [tilespmem:s15+$0x6240];
	v42 =	vmul.f32 $1.442695020e+00, v42;
	v37 =	vmul.f32 v37, v20;
	v20 =	vmov v31  }
0x27b: {  	v31 =	vmul.f32 v50, v17;
	v17 =	vmovc v22;
	v47 =	vadd.f32 v51, v49;
	v21 =	vld [tilespmem:s15+$0x4250];
	(erf) = vpow2.f32 v43;
	[tilespmem:s1+$0x8210] =	vst v38  }
0x27c: {  	v35 =	vmul.f32 v35, v16;
	v16 =	vmov v25;
	v22 =	vld [tilespmem:s15+$0x6250];
	(erf) = vpow2.f32 v42;
	[tilespmem:s4+$0x8270] =	vst v37  }
0x27d: {  	v25 =	vadd.f32 v23, v41;
	v23 =	vld [tilespmem:s15+$0x4260];
	(erf) = vpow2.f32 v45;
	[tilespmem:s1+$0x8220] =	vst v31;
	v31 =	vmul.f32 v34, v13;
	v13 =	vmovc v11  }
0x27e: {  	v32 =	vmul.f32 v32, v14;
	v14 =	vmovc v10;
	v10 =	vmovc v28;
	v11 =	vmov v27;
	v37 =	vld [tilespmem:s15+$0x6260];
	(erf) = vpow2.f32 v36;
	[tilespmem:s1+$0x8230] =	vst v35  }
0x27f: {  	v38 =	vmul.f32 v30, v15;
	v35 =	vld [tilespmem:s15+$0xC200];
	v27 =	vadd.f32 v46, v44;
	v28 =	vpop (erf);
	(erf) = vrcp.f32 v24;
	[tilespmem:s14+$0x8240] =	vst v31  }
0x280: {  	v15 =	vmov v12;
	v30 =	vld [tilespmem:s15+$0xC210];
	v31 =	vadd.f32 $1.000000000e+00, v28;
	v34 =	vpop (erf);
	(erf) = vrcp.f32 v26;
	[tilespmem:s14+$0x8250] =	vst v32  }
0x281: {  	v36 =	vld [tilespmem:s15+$0xC220];
	v28 =	vadd.f32 v22, v21;
	v21 =	vadd.f32 $1.000000000e+00, v34;
	v12 =	vpop (erf);
	(erf) = vrcp.f32 v33;
	[tilespmem:s14+$0x8260] =	vst v38;
	s14 =	smov.u32 s1;
	s1 =	smov.u32 s4;
	s4 =	smov.u32 s15  }
.Ltmp11:
0x282: {  	v26 =	vld [tilespmem:s4+$0xC230];
	v38 =	vadd.f32 $1.000000000e+00, v12;
	(erf) = vrcp.f32 v31;
	v24 =	vpop (erf);
	v12 =	vmov v29;
	(pc) =	sbr.rel @p2 .LBB2_17-.Ltmp11, $4  }
0x283: {  	v34 =	vld [tilespmem:s4+$0xC240];
	v29 =	vadd.f32 v37, v23;
	v31 =	vadd.f32 $1.000000000e+00, v24;
	(erf) = vrcp.f32 v21  }
0x284: {  	v23 =	vadd.f32 v35, v39;
	v32 =	vld [tilespmem:s4+$0xC250];
	(erf) = vrcp.f32 v38;
	v22 =	vpop (erf)  }
0x285: {  	s15 =	sshra.s32 s10, $0x2;
	v21 =	vadd.f32 v30, v40;
	v30 =	vld [tilespmem:s4+$0xC260];
	v33 =	vpop (erf);
	v24 =	vadd.f32 $1.000000000e+00, v22;
	(erf) = vrcp.f32 v31  }
0x286: {  	s10 =	sadd.s32 $0x200, s10;
	v31 =	vld [tilespmem:s15+$0x4270];
	v35 =	vmul.f32 v23, v8;
	v22 =	vadd.f32 v36, v47;
	v36 =	vadd.f32 $1.000000000e+00, v33;
	v33 =	vpop (erf)  }
0x287: {  	v37 =	vld [tilespmem:s15+$0x6270]  }
0x288: {  	v38 =	vld [tilespmem:s15+$0x4200];
	v50 =	vmul.f32 v21, v7;
	v26 =	vadd.f32 v26, v25  }
0x289: {  	v39 =	vld [tilespmem:s15+$0xC270];
	v40 =	vpop (erf);
	(erf) = vrcp.f32 v36;
	v52 =	vmul.f32 v22, v6  }
0x28a: {  	v41 =	vld [tilespmem:s15+$0x4210];
	v42 =	vpop (erf);
	v61 =	vmul.f32 $1.442695020e+00, v35;
	v53 =	vmul.f32 v26, v5  }
0x28b: {  	v43 =	vld [tilespmem:s15+$0x6210];
	v44 =	vpop (erf);
	v50 =	vmul.f32 $1.442695020e+00, v50;
	v25 =	vadd.f32 v32, v28;
	v13 =	vmul.f32 v42, v13  }
0x28c: {  	v45 =	vld [tilespmem:s15+$0x4220];
	v46 =	vpop (erf);
	v58 =	vmul.f32 $1.442695020e+00, v52;
	(erf) = vpow2.f32 v61  }
0x28d: {  	v47 =	vld [tilespmem:s15+$0x6220];
	v48 =	vpop (erf);
	v59 =	vmul.f32 v25, v3;
	(erf) = vpow2.f32 v50  }
0x28e: {  	v49 =	vld [tilespmem:s15+$0x4230];
	v51 =	vpop (erf);
	v60 =	vmul.f32 v48, v19;
	v19 =	vadd.f32 v34, v27;
	v31 =	vadd.f32 v37, v31  }
0x28f: {  	v36 =	vld [tilespmem:s15+$0x6200];
	(erf) = vpow2.f32 v58;
	v51 =	vmul.f32 v51, v18  }
0x290: {  	v35 =	vld [tilespmem:s15+$0x4240];
	v62 =	vpop (erf);
	v18 =	vadd.f32 v30, v29;
	v63 =	vmul.f32 v19, v4;
	v31 =	vadd.f32 v39, v31  }
0x291: {  	v48 =	vld [tilespmem:s15+$0x6230];
	v54 =	vpop (erf);
	[tilespmem:s1+$0x8200] =	vst v60;
	v60 =	vmul.f32 $1.442695020e+00, v53;
	v17 =	vmul.f32 v62, v17  }
0x292: {  	v61 =	vmul.f32 v18, v2;
	v9 =	vmul.f32 v31, v9;
	v57 =	vpop (erf)  }
0x293: {  	v55 =	vld [tilespmem:s15+$0x6240];
	v28 =	vmul.f32 $1.442695020e+00, v63;
	v20 =	vmul.f32 v57, v20  }
0x294: {  	v32 =	vld [tilespmem:s15+$0x4250];
	[tilespmem:s1+$0x8210] =	vst v51;
	(erf) = vpow2.f32 v60;
	v9 =	vmul.f32 $1.442695020e+00, v9  }
0x295: {  	v16 =	vmul.f32 v54, v16;
	v27 =	vld [tilespmem:s15+$0x6250];
	(erf) = vpow2.f32 v28;
	[tilespmem:s4+$0x8270] =	vst v20  }
0x296: {  	v62 =	vmul.f32 $1.442695020e+00, v59;
	(erf) = vpow2.f32 v9;
	v20 =	vld [tilespmem:s15+$0x4260];
	[tilespmem:s1+$0x8220] =	vst v17  }
0x297: {  	v14 =	vmul.f32 v44, v14;
	v34 =	vmul.f32 $1.442695020e+00, v61;
	v17 =	vld [tilespmem:s15+$0x6260];
	[tilespmem:s1+$0x8230] =	vst v16  }
0x298: {  	v40 =	vadd.f32 $1.000000000e+00, v40;
	v15 =	vmul.f32 v46, v15;
	(erf) = vpow2.f32 v62;
	v63 =	vld [tilespmem:s15+$0xC200];
	[tilespmem:s14+$0x8240] =	vst v13  }
0x299: {  	v37 =	vadd.f32 $1.000000000e+00, v33;
	v43 =	vadd.f32 v43, v41;
	(erf) = vpow2.f32 v34;
	v39 =	vld [tilespmem:s15+$0xC210];
	[tilespmem:s14+$0x8250] =	vst v14  }
0x29a: {  	v50 =	vadd.f32 v47, v45;
	v42 =	vadd.f32 v36, v38;
	v44 =	vpop (erf);
	(erf) = vrcp.f32 v24;
	v46 =	vld [tilespmem:s15+$0xC220]  }
0x29b: {  	v52 =	vadd.f32 v48, v49;
	v30 =	vadd.f32 $1.000000000e+00, v44;
	v51 =	vpop (erf);
	(erf) = vrcp.f32 v37;
	[tilespmem:s14+$0x8260] =	vst v15  }
0x29c: {  	v35 =	vadd.f32 v55, v35;
	v53 =	vadd.f32 $1.000000000e+00, v51;
	v54 =	vpop (erf);
	(erf) = vrcp.f32 v40;
	v56 =	vld [tilespmem:s15+$0xC230]  }
0x29d: {  	v27 =	vadd.f32 v27, v32;
	v34 =	vadd.f32 $1.000000000e+00, v54;
	v57 =	vpop (erf);
	(erf) = vrcp.f32 v30  }
0x29e: {  	v30 =	vadd.f32 $1.000000000e+00, v57;
	v59 =	vld [tilespmem:s15+$0xC240];
	(erf) = vrcp.f32 v53;
	v58 =	vpop (erf);
	v9 =	vadd.f32 v63, v42  }
0x29f: {  	v61 =	vld [tilespmem:s15+$0xC250];
	(erf) = vrcp.f32 v34;
	v16 =	vadd.f32 v39, v43;
	v60 =	vpop (erf);
	v24 =	vadd.f32 v46, v50  }
0x2a0: {  	v62 =	vld [tilespmem:s15+$0xC260];
	(erf) = vrcp.f32 v30;
	v8 =	vmul.f32 v9, v8;
	v28 =	vadd.f32 $1.000000000e+00, v60  }
0x2a1: {  	v63 =	vmul.f32 v16, v7;
	v13 =	vadd.f32 v56, v52;
	v34 =	vmul.f32 v24, v6  }
0x2a2: {  	v17 =	vadd.f32 v17, v20;
	(erf) = vrcp.f32 v28;
	v8 =	vmul.f32 $1.442695020e+00, v8  }
0x2a3: {  	v36 =	vpop (erf);
	v15 =	vadd.f32 v59, v35;
	v37 =	vmul.f32 v13, v5;
	v7 =	vmul.f32 $1.442695020e+00, v63  }
0x2a4: {  	v38 =	vpop (erf);
	v27 =	vadd.f32 v61, v27;
	v6 =	vmul.f32 $1.442695020e+00, v34;
	(erf) = vpow2.f32 v8  }
0x2a5: {  	v17 =	vadd.f32 v62, v17;
	v39 =	vpop (erf);
	v41 =	vmul.f32 v15, v4;
	(erf) = vpow2.f32 v7  }
0x2a6: {  	v40 =	vpop (erf);
	v5 =	vmul.f32 $1.442695020e+00, v37;
	(erf) = vpow2.f32 v6  }
0x2a7: {  	v3 =	vmul.f32 v27, v3;
	v2 =	vmul.f32 v17, v2;
	v42 =	vpop (erf)  }
0x2a8: {  	v43 =	vpop (erf);
	v4 =	vmul.f32 $1.442695020e+00, v41;
	(erf) = vpow2.f32 v5  }
0x2a9: {  	v3 =	vmul.f32 $1.442695020e+00, v3;
	v44 =	vpop (erf)  }
0x2aa: {  	v2 =	vmul.f32 $1.442695020e+00, v2;
	v45 =	vpop (erf);
	(erf) = vpow2.f32 v4  }
0x2ab: {  	v46 =	vadd.f32 $1.000000000e+00, v58;
	v47 =	vpop (erf);
	(erf) = vpow2.f32 v3  }
0x2ac: {  	v3 =	vadd.f32 $1.000000000e+00, v36;
	(erf) = vpow2.f32 v2;
	v48 =	vpop (erf)  }
0x2ad: {  	v2 =	vadd.f32 $1.000000000e+00, v38;
	v49 =	vpop (erf);
	(erf) = vrcp.f32 v46  }
0x2ae: {  	v50 =	vadd.f32 $1.000000000e+00, v49;
	v51 =	vpop (erf);
	(erf) = vrcp.f32 v3  }
0x2af: {  	v3 =	vadd.f32 $1.000000000e+00, v51;
	v52 =	vpop (erf);
	(erf) = vrcp.f32 v2  }
0x2b0: {  	v2 =	vadd.f32 $1.000000000e+00, v52;
	(erf) = vrcp.f32 v50  }
0x2b1: {  	v53 =	vpop (erf);
	(erf) = vrcp.f32 v3;
	v3 =	vmul.f32 v43, v23  }
0x2b2: {  	v4 =	vadd.f32 $1.000000000e+00, v53;
	(erf) = vrcp.f32 v2;
	v2 =	vmul.f32 v44, v21  }
0x2b3: {  	[tilespmem:s4+$0x8200] =	vst v3;
	v3 =	vmul.f32 v48, v31  }
0x2b4: {  	v54 =	vpop (erf);
	(erf) = vrcp.f32 v4;
	[tilespmem:s4+$0x8210] =	vst v2;
	v2 =	vmul.f32 v45, v22  }
0x2b5: {  	v55 =	vpop (erf);
	[tilespmem:s15+$0x8270] =	vst v3;
	v3 =	vmul.f32 v47, v26  }
0x2b6: {  	v56 =	vpop (erf);
	[tilespmem:s4+$0x8220] =	vst v2;
	v2 =	vmul.f32 v39, v11  }
0x2b7: {  	v57 =	vpop (erf);
	[tilespmem:s4+$0x8230] =	vst v3;
	v3 =	vmul.f32 v40, v10  }
0x2b8: {  	v5 =	vadd.f32 $1.000000000e+00, v54;
	v58 =	vpop (erf);
	[tilespmem:s1+$0x8240] =	vst v2;
	v2 =	vmul.f32 v42, v12  }
0x2b9: {  	v4 =	vadd.f32 $1.000000000e+00, v55;
	v60 =	vpop (erf)  }
0x2ba: {  	v59 =	vadd.f32 $1.000000000e+00, v56;
	(erf) = vrcp.f32 v5;
	v61 =	vpop (erf)  }
0x2bb: {  	(erf) = vrcp.f32 v4;
	[tilespmem:s1+$0x8250] =	vst v3;
	v4 =	vmul.f32 v61, v9;
	v3 =	vpop (erf)  }
0x2bc: {  	(erf) = vrcp.f32 v59;
	[tilespmem:s1+$0x8260] =	vst v2;
	v2 =	vpop (erf);
	v3 =	vmul.f32 v3, v16  }
0x2bd: {  	[tilespmem:s15+$0x8200] =	vst v4;
	v62 =	vpop (erf);
	v2 =	vmul.f32 v2, v24  }
0x2be: {  	[tilespmem:s15+$0x8210] =	vst v3;
	v3 =	vmul.f32 v62, v13  }
0x2bf: {  	[tilespmem:s15+$0x8220] =	vst v2;
	v2 =	vmul.f32 v57, v19  }
0x2c0: {  	[tilespmem:s15+$0x8230] =	vst v3;
	v3 =	vmul.f32 v58, v25  }
0x2c1: {  	[tilespmem:s4+$0x8240] =	vst v2;
	v2 =	vmul.f32 v60, v18;
	_ =	sdelay $0x1  }
0x2c2: {  	v63 =	vpop (erf)  }
0x2c3: {  	v4 =	vmul.f32 v63, v15;
	[tilespmem:s4+$0x8250] =	vst v3;
	v3 =	vpop (erf)  }
.Ltmp12:
0x2c4: {  	[tilespmem:s4+$0x8260] =	vst v2;
	v2 =	vpop (erf);
	v3 =	vmul.f32 v3, v27;
	(pc) =	sbr.rel .LBB2_20-.Ltmp12, $4  }
0x2c5: {  	[tilespmem:s15+$0x8240] =	vst v4;
	v2 =	vmul.f32 v2, v17  }
0x2c6: {  	[tilespmem:s15+$0x8250] =	vst v3  }
0x2c7: {  	[tilespmem:s15+$0x8260] =	vst v2  }
0x2c8: {  	[spmem:s5] =	stream.indirect.scatter.add.f32 [tilespmem:s20], [sflag:$0x5], $0x80, s24, s21, $0xb8;
	[tilespmem:$0x17F00] =	vst v63  }
.LBB2_19:
.Ltmp13:
0x2c9: {  	(pc) =	sbr.rel @!p4 .LBB2_21-.Ltmp13, $2  }
0x2ca: {  	_ =	sdelay $0x2  }
0x2cb: {  	s18 =	smov.u32 s17  }
.LBB2_20:
0x2cc: {  	s1 =	simm.s32 $0x5  }
0x2cd: {  	_ =	swait.ge [sflag:s1], $0x2000  }
0x2ce: {  	[sflag:s1] =	ssyncset.done $0x0  }
0x2cf: {  	[sflag:s1] =	ssyncadd.s32 $0xFFFFE000  }
.LBB2_21:
0x2d0: {  	[bflag:$0x0] =	sbarrier.arrive $0xFFFF  }
0x2d1: {  	[tilespmem:s20], [sflag:$0x6] =	stream.linear.gather [spmem:s9], $0x2000, $0x38;
	[tilespmem:$0x17F00] =	vst v63  }
0x2d2: {  	_ =	swait.ge [sflag:s19], $0x2000  }
.Ltmp14:
0x2d3: {  	[sflag:s19] =	ssyncset.done $0x0;
	(pc) =	sbr.rel @!p1 .LBB2_23-.Ltmp14, $4  }
0x2d4: {  	s4 =	rddreg [dreg:$0x9];
	[sflag:s19] =	ssyncadd.s32 $0xFFFFE000  }
0x2d5: {  	[hbm4b:s4+s6] =	stream.linear.scatter [tilespmem:s20], [sflag:$0x6], $0x2000, $0x38;
	[tilespmem:$0x17F00] =	vst v63  }
0x2d6: {  	_ =	swait.ge [sflag:s19], $0x2000  }
0x2d7: {  	s1 =	sadd.s32 $0xFFFFFFFF, s16;
	s10 =	smov.u32 s9;
	[sflag:s19] =	ssyncset.done $0x0  }
.LBB2_22:
0x2d8: {  	[sflag:s19] =	ssyncadd.s32 $0xFFFFE000;
	s4 =	sadd.s32 $0x4000, s4;
	s10 =	sadd.s32 $0x20000, s10  }
0x2d9: {  	[tilespmem:s20], [sflag:$0x6] =	stream.linear.gather [spmem:s10], $0x2000, $0x38;
	[tilespmem:$0x17F00] =	vst v63  }
0x2da: {  	p1 =	sne.s32 s1, $0x1;
	s1 =	sadd.s32 $0xFFFFFFFF, s1;
	_ =	swait.ge [sflag:s19], $0x2000  }
.Ltmp15:
0x2db: {  	[sflag:s19] =	ssyncset.done $0x0;
	(pc) =	sbr.rel @p1 .LBB2_22-.Ltmp15, $4  }
0x2dc: {  	[sflag:s19] =	ssyncadd.s32 $0xFFFFE000  }
0x2dd: {  	[hbm4b:s4+s6] =	stream.linear.scatter [tilespmem:s20], [sflag:$0x6], $0x2000, $0x38;
	[tilespmem:$0x17F00] =	vst v63  }
0x2de: {  	_ =	swait.ge [sflag:s19], $0x2000  }
0x2df: {  	[sflag:s19] =	ssyncset.done $0x0  }
.LBB2_23:
0x2e0: {  	[sflag:s19] =	ssyncadd.s32 $0xFFFFE000;
	s1 =	simm.s32 @!p0 $0x8200;
	s4 =	simm.s32 @!p0 $0x6  }
0x2e1: {  	[tilespmem:s1], [sflag:$0x6] =	stream.linear.gather @!p0 [spmem:s18], $0x400, $0x38;
	[tilespmem:$0x17F00] =	vst v63  }
0x2e2: {  	_ =	swait.ge @!p0 [sflag:s4], $0x400  }
0x2e3: {  	[sflag:s4] =	ssyncset.done @!p0 $0x0  }
0x2e4: {  	s10 =	simm.s32 @!p0 $0x0;
	s14 =	rddreg [dreg:$0x7];
	[sflag:s4] =	ssyncadd.s32 @!p0 $0xFFFFFC00  }
0x2e5: {  	[hbm4b:s14+s10] =	stream.linear.scatter @!p0 [tilespmem:s1], [sflag:$0x6], $0x400, $0x38;
	[tilespmem:$0x17F00] =	vst v63  }
0x2e6: {  	_ =	swait.ge @!p0 [sflag:s4], $0x400  }
0x2e7: {  	s31 =	sadd.s32 $0x1, s31;
	s30 =	rddreg [dreg:$0x8]  }
0x2e8: {  	p1 =	sne.s32 s31, s30  }
.Ltmp16:
0x2e9: {  	_ = 	snop;
	(pc) =	sbr.rel @p1 .LBB2_1-.Ltmp16, $3  }
0x2ea: {  	_ =	sdelay $0x1  }
0x2eb: {  	[sflag:s4] =	ssyncset.done @!p0 $0x0  }
0x2ec: {  	[sflag:s4] =	ssyncadd.s32 @!p0 $0xFFFFFC00  }
0x2ed: {  	_ =	sfence.sel $0x180000  }
0x2ee: {  	[bflag:$0x0] =	sbarrier.arrive $0xFFFF  }
0x2ef: {  	_ =	strace $0x90000047  }
0x2f0: {  	[bflag:$0x2] =	sbarrier.arrive $0xFFFF  }
0x2f1: {  	s0 =	rddreg [dreg:$0x6]  }
0x2f2: {  	s0 =	sadd.s32 @!p0 $0x100000, s0  }
0x2f3: {  	[sflag:s0] =	ssyncadd.tile.s32 @!p0 $0x1;
	_ =	shalt  }
.Lfunc_end2:
_tile_overlayer_lowered:
.L_overlay_start_2:
0x2f4: {  	(tag) =	ssettag $0x2  }
0x2f5: {  	s0 =	rddreg [dreg:$0x0];
	s2 =	stileid.u32  }
0x2f6: {  	s1 =	rddreg [dreg:$0x1];
	p0 =	sne.s32 s2, $0x0  }
0x2f7: {  	s3 =	rddreg [dreg:$0x2];
	[bflag:$0x3] =	sbarrier.arrive $0xFFFF;
	s2 =	simm.s32 @!p0 $0x1C06  }
0x2f8: {  	[timem:s3], [sflag:s2] =	dma.local @!p0 [hbm:s0], s1  }
0x2f9: {  	s0 =	simm.s32 @!p0 $0x6  }
0x2fa: {  	_ =	swait.ge @!p0 [sflag:s0], s1  }
0x2fb: {  	s1 =	ssub.s32 @!p0 $0x0, s1;
	[sflag:s0] =	ssyncset.done @!p0 $0x0  }
0x2fc: {  	[sflag:s0] =	ssyncadd.s32 @!p0 s1  }
0x2fd: {  	[bflag:$0x3] =	sbarrier.arrive $0xFFFF  }
0x2fe: {  	_ =	shalt  }

</sc_bundles>
